<compile_context>
chip_gen: v7x
topology: tpu7x:2x2x1
jax: 0.10.2.dev20260603
libtpu: 0.0.44.dev20260713+nightly
codegen_flags: <defaults>
</compile_context>

<pallas_src>
import functools

import jax
import jax.numpy as jnp
from jax import lax
from jax.experimental import pallas as pl
from jax.experimental.pallas import tpu as pltpu
from jax.experimental.pallas import tpu_sc as plsc

D = 64
H = 256
B = 16384
T = 6
NR = B * T

CP = 12288
GRID_A = 41
VP = GRID_A * CP


def _pack_body(x1_ref, x2_ref, e1_ref, e2_ref, o_ref):
    z1 = lax.dot_general(x1_ref[...], e1_ref[...], (((0,), (0,)), ((), ())),
                         preferred_element_type=jnp.float32)
    z2 = lax.dot_general(x2_ref[...], e2_ref[...], (((0,), (0,)), ((), ())),
                         preferred_element_type=jnp.float32)
    o_ref[...] = z1 + z2


_pack_call = pl.pallas_call(
    _pack_body,
    grid=(GRID_A,),
    in_specs=[
        pl.BlockSpec((D, CP), lambda i: (0, i)),
        pl.BlockSpec((D, CP), lambda i: (0, jnp.minimum(i + GRID_A, 81))),
        pl.BlockSpec((D, 2 * D), lambda i: (0, 0)),
        pl.BlockSpec((D, 2 * D), lambda i: (0, 0)),
    ],
    out_specs=pl.BlockSpec((CP, 128), lambda i: (i, 0)),
    out_shape=jax.ShapeDtypeStruct((VP, 128), jnp.float32),
)

NC = 2
NS = 16
NW = NC * NS
RW = NR // NW
IDX_MINOR = 128
IDX_SLICES = RW // IDX_MINOR
CHUNK_ROWS = 384
SLICES_PER_CHUNK = CHUNK_ROWS // IDX_MINOR
NCHUNKS = RW // CHUNK_ROWS


def _gather_body(idx_hbm, table_hbm, out_hbm, idx_v, rows_a, rows_b,
                 sem_a, sem_b):
    c = lax.axis_index("c")
    s = lax.axis_index("s")
    wid = s * NC + c
    base_row = wid * RW

    pltpu.sync_copy(idx_hbm.at[wid], idx_v)
    for sl in range(IDX_SLICES):
        for k in range(IDX_MINOR // 16):
            col = pl.ds(k * 16, 16)
            v16 = idx_v[sl, col]
            idx_v[sl, col] = jnp.where(v16 >= VP, v16 - VP, v16)

    rows = (rows_a, rows_b)
    sems = (sem_a, sem_b)

    def fire(ci):
        buf = ci % 2
        cps = []
        for j in range(SLICES_PER_CHUNK):
            cps.append(pltpu.async_copy(
                table_hbm.at[idx_v.at[ci * SLICES_PER_CHUNK + j]],
                rows[buf].at[pl.ds(j * IDX_MINOR, IDX_MINOR)],
                sems[buf]))
        return cps

    pending = fire(0)
    for ci in range(NCHUNKS):
        buf = ci % 2
        nxt = fire(ci + 1) if ci + 1 < NCHUNKS else None
        for cp in pending:
            cp.wait()
        pending = nxt
        pltpu.sync_copy(
            rows[buf],
            out_hbm.at[pl.ds(base_row + ci * CHUNK_ROWS, CHUNK_ROWS)])


@functools.cache
def _make_gather_call():
    return pl.kernel(
        _gather_body,
        mesh=plsc.VectorSubcoreMesh(core_axis_name="c", subcore_axis_name="s"),
        out_type=jax.ShapeDtypeStruct((NR, 128), jnp.float32),
        scratch_types=[
            pltpu.VMEM((IDX_SLICES, IDX_MINOR), jnp.int32),
            pltpu.VMEM((CHUNK_ROWS, 128), jnp.float32),
            pltpu.VMEM((CHUNK_ROWS, 128), jnp.float32),
            pltpu.SemaphoreType.DMA,
            pltpu.SemaphoreType.DMA,
        ],
    )


BT = 2048


def _gelu(x):
    return 0.5 * x * (1.0 + lax.erf(x * 0.7071067811865476))


def _mlp_body(x0, x1, x2, x3, x4, x5, idx_ref, w1_ref, b1_ref, w2_ref,
              b2_ref, w3_ref, b3_ref, o_ref):
    idx = idx_ref[...]
    team = jnp.zeros((BT, D), jnp.float32)
    for r, xr in enumerate((x0, x1, x2, x3, x4, x5)):
        x = xr[...]
        half = (idx[:, r:r + 1] >= VP).astype(jnp.float32)
        lo = x[:, 0:D]
        hi = x[:, D:2 * D]
        team = team + (lo + (hi - lo) * half)
    team = team * (1.0 / T)
    h = jnp.dot(team, w1_ref[...], preferred_element_type=jnp.float32)
    h = _gelu(h + b1_ref[...])
    h = jnp.dot(h, w2_ref[...], preferred_element_type=jnp.float32)
    h = _gelu(h + b2_ref[...])
    logits = jnp.sum(h * w3_ref[...], axis=1) + b3_ref[0]
    o_ref[...] = 1.0 / (1.0 + jnp.exp(-logits))


GB = B // BT


def _member_spec(r):
    return pl.BlockSpec((BT, 128), lambda i, r=r: (r * GB + i, 0))


_mlp_call = pl.pallas_call(
    _mlp_body,
    grid=(GB,),
    in_specs=[_member_spec(r) for r in range(T)] + [
        pl.BlockSpec((BT, T), lambda i: (i, 0)),
        pl.BlockSpec((D, H), lambda i: (0, 0)),
        pl.BlockSpec((1, H), lambda i: (0, 0)),
        pl.BlockSpec((H, H), lambda i: (0, 0)),
        pl.BlockSpec((1, H), lambda i: (0, 0)),
        pl.BlockSpec((1, H), lambda i: (0, 0)),
        pl.BlockSpec(memory_space=pltpu.SMEM),
    ],
    out_specs=pl.BlockSpec((BT,), lambda i: (i,)),
    out_shape=jax.ShapeDtypeStruct((B,), jnp.float32),
)


def kernel(set_indices, emb_table, W1, b1, W2, b2, W3, b3):
    idx = set_indices.astype(jnp.int32)
    idx_mm = idx.T.reshape(NW, IDX_SLICES, IDX_MINOR)
    e1 = jnp.eye(D, 2 * D, dtype=jnp.float32)
    e2 = jnp.eye(D, 2 * D, k=D, dtype=jnp.float32)
    packed = _pack_call(emb_table.T, emb_table.T, e1, e2)
    rows = _make_gather_call()(idx_mm, packed)
    return _mlp_call(rows, rows, rows, rows, rows, rows, idx,
                     W1, b1.reshape(1, H), W2, b2.reshape(1, H),
                     W3.reshape(1, H), b3)

# --- scband reference (transcript-rebuilt; emitter-appended) ---
"""Pipeline reference for scband-team-value-model-83150566850677 (READ-ONLY COPY).

The authoritative reference and input builder live on the scoring server;
editing this copy changes nothing except your own understanding.
"""

import jax, jax.numpy as jnp
import numpy as np

VOCAB = 1000000
EMBED_DIM = 64
HIDDEN_DIM = 256
BATCH = 16384
TEAM_SIZE = 6


def setup_inputs(seed: int = 0) -> dict:
    key = jax.random.key(seed)
    k_idx, k_emb, k_w1, k_b1, k_w2, k_b2, k_w3, k_b3 = jax.random.split(key, 8)
    set_indices = jax.random.randint(k_idx, (BATCH, TEAM_SIZE), 0, VOCAB, dtype=jnp.int64 if jax.config.jax_enable_x64 else jnp.int32)
    emb_table = jax.random.normal(k_emb, (VOCAB, EMBED_DIM), dtype=jnp.float32)
    W1 = jax.random.normal(k_w1, (EMBED_DIM, HIDDEN_DIM), dtype=jnp.float32) * (1.0 / np.sqrt(EMBED_DIM))
    b1 = jnp.zeros((HIDDEN_DIM,), dtype=jnp.float32)
    W2 = jax.random.normal(k_w2, (HIDDEN_DIM, HIDDEN_DIM), dtype=jnp.float32) * (1.0 / np.sqrt(HIDDEN_DIM))
    b2 = jnp.zeros((HIDDEN_DIM,), dtype=jnp.float32)
    W3 = jax.random.normal(k_w3, (HIDDEN_DIM, 1), dtype=jnp.float32) * (1.0 / np.sqrt(HIDDEN_DIM))
    b3 = jnp.zeros((1,), dtype=jnp.float32)
    return {"set_indices": set_indices, "emb_table": emb_table, "W1": W1, "b1": b1, "W2": W2, "b2": b2, "W3": W3, "b3": b3}


def reference(set_indices, emb_table, W1, b1, W2, b2, W3, b3):
    # Embedding lookup: [B, T] -> [B, T, D]
    emb = jnp.take(emb_table, set_indices, axis=0)
    # Mean-pool over team members: [B, D]
    team_emb = jnp.mean(emb, axis=1)
    # MLP with exact (erf-based) GELU, matching torch nn.GELU default
    h = jax.nn.gelu(team_emb @ W1 + b1, approximate=False)
    h = jax.nn.gelu(h @ W2 + b2, approximate=False)
    logits = (h @ W3 + b3)[..., 0]
    win_pred = jax.nn.sigmoid(logits)
    return win_pred

if __name__ == "__main__":
    import jax
    _d = setup_inputs()
    print(jax.jit(kernel)(*tuple(_d.values())))

</pallas_src>

<mosaic_0001>
#map = affine_map<(d0, d1) -> (0, 0, 0)>
#map1 = affine_map<(d0, d1) -> (0, 0)>
module attributes {stable_mosaic.version = 14 : i64} {
  func.func @_gather_body(%arg0: i32, %arg1: i32, %arg2: memref<32x24x128xi32, #tpu.memory_space<hbm>>, %arg3: memref<503808x128xf32, #tpu.memory_space<hbm>>, %arg4: memref<98304x128xf32, #tpu.memory_space<hbm>>, %arg5: memref<24x128xi32, #tpu.memory_space<vmem>>, %arg6: memref<384x128xf32, #tpu.memory_space<vmem>>, %arg7: memref<384x128xf32, #tpu.memory_space<vmem>>, %arg8: memref<!tpu.dma_semaphore, #tpu.memory_space<semaphore_mem>>, %arg9: memref<!tpu.dma_semaphore, #tpu.memory_space<semaphore_mem>>) attributes {dimension_semantics = [#tpu.dimension_semantics<core_parallel>, #tpu.dimension_semantics<subcore_parallel>], iteration_bounds = array<i64: 2, 16>, scalar_prefetch = 0 : i64, scratch_operands = 5 : i64, tpu.core_type = #tpu.core_type<sc_vector_subcore>, window_params = [{transform_indices = #map}, {transform_indices = #map1}, {transform_indices = #map1}]} {
    %mul3A = arith.constant 2 : i32
    %mul3A_0 = arith.muli %arg1, %mul3A : i32
    %add3A = arith.addi %mul3A_0, %arg0 : i32
    %mul3A_1 = arith.constant 3072 : i32
    %mul3A_2 = arith.muli %add3A, %mul3A_1 : i32
    "tpu.region"() ({
      %run_scoped3A = tpu.sem_alloc : memref<!tpu.dma_semaphore, #tpu.memory_space<semaphore_mem>>
      %dma_start3A_3948 = arith.constant 0 : i32
      %dma_start3A_3949 = arith.constant 0 : i32
      %dma_start3A_3950 = tpu.memref_slice %arg2[%add3A, %dma_start3A_3948, %dma_start3A_3949] : memref<32x24x128xi32, #tpu.memory_space<hbm>> -> memref<1x24x128xi32, #tpu.memory_space<hbm>>
      %dma_start3A_3951 = tpu.memref_squeeze %dma_start3A_3950 : memref<1x24x128xi32, #tpu.memory_space<hbm>> -> memref<24x128xi32, #tpu.memory_space<hbm>>
      %dma_start3A_3952 = arith.constant 0 : i32
      %dma_start3A_3953 = arith.constant 0 : i32
      %dma_start3A_3954 = tpu.memref_slice %arg2[%add3A, %dma_start3A_3952, %dma_start3A_3953] : memref<32x24x128xi32, #tpu.memory_space<hbm>> -> memref<1x24x128xi32, #tpu.memory_space<hbm>>
      %dma_start3A_3955 = tpu.memref_squeeze %dma_start3A_3954 : memref<1x24x128xi32, #tpu.memory_space<hbm>> -> memref<24x128xi32, #tpu.memory_space<hbm>>
      tpu.enqueue_dma source(%dma_start3A_3955 : memref<24x128xi32, #tpu.memory_space<hbm>>) target(%arg5 : memref<24x128xi32, #tpu.memory_space<vmem>>) target_semaphore(%run_scoped3A : memref<!tpu.dma_semaphore, #tpu.memory_space<semaphore_mem>>)
      %dma_wait3A_3956 = arith.constant 0 : i32
      %dma_wait3A_3957 = arith.constant 0 : i32
      %dma_wait3A_3958 = tpu.memref_slice %arg2[%add3A, %dma_wait3A_3956, %dma_wait3A_3957] : memref<32x24x128xi32, #tpu.memory_space<hbm>> -> memref<1x24x128xi32, #tpu.memory_space<hbm>>
      %dma_wait3A_3959 = tpu.memref_squeeze %dma_wait3A_3958 : memref<1x24x128xi32, #tpu.memory_space<hbm>> -> memref<24x128xi32, #tpu.memory_space<hbm>>
      %dma_wait3A_3960 = arith.constant 0 : i32
      %dma_wait3A_3961 = arith.constant 0 : i32
      %dma_wait3A_3962 = tpu.memref_slice %arg2[%add3A, %dma_wait3A_3960, %dma_wait3A_3961] : memref<32x24x128xi32, #tpu.memory_space<hbm>> -> memref<1x24x128xi32, #tpu.memory_space<hbm>>
      %dma_wait3A_3963 = tpu.memref_squeeze %dma_wait3A_3962 : memref<1x24x128xi32, #tpu.memory_space<hbm>> -> memref<24x128xi32, #tpu.memory_space<hbm>>
      tpu.wait_dma2 semaphore(%run_scoped3A : memref<!tpu.dma_semaphore, #tpu.memory_space<semaphore_mem>>) src(%dma_wait3A_3963 : memref<24x128xi32, #tpu.memory_space<hbm>>) dst(%arg5 : memref<24x128xi32, #tpu.memory_space<vmem>>)
      tpu.yield
    }) : () -> ()
    %get3A = arith.constant 0 : i32
    %get3A_3 = arith.index_cast %get3A : i32 to index
    %get3A_4 = arith.constant 0 : index
    %get3A_5 = tpu.vector_load %arg5[%get3A_3, %get3A_4] {strides = array<i32>} : memref<24x128xi32, #tpu.memory_space<vmem>>, vector<1x16xi32>,
    %get3A_6 = vector.shape_cast %get3A_5 : vector<1x16xi32> to vector<16xi32>
    %ge3A = arith.constant 503808 : i32
    %ge3A_7 = vector.broadcast %ge3A : i32 to vector<16xi32>
    %ge3A_8 = arith.cmpi sge, %get3A_6, %ge3A_7 : vector<16xi32>
    %sub3A = arith.constant 503808 : i32
    %sub3A_9 = vector.broadcast %sub3A : i32 to vector<16xi32>
    %sub3A_10 = arith.subi %get3A_6, %sub3A_9 : vector<16xi32>
    %select_n3A = arith.select %ge3A_8, %sub3A_10, %get3A_6 : vector<16xi1>, vector<16xi32>
    %swap3A = arith.constant 0 : i32
    %swap3A_11 = arith.index_cast %swap3A : i32 to index
    %swap3A_12 = arith.constant 0 : index
    %swap3A_13 = tpu.vector_load %arg5[%swap3A_11, %swap3A_12] {strides = array<i32>} : memref<24x128xi32, #tpu.memory_space<vmem>>, vector<1x16xi32>,
    %swap3A_14 = vector.shape_cast %swap3A_13 : vector<1x16xi32> to vector<16xi32>
    %swap3A_15 = vector.shape_cast %select_n3A : vector<16xi32> to vector<1x16xi32>
    tpu.vector_store %arg5[%swap3A_11, %swap3A_12], %swap3A_15 {strides = array<i32>} : memref<24x128xi32, #tpu.memory_space<vmem>>, vector<1x16xi32>,
    %get3A_16 = arith.constant 0 : i32
    %get3A_17 = arith.index_cast %get3A_16 : i32 to index
    %get3A_18 = arith.constant 16 : index
    %get3A_19 = tpu.vector_load %arg5[%get3A_17, %get3A_18] {strides = array<i32>} : memref<24x128xi32, #tpu.memory_space<vmem>>, vector<1x16xi32>,
    %get3A_20 = vector.shape_cast %get3A_19 : vector<1x16xi32> to vector<16xi32>
    %ge3A_21 = arith.constant 503808 : i32
    %ge3A_22 = vector.broadcast %ge3A_21 : i32 to vector<16xi32>
    %ge3A_23 = arith.cmpi sge, %get3A_20, %ge3A_22 : vector<16xi32>
    %sub3A_24 = arith.constant 503808 : i32
    %sub3A_25 = vector.broadcast %sub3A_24 : i32 to vector<16xi32>
    %sub3A_26 = arith.subi %get3A_20, %sub3A_25 : vector<16xi32>
    %select_n3A_27 = arith.select %ge3A_23, %sub3A_26, %get3A_20 : vector<16xi1>, vector<16xi32>
    %swap3A_28 = arith.constant 0 : i32
    %swap3A_29 = arith.index_cast %swap3A_28 : i32 to index
    %swap3A_30 = arith.constant 16 : index
    %swap3A_31 = tpu.vector_load %arg5[%swap3A_29, %swap3A_30] {strides = array<i32>} : memref<24x128xi32, #tpu.memory_space<vmem>>, vector<1x16xi32>,
    %swap3A_32 = vector.shape_cast %swap3A_31 : vector<1x16xi32> to vector<16xi32>
    %swap3A_33 = vector.shape_cast %select_n3A_27 : vector<16xi32> to vector<1x16xi32>
    tpu.vector_store %arg5[%swap3A_29, %swap3A_30], %swap3A_33 {strides = array<i32>} : memref<24x128xi32, #tpu.memory_space<vmem>>, vector<1x16xi32>,
    %get3A_34 = arith.constant 0 : i32
    %get3A_35 = arith.index_cast %get3A_34 : i32 to index
    %get3A_36 = arith.constant 32 : index
    %get3A_37 = tpu.vector_load %arg5[%get3A_35, %get3A_36] {strides = array<i32>} : memref<24x128xi32, #tpu.memory_space<vmem>>, vector<1x16xi32>,
    %get3A_38 = vector.shape_cast %get3A_37 : vector<1x16xi32> to vector<16xi32>
    %ge3A_39 = arith.constant 503808 : i32
    %ge3A_40 = vector.broadcast %ge3A_39 : i32 to vector<16xi32>
    %ge3A_41 = arith.cmpi sge, %get3A_38, %ge3A_40 : vector<16xi32>
    %sub3A_42 = arith.constant 503808 : i32
    %sub3A_43 = vector.broadcast %sub3A_42 : i32 to vector<16xi32>
    %sub3A_44 = arith.subi %get3A_38, %sub3A_43 : vector<16xi32>
    %select_n3A_45 = arith.select %ge3A_41, %sub3A_44, %get3A_38 : vector<16xi1>, vector<16xi32>
    %swap3A_46 = arith.constant 0 : i32
    %swap3A_47 = arith.index_cast %swap3A_46 : i32 to index
    %swap3A_48 = arith.constant 32 : index
    %swap3A_49 = tpu.vector_load %arg5[%swap3A_47, %swap3A_48] {strides = array<i32>} : memref<24x128xi32, #tpu.memory_space<vmem>>, vector<1x16xi32>,
    %swap3A_50 = vector.shape_cast %swap3A_49 : vector<1x16xi32> to vector<16xi32>
    %swap3A_51 = vector.shape_cast %select_n3A_45 : vector<16xi32> to vector<1x16xi32>
    tpu.vector_store %arg5[%swap3A_47, %swap3A_48], %swap3A_51 {strides = array<i32>} : memref<24x128xi32, #tpu.memory_space<vmem>>, vector<1x16xi32>,
    %get3A_52 = arith.constant 0 : i32
    %get3A_53 = arith.index_cast %get3A_52 : i32 to index
    %get3A_54 = arith.constant 48 : index
    %get3A_55 = tpu.vector_load %arg5[%get3A_53, %get3A_54] {strides = array<i32>} : memref<24x128xi32, #tpu.memory_space<vmem>>, vector<1x16xi32>,
    %get3A_56 = vector.shape_cast %get3A_55 : vector<1x16xi32> to vector<16xi32>
    %ge3A_57 = arith.constant 503808 : i32
    %ge3A_58 = vector.broadcast %ge3A_57 : i32 to vector<16xi32>
    %ge3A_59 = arith.cmpi sge, %get3A_56, %ge3A_58 : vector<16xi32>
    %sub3A_60 = arith.constant 503808 : i32
    %sub3A_61 = vector.broadcast %sub3A_60 : i32 to vector<16xi32>
    %sub3A_62 = arith.subi %get3A_56, %sub3A_61 : vector<16xi32>
    %select_n3A_63 = arith.select %ge3A_59, %sub3A_62, %get3A_56 : vector<16xi1>, vector<16xi32>
    %swap3A_64 = arith.constant 0 : i32
    %swap3A_65 = arith.index_cast %swap3A_64 : i32 to index
    %swap3A_66 = arith.constant 48 : index
    %swap3A_67 = tpu.vector_load %arg5[%swap3A_65, %swap3A_66] {strides = array<i32>} : memref<24x128xi32, #tpu.memory_space<vmem>>, vector<1x16xi32>,
    %swap3A_68 = vector.shape_cast %swap3A_67 : vector<1x16xi32> to vector<16xi32>
    %swap3A_69 = vector.shape_cast %select_n3A_63 : vector<16xi32> to vector<1x16xi32>
    tpu.vector_store %arg5[%swap3A_65, %swap3A_66], %swap3A_69 {strides = array<i32>} : memref<24x128xi32, #tpu.memory_space<vmem>>, vector<1x16xi32>,
    %get3A_70 = arith.constant 0 : i32
    %get3A_71 = arith.index_cast %get3A_70 : i32 to index
    %get3A_72 = arith.constant 64 : index
    %get3A_73 = tpu.vector_load %arg5[%get3A_71, %get3A_72] {strides = array<i32>} : memref<24x128xi32, #tpu.memory_space<vmem>>, vector<1x16xi32>,
    %get3A_74 = vector.shape_cast %get3A_73 : vector<1x16xi32> to vector<16xi32>
    %ge3A_75 = arith.constant 503808 : i32
    %ge3A_76 = vector.broadcast %ge3A_75 : i32 to vector<16xi32>
    %ge3A_77 = arith.cmpi sge, %get3A_74, %ge3A_76 : vector<16xi32>
    %sub3A_78 = arith.constant 503808 : i32
    %sub3A_79 = vector.broadcast %sub3A_78 : i32 to vector<16xi32>
    %sub3A_80 = arith.subi %get3A_74, %sub3A_79 : vector<16xi32>
    %select_n3A_81 = arith.select %ge3A_77, %sub3A_80, %get3A_74 : vector<16xi1>, vector<16xi32>
    %swap3A_82 = arith.constant 0 : i32
    %swap3A_83 = arith.index_cast %swap3A_82 : i32 to index
    %swap3A_84 = arith.constant 64 : index
    %swap3A_85 = tpu.vector_load %arg5[%swap3A_83, %swap3A_84] {strides = array<i32>} : memref<24x128xi32, #tpu.memory_space<vmem>>, vector<1x16xi32>,
    %swap3A_86 = vector.shape_cast %swap3A_85 : vector<1x16xi32> to vector<16xi32>
    %swap3A_87 = vector.shape_cast %select_n3A_81 : vector<16xi32> to vector<1x16xi32>
    tpu.vector_store %arg5[%swap3A_83, %swap3A_84], %swap3A_87 {strides = array<i32>} : memref<24x128xi32, #tpu.memory_space<vmem>>, vector<1x16xi32>,
    %get3A_88 = arith.constant 0 : i32
    %get3A_89 = arith.index_cast %get3A_88 : i32 to index
    %get3A_90 = arith.constant 80 : index
    %get3A_91 = tpu.vector_load %arg5[%get3A_89, %get3A_90] {strides = array<i32>} : memref<24x128xi32, #tpu.memory_space<vmem>>, vector<1x16xi32>,
    %get3A_92 = vector.shape_cast %get3A_91 : vector<1x16xi32> to vector<16xi32>
    %ge3A_93 = arith.constant 503808 : i32
    %ge3A_94 = vector.broadcast %ge3A_93 : i32 to vector<16xi32>
    %ge3A_95 = arith.cmpi sge, %get3A_92, %ge3A_94 : vector<16xi32>
    %sub3A_96 = arith.constant 503808 : i32
    %sub3A_97 = vector.broadcast %sub3A_96 : i32 to vector<16xi32>
    %sub3A_98 = arith.subi %get3A_92, %sub3A_97 : vector<16xi32>
    %select_n3A_99 = arith.select %ge3A_95, %sub3A_98, %get3A_92 : vector<16xi1>, vector<16xi32>
    %swap3A_100 = arith.constant 0 : i32
    %swap3A_101 = arith.index_cast %swap3A_100 : i32 to index
    %swap3A_102 = arith.constant 80 : index
    %swap3A_103 = tpu.vector_load %arg5[%swap3A_101, %swap3A_102] {strides = array<i32>} : memref<24x128xi32, #tpu.memory_space<vmem>>, vector<1x16xi32>,
    %swap3A_104 = vector.shape_cast %swap3A_103 : vector<1x16xi32> to vector<16xi32>
    %swap3A_105 = vector.shape_cast %select_n3A_99 : vector<16xi32> to vector<1x16xi32>
    tpu.vector_store %arg5[%swap3A_101, %swap3A_102], %swap3A_105 {strides = array<i32>} : memref<24x128xi32, #tpu.memory_space<vmem>>, vector<1x16xi32>,
    %get3A_106 = arith.constant 0 : i32
    %get3A_107 = arith.index_cast %get3A_106 : i32 to index
    %get3A_108 = arith.constant 96 : index
    %get3A_109 = tpu.vector_load %arg5[%get3A_107, %get3A_108] {strides = array<i32>} : memref<24x128xi32, #tpu.memory_space<vmem>>, vector<1x16xi32>,
    %get3A_110 = vector.shape_cast %get3A_109 : vector<1x16xi32> to vector<16xi32>
    %ge3A_111 = arith.constant 503808 : i32
    %ge3A_112 = vector.broadcast %ge3A_111 : i32 to vector<16xi32>
    %ge3A_113 = arith.cmpi sge, %get3A_110, %ge3A_112 : vector<16xi32>
    %sub3A_114 = arith.constant 503808 : i32
    %sub3A_115 = vector.broadcast %sub3A_114 : i32 to vector<16xi32>
    %sub3A_116 = arith.subi %get3A_110, %sub3A_115 : vector<16xi32>
    %select_n3A_117 = arith.select %ge3A_113, %sub3A_116, %get3A_110 : vector<16xi1>, vector<16xi32>
    %swap3A_118 = arith.constant 0 : i32
    %swap3A_119 = arith.index_cast %swap3A_118 : i32 to index
    %swap3A_120 = arith.constant 96 : index
    %swap3A_121 = tpu.vector_load %arg5[%swap3A_119, %swap3A_120] {strides = array<i32>} : memref<24x128xi32, #tpu.memory_space<vmem>>, vector<1x16xi32>,
    %swap3A_122 = vector.shape_cast %swap3A_121 : vector<1x16xi32> to vector<16xi32>
    %swap3A_123 = vector.shape_cast %select_n3A_117 : vector<16xi32> to vector<1x16xi32>
    tpu.vector_store %arg5[%swap3A_119, %swap3A_120], %swap3A_123 {strides = array<i32>} : memref<24x128xi32, #tpu.memory_space<vmem>>, vector<1x16xi32>,
    %get3A_124 = arith.constant 0 : i32
    %get3A_125 = arith.index_cast %get3A_124 : i32 to index
    %get3A_126 = arith.constant 112 : index
    %get3A_127 = tpu.vector_load %arg5[%get3A_125, %get3A_126] {strides = array<i32>} : memref<24x128xi32, #tpu.memory_space<vmem>>, vector<1x16xi32>,
    %get3A_128 = vector.shape_cast %get3A_127 : vector<1x16xi32> to vector<16xi32>
    %ge3A_129 = arith.constant 503808 : i32
    %ge3A_130 = vector.broadcast %ge3A_129 : i32 to vector<16xi32>
    %ge3A_131 = arith.cmpi sge, %get3A_128, %ge3A_130 : vector<16xi32>
    %sub3A_132 = arith.constant 503808 : i32
    %sub3A_133 = vector.broadcast %sub3A_132 : i32 to vector<16xi32>
    %sub3A_134 = arith.subi %get3A_128, %sub3A_133 : vector<16xi32>
    %select_n3A_135 = arith.select %ge3A_131, %sub3A_134, %get3A_128 : vector<16xi1>, vector<16xi32>
    %swap3A_136 = arith.constant 0 : i32
    %swap3A_137 = arith.index_cast %swap3A_136 : i32 to index
    %swap3A_138 = arith.constant 112 : index
    %swap3A_139 = tpu.vector_load %arg5[%swap3A_137, %swap3A_138] {strides = array<i32>} : memref<24x128xi32, #tpu.memory_space<vmem>>, vector<1x16xi32>,
    %swap3A_140 = vector.shape_cast %swap3A_139 : vector<1x16xi32> to vector<16xi32>
    %swap3A_141 = vector.shape_cast %select_n3A_135 : vector<16xi32> to vector<1x16xi32>
    tpu.vector_store %arg5[%swap3A_137, %swap3A_138], %swap3A_141 {strides = array<i32>} : memref<24x128xi32, #tpu.memory_space<vmem>>, vector<1x16xi32>,
    %get3A_142 = arith.constant 1 : i32
    %get3A_143 = arith.index_cast %get3A_142 : i32 to index
    %get3A_144 = arith.constant 0 : index
    %get3A_145 = tpu.vector_load %arg5[%get3A_143, %get3A_144] {strides = array<i32>} : memref<24x128xi32, #tpu.memory_space<vmem>>, vector<1x16xi32>,
    %get3A_146 = vector.shape_cast %get3A_145 : vector<1x16xi32> to vector<16xi32>
    %ge3A_147 = arith.constant 503808 : i32
    %ge3A_148 = vector.broadcast %ge3A_147 : i32 to vector<16xi32>
    %ge3A_149 = arith.cmpi sge, %get3A_146, %ge3A_148 : vector<16xi32>
    %sub3A_150 = arith.constant 503808 : i32
    %sub3A_151 = vector.broadcast %sub3A_150 : i32 to vector<16xi32>
    %sub3A_152 = arith.subi %get3A_146, %sub3A_151 : vector<16xi32>
    %select_n3A_153 = arith.select %ge3A_149, %sub3A_152, %get3A_146 : vector<16xi1>, vector<16xi32>
    %swap3A_154 = arith.constant 1 : i32
    %swap3A_155 = arith.index_cast %swap3A_154 : i32 to index
    %swap3A_156 = arith.constant 0 : index
    %swap3A_157 = tpu.vector_load %arg5[%swap3A_155, %swap3A_156] {strides = array<i32>} : memref<24x128xi32, #tpu.memory_space<vmem>>, vector<1x16xi32>,
    %swap3A_158 = vector.shape_cast %swap3A_157 : vector<1x16xi32> to vector<16xi32>
    %swap3A_159 = vector.shape_cast %select_n3A_153 : vector<16xi32> to vector<1x16xi32>
    tpu.vector_store %arg5[%swap3A_155, %swap3A_156], %swap3A_159 {strides = array<i32>} : memref<24x128xi32, #tpu.memory_space<vmem>>, vector<1x16xi32>,
    %get3A_160 = arith.constant 1 : i32
    %get3A_161 = arith.index_cast %get3A_160 : i32 to index
    %get3A_162 = arith.constant 16 : index
    %get3A_163 = tpu.vector_load %arg5[%get3A_161, %get3A_162] {strides = array<i32>} : memref<24x128xi32, #tpu.memory_space<vmem>>, vector<1x16xi32>,
    %get3A_164 = vector.shape_cast %get3A_163 : vector<1x16xi32> to vector<16xi32>
    %ge3A_165 = arith.constant 503808 : i32
    %ge3A_166 = vector.broadcast %ge3A_165 : i32 to vector<16xi32>
    %ge3A_167 = arith.cmpi sge, %get3A_164, %ge3A_166 : vector<16xi32>
    %sub3A_168 = arith.constant 503808 : i32
    %sub3A_169 = vector.broadcast %sub3A_168 : i32 to vector<16xi32>
    %sub3A_170 = arith.subi %get3A_164, %sub3A_169 : vector<16xi32>
    %select_n3A_171 = arith.select %ge3A_167, %sub3A_170, %get3A_164 : vector<16xi1>, vector<16xi32>
    %swap3A_172 = arith.constant 1 : i32
    %swap3A_173 = arith.index_cast %swap3A_172 : i32 to index
    %swap3A_174 = arith.constant 16 : index
    %swap3A_175 = tpu.vector_load %arg5[%swap3A_173, %swap3A_174] {strides = array<i32>} : memref<24x128xi32, #tpu.memory_space<vmem>>, vector<1x16xi32>,
    %swap3A_176 = vector.shape_cast %swap3A_175 : vector<1x16xi32> to vector<16xi32>
    %swap3A_177 = vector.shape_cast %select_n3A_171 : vector<16xi32> to vector<1x16xi32>
    tpu.vector_store %arg5[%swap3A_173, %swap3A_174], %swap3A_177 {strides = array<i32>} : memref<24x128xi32, #tpu.memory_space<vmem>>, vector<1x16xi32>,
    %get3A_178 = arith.constant 1 : i32
    %get3A_179 = arith.index_cast %get3A_178 : i32 to index
    %get3A_180 = arith.constant 32 : index
    %get3A_181 = tpu.vector_load %arg5[%get3A_179, %get3A_180] {strides = array<i32>} : memref<24x128xi32, #tpu.memory_space<vmem>>, vector<1x16xi32>,
    %get3A_182 = vector.shape_cast %get3A_181 : vector<1x16xi32> to vector<16xi32>
    %ge3A_183 = arith.constant 503808 : i32
    %ge3A_184 = vector.broadcast %ge3A_183 : i32 to vector<16xi32>
    %ge3A_185 = arith.cmpi sge, %get3A_182, %ge3A_184 : vector<16xi32>
    %sub3A_186 = arith.constant 503808 : i32
    %sub3A_187 = vector.broadcast %sub3A_186 : i32 to vector<16xi32>
    %sub3A_188 = arith.subi %get3A_182, %sub3A_187 : vector<16xi32>
    %select_n3A_189 = arith.select %ge3A_185, %sub3A_188, %get3A_182 : vector<16xi1>, vector<16xi32>
    %swap3A_190 = arith.constant 1 : i32
    %swap3A_191 = arith.index_cast %swap3A_190 : i32 to index
    %swap3A_192 = arith.constant 32 : index
    %swap3A_193 = tpu.vector_load %arg5[%swap3A_191, %swap3A_192] {strides = array<i32>} : memref<24x128xi32, #tpu.memory_space<vmem>>, vector<1x16xi32>,
    %swap3A_194 = vector.shape_cast %swap3A_193 : vector<1x16xi32> to vector<16xi32>
    %swap3A_195 = vector.shape_cast %select_n3A_189 : vector<16xi32> to vector<1x16xi32>
    tpu.vector_store %arg5[%swap3A_191, %swap3A_192], %swap3A_195 {strides = array<i32>} : memref<24x128xi32, #tpu.memory_space<vmem>>, vector<1x16xi32>,
    %get3A_196 = arith.constant 1 : i32
    %get3A_197 = arith.index_cast %get3A_196 : i32 to index
    %get3A_198 = arith.constant 48 : index
    %get3A_199 = tpu.vector_load %arg5[%get3A_197, %get3A_198] {strides = array<i32>} : memref<24x128xi32, #tpu.memory_space<vmem>>, vector<1x16xi32>,
    %get3A_200 = vector.shape_cast %get3A_199 : vector<1x16xi32> to vector<16xi32>
    %ge3A_201 = arith.constant 503808 : i32
    %ge3A_202 = vector.broadcast %ge3A_201 : i32 to vector<16xi32>
    %ge3A_203 = arith.cmpi sge, %get3A_200, %ge3A_202 : vector<16xi32>
    %sub3A_204 = arith.constant 503808 : i32
    %sub3A_205 = vector.broadcast %sub3A_204 : i32 to vector<16xi32>
    %sub3A_206 = arith.subi %get3A_200, %sub3A_205 : vector<16xi32>
    %select_n3A_207 = arith.select %ge3A_203, %sub3A_206, %get3A_200 : vector<16xi1>, vector<16xi32>
    %swap3A_208 = arith.constant 1 : i32
    %swap3A_209 = arith.index_cast %swap3A_208 : i32 to index
    %swap3A_210 = arith.constant 48 : index
    %swap3A_211 = tpu.vector_load %arg5[%swap3A_209, %swap3A_210] {strides = array<i32>} : memref<24x128xi32, #tpu.memory_space<vmem>>, vector<1x16xi32>,
    %swap3A_212 = vector.shape_cast %swap3A_211 : vector<1x16xi32> to vector<16xi32>
    %swap3A_213 = vector.shape_cast %select_n3A_207 : vector<16xi32> to vector<1x16xi32>
    tpu.vector_store %arg5[%swap3A_209, %swap3A_210], %swap3A_213 {strides = array<i32>} : memref<24x128xi32, #tpu.memory_space<vmem>>, vector<1x16xi32>,
    %get3A_214 = arith.constant 1 : i32
    %get3A_215 = arith.index_cast %get3A_214 : i32 to index
    %get3A_216 = arith.constant 64 : index
    %get3A_217 = tpu.vector_load %arg5[%get3A_215, %get3A_216] {strides = array<i32>} : memref<24x128xi32, #tpu.memory_space<vmem>>, vector<1x16xi32>,
    %get3A_218 = vector.shape_cast %get3A_217 : vector<1x16xi32> to vector<16xi32>
    %ge3A_219 = arith.constant 503808 : i32
    %ge3A_220 = vector.broadcast %ge3A_219 : i32 to vector<16xi32>
    %ge3A_221 = arith.cmpi sge, %get3A_218, %ge3A_220 : vector<16xi32>
    %sub3A_222 = arith.constant 503808 : i32
    %sub3A_223 = vector.broadcast %sub3A_222 : i32 to vector<16xi32>
    %sub3A_224 = arith.subi %get3A_218, %sub3A_223 : vector<16xi32>
    %select_n3A_225 = arith.select %ge3A_221, %sub3A_224, %get3A_218 : vector<16xi1>, vector<16xi32>
    %swap3A_226 = arith.constant 1 : i32
    %swap3A_227 = arith.index_cast %swap3A_226 : i32 to index
    %swap3A_228 = arith.constant 64 : index
    %swap3A_229 = tpu.vector_load %arg5[%swap3A_227, %swap3A_228] {strides = array<i32>} : memref<24x128xi32, #tpu.memory_space<vmem>>, vector<1x16xi32>,
    %swap3A_230 = vector.shape_cast %swap3A_229 : vector<1x16xi32> to vector<16xi32>
    %swap3A_231 = vector.shape_cast %select_n3A_225 : vector<16xi32> to vector<1x16xi32>
    tpu.vector_store %arg5[%swap3A_227, %swap3A_228], %swap3A_231 {strides = array<i32>} : memref<24x128xi32, #tpu.memory_space<vmem>>, vector<1x16xi32>,
    %get3A_232 = arith.constant 1 : i32
    %get3A_233 = arith.index_cast %get3A_232 : i32 to index
    %get3A_234 = arith.constant 80 : index
    %get3A_235 = tpu.vector_load %arg5[%get3A_233, %get3A_234] {strides = array<i32>} : memref<24x128xi32, #tpu.memory_space<vmem>>, vector<1x16xi32>,
    %get3A_236 = vector.shape_cast %get3A_235 : vector<1x16xi32> to vector<16xi32>
    %ge3A_237 = arith.constant 503808 : i32
    %ge3A_238 = vector.broadcast %ge3A_237 : i32 to vector<16xi32>
    %ge3A_239 = arith.cmpi sge, %get3A_236, %ge3A_238 : vector<16xi32>
    %sub3A_240 = arith.constant 503808 : i32
    %sub3A_241 = vector.broadcast %sub3A_240 : i32 to vector<16xi32>
    %sub3A_242 = arith.subi %get3A_236, %sub3A_241 : vector<16xi32>
    %select_n3A_243 = arith.select %ge3A_239, %sub3A_242, %get3A_236 : vector<16xi1>, vector<16xi32>
    %swap3A_244 = arith.constant 1 : i32
    %swap3A_245 = arith.index_cast %swap3A_244 : i32 to index
    %swap3A_246 = arith.constant 80 : index
    %swap3A_247 = tpu.vector_load %arg5[%swap3A_245, %swap3A_246] {strides = array<i32>} : memref<24x128xi32, #tpu.memory_space<vmem>>, vector<1x16xi32>,
    %swap3A_248 = vector.shape_cast %swap3A_247 : vector<1x16xi32> to vector<16xi32>
    %swap3A_249 = vector.shape_cast %select_n3A_243 : vector<16xi32> to vector<1x16xi32>
    tpu.vector_store %arg5[%swap3A_245, %swap3A_246], %swap3A_249 {strides = array<i32>} : memref<24x128xi32, #tpu.memory_space<vmem>>, vector<1x16xi32>,
    %get3A_250 = arith.constant 1 : i32
    %get3A_251 = arith.index_cast %get3A_250 : i32 to index
    %get3A_252 = arith.constant 96 : index
    %get3A_253 = tpu.vector_load %arg5[%get3A_251, %get3A_252] {strides = array<i32>} : memref<24x128xi32, #tpu.memory_space<vmem>>, vector<1x16xi32>,
    %get3A_254 = vector.shape_cast %get3A_253 : vector<1x16xi32> to vector<16xi32>
    %ge3A_255 = arith.constant 503808 : i32
    %ge3A_256 = vector.broadcast %ge3A_255 : i32 to vector<16xi32>
    %ge3A_257 = arith.cmpi sge, %get3A_254, %ge3A_256 : vector<16xi32>
    %sub3A_258 = arith.constant 503808 : i32
    %sub3A_259 = vector.broadcast %sub3A_258 : i32 to vector<16xi32>
    %sub3A_260 = arith.subi %get3A_254, %sub3A_259 : vector<16xi32>
    %select_n3A_261 = arith.select %ge3A_257, %sub3A_260, %get3A_254 : vector<16xi1>, vector<16xi32>
    %swap3A_262 = arith.constant 1 : i32
    %swap3A_263 = arith.index_cast %swap3A_262 : i32 to index
    %swap3A_264 = arith.constant 96 : index
    %swap3A_265 = tpu.vector_load %arg5[%swap3A_263, %swap3A_264] {strides = array<i32>} : memref<24x128xi32, #tpu.memory_space<vmem>>, vector<1x16xi32>,
    %swap3A_266 = vector.shape_cast %swap3A_265 : vector<1x16xi32> to vector<16xi32>
    %swap3A_267 = vector.shape_cast %select_n3A_261 : vector<16xi32> to vector<1x16xi32>
    tpu.vector_store %arg5[%swap3A_263, %swap3A_264], %swap3A_267 {strides = array<i32>} : memref<24x128xi32, #tpu.memory_space<vmem>>, vector<1x16xi32>,
    %get3A_268 = arith.constant 1 : i32
    %get3A_269 = arith.index_cast %get3A_268 : i32 to index
    %get3A_270 = arith.constant 112 : index
    %get3A_271 = tpu.vector_load %arg5[%get3A_269, %get3A_270] {strides = array<i32>} : memref<24x128xi32, #tpu.memory_space<vmem>>, vector<1x16xi32>,
    %get3A_272 = vector.shape_cast %get3A_271 : vector<1x16xi32> to vector<16xi32>
    %ge3A_273 = arith.constant 503808 : i32
    %ge3A_274 = vector.broadcast %ge3A_273 : i32 to vector<16xi32>
    %ge3A_275 = arith.cmpi sge, %get3A_272, %ge3A_274 : vector<16xi32>
    %sub3A_276 = arith.constant 503808 : i32
    %sub3A_277 = vector.broadcast %sub3A_276 : i32 to vector<16xi32>
    %sub3A_278 = arith.subi %get3A_272, %sub3A_277 : vector<16xi32>
    %select_n3A_279 = arith.select %ge3A_275, %sub3A_278, %get3A_272 : vector<16xi1>, vector<16xi32>
    %swap3A_280 = arith.constant 1 : i32
    %swap3A_281 = arith.index_cast %swap3A_280 : i32 to index
    %swap3A_282 = arith.constant 112 : index
    %swap3A_283 = tpu.vector_load %arg5[%swap3A_281, %swap3A_282] {strides = array<i32>} : memref<24x128xi32, #tpu.memory_space<vmem>>, vector<1x16xi32>,
    %swap3A_284 = vector.shape_cast %swap3A_283 : vector<1x16xi32> to vector<16xi32>
    %swap3A_285 = vector.shape_cast %select_n3A_279 : vector<16xi32> to vector<1x16xi32>
    tpu.vector_store %arg5[%swap3A_281, %swap3A_282], %swap3A_285 {strides = array<i32>} : memref<24x128xi32, #tpu.memory_space<vmem>>, vector<1x16xi32>,
    %get3A_286 = arith.constant 2 : i32
    %get3A_287 = arith.index_cast %get3A_286 : i32 to index
    %get3A_288 = arith.constant 0 : index
    %get3A_289 = tpu.vector_load %arg5[%get3A_287, %get3A_288] {strides = array<i32>} : memref<24x128xi32, #tpu.memory_space<vmem>>, vector<1x16xi32>,
    %get3A_290 = vector.shape_cast %get3A_289 : vector<1x16xi32> to vector<16xi32>
    %ge3A_291 = arith.constant 503808 : i32
    %ge3A_292 = vector.broadcast %ge3A_291 : i32 to vector<16xi32>
    %ge3A_293 = arith.cmpi sge, %get3A_290, %ge3A_292 : vector<16xi32>
    %sub3A_294 = arith.constant 503808 : i32
    %sub3A_295 = vector.broadcast %sub3A_294 : i32 to vector<16xi32>
    %sub3A_296 = arith.subi %get3A_290, %sub3A_295 : vector<16xi32>
    %select_n3A_297 = arith.select %ge3A_293, %sub3A_296, %get3A_290 : vector<16xi1>, vector<16xi32>
    %swap3A_298 = arith.constant 2 : i32
    %swap3A_299 = arith.index_cast %swap3A_298 : i32 to index
    %swap3A_300 = arith.constant 0 : index
    %swap3A_301 = tpu.vector_load %arg5[%swap3A_299, %swap3A_300] {strides = array<i32>} : memref<24x128xi32, #tpu.memory_space<vmem>>, vector<1x16xi32>,
    %swap3A_302 = vector.shape_cast %swap3A_301 : vector<1x16xi32> to vector<16xi32>
    %swap3A_303 = vector.shape_cast %select_n3A_297 : vector<16xi32> to vector<1x16xi32>
    tpu.vector_store %arg5[%swap3A_299, %swap3A_300], %swap3A_303 {strides = array<i32>} : memref<24x128xi32, #tpu.memory_space<vmem>>, vector<1x16xi32>,
    %get3A_304 = arith.constant 2 : i32
    %get3A_305 = arith.index_cast %get3A_304 : i32 to index
    %get3A_306 = arith.constant 16 : index
    %get3A_307 = tpu.vector_load %arg5[%get3A_305, %get3A_306] {strides = array<i32>} : memref<24x128xi32, #tpu.memory_space<vmem>>, vector<1x16xi32>,
    %get3A_308 = vector.shape_cast %get3A_307 : vector<1x16xi32> to vector<16xi32>
    %ge3A_309 = arith.constant 503808 : i32
    %ge3A_310 = vector.broadcast %ge3A_309 : i32 to vector<16xi32>
    %ge3A_311 = arith.cmpi sge, %get3A_308, %ge3A_310 : vector<16xi32>
    %sub3A_312 = arith.constant 503808 : i32
    %sub3A_313 = vector.broadcast %sub3A_312 : i32 to vector<16xi32>
    %sub3A_314 = arith.subi %get3A_308, %sub3A_313 : vector<16xi32>
    %select_n3A_315 = arith.select %ge3A_311, %sub3A_314, %get3A_308 : vector<16xi1>, vector<16xi32>
    %swap3A_316 = arith.constant 2 : i32
    %swap3A_317 = arith.index_cast %swap3A_316 : i32 to index
    %swap3A_318 = arith.constant 16 : index
    %swap3A_319 = tpu.vector_load %arg5[%swap3A_317, %swap3A_318] {strides = array<i32>} : memref<24x128xi32, #tpu.memory_space<vmem>>, vector<1x16xi32>,
    %swap3A_320 = vector.shape_cast %swap3A_319 : vector<1x16xi32> to vector<16xi32>
    %swap3A_321 = vector.shape_cast %select_n3A_315 : vector<16xi32> to vector<1x16xi32>
    tpu.vector_store %arg5[%swap3A_317, %swap3A_318], %swap3A_321 {strides = array<i32>} : memref<24x128xi32, #tpu.memory_space<vmem>>, vector<1x16xi32>,
    %get3A_322 = arith.constant 2 : i32
    %get3A_323 = arith.index_cast %get3A_322 : i32 to index
    %get3A_324 = arith.constant 32 : index
    %get3A_325 = tpu.vector_load %arg5[%get3A_323, %get3A_324] {strides = array<i32>} : memref<24x128xi32, #tpu.memory_space<vmem>>, vector<1x16xi32>,
    %get3A_326 = vector.shape_cast %get3A_325 : vector<1x16xi32> to vector<16xi32>
    %ge3A_327 = arith.constant 503808 : i32
    %ge3A_328 = vector.broadcast %ge3A_327 : i32 to vector<16xi32>
    %ge3A_329 = arith.cmpi sge, %get3A_326, %ge3A_328 : vector<16xi32>
    %sub3A_330 = arith.constant 503808 : i32
    %sub3A_331 = vector.broadcast %sub3A_330 : i32 to vector<16xi32>
    %sub3A_332 = arith.subi %get3A_326, %sub3A_331 : vector<16xi32>
    %select_n3A_333 = arith.select %ge3A_329, %sub3A_332, %get3A_326 : vector<16xi1>, vector<16xi32>
    %swap3A_334 = arith.constant 2 : i32
    %swap3A_335 = arith.index_cast %swap3A_334 : i32 to index
    %swap3A_336 = arith.constant 32 : index
    %swap3A_337 = tpu.vector_load %arg5[%swap3A_335, %swap3A_336] {strides = array<i32>} : memref<24x128xi32, #tpu.memory_space<vmem>>, vector<1x16xi32>,
    %swap3A_338 = vector.shape_cast %swap3A_337 : vector<1x16xi32> to vector<16xi32>
    %swap3A_339 = vector.shape_cast %select_n3A_333 : vector<16xi32> to vector<1x16xi32>
    tpu.vector_store %arg5[%swap3A_335, %swap3A_336], %swap3A_339 {strides = array<i32>} : memref<24x128xi32, #tpu.memory_space<vmem>>, vector<1x16xi32>,
    %get3A_340 = arith.constant 2 : i32
    %get3A_341 = arith.index_cast %get3A_340 : i32 to index
    %get3A_342 = arith.constant 48 : index
    %get3A_343 = tpu.vector_load %arg5[%get3A_341, %get3A_342] {strides = array<i32>} : memref<24x128xi32, #tpu.memory_space<vmem>>, vector<1x16xi32>,
    %get3A_344 = vector.shape_cast %get3A_343 : vector<1x16xi32> to vector<16xi32>
    %ge3A_345 = arith.constant 503808 : i32
    %ge3A_346 = vector.broadcast %ge3A_345 : i32 to vector<16xi32>
    %ge3A_347 = arith.cmpi sge, %get3A_344, %ge3A_346 : vector<16xi32>
    %sub3A_348 = arith.constant 503808 : i32
    %sub3A_349 = vector.broadcast %sub3A_348 : i32 to vector<16xi32>
    %sub3A_350 = arith.subi %get3A_344, %sub3A_349 : vector<16xi32>
    %select_n3A_351 = arith.select %ge3A_347, %sub3A_350, %get3A_344 : vector<16xi1>, vector<16xi32>
    %swap3A_352 = arith.constant 2 : i32
    %swap3A_353 = arith.index_cast %swap3A_352 : i32 to index
    %swap3A_354 = arith.constant 48 : index
    %swap3A_355 = tpu.vector_load %arg5[%swap3A_353, %swap3A_354] {strides = array<i32>} : memref<24x128xi32, #tpu.memory_space<vmem>>, vector<1x16xi32>,
    %swap3A_356 = vector.shape_cast %swap3A_355 : vector<1x16xi32> to vector<16xi32>
    %swap3A_357 = vector.shape_cast %select_n3A_351 : vector<16xi32> to vector<1x16xi32>
    tpu.vector_store %arg5[%swap3A_353, %swap3A_354], %swap3A_357 {strides = array<i32>} : memref<24x128xi32, #tpu.memory_space<vmem>>, vector<1x16xi32>,
    %get3A_358 = arith.constant 2 : i32
    %get3A_359 = arith.index_cast %get3A_358 : i32 to index
    %get3A_360 = arith.constant 64 : index
    %get3A_361 = tpu.vector_load %arg5[%get3A_359, %get3A_360] {strides = array<i32>} : memref<24x128xi32, #tpu.memory_space<vmem>>, vector<1x16xi32>,
    %get3A_362 = vector.shape_cast %get3A_361 : vector<1x16xi32> to vector<16xi32>
    %ge3A_363 = arith.constant 503808 : i32
    %ge3A_364 = vector.broadcast %ge3A_363 : i32 to vector<16xi32>
    %ge3A_365 = arith.cmpi sge, %get3A_362, %ge3A_364 : vector<16xi32>
    %sub3A_366 = arith.constant 503808 : i32
    %sub3A_367 = vector.broadcast %sub3A_366 : i32 to vector<16xi32>
    %sub3A_368 = arith.subi %get3A_362, %sub3A_367 : vector<16xi32>
    %select_n3A_369 = arith.select %ge3A_365, %sub3A_368, %get3A_362 : vector<16xi1>, vector<16xi32>
    %swap3A_370 = arith.constant 2 : i32
    %swap3A_371 = arith.index_cast %swap3A_370 : i32 to index
    %swap3A_372 = arith.constant 64 : index
    %swap3A_373 = tpu.vector_load %arg5[%swap3A_371, %swap3A_372] {strides = array<i32>} : memref<24x128xi32, #tpu.memory_space<vmem>>, vector<1x16xi32>,
    %swap3A_374 = vector.shape_cast %swap3A_373 : vector<1x16xi32> to vector<16xi32>
    %swap3A_375 = vector.shape_cast %select_n3A_369 : vector<16xi32> to vector<1x16xi32>
    tpu.vector_store %arg5[%swap3A_371, %swap3A_372], %swap3A_375 {strides = array<i32>} : memref<24x128xi32, #tpu.memory_space<vmem>>, vector<1x16xi32>,
    %get3A_376 = arith.constant 2 : i32
    %get3A_377 = arith.index_cast %get3A_376 : i32 to index
    %get3A_378 = arith.constant 80 : index
    %get3A_379 = tpu.vector_load %arg5[%get3A_377, %get3A_378] {strides = array<i32>} : memref<24x128xi32, #tpu.memory_space<vmem>>, vector<1x16xi32>,
    %get3A_380 = vector.shape_cast %get3A_379 : vector<1x16xi32> to vector<16xi32>
    %ge3A_381 = arith.constant 503808 : i32
    %ge3A_382 = vector.broadcast %ge3A_381 : i32 to vector<16xi32>
    %ge3A_383 = arith.cmpi sge, %get3A_380, %ge3A_382 : vector<16xi32>
    %sub3A_384 = arith.constant 503808 : i32
    %sub3A_385 = vector.broadcast %sub3A_384 : i32 to vector<16xi32>
    %sub3A_386 = arith.subi %get3A_380, %sub3A_385 : vector<16xi32>
    %select_n3A_387 = arith.select %ge3A_383, %sub3A_386, %get3A_380 : vector<16xi1>, vector<16xi32>
    %swap3A_388 = arith.constant 2 : i32
    %swap3A_389 = arith.index_cast %swap3A_388 : i32 to index
    %swap3A_390 = arith.constant 80 : index
    %swap3A_391 = tpu.vector_load %arg5[%swap3A_389, %swap3A_390] {strides = array<i32>} : memref<24x128xi32, #tpu.memory_space<vmem>>, vector<1x16xi32>,
    %swap3A_392 = vector.shape_cast %swap3A_391 : vector<1x16xi32> to vector<16xi32>
    %swap3A_393 = vector.shape_cast %select_n3A_387 : vector<16xi32> to vector<1x16xi32>
    tpu.vector_store %arg5[%swap3A_389, %swap3A_390], %swap3A_393 {strides = array<i32>} : memref<24x128xi32, #tpu.memory_space<vmem>>, vector<1x16xi32>,
    %get3A_394 = arith.constant 2 : i32
    %get3A_395 = arith.index_cast %get3A_394 : i32 to index
    %get3A_396 = arith.constant 96 : index
    %get3A_397 = tpu.vector_load %arg5[%get3A_395, %get3A_396] {strides = array<i32>} : memref<24x128xi32, #tpu.memory_space<vmem>>, vector<1x16xi32>,
    %get3A_398 = vector.shape_cast %get3A_397 : vector<1x16xi32> to vector<16xi32>
    %ge3A_399 = arith.constant 503808 : i32
    %ge3A_400 = vector.broadcast %ge3A_399 : i32 to vector<16xi32>
    %ge3A_401 = arith.cmpi sge, %get3A_398, %ge3A_400 : vector<16xi32>
    %sub3A_402 = arith.constant 503808 : i32
    %sub3A_403 = vector.broadcast %sub3A_402 : i32 to vector<16xi32>
    %sub3A_404 = arith.subi %get3A_398, %sub3A_403 : vector<16xi32>
    %select_n3A_405 = arith.select %ge3A_401, %sub3A_404, %get3A_398 : vector<16xi1>, vector<16xi32>
    %swap3A_406 = arith.constant 2 : i32
    %swap3A_407 = arith.index_cast %swap3A_406 : i32 to index
    %swap3A_408 = arith.constant 96 : index
    %swap3A_409 = tpu.vector_load %arg5[%swap3A_407, %swap3A_408] {strides = array<i32>} : memref<24x128xi32, #tpu.memory_space<vmem>>, vector<1x16xi32>,
    %swap3A_410 = vector.shape_cast %swap3A_409 : vector<1x16xi32> to vector<16xi32>
    %swap3A_411 = vector.shape_cast %select_n3A_405 : vector<16xi32> to vector<1x16xi32>
    tpu.vector_store %arg5[%swap3A_407, %swap3A_408], %swap3A_411 {strides = array<i32>} : memref<24x128xi32, #tpu.memory_space<vmem>>, vector<1x16xi32>,
    %get3A_412 = arith.constant 2 : i32
    %get3A_413 = arith.index_cast %get3A_412 : i32 to index
    %get3A_414 = arith.constant 112 : index
    %get3A_415 = tpu.vector_load %arg5[%get3A_413, %get3A_414] {strides = array<i32>} : memref<24x128xi32, #tpu.memory_space<vmem>>, vector<1x16xi32>,
    %get3A_416 = vector.shape_cast %get3A_415 : vector<1x16xi32> to vector<16xi32>
    %ge3A_417 = arith.constant 503808 : i32
    %ge3A_418 = vector.broadcast %ge3A_417 : i32 to vector<16xi32>
    %ge3A_419 = arith.cmpi sge, %get3A_416, %ge3A_418 : vector<16xi32>
    %sub3A_420 = arith.constant 503808 : i32
    %sub3A_421 = vector.broadcast %sub3A_420 : i32 to vector<16xi32>
    %sub3A_422 = arith.subi %get3A_416, %sub3A_421 : vector<16xi32>
    %select_n3A_423 = arith.select %ge3A_419, %sub3A_422, %get3A_416 : vector<16xi1>, vector<16xi32>
    %swap3A_424 = arith.constant 2 : i32
    %swap3A_425 = arith.index_cast %swap3A_424 : i32 to index
    %swap3A_426 = arith.constant 112 : index
    %swap3A_427 = tpu.vector_load %arg5[%swap3A_425, %swap3A_426] {strides = array<i32>} : memref<24x128xi32, #tpu.memory_space<vmem>>, vector<1x16xi32>,
    %swap3A_428 = vector.shape_cast %swap3A_427 : vector<1x16xi32> to vector<16xi32>
    %swap3A_429 = vector.shape_cast %select_n3A_423 : vector<16xi32> to vector<1x16xi32>
    tpu.vector_store %arg5[%swap3A_425, %swap3A_426], %swap3A_429 {strides = array<i32>} : memref<24x128xi32, #tpu.memory_space<vmem>>, vector<1x16xi32>,
    %get3A_430 = arith.constant 3 : i32
    %get3A_431 = arith.index_cast %get3A_430 : i32 to index
    %get3A_432 = arith.constant 0 : index
    %get3A_433 = tpu.vector_load %arg5[%get3A_431, %get3A_432] {strides = array<i32>} : memref<24x128xi32, #tpu.memory_space<vmem>>, vector<1x16xi32>,
    %get3A_434 = vector.shape_cast %get3A_433 : vector<1x16xi32> to vector<16xi32>
    %ge3A_435 = arith.constant 503808 : i32
    %ge3A_436 = vector.broadcast %ge3A_435 : i32 to vector<16xi32>
    %ge3A_437 = arith.cmpi sge, %get3A_434, %ge3A_436 : vector<16xi32>
    %sub3A_438 = arith.constant 503808 : i32
    %sub3A_439 = vector.broadcast %sub3A_438 : i32 to vector<16xi32>
    %sub3A_440 = arith.subi %get3A_434, %sub3A_439 : vector<16xi32>
    %select_n3A_441 = arith.select %ge3A_437, %sub3A_440, %get3A_434 : vector<16xi1>, vector<16xi32>
    %swap3A_442 = arith.constant 3 : i32
    %swap3A_443 = arith.index_cast %swap3A_442 : i32 to index
    %swap3A_444 = arith.constant 0 : index
    %swap3A_445 = tpu.vector_load %arg5[%swap3A_443, %swap3A_444] {strides = array<i32>} : memref<24x128xi32, #tpu.memory_space<vmem>>, vector<1x16xi32>,
    %swap3A_446 = vector.shape_cast %swap3A_445 : vector<1x16xi32> to vector<16xi32>
    %swap3A_447 = vector.shape_cast %select_n3A_441 : vector<16xi32> to vector<1x16xi32>
    tpu.vector_store %arg5[%swap3A_443, %swap3A_444], %swap3A_447 {strides = array<i32>} : memref<24x128xi32, #tpu.memory_space<vmem>>, vector<1x16xi32>,
    %get3A_448 = arith.constant 3 : i32
    %get3A_449 = arith.index_cast %get3A_448 : i32 to index
    %get3A_450 = arith.constant 16 : index
    %get3A_451 = tpu.vector_load %arg5[%get3A_449, %get3A_450] {strides = array<i32>} : memref<24x128xi32, #tpu.memory_space<vmem>>, vector<1x16xi32>,
    %get3A_452 = vector.shape_cast %get3A_451 : vector<1x16xi32> to vector<16xi32>
    %ge3A_453 = arith.constant 503808 : i32
    %ge3A_454 = vector.broadcast %ge3A_453 : i32 to vector<16xi32>
    %ge3A_455 = arith.cmpi sge, %get3A_452, %ge3A_454 : vector<16xi32>
    %sub3A_456 = arith.constant 503808 : i32
    %sub3A_457 = vector.broadcast %sub3A_456 : i32 to vector<16xi32>
    %sub3A_458 = arith.subi %get3A_452, %sub3A_457 : vector<16xi32>
    %select_n3A_459 = arith.select %ge3A_455, %sub3A_458, %get3A_452 : vector<16xi1>, vector<16xi32>
    %swap3A_460 = arith.constant 3 : i32
    %swap3A_461 = arith.index_cast %swap3A_460 : i32 to index
    %swap3A_462 = arith.constant 16 : index
    %swap3A_463 = tpu.vector_load %arg5[%swap3A_461, %swap3A_462] {strides = array<i32>} : memref<24x128xi32, #tpu.memory_space<vmem>>, vector<1x16xi32>,
    %swap3A_464 = vector.shape_cast %swap3A_463 : vector<1x16xi32> to vector<16xi32>
    %swap3A_465 = vector.shape_cast %select_n3A_459 : vector<16xi32> to vector<1x16xi32>
    tpu.vector_store %arg5[%swap3A_461, %swap3A_462], %swap3A_465 {strides = array<i32>} : memref<24x128xi32, #tpu.memory_space<vmem>>, vector<1x16xi32>,
    %get3A_466 = arith.constant 3 : i32
    %get3A_467 = arith.index_cast %get3A_466 : i32 to index
    %get3A_468 = arith.constant 32 : index
    %get3A_469 = tpu.vector_load %arg5[%get3A_467, %get3A_468] {strides = array<i32>} : memref<24x128xi32, #tpu.memory_space<vmem>>, vector<1x16xi32>,
    %get3A_470 = vector.shape_cast %get3A_469 : vector<1x16xi32> to vector<16xi32>
    %ge3A_471 = arith.constant 503808 : i32
    %ge3A_472 = vector.broadcast %ge3A_471 : i32 to vector<16xi32>
    %ge3A_473 = arith.cmpi sge, %get3A_470, %ge3A_472 : vector<16xi32>
    %sub3A_474 = arith.constant 503808 : i32
    %sub3A_475 = vector.broadcast %sub3A_474 : i32 to vector<16xi32>
    %sub3A_476 = arith.subi %get3A_470, %sub3A_475 : vector<16xi32>
    %select_n3A_477 = arith.select %ge3A_473, %sub3A_476, %get3A_470 : vector<16xi1>, vector<16xi32>
    %swap3A_478 = arith.constant 3 : i32
    %swap3A_479 = arith.index_cast %swap3A_478 : i32 to index
    %swap3A_480 = arith.constant 32 : index
    %swap3A_481 = tpu.vector_load %arg5[%swap3A_479, %swap3A_480] {strides = array<i32>} : memref<24x128xi32, #tpu.memory_space<vmem>>, vector<1x16xi32>,
    %swap3A_482 = vector.shape_cast %swap3A_481 : vector<1x16xi32> to vector<16xi32>
    %swap3A_483 = vector.shape_cast %select_n3A_477 : vector<16xi32> to vector<1x16xi32>
    tpu.vector_store %arg5[%swap3A_479, %swap3A_480], %swap3A_483 {strides = array<i32>} : memref<24x128xi32, #tpu.memory_space<vmem>>, vector<1x16xi32>,
    %get3A_484 = arith.constant 3 : i32
    %get3A_485 = arith.index_cast %get3A_484 : i32 to index
    %get3A_486 = arith.constant 48 : index
    %get3A_487 = tpu.vector_load %arg5[%get3A_485, %get3A_486] {strides = array<i32>} : memref<24x128xi32, #tpu.memory_space<vmem>>, vector<1x16xi32>,
    %get3A_488 = vector.shape_cast %get3A_487 : vector<1x16xi32> to vector<16xi32>
    %ge3A_489 = arith.constant 503808 : i32
    %ge3A_490 = vector.broadcast %ge3A_489 : i32 to vector<16xi32>
    %ge3A_491 = arith.cmpi sge, %get3A_488, %ge3A_490 : vector<16xi32>
    %sub3A_492 = arith.constant 503808 : i32
    %sub3A_493 = vector.broadcast %sub3A_492 : i32 to vector<16xi32>
    %sub3A_494 = arith.subi %get3A_488, %sub3A_493 : vector<16xi32>
    %select_n3A_495 = arith.select %ge3A_491, %sub3A_494, %get3A_488 : vector<16xi1>, vector<16xi32>
    %swap3A_496 = arith.constant 3 : i32
    %swap3A_497 = arith.index_cast %swap3A_496 : i32 to index
    %swap3A_498 = arith.constant 48 : index
    %swap3A_499 = tpu.vector_load %arg5[%swap3A_497, %swap3A_498] {strides = array<i32>} : memref<24x128xi32, #tpu.memory_space<vmem>>, vector<1x16xi32>,
    %swap3A_500 = vector.shape_cast %swap3A_499 : vector<1x16xi32> to vector<16xi32>
    %swap3A_501 = vector.shape_cast %select_n3A_495 : vector<16xi32> to vector<1x16xi32>
    tpu.vector_store %arg5[%swap3A_497, %swap3A_498], %swap3A_501 {strides = array<i32>} : memref<24x128xi32, #tpu.memory_space<vmem>>, vector<1x16xi32>,
    %get3A_502 = arith.constant 3 : i32
    %get3A_503 = arith.index_cast %get3A_502 : i32 to index
    %get3A_504 = arith.constant 64 : index
    %get3A_505 = tpu.vector_load %arg5[%get3A_503, %get3A_504] {strides = array<i32>} : memref<24x128xi32, #tpu.memory_space<vmem>>, vector<1x16xi32>,
    %get3A_506 = vector.shape_cast %get3A_505 : vector<1x16xi32> to vector<16xi32>
    %ge3A_507 = arith.constant 503808 : i32
    %ge3A_508 = vector.broadcast %ge3A_507 : i32 to vector<16xi32>
    %ge3A_509 = arith.cmpi sge, %get3A_506, %ge3A_508 : vector<16xi32>
    %sub3A_510 = arith.constant 503808 : i32
    %sub3A_511 = vector.broadcast %sub3A_510 : i32 to vector<16xi32>
    %sub3A_512 = arith.subi %get3A_506, %sub3A_511 : vector<16xi32>
    %select_n3A_513 = arith.select %ge3A_509, %sub3A_512, %get3A_506 : vector<16xi1>, vector<16xi32>
    %swap3A_514 = arith.constant 3 : i32
    %swap3A_515 = arith.index_cast %swap3A_514 : i32 to index
    %swap3A_516 = arith.constant 64 : index
    %swap3A_517 = tpu.vector_load %arg5[%swap3A_515, %swap3A_516] {strides = array<i32>} : memref<24x128xi32, #tpu.memory_space<vmem>>, vector<1x16xi32>,
    %swap3A_518 = vector.shape_cast %swap3A_517 : vector<1x16xi32> to vector<16xi32>
    %swap3A_519 = vector.shape_cast %select_n3A_513 : vector<16xi32> to vector<1x16xi32>
    tpu.vector_store %arg5[%swap3A_515, %swap3A_516], %swap3A_519 {strides = array<i32>} : memref<24x128xi32, #tpu.memory_space<vmem>>, vector<1x16xi32>,
    %get3A_520 = arith.constant 3 : i32
    %get3A_521 = arith.index_cast %get3A_520 : i32 to index
    %get3A_522 = arith.constant 80 : index
    %get3A_523 = tpu.vector_load %arg5[%get3A_521, %get3A_522] {strides = array<i32>} : memref<24x128xi32, #tpu.memory_space<vmem>>, vector<1x16xi32>,
    %get3A_524 = vector.shape_cast %get3A_523 : vector<1x16xi32> to vector<16xi32>
    %ge3A_525 = arith.constant 503808 : i32
    %ge3A_526 = vector.broadcast %ge3A_525 : i32 to vector<16xi32>
    %ge3A_527 = arith.cmpi sge, %get3A_524, %ge3A_526 : vector<16xi32>
    %sub3A_528 = arith.constant 503808 : i32
    %sub3A_529 = vector.broadcast %sub3A_528 : i32 to vector<16xi32>
    %sub3A_530 = arith.subi %get3A_524, %sub3A_529 : vector<16xi32>
    %select_n3A_531 = arith.select %ge3A_527, %sub3A_530, %get3A_524 : vector<16xi1>, vector<16xi32>
    %swap3A_532 = arith.constant 3 : i32
    %swap3A_533 = arith.index_cast %swap3A_532 : i32 to index
    %swap3A_534 = arith.constant 80 : index
    %swap3A_535 = tpu.vector_load %arg5[%swap3A_533, %swap3A_534] {strides = array<i32>} : memref<24x128xi32, #tpu.memory_space<vmem>>, vector<1x16xi32>,
    %swap3A_536 = vector.shape_cast %swap3A_535 : vector<1x16xi32> to vector<16xi32>
    %swap3A_537 = vector.shape_cast %select_n3A_531 : vector<16xi32> to vector<1x16xi32>
    tpu.vector_store %arg5[%swap3A_533, %swap3A_534], %swap3A_537 {strides = array<i32>} : memref<24x128xi32, #tpu.memory_space<vmem>>, vector<1x16xi32>,
    %get3A_538 = arith.constant 3 : i32
    %get3A_539 = arith.index_cast %get3A_538 : i32 to index
    %get3A_540 = arith.constant 96 : index
    %get3A_541 = tpu.vector_load %arg5[%get3A_539, %get3A_540] {strides = array<i32>} : memref<24x128xi32, #tpu.memory_space<vmem>>, vector<1x16xi32>,
    %get3A_542 = vector.shape_cast %get3A_541 : vector<1x16xi32> to vector<16xi32>
    %ge3A_543 = arith.constant 503808 : i32
    %ge3A_544 = vector.broadcast %ge3A_543 : i32 to vector<16xi32>
    %ge3A_545 = arith.cmpi sge, %get3A_542, %ge3A_544 : vector<16xi32>
    %sub3A_546 = arith.constant 503808 : i32
    %sub3A_547 = vector.broadcast %sub3A_546 : i32 to vector<16xi32>
    %sub3A_548 = arith.subi %get3A_542, %sub3A_547 : vector<16xi32>
    %select_n3A_549 = arith.select %ge3A_545, %sub3A_548, %get3A_542 : vector<16xi1>, vector<16xi32>
    %swap3A_550 = arith.constant 3 : i32
    %swap3A_551 = arith.index_cast %swap3A_550 : i32 to index
    %swap3A_552 = arith.constant 96 : index
    %swap3A_553 = tpu.vector_load %arg5[%swap3A_551, %swap3A_552] {strides = array<i32>} : memref<24x128xi32, #tpu.memory_space<vmem>>, vector<1x16xi32>,
    %swap3A_554 = vector.shape_cast %swap3A_553 : vector<1x16xi32> to vector<16xi32>
    %swap3A_555 = vector.shape_cast %select_n3A_549 : vector<16xi32> to vector<1x16xi32>
    tpu.vector_store %arg5[%swap3A_551, %swap3A_552], %swap3A_555 {strides = array<i32>} : memref<24x128xi32, #tpu.memory_space<vmem>>, vector<1x16xi32>,
    %get3A_556 = arith.constant 3 : i32
    %get3A_557 = arith.index_cast %get3A_556 : i32 to index
    %get3A_558 = arith.constant 112 : index
    %get3A_559 = tpu.vector_load %arg5[%get3A_557, %get3A_558] {strides = array<i32>} : memref<24x128xi32, #tpu.memory_space<vmem>>, vector<1x16xi32>,
    %get3A_560 = vector.shape_cast %get3A_559 : vector<1x16xi32> to vector<16xi32>
    %ge3A_561 = arith.constant 503808 : i32
    %ge3A_562 = vector.broadcast %ge3A_561 : i32 to vector<16xi32>
    %ge3A_563 = arith.cmpi sge, %get3A_560, %ge3A_562 : vector<16xi32>
    %sub3A_564 = arith.constant 503808 : i32
    %sub3A_565 = vector.broadcast %sub3A_564 : i32 to vector<16xi32>
    %sub3A_566 = arith.subi %get3A_560, %sub3A_565 : vector<16xi32>
    %select_n3A_567 = arith.select %ge3A_563, %sub3A_566, %get3A_560 : vector<16xi1>, vector<16xi32>
    %swap3A_568 = arith.constant 3 : i32
    %swap3A_569 = arith.index_cast %swap3A_568 : i32 to index
    %swap3A_570 = arith.constant 112 : index
    %swap3A_571 = tpu.vector_load %arg5[%swap3A_569, %swap3A_570] {strides = array<i32>} : memref<24x128xi32, #tpu.memory_space<vmem>>, vector<1x16xi32>,
    %swap3A_572 = vector.shape_cast %swap3A_571 : vector<1x16xi32> to vector<16xi32>
    %swap3A_573 = vector.shape_cast %select_n3A_567 : vector<16xi32> to vector<1x16xi32>
    tpu.vector_store %arg5[%swap3A_569, %swap3A_570], %swap3A_573 {strides = array<i32>} : memref<24x128xi32, #tpu.memory_space<vmem>>, vector<1x16xi32>,
    %get3A_574 = arith.constant 4 : i32
    %get3A_575 = arith.index_cast %get3A_574 : i32 to index
    %get3A_576 = arith.constant 0 : index
    %get3A_577 = tpu.vector_load %arg5[%get3A_575, %get3A_576] {strides = array<i32>} : memref<24x128xi32, #tpu.memory_space<vmem>>, vector<1x16xi32>,
    %get3A_578 = vector.shape_cast %get3A_577 : vector<1x16xi32> to vector<16xi32>
    %ge3A_579 = arith.constant 503808 : i32
    %ge3A_580 = vector.broadcast %ge3A_579 : i32 to vector<16xi32>
    %ge3A_581 = arith.cmpi sge, %get3A_578, %ge3A_580 : vector<16xi32>
    %sub3A_582 = arith.constant 503808 : i32
    %sub3A_583 = vector.broadcast %sub3A_582 : i32 to vector<16xi32>
    %sub3A_584 = arith.subi %get3A_578, %sub3A_583 : vector<16xi32>
    %select_n3A_585 = arith.select %ge3A_581, %sub3A_584, %get3A_578 : vector<16xi1>, vector<16xi32>
    %swap3A_586 = arith.constant 4 : i32
    %swap3A_587 = arith.index_cast %swap3A_586 : i32 to index
    %swap3A_588 = arith.constant 0 : index
    %swap3A_589 = tpu.vector_load %arg5[%swap3A_587, %swap3A_588] {strides = array<i32>} : memref<24x128xi32, #tpu.memory_space<vmem>>, vector<1x16xi32>,
    %swap3A_590 = vector.shape_cast %swap3A_589 : vector<1x16xi32> to vector<16xi32>
    %swap3A_591 = vector.shape_cast %select_n3A_585 : vector<16xi32> to vector<1x16xi32>
    tpu.vector_store %arg5[%swap3A_587, %swap3A_588], %swap3A_591 {strides = array<i32>} : memref<24x128xi32, #tpu.memory_space<vmem>>, vector<1x16xi32>,
    %get3A_592 = arith.constant 4 : i32
    %get3A_593 = arith.index_cast %get3A_592 : i32 to index
    %get3A_594 = arith.constant 16 : index
    %get3A_595 = tpu.vector_load %arg5[%get3A_593, %get3A_594] {strides = array<i32>} : memref<24x128xi32, #tpu.memory_space<vmem>>, vector<1x16xi32>,
    %get3A_596 = vector.shape_cast %get3A_595 : vector<1x16xi32> to vector<16xi32>
    %ge3A_597 = arith.constant 503808 : i32
    %ge3A_598 = vector.broadcast %ge3A_597 : i32 to vector<16xi32>
    %ge3A_599 = arith.cmpi sge, %get3A_596, %ge3A_598 : vector<16xi32>
    %sub3A_600 = arith.constant 503808 : i32
    %sub3A_601 = vector.broadcast %sub3A_600 : i32 to vector<16xi32>
    %sub3A_602 = arith.subi %get3A_596, %sub3A_601 : vector<16xi32>
    %select_n3A_603 = arith.select %ge3A_599, %sub3A_602, %get3A_596 : vector<16xi1>, vector<16xi32>
    %swap3A_604 = arith.constant 4 : i32
    %swap3A_605 = arith.index_cast %swap3A_604 : i32 to index
    %swap3A_606 = arith.constant 16 : index
    %swap3A_607 = tpu.vector_load %arg5[%swap3A_605, %swap3A_606] {strides = array<i32>} : memref<24x128xi32, #tpu.memory_space<vmem>>, vector<1x16xi32>,
    %swap3A_608 = vector.shape_cast %swap3A_607 : vector<1x16xi32> to vector<16xi32>
    %swap3A_609 = vector.shape_cast %select_n3A_603 : vector<16xi32> to vector<1x16xi32>
    tpu.vector_store %arg5[%swap3A_605, %swap3A_606], %swap3A_609 {strides = array<i32>} : memref<24x128xi32, #tpu.memory_space<vmem>>, vector<1x16xi32>,
    %get3A_610 = arith.constant 4 : i32
    %get3A_611 = arith.index_cast %get3A_610 : i32 to index
    %get3A_612 = arith.constant 32 : index
    %get3A_613 = tpu.vector_load %arg5[%get3A_611, %get3A_612] {strides = array<i32>} : memref<24x128xi32, #tpu.memory_space<vmem>>, vector<1x16xi32>,
    %get3A_614 = vector.shape_cast %get3A_613 : vector<1x16xi32> to vector<16xi32>
    %ge3A_615 = arith.constant 503808 : i32
    %ge3A_616 = vector.broadcast %ge3A_615 : i32 to vector<16xi32>
    %ge3A_617 = arith.cmpi sge, %get3A_614, %ge3A_616 : vector<16xi32>
    %sub3A_618 = arith.constant 503808 : i32
    %sub3A_619 = vector.broadcast %sub3A_618 : i32 to vector<16xi32>
    %sub3A_620 = arith.subi %get3A_614, %sub3A_619 : vector<16xi32>
    %select_n3A_621 = arith.select %ge3A_617, %sub3A_620, %get3A_614 : vector<16xi1>, vector<16xi32>
    %swap3A_622 = arith.constant 4 : i32
    %swap3A_623 = arith.index_cast %swap3A_622 : i32 to index
    %swap3A_624 = arith.constant 32 : index
    %swap3A_625 = tpu.vector_load %arg5[%swap3A_623, %swap3A_624] {strides = array<i32>} : memref<24x128xi32, #tpu.memory_space<vmem>>, vector<1x16xi32>,
    %swap3A_626 = vector.shape_cast %swap3A_625 : vector<1x16xi32> to vector<16xi32>
    %swap3A_627 = vector.shape_cast %select_n3A_621 : vector<16xi32> to vector<1x16xi32>
    tpu.vector_store %arg5[%swap3A_623, %swap3A_624], %swap3A_627 {strides = array<i32>} : memref<24x128xi32, #tpu.memory_space<vmem>>, vector<1x16xi32>,
    %get3A_628 = arith.constant 4 : i32
    %get3A_629 = arith.index_cast %get3A_628 : i32 to index
    %get3A_630 = arith.constant 48 : index
    %get3A_631 = tpu.vector_load %arg5[%get3A_629, %get3A_630] {strides = array<i32>} : memref<24x128xi32, #tpu.memory_space<vmem>>, vector<1x16xi32>,
    %get3A_632 = vector.shape_cast %get3A_631 : vector<1x16xi32> to vector<16xi32>
    %ge3A_633 = arith.constant 503808 : i32
    %ge3A_634 = vector.broadcast %ge3A_633 : i32 to vector<16xi32>
    %ge3A_635 = arith.cmpi sge, %get3A_632, %ge3A_634 : vector<16xi32>
    %sub3A_636 = arith.constant 503808 : i32
    %sub3A_637 = vector.broadcast %sub3A_636 : i32 to vector<16xi32>
    %sub3A_638 = arith.subi %get3A_632, %sub3A_637 : vector<16xi32>
    %select_n3A_639 = arith.select %ge3A_635, %sub3A_638, %get3A_632 : vector<16xi1>, vector<16xi32>
    %swap3A_640 = arith.constant 4 : i32
    %swap3A_641 = arith.index_cast %swap3A_640 : i32 to index
    %swap3A_642 = arith.constant 48 : index
    %swap3A_643 = tpu.vector_load %arg5[%swap3A_641, %swap3A_642] {strides = array<i32>} : memref<24x128xi32, #tpu.memory_space<vmem>>, vector<1x16xi32>,
    %swap3A_644 = vector.shape_cast %swap3A_643 : vector<1x16xi32> to vector<16xi32>
    %swap3A_645 = vector.shape_cast %select_n3A_639 : vector<16xi32> to vector<1x16xi32>
    tpu.vector_store %arg5[%swap3A_641, %swap3A_642], %swap3A_645 {strides = array<i32>} : memref<24x128xi32, #tpu.memory_space<vmem>>, vector<1x16xi32>,
    %get3A_646 = arith.constant 4 : i32
    %get3A_647 = arith.index_cast %get3A_646 : i32 to index
    %get3A_648 = arith.constant 64 : index
    %get3A_649 = tpu.vector_load %arg5[%get3A_647, %get3A_648] {strides = array<i32>} : memref<24x128xi32, #tpu.memory_space<vmem>>, vector<1x16xi32>,
    %get3A_650 = vector.shape_cast %get3A_649 : vector<1x16xi32> to vector<16xi32>
    %ge3A_651 = arith.constant 503808 : i32
    %ge3A_652 = vector.broadcast %ge3A_651 : i32 to vector<16xi32>
    %ge3A_653 = arith.cmpi sge, %get3A_650, %ge3A_652 : vector<16xi32>
    %sub3A_654 = arith.constant 503808 : i32
    %sub3A_655 = vector.broadcast %sub3A_654 : i32 to vector<16xi32>
    %sub3A_656 = arith.subi %get3A_650, %sub3A_655 : vector<16xi32>
    %select_n3A_657 = arith.select %ge3A_653, %sub3A_656, %get3A_650 : vector<16xi1>, vector<16xi32>
    %swap3A_658 = arith.constant 4 : i32
    %swap3A_659 = arith.index_cast %swap3A_658 : i32 to index
    %swap3A_660 = arith.constant 64 : index
    %swap3A_661 = tpu.vector_load %arg5[%swap3A_659, %swap3A_660] {strides = array<i32>} : memref<24x128xi32, #tpu.memory_space<vmem>>, vector<1x16xi32>,
    %swap3A_662 = vector.shape_cast %swap3A_661 : vector<1x16xi32> to vector<16xi32>
    %swap3A_663 = vector.shape_cast %select_n3A_657 : vector<16xi32> to vector<1x16xi32>
    tpu.vector_store %arg5[%swap3A_659, %swap3A_660], %swap3A_663 {strides = array<i32>} : memref<24x128xi32, #tpu.memory_space<vmem>>, vector<1x16xi32>,
    %get3A_664 = arith.constant 4 : i32
    %get3A_665 = arith.index_cast %get3A_664 : i32 to index
    %get3A_666 = arith.constant 80 : index
    %get3A_667 = tpu.vector_load %arg5[%get3A_665, %get3A_666] {strides = array<i32>} : memref<24x128xi32, #tpu.memory_space<vmem>>, vector<1x16xi32>,
    %get3A_668 = vector.shape_cast %get3A_667 : vector<1x16xi32> to vector<16xi32>
    %ge3A_669 = arith.constant 503808 : i32
    %ge3A_670 = vector.broadcast %ge3A_669 : i32 to vector<16xi32>
    %ge3A_671 = arith.cmpi sge, %get3A_668, %ge3A_670 : vector<16xi32>
    %sub3A_672 = arith.constant 503808 : i32
    %sub3A_673 = vector.broadcast %sub3A_672 : i32 to vector<16xi32>
    %sub3A_674 = arith.subi %get3A_668, %sub3A_673 : vector<16xi32>
    %select_n3A_675 = arith.select %ge3A_671, %sub3A_674, %get3A_668 : vector<16xi1>, vector<16xi32>
    %swap3A_676 = arith.constant 4 : i32
    %swap3A_677 = arith.index_cast %swap3A_676 : i32 to index
    %swap3A_678 = arith.constant 80 : index
    %swap3A_679 = tpu.vector_load %arg5[%swap3A_677, %swap3A_678] {strides = array<i32>} : memref<24x128xi32, #tpu.memory_space<vmem>>, vector<1x16xi32>,
    %swap3A_680 = vector.shape_cast %swap3A_679 : vector<1x16xi32> to vector<16xi32>
    %swap3A_681 = vector.shape_cast %select_n3A_675 : vector<16xi32> to vector<1x16xi32>
    tpu.vector_store %arg5[%swap3A_677, %swap3A_678], %swap3A_681 {strides = array<i32>} : memref<24x128xi32, #tpu.memory_space<vmem>>, vector<1x16xi32>,
    %get3A_682 = arith.constant 4 : i32
    %get3A_683 = arith.index_cast %get3A_682 : i32 to index
    %get3A_684 = arith.constant 96 : index
    %get3A_685 = tpu.vector_load %arg5[%get3A_683, %get3A_684] {strides = array<i32>} : memref<24x128xi32, #tpu.memory_space<vmem>>, vector<1x16xi32>,
    %get3A_686 = vector.shape_cast %get3A_685 : vector<1x16xi32> to vector<16xi32>
    %ge3A_687 = arith.constant 503808 : i32
    %ge3A_688 = vector.broadcast %ge3A_687 : i32 to vector<16xi32>
    %ge3A_689 = arith.cmpi sge, %get3A_686, %ge3A_688 : vector<16xi32>
    %sub3A_690 = arith.constant 503808 : i32
    %sub3A_691 = vector.broadcast %sub3A_690 : i32 to vector<16xi32>
    %sub3A_692 = arith.subi %get3A_686, %sub3A_691 : vector<16xi32>
    %select_n3A_693 = arith.select %ge3A_689, %sub3A_692, %get3A_686 : vector<16xi1>, vector<16xi32>
    %swap3A_694 = arith.constant 4 : i32
    %swap3A_695 = arith.index_cast %swap3A_694 : i32 to index
    %swap3A_696 = arith.constant 96 : index
    %swap3A_697 = tpu.vector_load %arg5[%swap3A_695, %swap3A_696] {strides = array<i32>} : memref<24x128xi32, #tpu.memory_space<vmem>>, vector<1x16xi32>,
    %swap3A_698 = vector.shape_cast %swap3A_697 : vector<1x16xi32> to vector<16xi32>
    %swap3A_699 = vector.shape_cast %select_n3A_693 : vector<16xi32> to vector<1x16xi32>
    tpu.vector_store %arg5[%swap3A_695, %swap3A_696], %swap3A_699 {strides = array<i32>} : memref<24x128xi32, #tpu.memory_space<vmem>>, vector<1x16xi32>,
    %get3A_700 = arith.constant 4 : i32
    %get3A_701 = arith.index_cast %get3A_700 : i32 to index
    %get3A_702 = arith.constant 112 : index
    %get3A_703 = tpu.vector_load %arg5[%get3A_701, %get3A_702] {strides = array<i32>} : memref<24x128xi32, #tpu.memory_space<vmem>>, vector<1x16xi32>,
    %get3A_704 = vector.shape_cast %get3A_703 : vector<1x16xi32> to vector<16xi32>
    %ge3A_705 = arith.constant 503808 : i32
    %ge3A_706 = vector.broadcast %ge3A_705 : i32 to vector<16xi32>
    %ge3A_707 = arith.cmpi sge, %get3A_704, %ge3A_706 : vector<16xi32>
    %sub3A_708 = arith.constant 503808 : i32
    %sub3A_709 = vector.broadcast %sub3A_708 : i32 to vector<16xi32>
    %sub3A_710 = arith.subi %get3A_704, %sub3A_709 : vector<16xi32>
    %select_n3A_711 = arith.select %ge3A_707, %sub3A_710, %get3A_704 : vector<16xi1>, vector<16xi32>
    %swap3A_712 = arith.constant 4 : i32
    %swap3A_713 = arith.index_cast %swap3A_712 : i32 to index
    %swap3A_714 = arith.constant 112 : index
    %swap3A_715 = tpu.vector_load %arg5[%swap3A_713, %swap3A_714] {strides = array<i32>} : memref<24x128xi32, #tpu.memory_space<vmem>>, vector<1x16xi32>,
    %swap3A_716 = vector.shape_cast %swap3A_715 : vector<1x16xi32> to vector<16xi32>
    %swap3A_717 = vector.shape_cast %select_n3A_711 : vector<16xi32> to vector<1x16xi32>
    tpu.vector_store %arg5[%swap3A_713, %swap3A_714], %swap3A_717 {strides = array<i32>} : memref<24x128xi32, #tpu.memory_space<vmem>>, vector<1x16xi32>,
    %get3A_718 = arith.constant 5 : i32
    %get3A_719 = arith.index_cast %get3A_718 : i32 to index
    %get3A_720 = arith.constant 0 : index
    %get3A_721 = tpu.vector_load %arg5[%get3A_719, %get3A_720] {strides = array<i32>} : memref<24x128xi32, #tpu.memory_space<vmem>>, vector<1x16xi32>,
    %get3A_722 = vector.shape_cast %get3A_721 : vector<1x16xi32> to vector<16xi32>
    %ge3A_723 = arith.constant 503808 : i32
    %ge3A_724 = vector.broadcast %ge3A_723 : i32 to vector<16xi32>
    %ge3A_725 = arith.cmpi sge, %get3A_722, %ge3A_724 : vector<16xi32>
    %sub3A_726 = arith.constant 503808 : i32
    %sub3A_727 = vector.broadcast %sub3A_726 : i32 to vector<16xi32>
    %sub3A_728 = arith.subi %get3A_722, %sub3A_727 : vector<16xi32>
    %select_n3A_729 = arith.select %ge3A_725, %sub3A_728, %get3A_722 : vector<16xi1>, vector<16xi32>
    %swap3A_730 = arith.constant 5 : i32
    %swap3A_731 = arith.index_cast %swap3A_730 : i32 to index
    %swap3A_732 = arith.constant 0 : index
    %swap3A_733 = tpu.vector_load %arg5[%swap3A_731, %swap3A_732] {strides = array<i32>} : memref<24x128xi32, #tpu.memory_space<vmem>>, vector<1x16xi32>,
    %swap3A_734 = vector.shape_cast %swap3A_733 : vector<1x16xi32> to vector<16xi32>
    %swap3A_735 = vector.shape_cast %select_n3A_729 : vector<16xi32> to vector<1x16xi32>
    tpu.vector_store %arg5[%swap3A_731, %swap3A_732], %swap3A_735 {strides = array<i32>} : memref<24x128xi32, #tpu.memory_space<vmem>>, vector<1x16xi32>,
    %get3A_736 = arith.constant 5 : i32
    %get3A_737 = arith.index_cast %get3A_736 : i32 to index
    %get3A_738 = arith.constant 16 : index
    %get3A_739 = tpu.vector_load %arg5[%get3A_737, %get3A_738] {strides = array<i32>} : memref<24x128xi32, #tpu.memory_space<vmem>>, vector<1x16xi32>,
    %get3A_740 = vector.shape_cast %get3A_739 : vector<1x16xi32> to vector<16xi32>
    %ge3A_741 = arith.constant 503808 : i32
    %ge3A_742 = vector.broadcast %ge3A_741 : i32 to vector<16xi32>
    %ge3A_743 = arith.cmpi sge, %get3A_740, %ge3A_742 : vector<16xi32>
    %sub3A_744 = arith.constant 503808 : i32
    %sub3A_745 = vector.broadcast %sub3A_744 : i32 to vector<16xi32>
    %sub3A_746 = arith.subi %get3A_740, %sub3A_745 : vector<16xi32>
    %select_n3A_747 = arith.select %ge3A_743, %sub3A_746, %get3A_740 : vector<16xi1>, vector<16xi32>
    %swap3A_748 = arith.constant 5 : i32
    %swap3A_749 = arith.index_cast %swap3A_748 : i32 to index
    %swap3A_750 = arith.constant 16 : index
    %swap3A_751 = tpu.vector_load %arg5[%swap3A_749, %swap3A_750] {strides = array<i32>} : memref<24x128xi32, #tpu.memory_space<vmem>>, vector<1x16xi32>,
    %swap3A_752 = vector.shape_cast %swap3A_751 : vector<1x16xi32> to vector<16xi32>
    %swap3A_753 = vector.shape_cast %select_n3A_747 : vector<16xi32> to vector<1x16xi32>
    tpu.vector_store %arg5[%swap3A_749, %swap3A_750], %swap3A_753 {strides = array<i32>} : memref<24x128xi32, #tpu.memory_space<vmem>>, vector<1x16xi32>,
    %get3A_754 = arith.constant 5 : i32
    %get3A_755 = arith.index_cast %get3A_754 : i32 to index
    %get3A_756 = arith.constant 32 : index
    %get3A_757 = tpu.vector_load %arg5[%get3A_755, %get3A_756] {strides = array<i32>} : memref<24x128xi32, #tpu.memory_space<vmem>>, vector<1x16xi32>,
    %get3A_758 = vector.shape_cast %get3A_757 : vector<1x16xi32> to vector<16xi32>
    %ge3A_759 = arith.constant 503808 : i32
    %ge3A_760 = vector.broadcast %ge3A_759 : i32 to vector<16xi32>
    %ge3A_761 = arith.cmpi sge, %get3A_758, %ge3A_760 : vector<16xi32>
    %sub3A_762 = arith.constant 503808 : i32
    %sub3A_763 = vector.broadcast %sub3A_762 : i32 to vector<16xi32>
    %sub3A_764 = arith.subi %get3A_758, %sub3A_763 : vector<16xi32>
    %select_n3A_765 = arith.select %ge3A_761, %sub3A_764, %get3A_758 : vector<16xi1>, vector<16xi32>
    %swap3A_766 = arith.constant 5 : i32
    %swap3A_767 = arith.index_cast %swap3A_766 : i32 to index
    %swap3A_768 = arith.constant 32 : index
    %swap3A_769 = tpu.vector_load %arg5[%swap3A_767, %swap3A_768] {strides = array<i32>} : memref<24x128xi32, #tpu.memory_space<vmem>>, vector<1x16xi32>,
    %swap3A_770 = vector.shape_cast %swap3A_769 : vector<1x16xi32> to vector<16xi32>
    %swap3A_771 = vector.shape_cast %select_n3A_765 : vector<16xi32> to vector<1x16xi32>
    tpu.vector_store %arg5[%swap3A_767, %swap3A_768], %swap3A_771 {strides = array<i32>} : memref<24x128xi32, #tpu.memory_space<vmem>>, vector<1x16xi32>,
    %get3A_772 = arith.constant 5 : i32
    %get3A_773 = arith.index_cast %get3A_772 : i32 to index
    %get3A_774 = arith.constant 48 : index
    %get3A_775 = tpu.vector_load %arg5[%get3A_773, %get3A_774] {strides = array<i32>} : memref<24x128xi32, #tpu.memory_space<vmem>>, vector<1x16xi32>,
    %get3A_776 = vector.shape_cast %get3A_775 : vector<1x16xi32> to vector<16xi32>
    %ge3A_777 = arith.constant 503808 : i32
    %ge3A_778 = vector.broadcast %ge3A_777 : i32 to vector<16xi32>
    %ge3A_779 = arith.cmpi sge, %get3A_776, %ge3A_778 : vector<16xi32>
    %sub3A_780 = arith.constant 503808 : i32
    %sub3A_781 = vector.broadcast %sub3A_780 : i32 to vector<16xi32>
    %sub3A_782 = arith.subi %get3A_776, %sub3A_781 : vector<16xi32>
    %select_n3A_783 = arith.select %ge3A_779, %sub3A_782, %get3A_776 : vector<16xi1>, vector<16xi32>
    %swap3A_784 = arith.constant 5 : i32
    %swap3A_785 = arith.index_cast %swap3A_784 : i32 to index
    %swap3A_786 = arith.constant 48 : index
    %swap3A_787 = tpu.vector_load %arg5[%swap3A_785, %swap3A_786] {strides = array<i32>} : memref<24x128xi32, #tpu.memory_space<vmem>>, vector<1x16xi32>,
    %swap3A_788 = vector.shape_cast %swap3A_787 : vector<1x16xi32> to vector<16xi32>
    %swap3A_789 = vector.shape_cast %select_n3A_783 : vector<16xi32> to vector<1x16xi32>
    tpu.vector_store %arg5[%swap3A_785, %swap3A_786], %swap3A_789 {strides = array<i32>} : memref<24x128xi32, #tpu.memory_space<vmem>>, vector<1x16xi32>,
    %get3A_790 = arith.constant 5 : i32
    %get3A_791 = arith.index_cast %get3A_790 : i32 to index
    %get3A_792 = arith.constant 64 : index
    %get3A_793 = tpu.vector_load %arg5[%get3A_791, %get3A_792] {strides = array<i32>} : memref<24x128xi32, #tpu.memory_space<vmem>>, vector<1x16xi32>,
    %get3A_794 = vector.shape_cast %get3A_793 : vector<1x16xi32> to vector<16xi32>
    %ge3A_795 = arith.constant 503808 : i32
    %ge3A_796 = vector.broadcast %ge3A_795 : i32 to vector<16xi32>
    %ge3A_797 = arith.cmpi sge, %get3A_794, %ge3A_796 : vector<16xi32>
    %sub3A_798 = arith.constant 503808 : i32
    %sub3A_799 = vector.broadcast %sub3A_798 : i32 to vector<16xi32>
    %sub3A_800 = arith.subi %get3A_794, %sub3A_799 : vector<16xi32>
    %select_n3A_801 = arith.select %ge3A_797, %sub3A_800, %get3A_794 : vector<16xi1>, vector<16xi32>
    %swap3A_802 = arith.constant 5 : i32
    %swap3A_803 = arith.index_cast %swap3A_802 : i32 to index
    %swap3A_804 = arith.constant 64 : index
    %swap3A_805 = tpu.vector_load %arg5[%swap3A_803, %swap3A_804] {strides = array<i32>} : memref<24x128xi32, #tpu.memory_space<vmem>>, vector<1x16xi32>,
    %swap3A_806 = vector.shape_cast %swap3A_805 : vector<1x16xi32> to vector<16xi32>
    %swap3A_807 = vector.shape_cast %select_n3A_801 : vector<16xi32> to vector<1x16xi32>
    tpu.vector_store %arg5[%swap3A_803, %swap3A_804], %swap3A_807 {strides = array<i32>} : memref<24x128xi32, #tpu.memory_space<vmem>>, vector<1x16xi32>,
    %get3A_808 = arith.constant 5 : i32
    %get3A_809 = arith.index_cast %get3A_808 : i32 to index
    %get3A_810 = arith.constant 80 : index
    %get3A_811 = tpu.vector_load %arg5[%get3A_809, %get3A_810] {strides = array<i32>} : memref<24x128xi32, #tpu.memory_space<vmem>>, vector<1x16xi32>,
    %get3A_812 = vector.shape_cast %get3A_811 : vector<1x16xi32> to vector<16xi32>
    %ge3A_813 = arith.constant 503808 : i32
    %ge3A_814 = vector.broadcast %ge3A_813 : i32 to vector<16xi32>
    %ge3A_815 = arith.cmpi sge, %get3A_812, %ge3A_814 : vector<16xi32>
    %sub3A_816 = arith.constant 503808 : i32
    %sub3A_817 = vector.broadcast %sub3A_816 : i32 to vector<16xi32>
    %sub3A_818 = arith.subi %get3A_812, %sub3A_817 : vector<16xi32>
    %select_n3A_819 = arith.select %ge3A_815, %sub3A_818, %get3A_812 : vector<16xi1>, vector<16xi32>
    %swap3A_820 = arith.constant 5 : i32
    %swap3A_821 = arith.index_cast %swap3A_820 : i32 to index
    %swap3A_822 = arith.constant 80 : index
    %swap3A_823 = tpu.vector_load %arg5[%swap3A_821, %swap3A_822] {strides = array<i32>} : memref<24x128xi32, #tpu.memory_space<vmem>>, vector<1x16xi32>,
    %swap3A_824 = vector.shape_cast %swap3A_823 : vector<1x16xi32> to vector<16xi32>
    %swap3A_825 = vector.shape_cast %select_n3A_819 : vector<16xi32> to vector<1x16xi32>
    tpu.vector_store %arg5[%swap3A_821, %swap3A_822], %swap3A_825 {strides = array<i32>} : memref<24x128xi32, #tpu.memory_space<vmem>>, vector<1x16xi32>,
    %get3A_826 = arith.constant 5 : i32
    %get3A_827 = arith.index_cast %get3A_826 : i32 to index
    %get3A_828 = arith.constant 96 : index
    %get3A_829 = tpu.vector_load %arg5[%get3A_827, %get3A_828] {strides = array<i32>} : memref<24x128xi32, #tpu.memory_space<vmem>>, vector<1x16xi32>,
    %get3A_830 = vector.shape_cast %get3A_829 : vector<1x16xi32> to vector<16xi32>
    %ge3A_831 = arith.constant 503808 : i32
    %ge3A_832 = vector.broadcast %ge3A_831 : i32 to vector<16xi32>
    %ge3A_833 = arith.cmpi sge, %get3A_830, %ge3A_832 : vector<16xi32>
    %sub3A_834 = arith.constant 503808 : i32
    %sub3A_835 = vector.broadcast %sub3A_834 : i32 to vector<16xi32>
    %sub3A_836 = arith.subi %get3A_830, %sub3A_835 : vector<16xi32>
    %select_n3A_837 = arith.select %ge3A_833, %sub3A_836, %get3A_830 : vector<16xi1>, vector<16xi32>
    %swap3A_838 = arith.constant 5 : i32
    %swap3A_839 = arith.index_cast %swap3A_838 : i32 to index
    %swap3A_840 = arith.constant 96 : index
    %swap3A_841 = tpu.vector_load %arg5[%swap3A_839, %swap3A_840] {strides = array<i32>} : memref<24x128xi32, #tpu.memory_space<vmem>>, vector<1x16xi32>,
    %swap3A_842 = vector.shape_cast %swap3A_841 : vector<1x16xi32> to vector<16xi32>
    %swap3A_843 = vector.shape_cast %select_n3A_837 : vector<16xi32> to vector<1x16xi32>
    tpu.vector_store %arg5[%swap3A_839, %swap3A_840], %swap3A_843 {strides = array<i32>} : memref<24x128xi32, #tpu.memory_space<vmem>>, vector<1x16xi32>,
    %get3A_844 = arith.constant 5 : i32
    %get3A_845 = arith.index_cast %get3A_844 : i32 to index
    %get3A_846 = arith.constant 112 : index
    %get3A_847 = tpu.vector_load %arg5[%get3A_845, %get3A_846] {strides = array<i32>} : memref<24x128xi32, #tpu.memory_space<vmem>>, vector<1x16xi32>,
    %get3A_848 = vector.shape_cast %get3A_847 : vector<1x16xi32> to vector<16xi32>
    %ge3A_849 = arith.constant 503808 : i32
    %ge3A_850 = vector.broadcast %ge3A_849 : i32 to vector<16xi32>
    %ge3A_851 = arith.cmpi sge, %get3A_848, %ge3A_850 : vector<16xi32>
    %sub3A_852 = arith.constant 503808 : i32
    %sub3A_853 = vector.broadcast %sub3A_852 : i32 to vector<16xi32>
    %sub3A_854 = arith.subi %get3A_848, %sub3A_853 : vector<16xi32>
    %select_n3A_855 = arith.select %ge3A_851, %sub3A_854, %get3A_848 : vector<16xi1>, vector<16xi32>
    %swap3A_856 = arith.constant 5 : i32
    %swap3A_857 = arith.index_cast %swap3A_856 : i32 to index
    %swap3A_858 = arith.constant 112 : index
    %swap3A_859 = tpu.vector_load %arg5[%swap3A_857, %swap3A_858] {strides = array<i32>} : memref<24x128xi32, #tpu.memory_space<vmem>>, vector<1x16xi32>,
    %swap3A_860 = vector.shape_cast %swap3A_859 : vector<1x16xi32> to vector<16xi32>
    %swap3A_861 = vector.shape_cast %select_n3A_855 : vector<16xi32> to vector<1x16xi32>
    tpu.vector_store %arg5[%swap3A_857, %swap3A_858], %swap3A_861 {strides = array<i32>} : memref<24x128xi32, #tpu.memory_space<vmem>>, vector<1x16xi32>,
    %get3A_862 = arith.constant 6 : i32
    %get3A_863 = arith.index_cast %get3A_862 : i32 to index
    %get3A_864 = arith.constant 0 : index
    %get3A_865 = tpu.vector_load %arg5[%get3A_863, %get3A_864] {strides = array<i32>} : memref<24x128xi32, #tpu.memory_space<vmem>>, vector<1x16xi32>,
    %get3A_866 = vector.shape_cast %get3A_865 : vector<1x16xi32> to vector<16xi32>
    %ge3A_867 = arith.constant 503808 : i32
    %ge3A_868 = vector.broadcast %ge3A_867 : i32 to vector<16xi32>
    %ge3A_869 = arith.cmpi sge, %get3A_866, %ge3A_868 : vector<16xi32>
    %sub3A_870 = arith.constant 503808 : i32
    %sub3A_871 = vector.broadcast %sub3A_870 : i32 to vector<16xi32>
    %sub3A_872 = arith.subi %get3A_866, %sub3A_871 : vector<16xi32>
    %select_n3A_873 = arith.select %ge3A_869, %sub3A_872, %get3A_866 : vector<16xi1>, vector<16xi32>
    %swap3A_874 = arith.constant 6 : i32
    %swap3A_875 = arith.index_cast %swap3A_874 : i32 to index
    %swap3A_876 = arith.constant 0 : index
    %swap3A_877 = tpu.vector_load %arg5[%swap3A_875, %swap3A_876] {strides = array<i32>} : memref<24x128xi32, #tpu.memory_space<vmem>>, vector<1x16xi32>,
    %swap3A_878 = vector.shape_cast %swap3A_877 : vector<1x16xi32> to vector<16xi32>
    %swap3A_879 = vector.shape_cast %select_n3A_873 : vector<16xi32> to vector<1x16xi32>
    tpu.vector_store %arg5[%swap3A_875, %swap3A_876], %swap3A_879 {strides = array<i32>} : memref<24x128xi32, #tpu.memory_space<vmem>>, vector<1x16xi32>,
    %get3A_880 = arith.constant 6 : i32
    %get3A_881 = arith.index_cast %get3A_880 : i32 to index
    %get3A_882 = arith.constant 16 : index
    %get3A_883 = tpu.vector_load %arg5[%get3A_881, %get3A_882] {strides = array<i32>} : memref<24x128xi32, #tpu.memory_space<vmem>>, vector<1x16xi32>,
    %get3A_884 = vector.shape_cast %get3A_883 : vector<1x16xi32> to vector<16xi32>
    %ge3A_885 = arith.constant 503808 : i32
    %ge3A_886 = vector.broadcast %ge3A_885 : i32 to vector<16xi32>
    %ge3A_887 = arith.cmpi sge, %get3A_884, %ge3A_886 : vector<16xi32>
    %sub3A_888 = arith.constant 503808 : i32
    %sub3A_889 = vector.broadcast %sub3A_888 : i32 to vector<16xi32>
    %sub3A_890 = arith.subi %get3A_884, %sub3A_889 : vector<16xi32>
    %select_n3A_891 = arith.select %ge3A_887, %sub3A_890, %get3A_884 : vector<16xi1>, vector<16xi32>
    %swap3A_892 = arith.constant 6 : i32
    %swap3A_893 = arith.index_cast %swap3A_892 : i32 to index
    %swap3A_894 = arith.constant 16 : index
    %swap3A_895 = tpu.vector_load %arg5[%swap3A_893, %swap3A_894] {strides = array<i32>} : memref<24x128xi32, #tpu.memory_space<vmem>>, vector<1x16xi32>,
    %swap3A_896 = vector.shape_cast %swap3A_895 : vector<1x16xi32> to vector<16xi32>
    %swap3A_897 = vector.shape_cast %select_n3A_891 : vector<16xi32> to vector<1x16xi32>
    tpu.vector_store %arg5[%swap3A_893, %swap3A_894], %swap3A_897 {strides = array<i32>} : memref<24x128xi32, #tpu.memory_space<vmem>>, vector<1x16xi32>,
    %get3A_898 = arith.constant 6 : i32
    %get3A_899 = arith.index_cast %get3A_898 : i32 to index
    %get3A_900 = arith.constant 32 : index
    %get3A_901 = tpu.vector_load %arg5[%get3A_899, %get3A_900] {strides = array<i32>} : memref<24x128xi32, #tpu.memory_space<vmem>>, vector<1x16xi32>,
    %get3A_902 = vector.shape_cast %get3A_901 : vector<1x16xi32> to vector<16xi32>
    %ge3A_903 = arith.constant 503808 : i32
    %ge3A_904 = vector.broadcast %ge3A_903 : i32 to vector<16xi32>
    %ge3A_905 = arith.cmpi sge, %get3A_902, %ge3A_904 : vector<16xi32>
    %sub3A_906 = arith.constant 503808 : i32
    %sub3A_907 = vector.broadcast %sub3A_906 : i32 to vector<16xi32>
    %sub3A_908 = arith.subi %get3A_902, %sub3A_907 : vector<16xi32>
    %select_n3A_909 = arith.select %ge3A_905, %sub3A_908, %get3A_902 : vector<16xi1>, vector<16xi32>
    %swap3A_910 = arith.constant 6 : i32
    %swap3A_911 = arith.index_cast %swap3A_910 : i32 to index
    %swap3A_912 = arith.constant 32 : index
    %swap3A_913 = tpu.vector_load %arg5[%swap3A_911, %swap3A_912] {strides = array<i32>} : memref<24x128xi32, #tpu.memory_space<vmem>>, vector<1x16xi32>,
    %swap3A_914 = vector.shape_cast %swap3A_913 : vector<1x16xi32> to vector<16xi32>
    %swap3A_915 = vector.shape_cast %select_n3A_909 : vector<16xi32> to vector<1x16xi32>
    tpu.vector_store %arg5[%swap3A_911, %swap3A_912], %swap3A_915 {strides = array<i32>} : memref<24x128xi32, #tpu.memory_space<vmem>>, vector<1x16xi32>,
    %get3A_916 = arith.constant 6 : i32
    %get3A_917 = arith.index_cast %get3A_916 : i32 to index
    %get3A_918 = arith.constant 48 : index
    %get3A_919 = tpu.vector_load %arg5[%get3A_917, %get3A_918] {strides = array<i32>} : memref<24x128xi32, #tpu.memory_space<vmem>>, vector<1x16xi32>,
    %get3A_920 = vector.shape_cast %get3A_919 : vector<1x16xi32> to vector<16xi32>
    %ge3A_921 = arith.constant 503808 : i32
    %ge3A_922 = vector.broadcast %ge3A_921 : i32 to vector<16xi32>
    %ge3A_923 = arith.cmpi sge, %get3A_920, %ge3A_922 : vector<16xi32>
    %sub3A_924 = arith.constant 503808 : i32
    %sub3A_925 = vector.broadcast %sub3A_924 : i32 to vector<16xi32>
    %sub3A_926 = arith.subi %get3A_920, %sub3A_925 : vector<16xi32>
    %select_n3A_927 = arith.select %ge3A_923, %sub3A_926, %get3A_920 : vector<16xi1>, vector<16xi32>
    %swap3A_928 = arith.constant 6 : i32
    %swap3A_929 = arith.index_cast %swap3A_928 : i32 to index
    %swap3A_930 = arith.constant 48 : index
    %swap3A_931 = tpu.vector_load %arg5[%swap3A_929, %swap3A_930] {strides = array<i32>} : memref<24x128xi32, #tpu.memory_space<vmem>>, vector<1x16xi32>,
    %swap3A_932 = vector.shape_cast %swap3A_931 : vector<1x16xi32> to vector<16xi32>
    %swap3A_933 = vector.shape_cast %select_n3A_927 : vector<16xi32> to vector<1x16xi32>
    tpu.vector_store %arg5[%swap3A_929, %swap3A_930], %swap3A_933 {strides = array<i32>} : memref<24x128xi32, #tpu.memory_space<vmem>>, vector<1x16xi32>,
    %get3A_934 = arith.constant 6 : i32
    %get3A_935 = arith.index_cast %get3A_934 : i32 to index
    %get3A_936 = arith.constant 64 : index
    %get3A_937 = tpu.vector_load %arg5[%get3A_935, %get3A_936] {strides = array<i32>} : memref<24x128xi32, #tpu.memory_space<vmem>>, vector<1x16xi32>,
    %get3A_938 = vector.shape_cast %get3A_937 : vector<1x16xi32> to vector<16xi32>
    %ge3A_939 = arith.constant 503808 : i32
    %ge3A_940 = vector.broadcast %ge3A_939 : i32 to vector<16xi32>
    %ge3A_941 = arith.cmpi sge, %get3A_938, %ge3A_940 : vector<16xi32>
    %sub3A_942 = arith.constant 503808 : i32
    %sub3A_943 = vector.broadcast %sub3A_942 : i32 to vector<16xi32>
    %sub3A_944 = arith.subi %get3A_938, %sub3A_943 : vector<16xi32>
    %select_n3A_945 = arith.select %ge3A_941, %sub3A_944, %get3A_938 : vector<16xi1>, vector<16xi32>
    %swap3A_946 = arith.constant 6 : i32
    %swap3A_947 = arith.index_cast %swap3A_946 : i32 to index
    %swap3A_948 = arith.constant 64 : index
    %swap3A_949 = tpu.vector_load %arg5[%swap3A_947, %swap3A_948] {strides = array<i32>} : memref<24x128xi32, #tpu.memory_space<vmem>>, vector<1x16xi32>,
    %swap3A_950 = vector.shape_cast %swap3A_949 : vector<1x16xi32> to vector<16xi32>
    %swap3A_951 = vector.shape_cast %select_n3A_945 : vector<16xi32> to vector<1x16xi32>
    tpu.vector_store %arg5[%swap3A_947, %swap3A_948], %swap3A_951 {strides = array<i32>} : memref<24x128xi32, #tpu.memory_space<vmem>>, vector<1x16xi32>,
    %get3A_952 = arith.constant 6 : i32
    %get3A_953 = arith.index_cast %get3A_952 : i32 to index
    %get3A_954 = arith.constant 80 : index
    %get3A_955 = tpu.vector_load %arg5[%get3A_953, %get3A_954] {strides = array<i32>} : memref<24x128xi32, #tpu.memory_space<vmem>>, vector<1x16xi32>,
    %get3A_956 = vector.shape_cast %get3A_955 : vector<1x16xi32> to vector<16xi32>
    %ge3A_957 = arith.constant 503808 : i32
    %ge3A_958 = vector.broadcast %ge3A_957 : i32 to vector<16xi32>
    %ge3A_959 = arith.cmpi sge, %get3A_956, %ge3A_958 : vector<16xi32>
    %sub3A_960 = arith.constant 503808 : i32
    %sub3A_961 = vector.broadcast %sub3A_960 : i32 to vector<16xi32>
    %sub3A_962 = arith.subi %get3A_956, %sub3A_961 : vector<16xi32>
    %select_n3A_963 = arith.select %ge3A_959, %sub3A_962, %get3A_956 : vector<16xi1>, vector<16xi32>
    %swap3A_964 = arith.constant 6 : i32
    %swap3A_965 = arith.index_cast %swap3A_964 : i32 to index
    %swap3A_966 = arith.constant 80 : index
    %swap3A_967 = tpu.vector_load %arg5[%swap3A_965, %swap3A_966] {strides = array<i32>} : memref<24x128xi32, #tpu.memory_space<vmem>>, vector<1x16xi32>,
    %swap3A_968 = vector.shape_cast %swap3A_967 : vector<1x16xi32> to vector<16xi32>
    %swap3A_969 = vector.shape_cast %select_n3A_963 : vector<16xi32> to vector<1x16xi32>
    tpu.vector_store %arg5[%swap3A_965, %swap3A_966], %swap3A_969 {strides = array<i32>} : memref<24x128xi32, #tpu.memory_space<vmem>>, vector<1x16xi32>,
    %get3A_970 = arith.constant 6 : i32
    %get3A_971 = arith.index_cast %get3A_970 : i32 to index
    %get3A_972 = arith.constant 96 : index
    %get3A_973 = tpu.vector_load %arg5[%get3A_971, %get3A_972] {strides = array<i32>} : memref<24x128xi32, #tpu.memory_space<vmem>>, vector<1x16xi32>,
    %get3A_974 = vector.shape_cast %get3A_973 : vector<1x16xi32> to vector<16xi32>
    %ge3A_975 = arith.constant 503808 : i32
    %ge3A_976 = vector.broadcast %ge3A_975 : i32 to vector<16xi32>
    %ge3A_977 = arith.cmpi sge, %get3A_974, %ge3A_976 : vector<16xi32>
    %sub3A_978 = arith.constant 503808 : i32
    %sub3A_979 = vector.broadcast %sub3A_978 : i32 to vector<16xi32>
    %sub3A_980 = arith.subi %get3A_974, %sub3A_979 : vector<16xi32>
    %select_n3A_981 = arith.select %ge3A_977, %sub3A_980, %get3A_974 : vector<16xi1>, vector<16xi32>
    %swap3A_982 = arith.constant 6 : i32
    %swap3A_983 = arith.index_cast %swap3A_982 : i32 to index
    %swap3A_984 = arith.constant 96 : index
    %swap3A_985 = tpu.vector_load %arg5[%swap3A_983, %swap3A_984] {strides = array<i32>} : memref<24x128xi32, #tpu.memory_space<vmem>>, vector<1x16xi32>,
    %swap3A_986 = vector.shape_cast %swap3A_985 : vector<1x16xi32> to vector<16xi32>
    %swap3A_987 = vector.shape_cast %select_n3A_981 : vector<16xi32> to vector<1x16xi32>
    tpu.vector_store %arg5[%swap3A_983, %swap3A_984], %swap3A_987 {strides = array<i32>} : memref<24x128xi32, #tpu.memory_space<vmem>>, vector<1x16xi32>,
    %get3A_988 = arith.constant 6 : i32
    %get3A_989 = arith.index_cast %get3A_988 : i32 to index
    %get3A_990 = arith.constant 112 : index
    %get3A_991 = tpu.vector_load %arg5[%get3A_989, %get3A_990] {strides = array<i32>} : memref<24x128xi32, #tpu.memory_space<vmem>>, vector<1x16xi32>,
    %get3A_992 = vector.shape_cast %get3A_991 : vector<1x16xi32> to vector<16xi32>
    %ge3A_993 = arith.constant 503808 : i32
    %ge3A_994 = vector.broadcast %ge3A_993 : i32 to vector<16xi32>
    %ge3A_995 = arith.cmpi sge, %get3A_992, %ge3A_994 : vector<16xi32>
    %sub3A_996 = arith.constant 503808 : i32
    %sub3A_997 = vector.broadcast %sub3A_996 : i32 to vector<16xi32>
    %sub3A_998 = arith.subi %get3A_992, %sub3A_997 : vector<16xi32>
    %select_n3A_999 = arith.select %ge3A_995, %sub3A_998, %get3A_992 : vector<16xi1>, vector<16xi32>
    %swap3A_1000 = arith.constant 6 : i32
    %swap3A_1001 = arith.index_cast %swap3A_1000 : i32 to index
    %swap3A_1002 = arith.constant 112 : index
    %swap3A_1003 = tpu.vector_load %arg5[%swap3A_1001, %swap3A_1002] {strides = array<i32>} : memref<24x128xi32, #tpu.memory_space<vmem>>, vector<1x16xi32>,
    %swap3A_1004 = vector.shape_cast %swap3A_1003 : vector<1x16xi32> to vector<16xi32>
    %swap3A_1005 = vector.shape_cast %select_n3A_999 : vector<16xi32> to vector<1x16xi32>
    tpu.vector_store %arg5[%swap3A_1001, %swap3A_1002], %swap3A_1005 {strides = array<i32>} : memref<24x128xi32, #tpu.memory_space<vmem>>, vector<1x16xi32>,
    %get3A_1006 = arith.constant 7 : i32
    %get3A_1007 = arith.index_cast %get3A_1006 : i32 to index
    %get3A_1008 = arith.constant 0 : index
    %get3A_1009 = tpu.vector_load %arg5[%get3A_1007, %get3A_1008] {strides = array<i32>} : memref<24x128xi32, #tpu.memory_space<vmem>>, vector<1x16xi32>,
    %get3A_1010 = vector.shape_cast %get3A_1009 : vector<1x16xi32> to vector<16xi32>
    %ge3A_1011 = arith.constant 503808 : i32
    %ge3A_1012 = vector.broadcast %ge3A_1011 : i32 to vector<16xi32>
    %ge3A_1013 = arith.cmpi sge, %get3A_1010, %ge3A_1012 : vector<16xi32>
    %sub3A_1014 = arith.constant 503808 : i32
    %sub3A_1015 = vector.broadcast %sub3A_1014 : i32 to vector<16xi32>
    %sub3A_1016 = arith.subi %get3A_1010, %sub3A_1015 : vector<16xi32>
    %select_n3A_1017 = arith.select %ge3A_1013, %sub3A_1016, %get3A_1010 : vector<16xi1>, vector<16xi32>
    %swap3A_1018 = arith.constant 7 : i32
    %swap3A_1019 = arith.index_cast %swap3A_1018 : i32 to index
    %swap3A_1020 = arith.constant 0 : index
    %swap3A_1021 = tpu.vector_load %arg5[%swap3A_1019, %swap3A_1020] {strides = array<i32>} : memref<24x128xi32, #tpu.memory_space<vmem>>, vector<1x16xi32>,
    %swap3A_1022 = vector.shape_cast %swap3A_1021 : vector<1x16xi32> to vector<16xi32>
    %swap3A_1023 = vector.shape_cast %select_n3A_1017 : vector<16xi32> to vector<1x16xi32>
    tpu.vector_store %arg5[%swap3A_1019, %swap3A_1020], %swap3A_1023 {strides = array<i32>} : memref<24x128xi32, #tpu.memory_space<vmem>>, vector<1x16xi32>,
    %get3A_1024 = arith.constant 7 : i32
    %get3A_1025 = arith.index_cast %get3A_1024 : i32 to index
    %get3A_1026 = arith.constant 16 : index
    %get3A_1027 = tpu.vector_load %arg5[%get3A_1025, %get3A_1026] {strides = array<i32>} : memref<24x128xi32, #tpu.memory_space<vmem>>, vector<1x16xi32>,
    %get3A_1028 = vector.shape_cast %get3A_1027 : vector<1x16xi32> to vector<16xi32>
    %ge3A_1029 = arith.constant 503808 : i32
    %ge3A_1030 = vector.broadcast %ge3A_1029 : i32 to vector<16xi32>
    %ge3A_1031 = arith.cmpi sge, %get3A_1028, %ge3A_1030 : vector<16xi32>
    %sub3A_1032 = arith.constant 503808 : i32
    %sub3A_1033 = vector.broadcast %sub3A_1032 : i32 to vector<16xi32>
    %sub3A_1034 = arith.subi %get3A_1028, %sub3A_1033 : vector<16xi32>
    %select_n3A_1035 = arith.select %ge3A_1031, %sub3A_1034, %get3A_1028 : vector<16xi1>, vector<16xi32>
    %swap3A_1036 = arith.constant 7 : i32
    %swap3A_1037 = arith.index_cast %swap3A_1036 : i32 to index
    %swap3A_1038 = arith.constant 16 : index
    %swap3A_1039 = tpu.vector_load %arg5[%swap3A_1037, %swap3A_1038] {strides = array<i32>} : memref<24x128xi32, #tpu.memory_space<vmem>>, vector<1x16xi32>,
    %swap3A_1040 = vector.shape_cast %swap3A_1039 : vector<1x16xi32> to vector<16xi32>
    %swap3A_1041 = vector.shape_cast %select_n3A_1035 : vector<16xi32> to vector<1x16xi32>
    tpu.vector_store %arg5[%swap3A_1037, %swap3A_1038], %swap3A_1041 {strides = array<i32>} : memref<24x128xi32, #tpu.memory_space<vmem>>, vector<1x16xi32>,
    %get3A_1042 = arith.constant 7 : i32
    %get3A_1043 = arith.index_cast %get3A_1042 : i32 to index
    %get3A_1044 = arith.constant 32 : index
    %get3A_1045 = tpu.vector_load %arg5[%get3A_1043, %get3A_1044] {strides = array<i32>} : memref<24x128xi32, #tpu.memory_space<vmem>>, vector<1x16xi32>,
    %get3A_1046 = vector.shape_cast %get3A_1045 : vector<1x16xi32> to vector<16xi32>
    %ge3A_1047 = arith.constant 503808 : i32
    %ge3A_1048 = vector.broadcast %ge3A_1047 : i32 to vector<16xi32>
    %ge3A_1049 = arith.cmpi sge, %get3A_1046, %ge3A_1048 : vector<16xi32>
    %sub3A_1050 = arith.constant 503808 : i32
    %sub3A_1051 = vector.broadcast %sub3A_1050 : i32 to vector<16xi32>
    %sub3A_1052 = arith.subi %get3A_1046, %sub3A_1051 : vector<16xi32>
    %select_n3A_1053 = arith.select %ge3A_1049, %sub3A_1052, %get3A_1046 : vector<16xi1>, vector<16xi32>
    %swap3A_1054 = arith.constant 7 : i32
    %swap3A_1055 = arith.index_cast %swap3A_1054 : i32 to index
    %swap3A_1056 = arith.constant 32 : index
    %swap3A_1057 = tpu.vector_load %arg5[%swap3A_1055, %swap3A_1056] {strides = array<i32>} : memref<24x128xi32, #tpu.memory_space<vmem>>, vector<1x16xi32>,
    %swap3A_1058 = vector.shape_cast %swap3A_1057 : vector<1x16xi32> to vector<16xi32>
    %swap3A_1059 = vector.shape_cast %select_n3A_1053 : vector<16xi32> to vector<1x16xi32>
    tpu.vector_store %arg5[%swap3A_1055, %swap3A_1056], %swap3A_1059 {strides = array<i32>} : memref<24x128xi32, #tpu.memory_space<vmem>>, vector<1x16xi32>,
    %get3A_1060 = arith.constant 7 : i32
    %get3A_1061 = arith.index_cast %get3A_1060 : i32 to index
    %get3A_1062 = arith.constant 48 : index
    %get3A_1063 = tpu.vector_load %arg5[%get3A_1061, %get3A_1062] {strides = array<i32>} : memref<24x128xi32, #tpu.memory_space<vmem>>, vector<1x16xi32>,
    %get3A_1064 = vector.shape_cast %get3A_1063 : vector<1x16xi32> to vector<16xi32>
    %ge3A_1065 = arith.constant 503808 : i32
    %ge3A_1066 = vector.broadcast %ge3A_1065 : i32 to vector<16xi32>
    %ge3A_1067 = arith.cmpi sge, %get3A_1064, %ge3A_1066 : vector<16xi32>
    %sub3A_1068 = arith.constant 503808 : i32
    %sub3A_1069 = vector.broadcast %sub3A_1068 : i32 to vector<16xi32>
    %sub3A_1070 = arith.subi %get3A_1064, %sub3A_1069 : vector<16xi32>
    %select_n3A_1071 = arith.select %ge3A_1067, %sub3A_1070, %get3A_1064 : vector<16xi1>, vector<16xi32>
    %swap3A_1072 = arith.constant 7 : i32
    %swap3A_1073 = arith.index_cast %swap3A_1072 : i32 to index
    %swap3A_1074 = arith.constant 48 : index
    %swap3A_1075 = tpu.vector_load %arg5[%swap3A_1073, %swap3A_1074] {strides = array<i32>} : memref<24x128xi32, #tpu.memory_space<vmem>>, vector<1x16xi32>,
    %swap3A_1076 = vector.shape_cast %swap3A_1075 : vector<1x16xi32> to vector<16xi32>
    %swap3A_1077 = vector.shape_cast %select_n3A_1071 : vector<16xi32> to vector<1x16xi32>
    tpu.vector_store %arg5[%swap3A_1073, %swap3A_1074], %swap3A_1077 {strides = array<i32>} : memref<24x128xi32, #tpu.memory_space<vmem>>, vector<1x16xi32>,
    %get3A_1078 = arith.constant 7 : i32
    %get3A_1079 = arith.index_cast %get3A_1078 : i32 to index
    %get3A_1080 = arith.constant 64 : index
    %get3A_1081 = tpu.vector_load %arg5[%get3A_1079, %get3A_1080] {strides = array<i32>} : memref<24x128xi32, #tpu.memory_space<vmem>>, vector<1x16xi32>,
    %get3A_1082 = vector.shape_cast %get3A_1081 : vector<1x16xi32> to vector<16xi32>
    %ge3A_1083 = arith.constant 503808 : i32
    %ge3A_1084 = vector.broadcast %ge3A_1083 : i32 to vector<16xi32>
    %ge3A_1085 = arith.cmpi sge, %get3A_1082, %ge3A_1084 : vector<16xi32>
    %sub3A_1086 = arith.constant 503808 : i32
    %sub3A_1087 = vector.broadcast %sub3A_1086 : i32 to vector<16xi32>
    %sub3A_1088 = arith.subi %get3A_1082, %sub3A_1087 : vector<16xi32>
    %select_n3A_1089 = arith.select %ge3A_1085, %sub3A_1088, %get3A_1082 : vector<16xi1>, vector<16xi32>
    %swap3A_1090 = arith.constant 7 : i32
    %swap3A_1091 = arith.index_cast %swap3A_1090 : i32 to index
    %swap3A_1092 = arith.constant 64 : index
    %swap3A_1093 = tpu.vector_load %arg5[%swap3A_1091, %swap3A_1092] {strides = array<i32>} : memref<24x128xi32, #tpu.memory_space<vmem>>, vector<1x16xi32>,
    %swap3A_1094 = vector.shape_cast %swap3A_1093 : vector<1x16xi32> to vector<16xi32>
    %swap3A_1095 = vector.shape_cast %select_n3A_1089 : vector<16xi32> to vector<1x16xi32>
    tpu.vector_store %arg5[%swap3A_1091, %swap3A_1092], %swap3A_1095 {strides = array<i32>} : memref<24x128xi32, #tpu.memory_space<vmem>>, vector<1x16xi32>,
    %get3A_1096 = arith.constant 7 : i32
    %get3A_1097 = arith.index_cast %get3A_1096 : i32 to index
    %get3A_1098 = arith.constant 80 : index
    %get3A_1099 = tpu.vector_load %arg5[%get3A_1097, %get3A_1098] {strides = array<i32>} : memref<24x128xi32, #tpu.memory_space<vmem>>, vector<1x16xi32>,
    %get3A_1100 = vector.shape_cast %get3A_1099 : vector<1x16xi32> to vector<16xi32>
    %ge3A_1101 = arith.constant 503808 : i32
    %ge3A_1102 = vector.broadcast %ge3A_1101 : i32 to vector<16xi32>
    %ge3A_1103 = arith.cmpi sge, %get3A_1100, %ge3A_1102 : vector<16xi32>
    %sub3A_1104 = arith.constant 503808 : i32
    %sub3A_1105 = vector.broadcast %sub3A_1104 : i32 to vector<16xi32>
    %sub3A_1106 = arith.subi %get3A_1100, %sub3A_1105 : vector<16xi32>
    %select_n3A_1107 = arith.select %ge3A_1103, %sub3A_1106, %get3A_1100 : vector<16xi1>, vector<16xi32>
    %swap3A_1108 = arith.constant 7 : i32
    %swap3A_1109 = arith.index_cast %swap3A_1108 : i32 to index
    %swap3A_1110 = arith.constant 80 : index
    %swap3A_1111 = tpu.vector_load %arg5[%swap3A_1109, %swap3A_1110] {strides = array<i32>} : memref<24x128xi32, #tpu.memory_space<vmem>>, vector<1x16xi32>,
    %swap3A_1112 = vector.shape_cast %swap3A_1111 : vector<1x16xi32> to vector<16xi32>
    %swap3A_1113 = vector.shape_cast %select_n3A_1107 : vector<16xi32> to vector<1x16xi32>
    tpu.vector_store %arg5[%swap3A_1109, %swap3A_1110], %swap3A_1113 {strides = array<i32>} : memref<24x128xi32, #tpu.memory_space<vmem>>, vector<1x16xi32>,
    %get3A_1114 = arith.constant 7 : i32
    %get3A_1115 = arith.index_cast %get3A_1114 : i32 to index
    %get3A_1116 = arith.constant 96 : index
    %get3A_1117 = tpu.vector_load %arg5[%get3A_1115, %get3A_1116] {strides = array<i32>} : memref<24x128xi32, #tpu.memory_space<vmem>>, vector<1x16xi32>,
    %get3A_1118 = vector.shape_cast %get3A_1117 : vector<1x16xi32> to vector<16xi32>
    %ge3A_1119 = arith.constant 503808 : i32
    %ge3A_1120 = vector.broadcast %ge3A_1119 : i32 to vector<16xi32>
    %ge3A_1121 = arith.cmpi sge, %get3A_1118, %ge3A_1120 : vector<16xi32>
    %sub3A_1122 = arith.constant 503808 : i32
    %sub3A_1123 = vector.broadcast %sub3A_1122 : i32 to vector<16xi32>
    %sub3A_1124 = arith.subi %get3A_1118, %sub3A_1123 : vector<16xi32>
    %select_n3A_1125 = arith.select %ge3A_1121, %sub3A_1124, %get3A_1118 : vector<16xi1>, vector<16xi32>
    %swap3A_1126 = arith.constant 7 : i32
    %swap3A_1127 = arith.index_cast %swap3A_1126 : i32 to index
    %swap3A_1128 = arith.constant 96 : index
    %swap3A_1129 = tpu.vector_load %arg5[%swap3A_1127, %swap3A_1128] {strides = array<i32>} : memref<24x128xi32, #tpu.memory_space<vmem>>, vector<1x16xi32>,
    %swap3A_1130 = vector.shape_cast %swap3A_1129 : vector<1x16xi32> to vector<16xi32>
    %swap3A_1131 = vector.shape_cast %select_n3A_1125 : vector<16xi32> to vector<1x16xi32>
    tpu.vector_store %arg5[%swap3A_1127, %swap3A_1128], %swap3A_1131 {strides = array<i32>} : memref<24x128xi32, #tpu.memory_space<vmem>>, vector<1x16xi32>,
    %get3A_1132 = arith.constant 7 : i32
    %get3A_1133 = arith.index_cast %get3A_1132 : i32 to index
    %get3A_1134 = arith.constant 112 : index
    %get3A_1135 = tpu.vector_load %arg5[%get3A_1133, %get3A_1134] {strides = array<i32>} : memref<24x128xi32, #tpu.memory_space<vmem>>, vector<1x16xi32>,
    %get3A_1136 = vector.shape_cast %get3A_1135 : vector<1x16xi32> to vector<16xi32>
    %ge3A_1137 = arith.constant 503808 : i32
    %ge3A_1138 = vector.broadcast %ge3A_1137 : i32 to vector<16xi32>
    %ge3A_1139 = arith.cmpi sge, %get3A_1136, %ge3A_1138 : vector<16xi32>
    %sub3A_1140 = arith.constant 503808 : i32
    %sub3A_1141 = vector.broadcast %sub3A_1140 : i32 to vector<16xi32>
    %sub3A_1142 = arith.subi %get3A_1136, %sub3A_1141 : vector<16xi32>
    %select_n3A_1143 = arith.select %ge3A_1139, %sub3A_1142, %get3A_1136 : vector<16xi1>, vector<16xi32>
    %swap3A_1144 = arith.constant 7 : i32
    %swap3A_1145 = arith.index_cast %swap3A_1144 : i32 to index
    %swap3A_1146 = arith.constant 112 : index
    %swap3A_1147 = tpu.vector_load %arg5[%swap3A_1145, %swap3A_1146] {strides = array<i32>} : memref<24x128xi32, #tpu.memory_space<vmem>>, vector<1x16xi32>,
    %swap3A_1148 = vector.shape_cast %swap3A_1147 : vector<1x16xi32> to vector<16xi32>
    %swap3A_1149 = vector.shape_cast %select_n3A_1143 : vector<16xi32> to vector<1x16xi32>
    tpu.vector_store %arg5[%swap3A_1145, %swap3A_1146], %swap3A_1149 {strides = array<i32>} : memref<24x128xi32, #tpu.memory_space<vmem>>, vector<1x16xi32>,
    %get3A_1150 = arith.constant 8 : i32
    %get3A_1151 = arith.index_cast %get3A_1150 : i32 to index
    %get3A_1152 = arith.constant 0 : index
    %get3A_1153 = tpu.vector_load %arg5[%get3A_1151, %get3A_1152] {strides = array<i32>} : memref<24x128xi32, #tpu.memory_space<vmem>>, vector<1x16xi32>,
    %get3A_1154 = vector.shape_cast %get3A_1153 : vector<1x16xi32> to vector<16xi32>
    %ge3A_1155 = arith.constant 503808 : i32
    %ge3A_1156 = vector.broadcast %ge3A_1155 : i32 to vector<16xi32>
    %ge3A_1157 = arith.cmpi sge, %get3A_1154, %ge3A_1156 : vector<16xi32>
    %sub3A_1158 = arith.constant 503808 : i32
    %sub3A_1159 = vector.broadcast %sub3A_1158 : i32 to vector<16xi32>
    %sub3A_1160 = arith.subi %get3A_1154, %sub3A_1159 : vector<16xi32>
    %select_n3A_1161 = arith.select %ge3A_1157, %sub3A_1160, %get3A_1154 : vector<16xi1>, vector<16xi32>
    %swap3A_1162 = arith.constant 8 : i32
    %swap3A_1163 = arith.index_cast %swap3A_1162 : i32 to index
    %swap3A_1164 = arith.constant 0 : index
    %swap3A_1165 = tpu.vector_load %arg5[%swap3A_1163, %swap3A_1164] {strides = array<i32>} : memref<24x128xi32, #tpu.memory_space<vmem>>, vector<1x16xi32>,
    %swap3A_1166 = vector.shape_cast %swap3A_1165 : vector<1x16xi32> to vector<16xi32>
    %swap3A_1167 = vector.shape_cast %select_n3A_1161 : vector<16xi32> to vector<1x16xi32>
    tpu.vector_store %arg5[%swap3A_1163, %swap3A_1164], %swap3A_1167 {strides = array<i32>} : memref<24x128xi32, #tpu.memory_space<vmem>>, vector<1x16xi32>,
    %get3A_1168 = arith.constant 8 : i32
    %get3A_1169 = arith.index_cast %get3A_1168 : i32 to index
    %get3A_1170 = arith.constant 16 : index
    %get3A_1171 = tpu.vector_load %arg5[%get3A_1169, %get3A_1170] {strides = array<i32>} : memref<24x128xi32, #tpu.memory_space<vmem>>, vector<1x16xi32>,
    %get3A_1172 = vector.shape_cast %get3A_1171 : vector<1x16xi32> to vector<16xi32>
    %ge3A_1173 = arith.constant 503808 : i32
    %ge3A_1174 = vector.broadcast %ge3A_1173 : i32 to vector<16xi32>
    %ge3A_1175 = arith.cmpi sge, %get3A_1172, %ge3A_1174 : vector<16xi32>
    %sub3A_1176 = arith.constant 503808 : i32
    %sub3A_1177 = vector.broadcast %sub3A_1176 : i32 to vector<16xi32>
    %sub3A_1178 = arith.subi %get3A_1172, %sub3A_1177 : vector<16xi32>
    %select_n3A_1179 = arith.select %ge3A_1175, %sub3A_1178, %get3A_1172 : vector<16xi1>, vector<16xi32>
    %swap3A_1180 = arith.constant 8 : i32
    %swap3A_1181 = arith.index_cast %swap3A_1180 : i32 to index
    %swap3A_1182 = arith.constant 16 : index
    %swap3A_1183 = tpu.vector_load %arg5[%swap3A_1181, %swap3A_1182] {strides = array<i32>} : memref<24x128xi32, #tpu.memory_space<vmem>>, vector<1x16xi32>,
    %swap3A_1184 = vector.shape_cast %swap3A_1183 : vector<1x16xi32> to vector<16xi32>
    %swap3A_1185 = vector.shape_cast %select_n3A_1179 : vector<16xi32> to vector<1x16xi32>
    tpu.vector_store %arg5[%swap3A_1181, %swap3A_1182], %swap3A_1185 {strides = array<i32>} : memref<24x128xi32, #tpu.memory_space<vmem>>, vector<1x16xi32>,
    %get3A_1186 = arith.constant 8 : i32
    %get3A_1187 = arith.index_cast %get3A_1186 : i32 to index
    %get3A_1188 = arith.constant 32 : index
    %get3A_1189 = tpu.vector_load %arg5[%get3A_1187, %get3A_1188] {strides = array<i32>} : memref<24x128xi32, #tpu.memory_space<vmem>>, vector<1x16xi32>,
    %get3A_1190 = vector.shape_cast %get3A_1189 : vector<1x16xi32> to vector<16xi32>
    %ge3A_1191 = arith.constant 503808 : i32
    %ge3A_1192 = vector.broadcast %ge3A_1191 : i32 to vector<16xi32>
    %ge3A_1193 = arith.cmpi sge, %get3A_1190, %ge3A_1192 : vector<16xi32>
    %sub3A_1194 = arith.constant 503808 : i32
    %sub3A_1195 = vector.broadcast %sub3A_1194 : i32 to vector<16xi32>
    %sub3A_1196 = arith.subi %get3A_1190, %sub3A_1195 : vector<16xi32>
    %select_n3A_1197 = arith.select %ge3A_1193, %sub3A_1196, %get3A_1190 : vector<16xi1>, vector<16xi32>
    %swap3A_1198 = arith.constant 8 : i32
    %swap3A_1199 = arith.index_cast %swap3A_1198 : i32 to index
    %swap3A_1200 = arith.constant 32 : index
    %swap3A_1201 = tpu.vector_load %arg5[%swap3A_1199, %swap3A_1200] {strides = array<i32>} : memref<24x128xi32, #tpu.memory_space<vmem>>, vector<1x16xi32>,
    %swap3A_1202 = vector.shape_cast %swap3A_1201 : vector<1x16xi32> to vector<16xi32>
    %swap3A_1203 = vector.shape_cast %select_n3A_1197 : vector<16xi32> to vector<1x16xi32>
    tpu.vector_store %arg5[%swap3A_1199, %swap3A_1200], %swap3A_1203 {strides = array<i32>} : memref<24x128xi32, #tpu.memory_space<vmem>>, vector<1x16xi32>,
    %get3A_1204 = arith.constant 8 : i32
    %get3A_1205 = arith.index_cast %get3A_1204 : i32 to index
    %get3A_1206 = arith.constant 48 : index
    %get3A_1207 = tpu.vector_load %arg5[%get3A_1205, %get3A_1206] {strides = array<i32>} : memref<24x128xi32, #tpu.memory_space<vmem>>, vector<1x16xi32>,
    %get3A_1208 = vector.shape_cast %get3A_1207 : vector<1x16xi32> to vector<16xi32>
    %ge3A_1209 = arith.constant 503808 : i32
    %ge3A_1210 = vector.broadcast %ge3A_1209 : i32 to vector<16xi32>
    %ge3A_1211 = arith.cmpi sge, %get3A_1208, %ge3A_1210 : vector<16xi32>
    %sub3A_1212 = arith.constant 503808 : i32
    %sub3A_1213 = vector.broadcast %sub3A_1212 : i32 to vector<16xi32>
    %sub3A_1214 = arith.subi %get3A_1208, %sub3A_1213 : vector<16xi32>
    %select_n3A_1215 = arith.select %ge3A_1211, %sub3A_1214, %get3A_1208 : vector<16xi1>, vector<16xi32>
    %swap3A_1216 = arith.constant 8 : i32
    %swap3A_1217 = arith.index_cast %swap3A_1216 : i32 to index
    %swap3A_1218 = arith.constant 48 : index
    %swap3A_1219 = tpu.vector_load %arg5[%swap3A_1217, %swap3A_1218] {strides = array<i32>} : memref<24x128xi32, #tpu.memory_space<vmem>>, vector<1x16xi32>,
    %swap3A_1220 = vector.shape_cast %swap3A_1219 : vector<1x16xi32> to vector<16xi32>
    %swap3A_1221 = vector.shape_cast %select_n3A_1215 : vector<16xi32> to vector<1x16xi32>
    tpu.vector_store %arg5[%swap3A_1217, %swap3A_1218], %swap3A_1221 {strides = array<i32>} : memref<24x128xi32, #tpu.memory_space<vmem>>, vector<1x16xi32>,
    %get3A_1222 = arith.constant 8 : i32
    %get3A_1223 = arith.index_cast %get3A_1222 : i32 to index
    %get3A_1224 = arith.constant 64 : index
    %get3A_1225 = tpu.vector_load %arg5[%get3A_1223, %get3A_1224] {strides = array<i32>} : memref<24x128xi32, #tpu.memory_space<vmem>>, vector<1x16xi32>,
    %get3A_1226 = vector.shape_cast %get3A_1225 : vector<1x16xi32> to vector<16xi32>
    %ge3A_1227 = arith.constant 503808 : i32
    %ge3A_1228 = vector.broadcast %ge3A_1227 : i32 to vector<16xi32>
    %ge3A_1229 = arith.cmpi sge, %get3A_1226, %ge3A_1228 : vector<16xi32>
    %sub3A_1230 = arith.constant 503808 : i32
    %sub3A_1231 = vector.broadcast %sub3A_1230 : i32 to vector<16xi32>
    %sub3A_1232 = arith.subi %get3A_1226, %sub3A_1231 : vector<16xi32>
    %select_n3A_1233 = arith.select %ge3A_1229, %sub3A_1232, %get3A_1226 : vector<16xi1>, vector<16xi32>
    %swap3A_1234 = arith.constant 8 : i32
    %swap3A_1235 = arith.index_cast %swap3A_1234 : i32 to index
    %swap3A_1236 = arith.constant 64 : index
    %swap3A_1237 = tpu.vector_load %arg5[%swap3A_1235, %swap3A_1236] {strides = array<i32>} : memref<24x128xi32, #tpu.memory_space<vmem>>, vector<1x16xi32>,
    %swap3A_1238 = vector.shape_cast %swap3A_1237 : vector<1x16xi32> to vector<16xi32>
    %swap3A_1239 = vector.shape_cast %select_n3A_1233 : vector<16xi32> to vector<1x16xi32>
    tpu.vector_store %arg5[%swap3A_1235, %swap3A_1236], %swap3A_1239 {strides = array<i32>} : memref<24x128xi32, #tpu.memory_space<vmem>>, vector<1x16xi32>,
    %get3A_1240 = arith.constant 8 : i32
    %get3A_1241 = arith.index_cast %get3A_1240 : i32 to index
    %get3A_1242 = arith.constant 80 : index
    %get3A_1243 = tpu.vector_load %arg5[%get3A_1241, %get3A_1242] {strides = array<i32>} : memref<24x128xi32, #tpu.memory_space<vmem>>, vector<1x16xi32>,
    %get3A_1244 = vector.shape_cast %get3A_1243 : vector<1x16xi32> to vector<16xi32>
    %ge3A_1245 = arith.constant 503808 : i32
    %ge3A_1246 = vector.broadcast %ge3A_1245 : i32 to vector<16xi32>
    %ge3A_1247 = arith.cmpi sge, %get3A_1244, %ge3A_1246 : vector<16xi32>
    %sub3A_1248 = arith.constant 503808 : i32
    %sub3A_1249 = vector.broadcast %sub3A_1248 : i32 to vector<16xi32>
    %sub3A_1250 = arith.subi %get3A_1244, %sub3A_1249 : vector<16xi32>
    %select_n3A_1251 = arith.select %ge3A_1247, %sub3A_1250, %get3A_1244 : vector<16xi1>, vector<16xi32>
    %swap3A_1252 = arith.constant 8 : i32
    %swap3A_1253 = arith.index_cast %swap3A_1252 : i32 to index
    %swap3A_1254 = arith.constant 80 : index
    %swap3A_1255 = tpu.vector_load %arg5[%swap3A_1253, %swap3A_1254] {strides = array<i32>} : memref<24x128xi32, #tpu.memory_space<vmem>>, vector<1x16xi32>,
    %swap3A_1256 = vector.shape_cast %swap3A_1255 : vector<1x16xi32> to vector<16xi32>
    %swap3A_1257 = vector.shape_cast %select_n3A_1251 : vector<16xi32> to vector<1x16xi32>
    tpu.vector_store %arg5[%swap3A_1253, %swap3A_1254], %swap3A_1257 {strides = array<i32>} : memref<24x128xi32, #tpu.memory_space<vmem>>, vector<1x16xi32>,
    %get3A_1258 = arith.constant 8 : i32
    %get3A_1259 = arith.index_cast %get3A_1258 : i32 to index
    %get3A_1260 = arith.constant 96 : index
    %get3A_1261 = tpu.vector_load %arg5[%get3A_1259, %get3A_1260] {strides = array<i32>} : memref<24x128xi32, #tpu.memory_space<vmem>>, vector<1x16xi32>,
    %get3A_1262 = vector.shape_cast %get3A_1261 : vector<1x16xi32> to vector<16xi32>
    %ge3A_1263 = arith.constant 503808 : i32
    %ge3A_1264 = vector.broadcast %ge3A_1263 : i32 to vector<16xi32>
    %ge3A_1265 = arith.cmpi sge, %get3A_1262, %ge3A_1264 : vector<16xi32>
    %sub3A_1266 = arith.constant 503808 : i32
    %sub3A_1267 = vector.broadcast %sub3A_1266 : i32 to vector<16xi32>
    %sub3A_1268 = arith.subi %get3A_1262, %sub3A_1267 : vector<16xi32>
    %select_n3A_1269 = arith.select %ge3A_1265, %sub3A_1268, %get3A_1262 : vector<16xi1>, vector<16xi32>
    %swap3A_1270 = arith.constant 8 : i32
    %swap3A_1271 = arith.index_cast %swap3A_1270 : i32 to index
    %swap3A_1272 = arith.constant 96 : index
    %swap3A_1273 = tpu.vector_load %arg5[%swap3A_1271, %swap3A_1272] {strides = array<i32>} : memref<24x128xi32, #tpu.memory_space<vmem>>, vector<1x16xi32>,
    %swap3A_1274 = vector.shape_cast %swap3A_1273 : vector<1x16xi32> to vector<16xi32>
    %swap3A_1275 = vector.shape_cast %select_n3A_1269 : vector<16xi32> to vector<1x16xi32>
    tpu.vector_store %arg5[%swap3A_1271, %swap3A_1272], %swap3A_1275 {strides = array<i32>} : memref<24x128xi32, #tpu.memory_space<vmem>>, vector<1x16xi32>,
    %get3A_1276 = arith.constant 8 : i32
    %get3A_1277 = arith.index_cast %get3A_1276 : i32 to index
    %get3A_1278 = arith.constant 112 : index
    %get3A_1279 = tpu.vector_load %arg5[%get3A_1277, %get3A_1278] {strides = array<i32>} : memref<24x128xi32, #tpu.memory_space<vmem>>, vector<1x16xi32>,
    %get3A_1280 = vector.shape_cast %get3A_1279 : vector<1x16xi32> to vector<16xi32>
    %ge3A_1281 = arith.constant 503808 : i32
    %ge3A_1282 = vector.broadcast %ge3A_1281 : i32 to vector<16xi32>
    %ge3A_1283 = arith.cmpi sge, %get3A_1280, %ge3A_1282 : vector<16xi32>
    %sub3A_1284 = arith.constant 503808 : i32
    %sub3A_1285 = vector.broadcast %sub3A_1284 : i32 to vector<16xi32>
    %sub3A_1286 = arith.subi %get3A_1280, %sub3A_1285 : vector<16xi32>
    %select_n3A_1287 = arith.select %ge3A_1283, %sub3A_1286, %get3A_1280 : vector<16xi1>, vector<16xi32>
    %swap3A_1288 = arith.constant 8 : i32
    %swap3A_1289 = arith.index_cast %swap3A_1288 : i32 to index
    %swap3A_1290 = arith.constant 112 : index
    %swap3A_1291 = tpu.vector_load %arg5[%swap3A_1289, %swap3A_1290] {strides = array<i32>} : memref<24x128xi32, #tpu.memory_space<vmem>>, vector<1x16xi32>,
    %swap3A_1292 = vector.shape_cast %swap3A_1291 : vector<1x16xi32> to vector<16xi32>
    %swap3A_1293 = vector.shape_cast %select_n3A_1287 : vector<16xi32> to vector<1x16xi32>
    tpu.vector_store %arg5[%swap3A_1289, %swap3A_1290], %swap3A_1293 {strides = array<i32>} : memref<24x128xi32, #tpu.memory_space<vmem>>, vector<1x16xi32>,
    %get3A_1294 = arith.constant 9 : i32
    %get3A_1295 = arith.index_cast %get3A_1294 : i32 to index
    %get3A_1296 = arith.constant 0 : index
    %get3A_1297 = tpu.vector_load %arg5[%get3A_1295, %get3A_1296] {strides = array<i32>} : memref<24x128xi32, #tpu.memory_space<vmem>>, vector<1x16xi32>,
    %get3A_1298 = vector.shape_cast %get3A_1297 : vector<1x16xi32> to vector<16xi32>
    %ge3A_1299 = arith.constant 503808 : i32
    %ge3A_1300 = vector.broadcast %ge3A_1299 : i32 to vector<16xi32>
    %ge3A_1301 = arith.cmpi sge, %get3A_1298, %ge3A_1300 : vector<16xi32>
    %sub3A_1302 = arith.constant 503808 : i32
    %sub3A_1303 = vector.broadcast %sub3A_1302 : i32 to vector<16xi32>
    %sub3A_1304 = arith.subi %get3A_1298, %sub3A_1303 : vector<16xi32>
    %select_n3A_1305 = arith.select %ge3A_1301, %sub3A_1304, %get3A_1298 : vector<16xi1>, vector<16xi32>
    %swap3A_1306 = arith.constant 9 : i32
    %swap3A_1307 = arith.index_cast %swap3A_1306 : i32 to index
    %swap3A_1308 = arith.constant 0 : index
    %swap3A_1309 = tpu.vector_load %arg5[%swap3A_1307, %swap3A_1308] {strides = array<i32>} : memref<24x128xi32, #tpu.memory_space<vmem>>, vector<1x16xi32>,
    %swap3A_1310 = vector.shape_cast %swap3A_1309 : vector<1x16xi32> to vector<16xi32>
    %swap3A_1311 = vector.shape_cast %select_n3A_1305 : vector<16xi32> to vector<1x16xi32>
    tpu.vector_store %arg5[%swap3A_1307, %swap3A_1308], %swap3A_1311 {strides = array<i32>} : memref<24x128xi32, #tpu.memory_space<vmem>>, vector<1x16xi32>,
    %get3A_1312 = arith.constant 9 : i32
    %get3A_1313 = arith.index_cast %get3A_1312 : i32 to index
    %get3A_1314 = arith.constant 16 : index
    %get3A_1315 = tpu.vector_load %arg5[%get3A_1313, %get3A_1314] {strides = array<i32>} : memref<24x128xi32, #tpu.memory_space<vmem>>, vector<1x16xi32>,
    %get3A_1316 = vector.shape_cast %get3A_1315 : vector<1x16xi32> to vector<16xi32>
    %ge3A_1317 = arith.constant 503808 : i32
    %ge3A_1318 = vector.broadcast %ge3A_1317 : i32 to vector<16xi32>
    %ge3A_1319 = arith.cmpi sge, %get3A_1316, %ge3A_1318 : vector<16xi32>
    %sub3A_1320 = arith.constant 503808 : i32
    %sub3A_1321 = vector.broadcast %sub3A_1320 : i32 to vector<16xi32>
    %sub3A_1322 = arith.subi %get3A_1316, %sub3A_1321 : vector<16xi32>
    %select_n3A_1323 = arith.select %ge3A_1319, %sub3A_1322, %get3A_1316 : vector<16xi1>, vector<16xi32>
    %swap3A_1324 = arith.constant 9 : i32
    %swap3A_1325 = arith.index_cast %swap3A_1324 : i32 to index
    %swap3A_1326 = arith.constant 16 : index
    %swap3A_1327 = tpu.vector_load %arg5[%swap3A_1325, %swap3A_1326] {strides = array<i32>} : memref<24x128xi32, #tpu.memory_space<vmem>>, vector<1x16xi32>,
    %swap3A_1328 = vector.shape_cast %swap3A_1327 : vector<1x16xi32> to vector<16xi32>
    %swap3A_1329 = vector.shape_cast %select_n3A_1323 : vector<16xi32> to vector<1x16xi32>
    tpu.vector_store %arg5[%swap3A_1325, %swap3A_1326], %swap3A_1329 {strides = array<i32>} : memref<24x128xi32, #tpu.memory_space<vmem>>, vector<1x16xi32>,
    %get3A_1330 = arith.constant 9 : i32
    %get3A_1331 = arith.index_cast %get3A_1330 : i32 to index
    %get3A_1332 = arith.constant 32 : index
    %get3A_1333 = tpu.vector_load %arg5[%get3A_1331, %get3A_1332] {strides = array<i32>} : memref<24x128xi32, #tpu.memory_space<vmem>>, vector<1x16xi32>,
    %get3A_1334 = vector.shape_cast %get3A_1333 : vector<1x16xi32> to vector<16xi32>
    %ge3A_1335 = arith.constant 503808 : i32
    %ge3A_1336 = vector.broadcast %ge3A_1335 : i32 to vector<16xi32>
    %ge3A_1337 = arith.cmpi sge, %get3A_1334, %ge3A_1336 : vector<16xi32>
    %sub3A_1338 = arith.constant 503808 : i32
    %sub3A_1339 = vector.broadcast %sub3A_1338 : i32 to vector<16xi32>
    %sub3A_1340 = arith.subi %get3A_1334, %sub3A_1339 : vector<16xi32>
    %select_n3A_1341 = arith.select %ge3A_1337, %sub3A_1340, %get3A_1334 : vector<16xi1>, vector<16xi32>
    %swap3A_1342 = arith.constant 9 : i32
    %swap3A_1343 = arith.index_cast %swap3A_1342 : i32 to index
    %swap3A_1344 = arith.constant 32 : index
    %swap3A_1345 = tpu.vector_load %arg5[%swap3A_1343, %swap3A_1344] {strides = array<i32>} : memref<24x128xi32, #tpu.memory_space<vmem>>, vector<1x16xi32>,
    %swap3A_1346 = vector.shape_cast %swap3A_1345 : vector<1x16xi32> to vector<16xi32>
    %swap3A_1347 = vector.shape_cast %select_n3A_1341 : vector<16xi32> to vector<1x16xi32>
    tpu.vector_store %arg5[%swap3A_1343, %swap3A_1344], %swap3A_1347 {strides = array<i32>} : memref<24x128xi32, #tpu.memory_space<vmem>>, vector<1x16xi32>,
    %get3A_1348 = arith.constant 9 : i32
    %get3A_1349 = arith.index_cast %get3A_1348 : i32 to index
    %get3A_1350 = arith.constant 48 : index
    %get3A_1351 = tpu.vector_load %arg5[%get3A_1349, %get3A_1350] {strides = array<i32>} : memref<24x128xi32, #tpu.memory_space<vmem>>, vector<1x16xi32>,
    %get3A_1352 = vector.shape_cast %get3A_1351 : vector<1x16xi32> to vector<16xi32>
    %ge3A_1353 = arith.constant 503808 : i32
    %ge3A_1354 = vector.broadcast %ge3A_1353 : i32 to vector<16xi32>
    %ge3A_1355 = arith.cmpi sge, %get3A_1352, %ge3A_1354 : vector<16xi32>
    %sub3A_1356 = arith.constant 503808 : i32
    %sub3A_1357 = vector.broadcast %sub3A_1356 : i32 to vector<16xi32>
    %sub3A_1358 = arith.subi %get3A_1352, %sub3A_1357 : vector<16xi32>
    %select_n3A_1359 = arith.select %ge3A_1355, %sub3A_1358, %get3A_1352 : vector<16xi1>, vector<16xi32>
    %swap3A_1360 = arith.constant 9 : i32
    %swap3A_1361 = arith.index_cast %swap3A_1360 : i32 to index
    %swap3A_1362 = arith.constant 48 : index
    %swap3A_1363 = tpu.vector_load %arg5[%swap3A_1361, %swap3A_1362] {strides = array<i32>} : memref<24x128xi32, #tpu.memory_space<vmem>>, vector<1x16xi32>,
    %swap3A_1364 = vector.shape_cast %swap3A_1363 : vector<1x16xi32> to vector<16xi32>
    %swap3A_1365 = vector.shape_cast %select_n3A_1359 : vector<16xi32> to vector<1x16xi32>
    tpu.vector_store %arg5[%swap3A_1361, %swap3A_1362], %swap3A_1365 {strides = array<i32>} : memref<24x128xi32, #tpu.memory_space<vmem>>, vector<1x16xi32>,
    %get3A_1366 = arith.constant 9 : i32
    %get3A_1367 = arith.index_cast %get3A_1366 : i32 to index
    %get3A_1368 = arith.constant 64 : index
    %get3A_1369 = tpu.vector_load %arg5[%get3A_1367, %get3A_1368] {strides = array<i32>} : memref<24x128xi32, #tpu.memory_space<vmem>>, vector<1x16xi32>,
    %get3A_1370 = vector.shape_cast %get3A_1369 : vector<1x16xi32> to vector<16xi32>
    %ge3A_1371 = arith.constant 503808 : i32
    %ge3A_1372 = vector.broadcast %ge3A_1371 : i32 to vector<16xi32>
    %ge3A_1373 = arith.cmpi sge, %get3A_1370, %ge3A_1372 : vector<16xi32>
    %sub3A_1374 = arith.constant 503808 : i32
    %sub3A_1375 = vector.broadcast %sub3A_1374 : i32 to vector<16xi32>
    %sub3A_1376 = arith.subi %get3A_1370, %sub3A_1375 : vector<16xi32>
    %select_n3A_1377 = arith.select %ge3A_1373, %sub3A_1376, %get3A_1370 : vector<16xi1>, vector<16xi32>
    %swap3A_1378 = arith.constant 9 : i32
    %swap3A_1379 = arith.index_cast %swap3A_1378 : i32 to index
    %swap3A_1380 = arith.constant 64 : index
    %swap3A_1381 = tpu.vector_load %arg5[%swap3A_1379, %swap3A_1380] {strides = array<i32>} : memref<24x128xi32, #tpu.memory_space<vmem>>, vector<1x16xi32>,
    %swap3A_1382 = vector.shape_cast %swap3A_1381 : vector<1x16xi32> to vector<16xi32>
    %swap3A_1383 = vector.shape_cast %select_n3A_1377 : vector<16xi32> to vector<1x16xi32>
    tpu.vector_store %arg5[%swap3A_1379, %swap3A_1380], %swap3A_1383 {strides = array<i32>} : memref<24x128xi32, #tpu.memory_space<vmem>>, vector<1x16xi32>,
    %get3A_1384 = arith.constant 9 : i32
    %get3A_1385 = arith.index_cast %get3A_1384 : i32 to index
    %get3A_1386 = arith.constant 80 : index
    %get3A_1387 = tpu.vector_load %arg5[%get3A_1385, %get3A_1386] {strides = array<i32>} : memref<24x128xi32, #tpu.memory_space<vmem>>, vector<1x16xi32>,
    %get3A_1388 = vector.shape_cast %get3A_1387 : vector<1x16xi32> to vector<16xi32>
    %ge3A_1389 = arith.constant 503808 : i32
    %ge3A_1390 = vector.broadcast %ge3A_1389 : i32 to vector<16xi32>
    %ge3A_1391 = arith.cmpi sge, %get3A_1388, %ge3A_1390 : vector<16xi32>
    %sub3A_1392 = arith.constant 503808 : i32
    %sub3A_1393 = vector.broadcast %sub3A_1392 : i32 to vector<16xi32>
    %sub3A_1394 = arith.subi %get3A_1388, %sub3A_1393 : vector<16xi32>
    %select_n3A_1395 = arith.select %ge3A_1391, %sub3A_1394, %get3A_1388 : vector<16xi1>, vector<16xi32>
    %swap3A_1396 = arith.constant 9 : i32
    %swap3A_1397 = arith.index_cast %swap3A_1396 : i32 to index
    %swap3A_1398 = arith.constant 80 : index
    %swap3A_1399 = tpu.vector_load %arg5[%swap3A_1397, %swap3A_1398] {strides = array<i32>} : memref<24x128xi32, #tpu.memory_space<vmem>>, vector<1x16xi32>,
    %swap3A_1400 = vector.shape_cast %swap3A_1399 : vector<1x16xi32> to vector<16xi32>
    %swap3A_1401 = vector.shape_cast %select_n3A_1395 : vector<16xi32> to vector<1x16xi32>
    tpu.vector_store %arg5[%swap3A_1397, %swap3A_1398], %swap3A_1401 {strides = array<i32>} : memref<24x128xi32, #tpu.memory_space<vmem>>, vector<1x16xi32>,
    %get3A_1402 = arith.constant 9 : i32
    %get3A_1403 = arith.index_cast %get3A_1402 : i32 to index
    %get3A_1404 = arith.constant 96 : index
    %get3A_1405 = tpu.vector_load %arg5[%get3A_1403, %get3A_1404] {strides = array<i32>} : memref<24x128xi32, #tpu.memory_space<vmem>>, vector<1x16xi32>,
    %get3A_1406 = vector.shape_cast %get3A_1405 : vector<1x16xi32> to vector<16xi32>
    %ge3A_1407 = arith.constant 503808 : i32
    %ge3A_1408 = vector.broadcast %ge3A_1407 : i32 to vector<16xi32>
    %ge3A_1409 = arith.cmpi sge, %get3A_1406, %ge3A_1408 : vector<16xi32>
    %sub3A_1410 = arith.constant 503808 : i32
    %sub3A_1411 = vector.broadcast %sub3A_1410 : i32 to vector<16xi32>
    %sub3A_1412 = arith.subi %get3A_1406, %sub3A_1411 : vector<16xi32>
    %select_n3A_1413 = arith.select %ge3A_1409, %sub3A_1412, %get3A_1406 : vector<16xi1>, vector<16xi32>
    %swap3A_1414 = arith.constant 9 : i32
    %swap3A_1415 = arith.index_cast %swap3A_1414 : i32 to index
    %swap3A_1416 = arith.constant 96 : index
    %swap3A_1417 = tpu.vector_load %arg5[%swap3A_1415, %swap3A_1416] {strides = array<i32>} : memref<24x128xi32, #tpu.memory_space<vmem>>, vector<1x16xi32>,
    %swap3A_1418 = vector.shape_cast %swap3A_1417 : vector<1x16xi32> to vector<16xi32>
    %swap3A_1419 = vector.shape_cast %select_n3A_1413 : vector<16xi32> to vector<1x16xi32>
    tpu.vector_store %arg5[%swap3A_1415, %swap3A_1416], %swap3A_1419 {strides = array<i32>} : memref<24x128xi32, #tpu.memory_space<vmem>>, vector<1x16xi32>,
    %get3A_1420 = arith.constant 9 : i32
    %get3A_1421 = arith.index_cast %get3A_1420 : i32 to index
    %get3A_1422 = arith.constant 112 : index
    %get3A_1423 = tpu.vector_load %arg5[%get3A_1421, %get3A_1422] {strides = array<i32>} : memref<24x128xi32, #tpu.memory_space<vmem>>, vector<1x16xi32>,
    %get3A_1424 = vector.shape_cast %get3A_1423 : vector<1x16xi32> to vector<16xi32>
    %ge3A_1425 = arith.constant 503808 : i32
    %ge3A_1426 = vector.broadcast %ge3A_1425 : i32 to vector<16xi32>
    %ge3A_1427 = arith.cmpi sge, %get3A_1424, %ge3A_1426 : vector<16xi32>
    %sub3A_1428 = arith.constant 503808 : i32
    %sub3A_1429 = vector.broadcast %sub3A_1428 : i32 to vector<16xi32>
    %sub3A_1430 = arith.subi %get3A_1424, %sub3A_1429 : vector<16xi32>
    %select_n3A_1431 = arith.select %ge3A_1427, %sub3A_1430, %get3A_1424 : vector<16xi1>, vector<16xi32>
    %swap3A_1432 = arith.constant 9 : i32
    %swap3A_1433 = arith.index_cast %swap3A_1432 : i32 to index
    %swap3A_1434 = arith.constant 112 : index
    %swap3A_1435 = tpu.vector_load %arg5[%swap3A_1433, %swap3A_1434] {strides = array<i32>} : memref<24x128xi32, #tpu.memory_space<vmem>>, vector<1x16xi32>,
    %swap3A_1436 = vector.shape_cast %swap3A_1435 : vector<1x16xi32> to vector<16xi32>
    %swap3A_1437 = vector.shape_cast %select_n3A_1431 : vector<16xi32> to vector<1x16xi32>
    tpu.vector_store %arg5[%swap3A_1433, %swap3A_1434], %swap3A_1437 {strides = array<i32>} : memref<24x128xi32, #tpu.memory_space<vmem>>, vector<1x16xi32>,
    %get3A_1438 = arith.constant 10 : i32
    %get3A_1439 = arith.index_cast %get3A_1438 : i32 to index
    %get3A_1440 = arith.constant 0 : index
    %get3A_1441 = tpu.vector_load %arg5[%get3A_1439, %get3A_1440] {strides = array<i32>} : memref<24x128xi32, #tpu.memory_space<vmem>>, vector<1x16xi32>,
    %get3A_1442 = vector.shape_cast %get3A_1441 : vector<1x16xi32> to vector<16xi32>
    %ge3A_1443 = arith.constant 503808 : i32
    %ge3A_1444 = vector.broadcast %ge3A_1443 : i32 to vector<16xi32>
    %ge3A_1445 = arith.cmpi sge, %get3A_1442, %ge3A_1444 : vector<16xi32>
    %sub3A_1446 = arith.constant 503808 : i32
    %sub3A_1447 = vector.broadcast %sub3A_1446 : i32 to vector<16xi32>
    %sub3A_1448 = arith.subi %get3A_1442, %sub3A_1447 : vector<16xi32>
    %select_n3A_1449 = arith.select %ge3A_1445, %sub3A_1448, %get3A_1442 : vector<16xi1>, vector<16xi32>
    %swap3A_1450 = arith.constant 10 : i32
    %swap3A_1451 = arith.index_cast %swap3A_1450 : i32 to index
    %swap3A_1452 = arith.constant 0 : index
    %swap3A_1453 = tpu.vector_load %arg5[%swap3A_1451, %swap3A_1452] {strides = array<i32>} : memref<24x128xi32, #tpu.memory_space<vmem>>, vector<1x16xi32>,
    %swap3A_1454 = vector.shape_cast %swap3A_1453 : vector<1x16xi32> to vector<16xi32>
    %swap3A_1455 = vector.shape_cast %select_n3A_1449 : vector<16xi32> to vector<1x16xi32>
    tpu.vector_store %arg5[%swap3A_1451, %swap3A_1452], %swap3A_1455 {strides = array<i32>} : memref<24x128xi32, #tpu.memory_space<vmem>>, vector<1x16xi32>,
    %get3A_1456 = arith.constant 10 : i32
    %get3A_1457 = arith.index_cast %get3A_1456 : i32 to index
    %get3A_1458 = arith.constant 16 : index
    %get3A_1459 = tpu.vector_load %arg5[%get3A_1457, %get3A_1458] {strides = array<i32>} : memref<24x128xi32, #tpu.memory_space<vmem>>, vector<1x16xi32>,
    %get3A_1460 = vector.shape_cast %get3A_1459 : vector<1x16xi32> to vector<16xi32>
    %ge3A_1461 = arith.constant 503808 : i32
    %ge3A_1462 = vector.broadcast %ge3A_1461 : i32 to vector<16xi32>
    %ge3A_1463 = arith.cmpi sge, %get3A_1460, %ge3A_1462 : vector<16xi32>
    %sub3A_1464 = arith.constant 503808 : i32
    %sub3A_1465 = vector.broadcast %sub3A_1464 : i32 to vector<16xi32>
    %sub3A_1466 = arith.subi %get3A_1460, %sub3A_1465 : vector<16xi32>
    %select_n3A_1467 = arith.select %ge3A_1463, %sub3A_1466, %get3A_1460 : vector<16xi1>, vector<16xi32>
    %swap3A_1468 = arith.constant 10 : i32
    %swap3A_1469 = arith.index_cast %swap3A_1468 : i32 to index
    %swap3A_1470 = arith.constant 16 : index
    %swap3A_1471 = tpu.vector_load %arg5[%swap3A_1469, %swap3A_1470] {strides = array<i32>} : memref<24x128xi32, #tpu.memory_space<vmem>>, vector<1x16xi32>,
    %swap3A_1472 = vector.shape_cast %swap3A_1471 : vector<1x16xi32> to vector<16xi32>
    %swap3A_1473 = vector.shape_cast %select_n3A_1467 : vector<16xi32> to vector<1x16xi32>
    tpu.vector_store %arg5[%swap3A_1469, %swap3A_1470], %swap3A_1473 {strides = array<i32>} : memref<24x128xi32, #tpu.memory_space<vmem>>, vector<1x16xi32>,
    %get3A_1474 = arith.constant 10 : i32
    %get3A_1475 = arith.index_cast %get3A_1474 : i32 to index
    %get3A_1476 = arith.constant 32 : index
    %get3A_1477 = tpu.vector_load %arg5[%get3A_1475, %get3A_1476] {strides = array<i32>} : memref<24x128xi32, #tpu.memory_space<vmem>>, vector<1x16xi32>,
    %get3A_1478 = vector.shape_cast %get3A_1477 : vector<1x16xi32> to vector<16xi32>
    %ge3A_1479 = arith.constant 503808 : i32
    %ge3A_1480 = vector.broadcast %ge3A_1479 : i32 to vector<16xi32>
    %ge3A_1481 = arith.cmpi sge, %get3A_1478, %ge3A_1480 : vector<16xi32>
    %sub3A_1482 = arith.constant 503808 : i32
    %sub3A_1483 = vector.broadcast %sub3A_1482 : i32 to vector<16xi32>
    %sub3A_1484 = arith.subi %get3A_1478, %sub3A_1483 : vector<16xi32>
    %select_n3A_1485 = arith.select %ge3A_1481, %sub3A_1484, %get3A_1478 : vector<16xi1>, vector<16xi32>
    %swap3A_1486 = arith.constant 10 : i32
    %swap3A_1487 = arith.index_cast %swap3A_1486 : i32 to index
    %swap3A_1488 = arith.constant 32 : index
    %swap3A_1489 = tpu.vector_load %arg5[%swap3A_1487, %swap3A_1488] {strides = array<i32>} : memref<24x128xi32, #tpu.memory_space<vmem>>, vector<1x16xi32>,
    %swap3A_1490 = vector.shape_cast %swap3A_1489 : vector<1x16xi32> to vector<16xi32>
    %swap3A_1491 = vector.shape_cast %select_n3A_1485 : vector<16xi32> to vector<1x16xi32>
    tpu.vector_store %arg5[%swap3A_1487, %swap3A_1488], %swap3A_1491 {strides = array<i32>} : memref<24x128xi32, #tpu.memory_space<vmem>>, vector<1x16xi32>,
    %get3A_1492 = arith.constant 10 : i32
    %get3A_1493 = arith.index_cast %get3A_1492 : i32 to index
    %get3A_1494 = arith.constant 48 : index
    %get3A_1495 = tpu.vector_load %arg5[%get3A_1493, %get3A_1494] {strides = array<i32>} : memref<24x128xi32, #tpu.memory_space<vmem>>, vector<1x16xi32>,
    %get3A_1496 = vector.shape_cast %get3A_1495 : vector<1x16xi32> to vector<16xi32>
    %ge3A_1497 = arith.constant 503808 : i32
    %ge3A_1498 = vector.broadcast %ge3A_1497 : i32 to vector<16xi32>
    %ge3A_1499 = arith.cmpi sge, %get3A_1496, %ge3A_1498 : vector<16xi32>
    %sub3A_1500 = arith.constant 503808 : i32
    %sub3A_1501 = vector.broadcast %sub3A_1500 : i32 to vector<16xi32>
    %sub3A_1502 = arith.subi %get3A_1496, %sub3A_1501 : vector<16xi32>
    %select_n3A_1503 = arith.select %ge3A_1499, %sub3A_1502, %get3A_1496 : vector<16xi1>, vector<16xi32>
    %swap3A_1504 = arith.constant 10 : i32
    %swap3A_1505 = arith.index_cast %swap3A_1504 : i32 to index
    %swap3A_1506 = arith.constant 48 : index
    %swap3A_1507 = tpu.vector_load %arg5[%swap3A_1505, %swap3A_1506] {strides = array<i32>} : memref<24x128xi32, #tpu.memory_space<vmem>>, vector<1x16xi32>,
    %swap3A_1508 = vector.shape_cast %swap3A_1507 : vector<1x16xi32> to vector<16xi32>
    %swap3A_1509 = vector.shape_cast %select_n3A_1503 : vector<16xi32> to vector<1x16xi32>
    tpu.vector_store %arg5[%swap3A_1505, %swap3A_1506], %swap3A_1509 {strides = array<i32>} : memref<24x128xi32, #tpu.memory_space<vmem>>, vector<1x16xi32>,
    %get3A_1510 = arith.constant 10 : i32
    %get3A_1511 = arith.index_cast %get3A_1510 : i32 to index
    %get3A_1512 = arith.constant 64 : index
    %get3A_1513 = tpu.vector_load %arg5[%get3A_1511, %get3A_1512] {strides = array<i32>} : memref<24x128xi32, #tpu.memory_space<vmem>>, vector<1x16xi32>,
    %get3A_1514 = vector.shape_cast %get3A_1513 : vector<1x16xi32> to vector<16xi32>
    %ge3A_1515 = arith.constant 503808 : i32
    %ge3A_1516 = vector.broadcast %ge3A_1515 : i32 to vector<16xi32>
    %ge3A_1517 = arith.cmpi sge, %get3A_1514, %ge3A_1516 : vector<16xi32>
    %sub3A_1518 = arith.constant 503808 : i32
    %sub3A_1519 = vector.broadcast %sub3A_1518 : i32 to vector<16xi32>
    %sub3A_1520 = arith.subi %get3A_1514, %sub3A_1519 : vector<16xi32>
    %select_n3A_1521 = arith.select %ge3A_1517, %sub3A_1520, %get3A_1514 : vector<16xi1>, vector<16xi32>
    %swap3A_1522 = arith.constant 10 : i32
    %swap3A_1523 = arith.index_cast %swap3A_1522 : i32 to index
    %swap3A_1524 = arith.constant 64 : index
    %swap3A_1525 = tpu.vector_load %arg5[%swap3A_1523, %swap3A_1524] {strides = array<i32>} : memref<24x128xi32, #tpu.memory_space<vmem>>, vector<1x16xi32>,
    %swap3A_1526 = vector.shape_cast %swap3A_1525 : vector<1x16xi32> to vector<16xi32>
    %swap3A_1527 = vector.shape_cast %select_n3A_1521 : vector<16xi32> to vector<1x16xi32>
    tpu.vector_store %arg5[%swap3A_1523, %swap3A_1524], %swap3A_1527 {strides = array<i32>} : memref<24x128xi32, #tpu.memory_space<vmem>>, vector<1x16xi32>,
    %get3A_1528 = arith.constant 10 : i32
    %get3A_1529 = arith.index_cast %get3A_1528 : i32 to index
    %get3A_1530 = arith.constant 80 : index
    %get3A_1531 = tpu.vector_load %arg5[%get3A_1529, %get3A_1530] {strides = array<i32>} : memref<24x128xi32, #tpu.memory_space<vmem>>, vector<1x16xi32>,
    %get3A_1532 = vector.shape_cast %get3A_1531 : vector<1x16xi32> to vector<16xi32>
    %ge3A_1533 = arith.constant 503808 : i32
    %ge3A_1534 = vector.broadcast %ge3A_1533 : i32 to vector<16xi32>
    %ge3A_1535 = arith.cmpi sge, %get3A_1532, %ge3A_1534 : vector<16xi32>
    %sub3A_1536 = arith.constant 503808 : i32
    %sub3A_1537 = vector.broadcast %sub3A_1536 : i32 to vector<16xi32>
    %sub3A_1538 = arith.subi %get3A_1532, %sub3A_1537 : vector<16xi32>
    %select_n3A_1539 = arith.select %ge3A_1535, %sub3A_1538, %get3A_1532 : vector<16xi1>, vector<16xi32>
    %swap3A_1540 = arith.constant 10 : i32
    %swap3A_1541 = arith.index_cast %swap3A_1540 : i32 to index
    %swap3A_1542 = arith.constant 80 : index
    %swap3A_1543 = tpu.vector_load %arg5[%swap3A_1541, %swap3A_1542] {strides = array<i32>} : memref<24x128xi32, #tpu.memory_space<vmem>>, vector<1x16xi32>,
    %swap3A_1544 = vector.shape_cast %swap3A_1543 : vector<1x16xi32> to vector<16xi32>
    %swap3A_1545 = vector.shape_cast %select_n3A_1539 : vector<16xi32> to vector<1x16xi32>
    tpu.vector_store %arg5[%swap3A_1541, %swap3A_1542], %swap3A_1545 {strides = array<i32>} : memref<24x128xi32, #tpu.memory_space<vmem>>, vector<1x16xi32>,
    %get3A_1546 = arith.constant 10 : i32
    %get3A_1547 = arith.index_cast %get3A_1546 : i32 to index
    %get3A_1548 = arith.constant 96 : index
    %get3A_1549 = tpu.vector_load %arg5[%get3A_1547, %get3A_1548] {strides = array<i32>} : memref<24x128xi32, #tpu.memory_space<vmem>>, vector<1x16xi32>,
    %get3A_1550 = vector.shape_cast %get3A_1549 : vector<1x16xi32> to vector<16xi32>
    %ge3A_1551 = arith.constant 503808 : i32
    %ge3A_1552 = vector.broadcast %ge3A_1551 : i32 to vector<16xi32>
    %ge3A_1553 = arith.cmpi sge, %get3A_1550, %ge3A_1552 : vector<16xi32>
    %sub3A_1554 = arith.constant 503808 : i32
    %sub3A_1555 = vector.broadcast %sub3A_1554 : i32 to vector<16xi32>
    %sub3A_1556 = arith.subi %get3A_1550, %sub3A_1555 : vector<16xi32>
    %select_n3A_1557 = arith.select %ge3A_1553, %sub3A_1556, %get3A_1550 : vector<16xi1>, vector<16xi32>
    %swap3A_1558 = arith.constant 10 : i32
    %swap3A_1559 = arith.index_cast %swap3A_1558 : i32 to index
    %swap3A_1560 = arith.constant 96 : index
    %swap3A_1561 = tpu.vector_load %arg5[%swap3A_1559, %swap3A_1560] {strides = array<i32>} : memref<24x128xi32, #tpu.memory_space<vmem>>, vector<1x16xi32>,
    %swap3A_1562 = vector.shape_cast %swap3A_1561 : vector<1x16xi32> to vector<16xi32>
    %swap3A_1563 = vector.shape_cast %select_n3A_1557 : vector<16xi32> to vector<1x16xi32>
    tpu.vector_store %arg5[%swap3A_1559, %swap3A_1560], %swap3A_1563 {strides = array<i32>} : memref<24x128xi32, #tpu.memory_space<vmem>>, vector<1x16xi32>,
    %get3A_1564 = arith.constant 10 : i32
    %get3A_1565 = arith.index_cast %get3A_1564 : i32 to index
    %get3A_1566 = arith.constant 112 : index
    %get3A_1567 = tpu.vector_load %arg5[%get3A_1565, %get3A_1566] {strides = array<i32>} : memref<24x128xi32, #tpu.memory_space<vmem>>, vector<1x16xi32>,
    %get3A_1568 = vector.shape_cast %get3A_1567 : vector<1x16xi32> to vector<16xi32>
    %ge3A_1569 = arith.constant 503808 : i32
    %ge3A_1570 = vector.broadcast %ge3A_1569 : i32 to vector<16xi32>
    %ge3A_1571 = arith.cmpi sge, %get3A_1568, %ge3A_1570 : vector<16xi32>
    %sub3A_1572 = arith.constant 503808 : i32
    %sub3A_1573 = vector.broadcast %sub3A_1572 : i32 to vector<16xi32>
    %sub3A_1574 = arith.subi %get3A_1568, %sub3A_1573 : vector<16xi32>
    %select_n3A_1575 = arith.select %ge3A_1571, %sub3A_1574, %get3A_1568 : vector<16xi1>, vector<16xi32>
    %swap3A_1576 = arith.constant 10 : i32
    %swap3A_1577 = arith.index_cast %swap3A_1576 : i32 to index
    %swap3A_1578 = arith.constant 112 : index
    %swap3A_1579 = tpu.vector_load %arg5[%swap3A_1577, %swap3A_1578] {strides = array<i32>} : memref<24x128xi32, #tpu.memory_space<vmem>>, vector<1x16xi32>,
    %swap3A_1580 = vector.shape_cast %swap3A_1579 : vector<1x16xi32> to vector<16xi32>
    %swap3A_1581 = vector.shape_cast %select_n3A_1575 : vector<16xi32> to vector<1x16xi32>
    tpu.vector_store %arg5[%swap3A_1577, %swap3A_1578], %swap3A_1581 {strides = array<i32>} : memref<24x128xi32, #tpu.memory_space<vmem>>, vector<1x16xi32>,
    %get3A_1582 = arith.constant 11 : i32
    %get3A_1583 = arith.index_cast %get3A_1582 : i32 to index
    %get3A_1584 = arith.constant 0 : index
    %get3A_1585 = tpu.vector_load %arg5[%get3A_1583, %get3A_1584] {strides = array<i32>} : memref<24x128xi32, #tpu.memory_space<vmem>>, vector<1x16xi32>,
    %get3A_1586 = vector.shape_cast %get3A_1585 : vector<1x16xi32> to vector<16xi32>
    %ge3A_1587 = arith.constant 503808 : i32
    %ge3A_1588 = vector.broadcast %ge3A_1587 : i32 to vector<16xi32>
    %ge3A_1589 = arith.cmpi sge, %get3A_1586, %ge3A_1588 : vector<16xi32>
    %sub3A_1590 = arith.constant 503808 : i32
    %sub3A_1591 = vector.broadcast %sub3A_1590 : i32 to vector<16xi32>
    %sub3A_1592 = arith.subi %get3A_1586, %sub3A_1591 : vector<16xi32>
    %select_n3A_1593 = arith.select %ge3A_1589, %sub3A_1592, %get3A_1586 : vector<16xi1>, vector<16xi32>
    %swap3A_1594 = arith.constant 11 : i32
    %swap3A_1595 = arith.index_cast %swap3A_1594 : i32 to index
    %swap3A_1596 = arith.constant 0 : index
    %swap3A_1597 = tpu.vector_load %arg5[%swap3A_1595, %swap3A_1596] {strides = array<i32>} : memref<24x128xi32, #tpu.memory_space<vmem>>, vector<1x16xi32>,
    %swap3A_1598 = vector.shape_cast %swap3A_1597 : vector<1x16xi32> to vector<16xi32>
    %swap3A_1599 = vector.shape_cast %select_n3A_1593 : vector<16xi32> to vector<1x16xi32>
    tpu.vector_store %arg5[%swap3A_1595, %swap3A_1596], %swap3A_1599 {strides = array<i32>} : memref<24x128xi32, #tpu.memory_space<vmem>>, vector<1x16xi32>,
    %get3A_1600 = arith.constant 11 : i32
    %get3A_1601 = arith.index_cast %get3A_1600 : i32 to index
    %get3A_1602 = arith.constant 16 : index
    %get3A_1603 = tpu.vector_load %arg5[%get3A_1601, %get3A_1602] {strides = array<i32>} : memref<24x128xi32, #tpu.memory_space<vmem>>, vector<1x16xi32>,
    %get3A_1604 = vector.shape_cast %get3A_1603 : vector<1x16xi32> to vector<16xi32>
    %ge3A_1605 = arith.constant 503808 : i32
    %ge3A_1606 = vector.broadcast %ge3A_1605 : i32 to vector<16xi32>
    %ge3A_1607 = arith.cmpi sge, %get3A_1604, %ge3A_1606 : vector<16xi32>
    %sub3A_1608 = arith.constant 503808 : i32
    %sub3A_1609 = vector.broadcast %sub3A_1608 : i32 to vector<16xi32>
    %sub3A_1610 = arith.subi %get3A_1604, %sub3A_1609 : vector<16xi32>
    %select_n3A_1611 = arith.select %ge3A_1607, %sub3A_1610, %get3A_1604 : vector<16xi1>, vector<16xi32>
    %swap3A_1612 = arith.constant 11 : i32
    %swap3A_1613 = arith.index_cast %swap3A_1612 : i32 to index
    %swap3A_1614 = arith.constant 16 : index
    %swap3A_1615 = tpu.vector_load %arg5[%swap3A_1613, %swap3A_1614] {strides = array<i32>} : memref<24x128xi32, #tpu.memory_space<vmem>>, vector<1x16xi32>,
    %swap3A_1616 = vector.shape_cast %swap3A_1615 : vector<1x16xi32> to vector<16xi32>
    %swap3A_1617 = vector.shape_cast %select_n3A_1611 : vector<16xi32> to vector<1x16xi32>
    tpu.vector_store %arg5[%swap3A_1613, %swap3A_1614], %swap3A_1617 {strides = array<i32>} : memref<24x128xi32, #tpu.memory_space<vmem>>, vector<1x16xi32>,
    %get3A_1618 = arith.constant 11 : i32
    %get3A_1619 = arith.index_cast %get3A_1618 : i32 to index
    %get3A_1620 = arith.constant 32 : index
    %get3A_1621 = tpu.vector_load %arg5[%get3A_1619, %get3A_1620] {strides = array<i32>} : memref<24x128xi32, #tpu.memory_space<vmem>>, vector<1x16xi32>,
    %get3A_1622 = vector.shape_cast %get3A_1621 : vector<1x16xi32> to vector<16xi32>
    %ge3A_1623 = arith.constant 503808 : i32
    %ge3A_1624 = vector.broadcast %ge3A_1623 : i32 to vector<16xi32>
    %ge3A_1625 = arith.cmpi sge, %get3A_1622, %ge3A_1624 : vector<16xi32>
    %sub3A_1626 = arith.constant 503808 : i32
    %sub3A_1627 = vector.broadcast %sub3A_1626 : i32 to vector<16xi32>
    %sub3A_1628 = arith.subi %get3A_1622, %sub3A_1627 : vector<16xi32>
    %select_n3A_1629 = arith.select %ge3A_1625, %sub3A_1628, %get3A_1622 : vector<16xi1>, vector<16xi32>
    %swap3A_1630 = arith.constant 11 : i32
    %swap3A_1631 = arith.index_cast %swap3A_1630 : i32 to index
    %swap3A_1632 = arith.constant 32 : index
    %swap3A_1633 = tpu.vector_load %arg5[%swap3A_1631, %swap3A_1632] {strides = array<i32>} : memref<24x128xi32, #tpu.memory_space<vmem>>, vector<1x16xi32>,
    %swap3A_1634 = vector.shape_cast %swap3A_1633 : vector<1x16xi32> to vector<16xi32>
    %swap3A_1635 = vector.shape_cast %select_n3A_1629 : vector<16xi32> to vector<1x16xi32>
    tpu.vector_store %arg5[%swap3A_1631, %swap3A_1632], %swap3A_1635 {strides = array<i32>} : memref<24x128xi32, #tpu.memory_space<vmem>>, vector<1x16xi32>,
    %get3A_1636 = arith.constant 11 : i32
    %get3A_1637 = arith.index_cast %get3A_1636 : i32 to index
    %get3A_1638 = arith.constant 48 : index
    %get3A_1639 = tpu.vector_load %arg5[%get3A_1637, %get3A_1638] {strides = array<i32>} : memref<24x128xi32, #tpu.memory_space<vmem>>, vector<1x16xi32>,
    %get3A_1640 = vector.shape_cast %get3A_1639 : vector<1x16xi32> to vector<16xi32>
    %ge3A_1641 = arith.constant 503808 : i32
    %ge3A_1642 = vector.broadcast %ge3A_1641 : i32 to vector<16xi32>
    %ge3A_1643 = arith.cmpi sge, %get3A_1640, %ge3A_1642 : vector<16xi32>
    %sub3A_1644 = arith.constant 503808 : i32
    %sub3A_1645 = vector.broadcast %sub3A_1644 : i32 to vector<16xi32>
    %sub3A_1646 = arith.subi %get3A_1640, %sub3A_1645 : vector<16xi32>
    %select_n3A_1647 = arith.select %ge3A_1643, %sub3A_1646, %get3A_1640 : vector<16xi1>, vector<16xi32>
    %swap3A_1648 = arith.constant 11 : i32
    %swap3A_1649 = arith.index_cast %swap3A_1648 : i32 to index
    %swap3A_1650 = arith.constant 48 : index
    %swap3A_1651 = tpu.vector_load %arg5[%swap3A_1649, %swap3A_1650] {strides = array<i32>} : memref<24x128xi32, #tpu.memory_space<vmem>>, vector<1x16xi32>,
    %swap3A_1652 = vector.shape_cast %swap3A_1651 : vector<1x16xi32> to vector<16xi32>
    %swap3A_1653 = vector.shape_cast %select_n3A_1647 : vector<16xi32> to vector<1x16xi32>
    tpu.vector_store %arg5[%swap3A_1649, %swap3A_1650], %swap3A_1653 {strides = array<i32>} : memref<24x128xi32, #tpu.memory_space<vmem>>, vector<1x16xi32>,
    %get3A_1654 = arith.constant 11 : i32
    %get3A_1655 = arith.index_cast %get3A_1654 : i32 to index
    %get3A_1656 = arith.constant 64 : index
    %get3A_1657 = tpu.vector_load %arg5[%get3A_1655, %get3A_1656] {strides = array<i32>} : memref<24x128xi32, #tpu.memory_space<vmem>>, vector<1x16xi32>,
    %get3A_1658 = vector.shape_cast %get3A_1657 : vector<1x16xi32> to vector<16xi32>
    %ge3A_1659 = arith.constant 503808 : i32
    %ge3A_1660 = vector.broadcast %ge3A_1659 : i32 to vector<16xi32>
    %ge3A_1661 = arith.cmpi sge, %get3A_1658, %ge3A_1660 : vector<16xi32>
    %sub3A_1662 = arith.constant 503808 : i32
    %sub3A_1663 = vector.broadcast %sub3A_1662 : i32 to vector<16xi32>
    %sub3A_1664 = arith.subi %get3A_1658, %sub3A_1663 : vector<16xi32>
    %select_n3A_1665 = arith.select %ge3A_1661, %sub3A_1664, %get3A_1658 : vector<16xi1>, vector<16xi32>
    %swap3A_1666 = arith.constant 11 : i32
    %swap3A_1667 = arith.index_cast %swap3A_1666 : i32 to index
    %swap3A_1668 = arith.constant 64 : index
    %swap3A_1669 = tpu.vector_load %arg5[%swap3A_1667, %swap3A_1668] {strides = array<i32>} : memref<24x128xi32, #tpu.memory_space<vmem>>, vector<1x16xi32>,
    %swap3A_1670 = vector.shape_cast %swap3A_1669 : vector<1x16xi32> to vector<16xi32>
    %swap3A_1671 = vector.shape_cast %select_n3A_1665 : vector<16xi32> to vector<1x16xi32>
    tpu.vector_store %arg5[%swap3A_1667, %swap3A_1668], %swap3A_1671 {strides = array<i32>} : memref<24x128xi32, #tpu.memory_space<vmem>>, vector<1x16xi32>,
    %get3A_1672 = arith.constant 11 : i32
    %get3A_1673 = arith.index_cast %get3A_1672 : i32 to index
    %get3A_1674 = arith.constant 80 : index
    %get3A_1675 = tpu.vector_load %arg5[%get3A_1673, %get3A_1674] {strides = array<i32>} : memref<24x128xi32, #tpu.memory_space<vmem>>, vector<1x16xi32>,
    %get3A_1676 = vector.shape_cast %get3A_1675 : vector<1x16xi32> to vector<16xi32>
    %ge3A_1677 = arith.constant 503808 : i32
    %ge3A_1678 = vector.broadcast %ge3A_1677 : i32 to vector<16xi32>
    %ge3A_1679 = arith.cmpi sge, %get3A_1676, %ge3A_1678 : vector<16xi32>
    %sub3A_1680 = arith.constant 503808 : i32
    %sub3A_1681 = vector.broadcast %sub3A_1680 : i32 to vector<16xi32>
    %sub3A_1682 = arith.subi %get3A_1676, %sub3A_1681 : vector<16xi32>
    %select_n3A_1683 = arith.select %ge3A_1679, %sub3A_1682, %get3A_1676 : vector<16xi1>, vector<16xi32>
    %swap3A_1684 = arith.constant 11 : i32
    %swap3A_1685 = arith.index_cast %swap3A_1684 : i32 to index
    %swap3A_1686 = arith.constant 80 : index
    %swap3A_1687 = tpu.vector_load %arg5[%swap3A_1685, %swap3A_1686] {strides = array<i32>} : memref<24x128xi32, #tpu.memory_space<vmem>>, vector<1x16xi32>,
    %swap3A_1688 = vector.shape_cast %swap3A_1687 : vector<1x16xi32> to vector<16xi32>
    %swap3A_1689 = vector.shape_cast %select_n3A_1683 : vector<16xi32> to vector<1x16xi32>
    tpu.vector_store %arg5[%swap3A_1685, %swap3A_1686], %swap3A_1689 {strides = array<i32>} : memref<24x128xi32, #tpu.memory_space<vmem>>, vector<1x16xi32>,
    %get3A_1690 = arith.constant 11 : i32
    %get3A_1691 = arith.index_cast %get3A_1690 : i32 to index
    %get3A_1692 = arith.constant 96 : index
    %get3A_1693 = tpu.vector_load %arg5[%get3A_1691, %get3A_1692] {strides = array<i32>} : memref<24x128xi32, #tpu.memory_space<vmem>>, vector<1x16xi32>,
    %get3A_1694 = vector.shape_cast %get3A_1693 : vector<1x16xi32> to vector<16xi32>
    %ge3A_1695 = arith.constant 503808 : i32
    %ge3A_1696 = vector.broadcast %ge3A_1695 : i32 to vector<16xi32>
    %ge3A_1697 = arith.cmpi sge, %get3A_1694, %ge3A_1696 : vector<16xi32>
    %sub3A_1698 = arith.constant 503808 : i32
    %sub3A_1699 = vector.broadcast %sub3A_1698 : i32 to vector<16xi32>
    %sub3A_1700 = arith.subi %get3A_1694, %sub3A_1699 : vector<16xi32>
    %select_n3A_1701 = arith.select %ge3A_1697, %sub3A_1700, %get3A_1694 : vector<16xi1>, vector<16xi32>
    %swap3A_1702 = arith.constant 11 : i32
    %swap3A_1703 = arith.index_cast %swap3A_1702 : i32 to index
    %swap3A_1704 = arith.constant 96 : index
    %swap3A_1705 = tpu.vector_load %arg5[%swap3A_1703, %swap3A_1704] {strides = array<i32>} : memref<24x128xi32, #tpu.memory_space<vmem>>, vector<1x16xi32>,
    %swap3A_1706 = vector.shape_cast %swap3A_1705 : vector<1x16xi32> to vector<16xi32>
    %swap3A_1707 = vector.shape_cast %select_n3A_1701 : vector<16xi32> to vector<1x16xi32>
    tpu.vector_store %arg5[%swap3A_1703, %swap3A_1704], %swap3A_1707 {strides = array<i32>} : memref<24x128xi32, #tpu.memory_space<vmem>>, vector<1x16xi32>,
    %get3A_1708 = arith.constant 11 : i32
    %get3A_1709 = arith.index_cast %get3A_1708 : i32 to index
    %get3A_1710 = arith.constant 112 : index
    %get3A_1711 = tpu.vector_load %arg5[%get3A_1709, %get3A_1710] {strides = array<i32>} : memref<24x128xi32, #tpu.memory_space<vmem>>, vector<1x16xi32>,
    %get3A_1712 = vector.shape_cast %get3A_1711 : vector<1x16xi32> to vector<16xi32>
    %ge3A_1713 = arith.constant 503808 : i32
    %ge3A_1714 = vector.broadcast %ge3A_1713 : i32 to vector<16xi32>
    %ge3A_1715 = arith.cmpi sge, %get3A_1712, %ge3A_1714 : vector<16xi32>
    %sub3A_1716 = arith.constant 503808 : i32
    %sub3A_1717 = vector.broadcast %sub3A_1716 : i32 to vector<16xi32>
    %sub3A_1718 = arith.subi %get3A_1712, %sub3A_1717 : vector<16xi32>
    %select_n3A_1719 = arith.select %ge3A_1715, %sub3A_1718, %get3A_1712 : vector<16xi1>, vector<16xi32>
    %swap3A_1720 = arith.constant 11 : i32
    %swap3A_1721 = arith.index_cast %swap3A_1720 : i32 to index
    %swap3A_1722 = arith.constant 112 : index
    %swap3A_1723 = tpu.vector_load %arg5[%swap3A_1721, %swap3A_1722] {strides = array<i32>} : memref<24x128xi32, #tpu.memory_space<vmem>>, vector<1x16xi32>,
    %swap3A_1724 = vector.shape_cast %swap3A_1723 : vector<1x16xi32> to vector<16xi32>
    %swap3A_1725 = vector.shape_cast %select_n3A_1719 : vector<16xi32> to vector<1x16xi32>
    tpu.vector_store %arg5[%swap3A_1721, %swap3A_1722], %swap3A_1725 {strides = array<i32>} : memref<24x128xi32, #tpu.memory_space<vmem>>, vector<1x16xi32>,
    %get3A_1726 = arith.constant 12 : i32
    %get3A_1727 = arith.index_cast %get3A_1726 : i32 to index
    %get3A_1728 = arith.constant 0 : index
    %get3A_1729 = tpu.vector_load %arg5[%get3A_1727, %get3A_1728] {strides = array<i32>} : memref<24x128xi32, #tpu.memory_space<vmem>>, vector<1x16xi32>,
    %get3A_1730 = vector.shape_cast %get3A_1729 : vector<1x16xi32> to vector<16xi32>
    %ge3A_1731 = arith.constant 503808 : i32
    %ge3A_1732 = vector.broadcast %ge3A_1731 : i32 to vector<16xi32>
    %ge3A_1733 = arith.cmpi sge, %get3A_1730, %ge3A_1732 : vector<16xi32>
    %sub3A_1734 = arith.constant 503808 : i32
    %sub3A_1735 = vector.broadcast %sub3A_1734 : i32 to vector<16xi32>
    %sub3A_1736 = arith.subi %get3A_1730, %sub3A_1735 : vector<16xi32>
    %select_n3A_1737 = arith.select %ge3A_1733, %sub3A_1736, %get3A_1730 : vector<16xi1>, vector<16xi32>
    %swap3A_1738 = arith.constant 12 : i32
    %swap3A_1739 = arith.index_cast %swap3A_1738 : i32 to index
    %swap3A_1740 = arith.constant 0 : index
    %swap3A_1741 = tpu.vector_load %arg5[%swap3A_1739, %swap3A_1740] {strides = array<i32>} : memref<24x128xi32, #tpu.memory_space<vmem>>, vector<1x16xi32>,
    %swap3A_1742 = vector.shape_cast %swap3A_1741 : vector<1x16xi32> to vector<16xi32>
    %swap3A_1743 = vector.shape_cast %select_n3A_1737 : vector<16xi32> to vector<1x16xi32>
    tpu.vector_store %arg5[%swap3A_1739, %swap3A_1740], %swap3A_1743 {strides = array<i32>} : memref<24x128xi32, #tpu.memory_space<vmem>>, vector<1x16xi32>,
    %get3A_1744 = arith.constant 12 : i32
    %get3A_1745 = arith.index_cast %get3A_1744 : i32 to index
    %get3A_1746 = arith.constant 16 : index
    %get3A_1747 = tpu.vector_load %arg5[%get3A_1745, %get3A_1746] {strides = array<i32>} : memref<24x128xi32, #tpu.memory_space<vmem>>, vector<1x16xi32>,
    %get3A_1748 = vector.shape_cast %get3A_1747 : vector<1x16xi32> to vector<16xi32>
    %ge3A_1749 = arith.constant 503808 : i32
    %ge3A_1750 = vector.broadcast %ge3A_1749 : i32 to vector<16xi32>
    %ge3A_1751 = arith.cmpi sge, %get3A_1748, %ge3A_1750 : vector<16xi32>
    %sub3A_1752 = arith.constant 503808 : i32
    %sub3A_1753 = vector.broadcast %sub3A_1752 : i32 to vector<16xi32>
    %sub3A_1754 = arith.subi %get3A_1748, %sub3A_1753 : vector<16xi32>
    %select_n3A_1755 = arith.select %ge3A_1751, %sub3A_1754, %get3A_1748 : vector<16xi1>, vector<16xi32>
    %swap3A_1756 = arith.constant 12 : i32
    %swap3A_1757 = arith.index_cast %swap3A_1756 : i32 to index
    %swap3A_1758 = arith.constant 16 : index
    %swap3A_1759 = tpu.vector_load %arg5[%swap3A_1757, %swap3A_1758] {strides = array<i32>} : memref<24x128xi32, #tpu.memory_space<vmem>>, vector<1x16xi32>,
    %swap3A_1760 = vector.shape_cast %swap3A_1759 : vector<1x16xi32> to vector<16xi32>
    %swap3A_1761 = vector.shape_cast %select_n3A_1755 : vector<16xi32> to vector<1x16xi32>
    tpu.vector_store %arg5[%swap3A_1757, %swap3A_1758], %swap3A_1761 {strides = array<i32>} : memref<24x128xi32, #tpu.memory_space<vmem>>, vector<1x16xi32>,
    %get3A_1762 = arith.constant 12 : i32
    %get3A_1763 = arith.index_cast %get3A_1762 : i32 to index
    %get3A_1764 = arith.constant 32 : index
    %get3A_1765 = tpu.vector_load %arg5[%get3A_1763, %get3A_1764] {strides = array<i32>} : memref<24x128xi32, #tpu.memory_space<vmem>>, vector<1x16xi32>,
    %get3A_1766 = vector.shape_cast %get3A_1765 : vector<1x16xi32> to vector<16xi32>
    %ge3A_1767 = arith.constant 503808 : i32
    %ge3A_1768 = vector.broadcast %ge3A_1767 : i32 to vector<16xi32>
    %ge3A_1769 = arith.cmpi sge, %get3A_1766, %ge3A_1768 : vector<16xi32>
    %sub3A_1770 = arith.constant 503808 : i32
    %sub3A_1771 = vector.broadcast %sub3A_1770 : i32 to vector<16xi32>
    %sub3A_1772 = arith.subi %get3A_1766, %sub3A_1771 : vector<16xi32>
    %select_n3A_1773 = arith.select %ge3A_1769, %sub3A_1772, %get3A_1766 : vector<16xi1>, vector<16xi32>
    %swap3A_1774 = arith.constant 12 : i32
    %swap3A_1775 = arith.index_cast %swap3A_1774 : i32 to index
    %swap3A_1776 = arith.constant 32 : index
    %swap3A_1777 = tpu.vector_load %arg5[%swap3A_1775, %swap3A_1776] {strides = array<i32>} : memref<24x128xi32, #tpu.memory_space<vmem>>, vector<1x16xi32>,
    %swap3A_1778 = vector.shape_cast %swap3A_1777 : vector<1x16xi32> to vector<16xi32>
    %swap3A_1779 = vector.shape_cast %select_n3A_1773 : vector<16xi32> to vector<1x16xi32>
    tpu.vector_store %arg5[%swap3A_1775, %swap3A_1776], %swap3A_1779 {strides = array<i32>} : memref<24x128xi32, #tpu.memory_space<vmem>>, vector<1x16xi32>,
    %get3A_1780 = arith.constant 12 : i32
    %get3A_1781 = arith.index_cast %get3A_1780 : i32 to index
    %get3A_1782 = arith.constant 48 : index
    %get3A_1783 = tpu.vector_load %arg5[%get3A_1781, %get3A_1782] {strides = array<i32>} : memref<24x128xi32, #tpu.memory_space<vmem>>, vector<1x16xi32>,
    %get3A_1784 = vector.shape_cast %get3A_1783 : vector<1x16xi32> to vector<16xi32>
    %ge3A_1785 = arith.constant 503808 : i32
    %ge3A_1786 = vector.broadcast %ge3A_1785 : i32 to vector<16xi32>
    %ge3A_1787 = arith.cmpi sge, %get3A_1784, %ge3A_1786 : vector<16xi32>
    %sub3A_1788 = arith.constant 503808 : i32
    %sub3A_1789 = vector.broadcast %sub3A_1788 : i32 to vector<16xi32>
    %sub3A_1790 = arith.subi %get3A_1784, %sub3A_1789 : vector<16xi32>
    %select_n3A_1791 = arith.select %ge3A_1787, %sub3A_1790, %get3A_1784 : vector<16xi1>, vector<16xi32>
    %swap3A_1792 = arith.constant 12 : i32
    %swap3A_1793 = arith.index_cast %swap3A_1792 : i32 to index
    %swap3A_1794 = arith.constant 48 : index
    %swap3A_1795 = tpu.vector_load %arg5[%swap3A_1793, %swap3A_1794] {strides = array<i32>} : memref<24x128xi32, #tpu.memory_space<vmem>>, vector<1x16xi32>,
    %swap3A_1796 = vector.shape_cast %swap3A_1795 : vector<1x16xi32> to vector<16xi32>
    %swap3A_1797 = vector.shape_cast %select_n3A_1791 : vector<16xi32> to vector<1x16xi32>
    tpu.vector_store %arg5[%swap3A_1793, %swap3A_1794], %swap3A_1797 {strides = array<i32>} : memref<24x128xi32, #tpu.memory_space<vmem>>, vector<1x16xi32>,
    %get3A_1798 = arith.constant 12 : i32
    %get3A_1799 = arith.index_cast %get3A_1798 : i32 to index
    %get3A_1800 = arith.constant 64 : index
    %get3A_1801 = tpu.vector_load %arg5[%get3A_1799, %get3A_1800] {strides = array<i32>} : memref<24x128xi32, #tpu.memory_space<vmem>>, vector<1x16xi32>,
    %get3A_1802 = vector.shape_cast %get3A_1801 : vector<1x16xi32> to vector<16xi32>
    %ge3A_1803 = arith.constant 503808 : i32
    %ge3A_1804 = vector.broadcast %ge3A_1803 : i32 to vector<16xi32>
    %ge3A_1805 = arith.cmpi sge, %get3A_1802, %ge3A_1804 : vector<16xi32>
    %sub3A_1806 = arith.constant 503808 : i32
    %sub3A_1807 = vector.broadcast %sub3A_1806 : i32 to vector<16xi32>
    %sub3A_1808 = arith.subi %get3A_1802, %sub3A_1807 : vector<16xi32>
    %select_n3A_1809 = arith.select %ge3A_1805, %sub3A_1808, %get3A_1802 : vector<16xi1>, vector<16xi32>
    %swap3A_1810 = arith.constant 12 : i32
    %swap3A_1811 = arith.index_cast %swap3A_1810 : i32 to index
    %swap3A_1812 = arith.constant 64 : index
    %swap3A_1813 = tpu.vector_load %arg5[%swap3A_1811, %swap3A_1812] {strides = array<i32>} : memref<24x128xi32, #tpu.memory_space<vmem>>, vector<1x16xi32>,
    %swap3A_1814 = vector.shape_cast %swap3A_1813 : vector<1x16xi32> to vector<16xi32>
    %swap3A_1815 = vector.shape_cast %select_n3A_1809 : vector<16xi32> to vector<1x16xi32>
    tpu.vector_store %arg5[%swap3A_1811, %swap3A_1812], %swap3A_1815 {strides = array<i32>} : memref<24x128xi32, #tpu.memory_space<vmem>>, vector<1x16xi32>,
    %get3A_1816 = arith.constant 12 : i32
    %get3A_1817 = arith.index_cast %get3A_1816 : i32 to index
    %get3A_1818 = arith.constant 80 : index
    %get3A_1819 = tpu.vector_load %arg5[%get3A_1817, %get3A_1818] {strides = array<i32>} : memref<24x128xi32, #tpu.memory_space<vmem>>, vector<1x16xi32>,
    %get3A_1820 = vector.shape_cast %get3A_1819 : vector<1x16xi32> to vector<16xi32>
    %ge3A_1821 = arith.constant 503808 : i32
    %ge3A_1822 = vector.broadcast %ge3A_1821 : i32 to vector<16xi32>
    %ge3A_1823 = arith.cmpi sge, %get3A_1820, %ge3A_1822 : vector<16xi32>
    %sub3A_1824 = arith.constant 503808 : i32
    %sub3A_1825 = vector.broadcast %sub3A_1824 : i32 to vector<16xi32>
    %sub3A_1826 = arith.subi %get3A_1820, %sub3A_1825 : vector<16xi32>
    %select_n3A_1827 = arith.select %ge3A_1823, %sub3A_1826, %get3A_1820 : vector<16xi1>, vector<16xi32>
    %swap3A_1828 = arith.constant 12 : i32
    %swap3A_1829 = arith.index_cast %swap3A_1828 : i32 to index
    %swap3A_1830 = arith.constant 80 : index
    %swap3A_1831 = tpu.vector_load %arg5[%swap3A_1829, %swap3A_1830] {strides = array<i32>} : memref<24x128xi32, #tpu.memory_space<vmem>>, vector<1x16xi32>,
    %swap3A_1832 = vector.shape_cast %swap3A_1831 : vector<1x16xi32> to vector<16xi32>
    %swap3A_1833 = vector.shape_cast %select_n3A_1827 : vector<16xi32> to vector<1x16xi32>
    tpu.vector_store %arg5[%swap3A_1829, %swap3A_1830], %swap3A_1833 {strides = array<i32>} : memref<24x128xi32, #tpu.memory_space<vmem>>, vector<1x16xi32>,
    %get3A_1834 = arith.constant 12 : i32
    %get3A_1835 = arith.index_cast %get3A_1834 : i32 to index
    %get3A_1836 = arith.constant 96 : index
    %get3A_1837 = tpu.vector_load %arg5[%get3A_1835, %get3A_1836] {strides = array<i32>} : memref<24x128xi32, #tpu.memory_space<vmem>>, vector<1x16xi32>,
    %get3A_1838 = vector.shape_cast %get3A_1837 : vector<1x16xi32> to vector<16xi32>
    %ge3A_1839 = arith.constant 503808 : i32
    %ge3A_1840 = vector.broadcast %ge3A_1839 : i32 to vector<16xi32>
    %ge3A_1841 = arith.cmpi sge, %get3A_1838, %ge3A_1840 : vector<16xi32>
    %sub3A_1842 = arith.constant 503808 : i32
    %sub3A_1843 = vector.broadcast %sub3A_1842 : i32 to vector<16xi32>
    %sub3A_1844 = arith.subi %get3A_1838, %sub3A_1843 : vector<16xi32>
    %select_n3A_1845 = arith.select %ge3A_1841, %sub3A_1844, %get3A_1838 : vector<16xi1>, vector<16xi32>
    %swap3A_1846 = arith.constant 12 : i32
    %swap3A_1847 = arith.index_cast %swap3A_1846 : i32 to index
    %swap3A_1848 = arith.constant 96 : index
    %swap3A_1849 = tpu.vector_load %arg5[%swap3A_1847, %swap3A_1848] {strides = array<i32>} : memref<24x128xi32, #tpu.memory_space<vmem>>, vector<1x16xi32>,
    %swap3A_1850 = vector.shape_cast %swap3A_1849 : vector<1x16xi32> to vector<16xi32>
    %swap3A_1851 = vector.shape_cast %select_n3A_1845 : vector<16xi32> to vector<1x16xi32>
    tpu.vector_store %arg5[%swap3A_1847, %swap3A_1848], %swap3A_1851 {strides = array<i32>} : memref<24x128xi32, #tpu.memory_space<vmem>>, vector<1x16xi32>,
    %get3A_1852 = arith.constant 12 : i32
    %get3A_1853 = arith.index_cast %get3A_1852 : i32 to index
    %get3A_1854 = arith.constant 112 : index
    %get3A_1855 = tpu.vector_load %arg5[%get3A_1853, %get3A_1854] {strides = array<i32>} : memref<24x128xi32, #tpu.memory_space<vmem>>, vector<1x16xi32>,
    %get3A_1856 = vector.shape_cast %get3A_1855 : vector<1x16xi32> to vector<16xi32>
    %ge3A_1857 = arith.constant 503808 : i32
    %ge3A_1858 = vector.broadcast %ge3A_1857 : i32 to vector<16xi32>
    %ge3A_1859 = arith.cmpi sge, %get3A_1856, %ge3A_1858 : vector<16xi32>
    %sub3A_1860 = arith.constant 503808 : i32
    %sub3A_1861 = vector.broadcast %sub3A_1860 : i32 to vector<16xi32>
    %sub3A_1862 = arith.subi %get3A_1856, %sub3A_1861 : vector<16xi32>
    %select_n3A_1863 = arith.select %ge3A_1859, %sub3A_1862, %get3A_1856 : vector<16xi1>, vector<16xi32>
    %swap3A_1864 = arith.constant 12 : i32
    %swap3A_1865 = arith.index_cast %swap3A_1864 : i32 to index
    %swap3A_1866 = arith.constant 112 : index
    %swap3A_1867 = tpu.vector_load %arg5[%swap3A_1865, %swap3A_1866] {strides = array<i32>} : memref<24x128xi32, #tpu.memory_space<vmem>>, vector<1x16xi32>,
    %swap3A_1868 = vector.shape_cast %swap3A_1867 : vector<1x16xi32> to vector<16xi32>
    %swap3A_1869 = vector.shape_cast %select_n3A_1863 : vector<16xi32> to vector<1x16xi32>
    tpu.vector_store %arg5[%swap3A_1865, %swap3A_1866], %swap3A_1869 {strides = array<i32>} : memref<24x128xi32, #tpu.memory_space<vmem>>, vector<1x16xi32>,
    %get3A_1870 = arith.constant 13 : i32
    %get3A_1871 = arith.index_cast %get3A_1870 : i32 to index
    %get3A_1872 = arith.constant 0 : index
    %get3A_1873 = tpu.vector_load %arg5[%get3A_1871, %get3A_1872] {strides = array<i32>} : memref<24x128xi32, #tpu.memory_space<vmem>>, vector<1x16xi32>,
    %get3A_1874 = vector.shape_cast %get3A_1873 : vector<1x16xi32> to vector<16xi32>
    %ge3A_1875 = arith.constant 503808 : i32
    %ge3A_1876 = vector.broadcast %ge3A_1875 : i32 to vector<16xi32>
    %ge3A_1877 = arith.cmpi sge, %get3A_1874, %ge3A_1876 : vector<16xi32>
    %sub3A_1878 = arith.constant 503808 : i32
    %sub3A_1879 = vector.broadcast %sub3A_1878 : i32 to vector<16xi32>
    %sub3A_1880 = arith.subi %get3A_1874, %sub3A_1879 : vector<16xi32>
    %select_n3A_1881 = arith.select %ge3A_1877, %sub3A_1880, %get3A_1874 : vector<16xi1>, vector<16xi32>
    %swap3A_1882 = arith.constant 13 : i32
    %swap3A_1883 = arith.index_cast %swap3A_1882 : i32 to index
    %swap3A_1884 = arith.constant 0 : index
    %swap3A_1885 = tpu.vector_load %arg5[%swap3A_1883, %swap3A_1884] {strides = array<i32>} : memref<24x128xi32, #tpu.memory_space<vmem>>, vector<1x16xi32>,
    %swap3A_1886 = vector.shape_cast %swap3A_1885 : vector<1x16xi32> to vector<16xi32>
    %swap3A_1887 = vector.shape_cast %select_n3A_1881 : vector<16xi32> to vector<1x16xi32>
    tpu.vector_store %arg5[%swap3A_1883, %swap3A_1884], %swap3A_1887 {strides = array<i32>} : memref<24x128xi32, #tpu.memory_space<vmem>>, vector<1x16xi32>,
    %get3A_1888 = arith.constant 13 : i32
    %get3A_1889 = arith.index_cast %get3A_1888 : i32 to index
    %get3A_1890 = arith.constant 16 : index
    %get3A_1891 = tpu.vector_load %arg5[%get3A_1889, %get3A_1890] {strides = array<i32>} : memref<24x128xi32, #tpu.memory_space<vmem>>, vector<1x16xi32>,
    %get3A_1892 = vector.shape_cast %get3A_1891 : vector<1x16xi32> to vector<16xi32>
    %ge3A_1893 = arith.constant 503808 : i32
    %ge3A_1894 = vector.broadcast %ge3A_1893 : i32 to vector<16xi32>
    %ge3A_1895 = arith.cmpi sge, %get3A_1892, %ge3A_1894 : vector<16xi32>
    %sub3A_1896 = arith.constant 503808 : i32
    %sub3A_1897 = vector.broadcast %sub3A_1896 : i32 to vector<16xi32>
    %sub3A_1898 = arith.subi %get3A_1892, %sub3A_1897 : vector<16xi32>
    %select_n3A_1899 = arith.select %ge3A_1895, %sub3A_1898, %get3A_1892 : vector<16xi1>, vector<16xi32>
    %swap3A_1900 = arith.constant 13 : i32
    %swap3A_1901 = arith.index_cast %swap3A_1900 : i32 to index
    %swap3A_1902 = arith.constant 16 : index
    %swap3A_1903 = tpu.vector_load %arg5[%swap3A_1901, %swap3A_1902] {strides = array<i32>} : memref<24x128xi32, #tpu.memory_space<vmem>>, vector<1x16xi32>,
    %swap3A_1904 = vector.shape_cast %swap3A_1903 : vector<1x16xi32> to vector<16xi32>
    %swap3A_1905 = vector.shape_cast %select_n3A_1899 : vector<16xi32> to vector<1x16xi32>
    tpu.vector_store %arg5[%swap3A_1901, %swap3A_1902], %swap3A_1905 {strides = array<i32>} : memref<24x128xi32, #tpu.memory_space<vmem>>, vector<1x16xi32>,
    %get3A_1906 = arith.constant 13 : i32
    %get3A_1907 = arith.index_cast %get3A_1906 : i32 to index
    %get3A_1908 = arith.constant 32 : index
    %get3A_1909 = tpu.vector_load %arg5[%get3A_1907, %get3A_1908] {strides = array<i32>} : memref<24x128xi32, #tpu.memory_space<vmem>>, vector<1x16xi32>,
    %get3A_1910 = vector.shape_cast %get3A_1909 : vector<1x16xi32> to vector<16xi32>
    %ge3A_1911 = arith.constant 503808 : i32
    %ge3A_1912 = vector.broadcast %ge3A_1911 : i32 to vector<16xi32>
    %ge3A_1913 = arith.cmpi sge, %get3A_1910, %ge3A_1912 : vector<16xi32>
    %sub3A_1914 = arith.constant 503808 : i32
    %sub3A_1915 = vector.broadcast %sub3A_1914 : i32 to vector<16xi32>
    %sub3A_1916 = arith.subi %get3A_1910, %sub3A_1915 : vector<16xi32>
    %select_n3A_1917 = arith.select %ge3A_1913, %sub3A_1916, %get3A_1910 : vector<16xi1>, vector<16xi32>
    %swap3A_1918 = arith.constant 13 : i32
    %swap3A_1919 = arith.index_cast %swap3A_1918 : i32 to index
    %swap3A_1920 = arith.constant 32 : index
    %swap3A_1921 = tpu.vector_load %arg5[%swap3A_1919, %swap3A_1920] {strides = array<i32>} : memref<24x128xi32, #tpu.memory_space<vmem>>, vector<1x16xi32>,
    %swap3A_1922 = vector.shape_cast %swap3A_1921 : vector<1x16xi32> to vector<16xi32>
    %swap3A_1923 = vector.shape_cast %select_n3A_1917 : vector<16xi32> to vector<1x16xi32>
    tpu.vector_store %arg5[%swap3A_1919, %swap3A_1920], %swap3A_1923 {strides = array<i32>} : memref<24x128xi32, #tpu.memory_space<vmem>>, vector<1x16xi32>,
    %get3A_1924 = arith.constant 13 : i32
    %get3A_1925 = arith.index_cast %get3A_1924 : i32 to index
    %get3A_1926 = arith.constant 48 : index
    %get3A_1927 = tpu.vector_load %arg5[%get3A_1925, %get3A_1926] {strides = array<i32>} : memref<24x128xi32, #tpu.memory_space<vmem>>, vector<1x16xi32>,
    %get3A_1928 = vector.shape_cast %get3A_1927 : vector<1x16xi32> to vector<16xi32>
    %ge3A_1929 = arith.constant 503808 : i32
    %ge3A_1930 = vector.broadcast %ge3A_1929 : i32 to vector<16xi32>
    %ge3A_1931 = arith.cmpi sge, %get3A_1928, %ge3A_1930 : vector<16xi32>
    %sub3A_1932 = arith.constant 503808 : i32
    %sub3A_1933 = vector.broadcast %sub3A_1932 : i32 to vector<16xi32>
    %sub3A_1934 = arith.subi %get3A_1928, %sub3A_1933 : vector<16xi32>
    %select_n3A_1935 = arith.select %ge3A_1931, %sub3A_1934, %get3A_1928 : vector<16xi1>, vector<16xi32>
    %swap3A_1936 = arith.constant 13 : i32
    %swap3A_1937 = arith.index_cast %swap3A_1936 : i32 to index
    %swap3A_1938 = arith.constant 48 : index
    %swap3A_1939 = tpu.vector_load %arg5[%swap3A_1937, %swap3A_1938] {strides = array<i32>} : memref<24x128xi32, #tpu.memory_space<vmem>>, vector<1x16xi32>,
    %swap3A_1940 = vector.shape_cast %swap3A_1939 : vector<1x16xi32> to vector<16xi32>
    %swap3A_1941 = vector.shape_cast %select_n3A_1935 : vector<16xi32> to vector<1x16xi32>
    tpu.vector_store %arg5[%swap3A_1937, %swap3A_1938], %swap3A_1941 {strides = array<i32>} : memref<24x128xi32, #tpu.memory_space<vmem>>, vector<1x16xi32>,
    %get3A_1942 = arith.constant 13 : i32
    %get3A_1943 = arith.index_cast %get3A_1942 : i32 to index
    %get3A_1944 = arith.constant 64 : index
    %get3A_1945 = tpu.vector_load %arg5[%get3A_1943, %get3A_1944] {strides = array<i32>} : memref<24x128xi32, #tpu.memory_space<vmem>>, vector<1x16xi32>,
    %get3A_1946 = vector.shape_cast %get3A_1945 : vector<1x16xi32> to vector<16xi32>
    %ge3A_1947 = arith.constant 503808 : i32
    %ge3A_1948 = vector.broadcast %ge3A_1947 : i32 to vector<16xi32>
    %ge3A_1949 = arith.cmpi sge, %get3A_1946, %ge3A_1948 : vector<16xi32>
    %sub3A_1950 = arith.constant 503808 : i32
    %sub3A_1951 = vector.broadcast %sub3A_1950 : i32 to vector<16xi32>
    %sub3A_1952 = arith.subi %get3A_1946, %sub3A_1951 : vector<16xi32>
    %select_n3A_1953 = arith.select %ge3A_1949, %sub3A_1952, %get3A_1946 : vector<16xi1>, vector<16xi32>
    %swap3A_1954 = arith.constant 13 : i32
    %swap3A_1955 = arith.index_cast %swap3A_1954 : i32 to index
    %swap3A_1956 = arith.constant 64 : index
    %swap3A_1957 = tpu.vector_load %arg5[%swap3A_1955, %swap3A_1956] {strides = array<i32>} : memref<24x128xi32, #tpu.memory_space<vmem>>, vector<1x16xi32>,
    %swap3A_1958 = vector.shape_cast %swap3A_1957 : vector<1x16xi32> to vector<16xi32>
    %swap3A_1959 = vector.shape_cast %select_n3A_1953 : vector<16xi32> to vector<1x16xi32>
    tpu.vector_store %arg5[%swap3A_1955, %swap3A_1956], %swap3A_1959 {strides = array<i32>} : memref<24x128xi32, #tpu.memory_space<vmem>>, vector<1x16xi32>,
    %get3A_1960 = arith.constant 13 : i32
    %get3A_1961 = arith.index_cast %get3A_1960 : i32 to index
    %get3A_1962 = arith.constant 80 : index
    %get3A_1963 = tpu.vector_load %arg5[%get3A_1961, %get3A_1962] {strides = array<i32>} : memref<24x128xi32, #tpu.memory_space<vmem>>, vector<1x16xi32>,
    %get3A_1964 = vector.shape_cast %get3A_1963 : vector<1x16xi32> to vector<16xi32>
    %ge3A_1965 = arith.constant 503808 : i32
    %ge3A_1966 = vector.broadcast %ge3A_1965 : i32 to vector<16xi32>
    %ge3A_1967 = arith.cmpi sge, %get3A_1964, %ge3A_1966 : vector<16xi32>
    %sub3A_1968 = arith.constant 503808 : i32
    %sub3A_1969 = vector.broadcast %sub3A_1968 : i32 to vector<16xi32>
    %sub3A_1970 = arith.subi %get3A_1964, %sub3A_1969 : vector<16xi32>
    %select_n3A_1971 = arith.select %ge3A_1967, %sub3A_1970, %get3A_1964 : vector<16xi1>, vector<16xi32>
    %swap3A_1972 = arith.constant 13 : i32
    %swap3A_1973 = arith.index_cast %swap3A_1972 : i32 to index
    %swap3A_1974 = arith.constant 80 : index
    %swap3A_1975 = tpu.vector_load %arg5[%swap3A_1973, %swap3A_1974] {strides = array<i32>} : memref<24x128xi32, #tpu.memory_space<vmem>>, vector<1x16xi32>,
    %swap3A_1976 = vector.shape_cast %swap3A_1975 : vector<1x16xi32> to vector<16xi32>
    %swap3A_1977 = vector.shape_cast %select_n3A_1971 : vector<16xi32> to vector<1x16xi32>
    tpu.vector_store %arg5[%swap3A_1973, %swap3A_1974], %swap3A_1977 {strides = array<i32>} : memref<24x128xi32, #tpu.memory_space<vmem>>, vector<1x16xi32>,
    %get3A_1978 = arith.constant 13 : i32
    %get3A_1979 = arith.index_cast %get3A_1978 : i32 to index
    %get3A_1980 = arith.constant 96 : index
    %get3A_1981 = tpu.vector_load %arg5[%get3A_1979, %get3A_1980] {strides = array<i32>} : memref<24x128xi32, #tpu.memory_space<vmem>>, vector<1x16xi32>,
    %get3A_1982 = vector.shape_cast %get3A_1981 : vector<1x16xi32> to vector<16xi32>
    %ge3A_1983 = arith.constant 503808 : i32
    %ge3A_1984 = vector.broadcast %ge3A_1983 : i32 to vector<16xi32>
    %ge3A_1985 = arith.cmpi sge, %get3A_1982, %ge3A_1984 : vector<16xi32>
    %sub3A_1986 = arith.constant 503808 : i32
    %sub3A_1987 = vector.broadcast %sub3A_1986 : i32 to vector<16xi32>
    %sub3A_1988 = arith.subi %get3A_1982, %sub3A_1987 : vector<16xi32>
    %select_n3A_1989 = arith.select %ge3A_1985, %sub3A_1988, %get3A_1982 : vector<16xi1>, vector<16xi32>
    %swap3A_1990 = arith.constant 13 : i32
    %swap3A_1991 = arith.index_cast %swap3A_1990 : i32 to index
    %swap3A_1992 = arith.constant 96 : index
    %swap3A_1993 = tpu.vector_load %arg5[%swap3A_1991, %swap3A_1992] {strides = array<i32>} : memref<24x128xi32, #tpu.memory_space<vmem>>, vector<1x16xi32>,
    %swap3A_1994 = vector.shape_cast %swap3A_1993 : vector<1x16xi32> to vector<16xi32>
    %swap3A_1995 = vector.shape_cast %select_n3A_1989 : vector<16xi32> to vector<1x16xi32>
    tpu.vector_store %arg5[%swap3A_1991, %swap3A_1992], %swap3A_1995 {strides = array<i32>} : memref<24x128xi32, #tpu.memory_space<vmem>>, vector<1x16xi32>,
    %get3A_1996 = arith.constant 13 : i32
    %get3A_1997 = arith.index_cast %get3A_1996 : i32 to index
    %get3A_1998 = arith.constant 112 : index
    %get3A_1999 = tpu.vector_load %arg5[%get3A_1997, %get3A_1998] {strides = array<i32>} : memref<24x128xi32, #tpu.memory_space<vmem>>, vector<1x16xi32>,
    %get3A_2000 = vector.shape_cast %get3A_1999 : vector<1x16xi32> to vector<16xi32>
    %ge3A_2001 = arith.constant 503808 : i32
    %ge3A_2002 = vector.broadcast %ge3A_2001 : i32 to vector<16xi32>
    %ge3A_2003 = arith.cmpi sge, %get3A_2000, %ge3A_2002 : vector<16xi32>
    %sub3A_2004 = arith.constant 503808 : i32
    %sub3A_2005 = vector.broadcast %sub3A_2004 : i32 to vector<16xi32>
    %sub3A_2006 = arith.subi %get3A_2000, %sub3A_2005 : vector<16xi32>
    %select_n3A_2007 = arith.select %ge3A_2003, %sub3A_2006, %get3A_2000 : vector<16xi1>, vector<16xi32>
    %swap3A_2008 = arith.constant 13 : i32
    %swap3A_2009 = arith.index_cast %swap3A_2008 : i32 to index
    %swap3A_2010 = arith.constant 112 : index
    %swap3A_2011 = tpu.vector_load %arg5[%swap3A_2009, %swap3A_2010] {strides = array<i32>} : memref<24x128xi32, #tpu.memory_space<vmem>>, vector<1x16xi32>,
    %swap3A_2012 = vector.shape_cast %swap3A_2011 : vector<1x16xi32> to vector<16xi32>
    %swap3A_2013 = vector.shape_cast %select_n3A_2007 : vector<16xi32> to vector<1x16xi32>
    tpu.vector_store %arg5[%swap3A_2009, %swap3A_2010], %swap3A_2013 {strides = array<i32>} : memref<24x128xi32, #tpu.memory_space<vmem>>, vector<1x16xi32>,
    %get3A_2014 = arith.constant 14 : i32
    %get3A_2015 = arith.index_cast %get3A_2014 : i32 to index
    %get3A_2016 = arith.constant 0 : index
    %get3A_2017 = tpu.vector_load %arg5[%get3A_2015, %get3A_2016] {strides = array<i32>} : memref<24x128xi32, #tpu.memory_space<vmem>>, vector<1x16xi32>,
    %get3A_2018 = vector.shape_cast %get3A_2017 : vector<1x16xi32> to vector<16xi32>
    %ge3A_2019 = arith.constant 503808 : i32
    %ge3A_2020 = vector.broadcast %ge3A_2019 : i32 to vector<16xi32>
    %ge3A_2021 = arith.cmpi sge, %get3A_2018, %ge3A_2020 : vector<16xi32>
    %sub3A_2022 = arith.constant 503808 : i32
    %sub3A_2023 = vector.broadcast %sub3A_2022 : i32 to vector<16xi32>
    %sub3A_2024 = arith.subi %get3A_2018, %sub3A_2023 : vector<16xi32>
    %select_n3A_2025 = arith.select %ge3A_2021, %sub3A_2024, %get3A_2018 : vector<16xi1>, vector<16xi32>
    %swap3A_2026 = arith.constant 14 : i32
    %swap3A_2027 = arith.index_cast %swap3A_2026 : i32 to index
    %swap3A_2028 = arith.constant 0 : index
    %swap3A_2029 = tpu.vector_load %arg5[%swap3A_2027, %swap3A_2028] {strides = array<i32>} : memref<24x128xi32, #tpu.memory_space<vmem>>, vector<1x16xi32>,
    %swap3A_2030 = vector.shape_cast %swap3A_2029 : vector<1x16xi32> to vector<16xi32>
    %swap3A_2031 = vector.shape_cast %select_n3A_2025 : vector<16xi32> to vector<1x16xi32>
    tpu.vector_store %arg5[%swap3A_2027, %swap3A_2028], %swap3A_2031 {strides = array<i32>} : memref<24x128xi32, #tpu.memory_space<vmem>>, vector<1x16xi32>,
    %get3A_2032 = arith.constant 14 : i32
    %get3A_2033 = arith.index_cast %get3A_2032 : i32 to index
    %get3A_2034 = arith.constant 16 : index
    %get3A_2035 = tpu.vector_load %arg5[%get3A_2033, %get3A_2034] {strides = array<i32>} : memref<24x128xi32, #tpu.memory_space<vmem>>, vector<1x16xi32>,
    %get3A_2036 = vector.shape_cast %get3A_2035 : vector<1x16xi32> to vector<16xi32>
    %ge3A_2037 = arith.constant 503808 : i32
    %ge3A_2038 = vector.broadcast %ge3A_2037 : i32 to vector<16xi32>
    %ge3A_2039 = arith.cmpi sge, %get3A_2036, %ge3A_2038 : vector<16xi32>
    %sub3A_2040 = arith.constant 503808 : i32
    %sub3A_2041 = vector.broadcast %sub3A_2040 : i32 to vector<16xi32>
    %sub3A_2042 = arith.subi %get3A_2036, %sub3A_2041 : vector<16xi32>
    %select_n3A_2043 = arith.select %ge3A_2039, %sub3A_2042, %get3A_2036 : vector<16xi1>, vector<16xi32>
    %swap3A_2044 = arith.constant 14 : i32
    %swap3A_2045 = arith.index_cast %swap3A_2044 : i32 to index
    %swap3A_2046 = arith.constant 16 : index
    %swap3A_2047 = tpu.vector_load %arg5[%swap3A_2045, %swap3A_2046] {strides = array<i32>} : memref<24x128xi32, #tpu.memory_space<vmem>>, vector<1x16xi32>,
    %swap3A_2048 = vector.shape_cast %swap3A_2047 : vector<1x16xi32> to vector<16xi32>
    %swap3A_2049 = vector.shape_cast %select_n3A_2043 : vector<16xi32> to vector<1x16xi32>
    tpu.vector_store %arg5[%swap3A_2045, %swap3A_2046], %swap3A_2049 {strides = array<i32>} : memref<24x128xi32, #tpu.memory_space<vmem>>, vector<1x16xi32>,
    %get3A_2050 = arith.constant 14 : i32
    %get3A_2051 = arith.index_cast %get3A_2050 : i32 to index
    %get3A_2052 = arith.constant 32 : index
    %get3A_2053 = tpu.vector_load %arg5[%get3A_2051, %get3A_2052] {strides = array<i32>} : memref<24x128xi32, #tpu.memory_space<vmem>>, vector<1x16xi32>,
    %get3A_2054 = vector.shape_cast %get3A_2053 : vector<1x16xi32> to vector<16xi32>
    %ge3A_2055 = arith.constant 503808 : i32
    %ge3A_2056 = vector.broadcast %ge3A_2055 : i32 to vector<16xi32>
    %ge3A_2057 = arith.cmpi sge, %get3A_2054, %ge3A_2056 : vector<16xi32>
    %sub3A_2058 = arith.constant 503808 : i32
    %sub3A_2059 = vector.broadcast %sub3A_2058 : i32 to vector<16xi32>
    %sub3A_2060 = arith.subi %get3A_2054, %sub3A_2059 : vector<16xi32>
    %select_n3A_2061 = arith.select %ge3A_2057, %sub3A_2060, %get3A_2054 : vector<16xi1>, vector<16xi32>
    %swap3A_2062 = arith.constant 14 : i32
    %swap3A_2063 = arith.index_cast %swap3A_2062 : i32 to index
    %swap3A_2064 = arith.constant 32 : index
    %swap3A_2065 = tpu.vector_load %arg5[%swap3A_2063, %swap3A_2064] {strides = array<i32>} : memref<24x128xi32, #tpu.memory_space<vmem>>, vector<1x16xi32>,
    %swap3A_2066 = vector.shape_cast %swap3A_2065 : vector<1x16xi32> to vector<16xi32>
    %swap3A_2067 = vector.shape_cast %select_n3A_2061 : vector<16xi32> to vector<1x16xi32>
    tpu.vector_store %arg5[%swap3A_2063, %swap3A_2064], %swap3A_2067 {strides = array<i32>} : memref<24x128xi32, #tpu.memory_space<vmem>>, vector<1x16xi32>,
    %get3A_2068 = arith.constant 14 : i32
    %get3A_2069 = arith.index_cast %get3A_2068 : i32 to index
    %get3A_2070 = arith.constant 48 : index
    %get3A_2071 = tpu.vector_load %arg5[%get3A_2069, %get3A_2070] {strides = array<i32>} : memref<24x128xi32, #tpu.memory_space<vmem>>, vector<1x16xi32>,
    %get3A_2072 = vector.shape_cast %get3A_2071 : vector<1x16xi32> to vector<16xi32>
    %ge3A_2073 = arith.constant 503808 : i32
    %ge3A_2074 = vector.broadcast %ge3A_2073 : i32 to vector<16xi32>
    %ge3A_2075 = arith.cmpi sge, %get3A_2072, %ge3A_2074 : vector<16xi32>
    %sub3A_2076 = arith.constant 503808 : i32
    %sub3A_2077 = vector.broadcast %sub3A_2076 : i32 to vector<16xi32>
    %sub3A_2078 = arith.subi %get3A_2072, %sub3A_2077 : vector<16xi32>
    %select_n3A_2079 = arith.select %ge3A_2075, %sub3A_2078, %get3A_2072 : vector<16xi1>, vector<16xi32>
    %swap3A_2080 = arith.constant 14 : i32
    %swap3A_2081 = arith.index_cast %swap3A_2080 : i32 to index
    %swap3A_2082 = arith.constant 48 : index
    %swap3A_2083 = tpu.vector_load %arg5[%swap3A_2081, %swap3A_2082] {strides = array<i32>} : memref<24x128xi32, #tpu.memory_space<vmem>>, vector<1x16xi32>,
    %swap3A_2084 = vector.shape_cast %swap3A_2083 : vector<1x16xi32> to vector<16xi32>
    %swap3A_2085 = vector.shape_cast %select_n3A_2079 : vector<16xi32> to vector<1x16xi32>
    tpu.vector_store %arg5[%swap3A_2081, %swap3A_2082], %swap3A_2085 {strides = array<i32>} : memref<24x128xi32, #tpu.memory_space<vmem>>, vector<1x16xi32>,
    %get3A_2086 = arith.constant 14 : i32
    %get3A_2087 = arith.index_cast %get3A_2086 : i32 to index
    %get3A_2088 = arith.constant 64 : index
    %get3A_2089 = tpu.vector_load %arg5[%get3A_2087, %get3A_2088] {strides = array<i32>} : memref<24x128xi32, #tpu.memory_space<vmem>>, vector<1x16xi32>,
    %get3A_2090 = vector.shape_cast %get3A_2089 : vector<1x16xi32> to vector<16xi32>
    %ge3A_2091 = arith.constant 503808 : i32
    %ge3A_2092 = vector.broadcast %ge3A_2091 : i32 to vector<16xi32>
    %ge3A_2093 = arith.cmpi sge, %get3A_2090, %ge3A_2092 : vector<16xi32>
    %sub3A_2094 = arith.constant 503808 : i32
    %sub3A_2095 = vector.broadcast %sub3A_2094 : i32 to vector<16xi32>
    %sub3A_2096 = arith.subi %get3A_2090, %sub3A_2095 : vector<16xi32>
    %select_n3A_2097 = arith.select %ge3A_2093, %sub3A_2096, %get3A_2090 : vector<16xi1>, vector<16xi32>
    %swap3A_2098 = arith.constant 14 : i32
    %swap3A_2099 = arith.index_cast %swap3A_2098 : i32 to index
    %swap3A_2100 = arith.constant 64 : index
    %swap3A_2101 = tpu.vector_load %arg5[%swap3A_2099, %swap3A_2100] {strides = array<i32>} : memref<24x128xi32, #tpu.memory_space<vmem>>, vector<1x16xi32>,
    %swap3A_2102 = vector.shape_cast %swap3A_2101 : vector<1x16xi32> to vector<16xi32>
    %swap3A_2103 = vector.shape_cast %select_n3A_2097 : vector<16xi32> to vector<1x16xi32>
    tpu.vector_store %arg5[%swap3A_2099, %swap3A_2100], %swap3A_2103 {strides = array<i32>} : memref<24x128xi32, #tpu.memory_space<vmem>>, vector<1x16xi32>,
    %get3A_2104 = arith.constant 14 : i32
    %get3A_2105 = arith.index_cast %get3A_2104 : i32 to index
    %get3A_2106 = arith.constant 80 : index
    %get3A_2107 = tpu.vector_load %arg5[%get3A_2105, %get3A_2106] {strides = array<i32>} : memref<24x128xi32, #tpu.memory_space<vmem>>, vector<1x16xi32>,
    %get3A_2108 = vector.shape_cast %get3A_2107 : vector<1x16xi32> to vector<16xi32>
    %ge3A_2109 = arith.constant 503808 : i32
    %ge3A_2110 = vector.broadcast %ge3A_2109 : i32 to vector<16xi32>
    %ge3A_2111 = arith.cmpi sge, %get3A_2108, %ge3A_2110 : vector<16xi32>
    %sub3A_2112 = arith.constant 503808 : i32
    %sub3A_2113 = vector.broadcast %sub3A_2112 : i32 to vector<16xi32>
    %sub3A_2114 = arith.subi %get3A_2108, %sub3A_2113 : vector<16xi32>
    %select_n3A_2115 = arith.select %ge3A_2111, %sub3A_2114, %get3A_2108 : vector<16xi1>, vector<16xi32>
    %swap3A_2116 = arith.constant 14 : i32
    %swap3A_2117 = arith.index_cast %swap3A_2116 : i32 to index
    %swap3A_2118 = arith.constant 80 : index
    %swap3A_2119 = tpu.vector_load %arg5[%swap3A_2117, %swap3A_2118] {strides = array<i32>} : memref<24x128xi32, #tpu.memory_space<vmem>>, vector<1x16xi32>,
    %swap3A_2120 = vector.shape_cast %swap3A_2119 : vector<1x16xi32> to vector<16xi32>
    %swap3A_2121 = vector.shape_cast %select_n3A_2115 : vector<16xi32> to vector<1x16xi32>
    tpu.vector_store %arg5[%swap3A_2117, %swap3A_2118], %swap3A_2121 {strides = array<i32>} : memref<24x128xi32, #tpu.memory_space<vmem>>, vector<1x16xi32>,
    %get3A_2122 = arith.constant 14 : i32
    %get3A_2123 = arith.index_cast %get3A_2122 : i32 to index
    %get3A_2124 = arith.constant 96 : index
    %get3A_2125 = tpu.vector_load %arg5[%get3A_2123, %get3A_2124] {strides = array<i32>} : memref<24x128xi32, #tpu.memory_space<vmem>>, vector<1x16xi32>,
    %get3A_2126 = vector.shape_cast %get3A_2125 : vector<1x16xi32> to vector<16xi32>
    %ge3A_2127 = arith.constant 503808 : i32
    %ge3A_2128 = vector.broadcast %ge3A_2127 : i32 to vector<16xi32>
    %ge3A_2129 = arith.cmpi sge, %get3A_2126, %ge3A_2128 : vector<16xi32>
    %sub3A_2130 = arith.constant 503808 : i32
    %sub3A_2131 = vector.broadcast %sub3A_2130 : i32 to vector<16xi32>
    %sub3A_2132 = arith.subi %get3A_2126, %sub3A_2131 : vector<16xi32>
    %select_n3A_2133 = arith.select %ge3A_2129, %sub3A_2132, %get3A_2126 : vector<16xi1>, vector<16xi32>
    %swap3A_2134 = arith.constant 14 : i32
    %swap3A_2135 = arith.index_cast %swap3A_2134 : i32 to index
    %swap3A_2136 = arith.constant 96 : index
    %swap3A_2137 = tpu.vector_load %arg5[%swap3A_2135, %swap3A_2136] {strides = array<i32>} : memref<24x128xi32, #tpu.memory_space<vmem>>, vector<1x16xi32>,
    %swap3A_2138 = vector.shape_cast %swap3A_2137 : vector<1x16xi32> to vector<16xi32>
    %swap3A_2139 = vector.shape_cast %select_n3A_2133 : vector<16xi32> to vector<1x16xi32>
    tpu.vector_store %arg5[%swap3A_2135, %swap3A_2136], %swap3A_2139 {strides = array<i32>} : memref<24x128xi32, #tpu.memory_space<vmem>>, vector<1x16xi32>,
    %get3A_2140 = arith.constant 14 : i32
    %get3A_2141 = arith.index_cast %get3A_2140 : i32 to index
    %get3A_2142 = arith.constant 112 : index
    %get3A_2143 = tpu.vector_load %arg5[%get3A_2141, %get3A_2142] {strides = array<i32>} : memref<24x128xi32, #tpu.memory_space<vmem>>, vector<1x16xi32>,
    %get3A_2144 = vector.shape_cast %get3A_2143 : vector<1x16xi32> to vector<16xi32>
    %ge3A_2145 = arith.constant 503808 : i32
    %ge3A_2146 = vector.broadcast %ge3A_2145 : i32 to vector<16xi32>
    %ge3A_2147 = arith.cmpi sge, %get3A_2144, %ge3A_2146 : vector<16xi32>
    %sub3A_2148 = arith.constant 503808 : i32
    %sub3A_2149 = vector.broadcast %sub3A_2148 : i32 to vector<16xi32>
    %sub3A_2150 = arith.subi %get3A_2144, %sub3A_2149 : vector<16xi32>
    %select_n3A_2151 = arith.select %ge3A_2147, %sub3A_2150, %get3A_2144 : vector<16xi1>, vector<16xi32>
    %swap3A_2152 = arith.constant 14 : i32
    %swap3A_2153 = arith.index_cast %swap3A_2152 : i32 to index
    %swap3A_2154 = arith.constant 112 : index
    %swap3A_2155 = tpu.vector_load %arg5[%swap3A_2153, %swap3A_2154] {strides = array<i32>} : memref<24x128xi32, #tpu.memory_space<vmem>>, vector<1x16xi32>,
    %swap3A_2156 = vector.shape_cast %swap3A_2155 : vector<1x16xi32> to vector<16xi32>
    %swap3A_2157 = vector.shape_cast %select_n3A_2151 : vector<16xi32> to vector<1x16xi32>
    tpu.vector_store %arg5[%swap3A_2153, %swap3A_2154], %swap3A_2157 {strides = array<i32>} : memref<24x128xi32, #tpu.memory_space<vmem>>, vector<1x16xi32>,
    %get3A_2158 = arith.constant 15 : i32
    %get3A_2159 = arith.index_cast %get3A_2158 : i32 to index
    %get3A_2160 = arith.constant 0 : index
    %get3A_2161 = tpu.vector_load %arg5[%get3A_2159, %get3A_2160] {strides = array<i32>} : memref<24x128xi32, #tpu.memory_space<vmem>>, vector<1x16xi32>,
    %get3A_2162 = vector.shape_cast %get3A_2161 : vector<1x16xi32> to vector<16xi32>
    %ge3A_2163 = arith.constant 503808 : i32
    %ge3A_2164 = vector.broadcast %ge3A_2163 : i32 to vector<16xi32>
    %ge3A_2165 = arith.cmpi sge, %get3A_2162, %ge3A_2164 : vector<16xi32>
    %sub3A_2166 = arith.constant 503808 : i32
    %sub3A_2167 = vector.broadcast %sub3A_2166 : i32 to vector<16xi32>
    %sub3A_2168 = arith.subi %get3A_2162, %sub3A_2167 : vector<16xi32>
    %select_n3A_2169 = arith.select %ge3A_2165, %sub3A_2168, %get3A_2162 : vector<16xi1>, vector<16xi32>
    %swap3A_2170 = arith.constant 15 : i32
    %swap3A_2171 = arith.index_cast %swap3A_2170 : i32 to index
    %swap3A_2172 = arith.constant 0 : index
    %swap3A_2173 = tpu.vector_load %arg5[%swap3A_2171, %swap3A_2172] {strides = array<i32>} : memref<24x128xi32, #tpu.memory_space<vmem>>, vector<1x16xi32>,
    %swap3A_2174 = vector.shape_cast %swap3A_2173 : vector<1x16xi32> to vector<16xi32>
    %swap3A_2175 = vector.shape_cast %select_n3A_2169 : vector<16xi32> to vector<1x16xi32>
    tpu.vector_store %arg5[%swap3A_2171, %swap3A_2172], %swap3A_2175 {strides = array<i32>} : memref<24x128xi32, #tpu.memory_space<vmem>>, vector<1x16xi32>,
    %get3A_2176 = arith.constant 15 : i32
    %get3A_2177 = arith.index_cast %get3A_2176 : i32 to index
    %get3A_2178 = arith.constant 16 : index
    %get3A_2179 = tpu.vector_load %arg5[%get3A_2177, %get3A_2178] {strides = array<i32>} : memref<24x128xi32, #tpu.memory_space<vmem>>, vector<1x16xi32>,
    %get3A_2180 = vector.shape_cast %get3A_2179 : vector<1x16xi32> to vector<16xi32>
    %ge3A_2181 = arith.constant 503808 : i32
    %ge3A_2182 = vector.broadcast %ge3A_2181 : i32 to vector<16xi32>
    %ge3A_2183 = arith.cmpi sge, %get3A_2180, %ge3A_2182 : vector<16xi32>
    %sub3A_2184 = arith.constant 503808 : i32
    %sub3A_2185 = vector.broadcast %sub3A_2184 : i32 to vector<16xi32>
    %sub3A_2186 = arith.subi %get3A_2180, %sub3A_2185 : vector<16xi32>
    %select_n3A_2187 = arith.select %ge3A_2183, %sub3A_2186, %get3A_2180 : vector<16xi1>, vector<16xi32>
    %swap3A_2188 = arith.constant 15 : i32
    %swap3A_2189 = arith.index_cast %swap3A_2188 : i32 to index
    %swap3A_2190 = arith.constant 16 : index
    %swap3A_2191 = tpu.vector_load %arg5[%swap3A_2189, %swap3A_2190] {strides = array<i32>} : memref<24x128xi32, #tpu.memory_space<vmem>>, vector<1x16xi32>,
    %swap3A_2192 = vector.shape_cast %swap3A_2191 : vector<1x16xi32> to vector<16xi32>
    %swap3A_2193 = vector.shape_cast %select_n3A_2187 : vector<16xi32> to vector<1x16xi32>
    tpu.vector_store %arg5[%swap3A_2189, %swap3A_2190], %swap3A_2193 {strides = array<i32>} : memref<24x128xi32, #tpu.memory_space<vmem>>, vector<1x16xi32>,
    %get3A_2194 = arith.constant 15 : i32
    %get3A_2195 = arith.index_cast %get3A_2194 : i32 to index
    %get3A_2196 = arith.constant 32 : index
    %get3A_2197 = tpu.vector_load %arg5[%get3A_2195, %get3A_2196] {strides = array<i32>} : memref<24x128xi32, #tpu.memory_space<vmem>>, vector<1x16xi32>,
    %get3A_2198 = vector.shape_cast %get3A_2197 : vector<1x16xi32> to vector<16xi32>
    %ge3A_2199 = arith.constant 503808 : i32
    %ge3A_2200 = vector.broadcast %ge3A_2199 : i32 to vector<16xi32>
    %ge3A_2201 = arith.cmpi sge, %get3A_2198, %ge3A_2200 : vector<16xi32>
    %sub3A_2202 = arith.constant 503808 : i32
    %sub3A_2203 = vector.broadcast %sub3A_2202 : i32 to vector<16xi32>
    %sub3A_2204 = arith.subi %get3A_2198, %sub3A_2203 : vector<16xi32>
    %select_n3A_2205 = arith.select %ge3A_2201, %sub3A_2204, %get3A_2198 : vector<16xi1>, vector<16xi32>
    %swap3A_2206 = arith.constant 15 : i32
    %swap3A_2207 = arith.index_cast %swap3A_2206 : i32 to index
    %swap3A_2208 = arith.constant 32 : index
    %swap3A_2209 = tpu.vector_load %arg5[%swap3A_2207, %swap3A_2208] {strides = array<i32>} : memref<24x128xi32, #tpu.memory_space<vmem>>, vector<1x16xi32>,
    %swap3A_2210 = vector.shape_cast %swap3A_2209 : vector<1x16xi32> to vector<16xi32>
    %swap3A_2211 = vector.shape_cast %select_n3A_2205 : vector<16xi32> to vector<1x16xi32>
    tpu.vector_store %arg5[%swap3A_2207, %swap3A_2208], %swap3A_2211 {strides = array<i32>} : memref<24x128xi32, #tpu.memory_space<vmem>>, vector<1x16xi32>,
    %get3A_2212 = arith.constant 15 : i32
    %get3A_2213 = arith.index_cast %get3A_2212 : i32 to index
    %get3A_2214 = arith.constant 48 : index
    %get3A_2215 = tpu.vector_load %arg5[%get3A_2213, %get3A_2214] {strides = array<i32>} : memref<24x128xi32, #tpu.memory_space<vmem>>, vector<1x16xi32>,
    %get3A_2216 = vector.shape_cast %get3A_2215 : vector<1x16xi32> to vector<16xi32>
    %ge3A_2217 = arith.constant 503808 : i32
    %ge3A_2218 = vector.broadcast %ge3A_2217 : i32 to vector<16xi32>
    %ge3A_2219 = arith.cmpi sge, %get3A_2216, %ge3A_2218 : vector<16xi32>
    %sub3A_2220 = arith.constant 503808 : i32
    %sub3A_2221 = vector.broadcast %sub3A_2220 : i32 to vector<16xi32>
    %sub3A_2222 = arith.subi %get3A_2216, %sub3A_2221 : vector<16xi32>
    %select_n3A_2223 = arith.select %ge3A_2219, %sub3A_2222, %get3A_2216 : vector<16xi1>, vector<16xi32>
    %swap3A_2224 = arith.constant 15 : i32
    %swap3A_2225 = arith.index_cast %swap3A_2224 : i32 to index
    %swap3A_2226 = arith.constant 48 : index
    %swap3A_2227 = tpu.vector_load %arg5[%swap3A_2225, %swap3A_2226] {strides = array<i32>} : memref<24x128xi32, #tpu.memory_space<vmem>>, vector<1x16xi32>,
    %swap3A_2228 = vector.shape_cast %swap3A_2227 : vector<1x16xi32> to vector<16xi32>
    %swap3A_2229 = vector.shape_cast %select_n3A_2223 : vector<16xi32> to vector<1x16xi32>
    tpu.vector_store %arg5[%swap3A_2225, %swap3A_2226], %swap3A_2229 {strides = array<i32>} : memref<24x128xi32, #tpu.memory_space<vmem>>, vector<1x16xi32>,
    %get3A_2230 = arith.constant 15 : i32
    %get3A_2231 = arith.index_cast %get3A_2230 : i32 to index
    %get3A_2232 = arith.constant 64 : index
    %get3A_2233 = tpu.vector_load %arg5[%get3A_2231, %get3A_2232] {strides = array<i32>} : memref<24x128xi32, #tpu.memory_space<vmem>>, vector<1x16xi32>,
    %get3A_2234 = vector.shape_cast %get3A_2233 : vector<1x16xi32> to vector<16xi32>
    %ge3A_2235 = arith.constant 503808 : i32
    %ge3A_2236 = vector.broadcast %ge3A_2235 : i32 to vector<16xi32>
    %ge3A_2237 = arith.cmpi sge, %get3A_2234, %ge3A_2236 : vector<16xi32>
    %sub3A_2238 = arith.constant 503808 : i32
    %sub3A_2239 = vector.broadcast %sub3A_2238 : i32 to vector<16xi32>
    %sub3A_2240 = arith.subi %get3A_2234, %sub3A_2239 : vector<16xi32>
    %select_n3A_2241 = arith.select %ge3A_2237, %sub3A_2240, %get3A_2234 : vector<16xi1>, vector<16xi32>
    %swap3A_2242 = arith.constant 15 : i32
    %swap3A_2243 = arith.index_cast %swap3A_2242 : i32 to index
    %swap3A_2244 = arith.constant 64 : index
    %swap3A_2245 = tpu.vector_load %arg5[%swap3A_2243, %swap3A_2244] {strides = array<i32>} : memref<24x128xi32, #tpu.memory_space<vmem>>, vector<1x16xi32>,
    %swap3A_2246 = vector.shape_cast %swap3A_2245 : vector<1x16xi32> to vector<16xi32>
    %swap3A_2247 = vector.shape_cast %select_n3A_2241 : vector<16xi32> to vector<1x16xi32>
    tpu.vector_store %arg5[%swap3A_2243, %swap3A_2244], %swap3A_2247 {strides = array<i32>} : memref<24x128xi32, #tpu.memory_space<vmem>>, vector<1x16xi32>,
    %get3A_2248 = arith.constant 15 : i32
    %get3A_2249 = arith.index_cast %get3A_2248 : i32 to index
    %get3A_2250 = arith.constant 80 : index
    %get3A_2251 = tpu.vector_load %arg5[%get3A_2249, %get3A_2250] {strides = array<i32>} : memref<24x128xi32, #tpu.memory_space<vmem>>, vector<1x16xi32>,
    %get3A_2252 = vector.shape_cast %get3A_2251 : vector<1x16xi32> to vector<16xi32>
    %ge3A_2253 = arith.constant 503808 : i32
    %ge3A_2254 = vector.broadcast %ge3A_2253 : i32 to vector<16xi32>
    %ge3A_2255 = arith.cmpi sge, %get3A_2252, %ge3A_2254 : vector<16xi32>
    %sub3A_2256 = arith.constant 503808 : i32
    %sub3A_2257 = vector.broadcast %sub3A_2256 : i32 to vector<16xi32>
    %sub3A_2258 = arith.subi %get3A_2252, %sub3A_2257 : vector<16xi32>
    %select_n3A_2259 = arith.select %ge3A_2255, %sub3A_2258, %get3A_2252 : vector<16xi1>, vector<16xi32>
    %swap3A_2260 = arith.constant 15 : i32
    %swap3A_2261 = arith.index_cast %swap3A_2260 : i32 to index
    %swap3A_2262 = arith.constant 80 : index
    %swap3A_2263 = tpu.vector_load %arg5[%swap3A_2261, %swap3A_2262] {strides = array<i32>} : memref<24x128xi32, #tpu.memory_space<vmem>>, vector<1x16xi32>,
    %swap3A_2264 = vector.shape_cast %swap3A_2263 : vector<1x16xi32> to vector<16xi32>
    %swap3A_2265 = vector.shape_cast %select_n3A_2259 : vector<16xi32> to vector<1x16xi32>
    tpu.vector_store %arg5[%swap3A_2261, %swap3A_2262], %swap3A_2265 {strides = array<i32>} : memref<24x128xi32, #tpu.memory_space<vmem>>, vector<1x16xi32>,
    %get3A_2266 = arith.constant 15 : i32
    %get3A_2267 = arith.index_cast %get3A_2266 : i32 to index
    %get3A_2268 = arith.constant 96 : index
    %get3A_2269 = tpu.vector_load %arg5[%get3A_2267, %get3A_2268] {strides = array<i32>} : memref<24x128xi32, #tpu.memory_space<vmem>>, vector<1x16xi32>,
    %get3A_2270 = vector.shape_cast %get3A_2269 : vector<1x16xi32> to vector<16xi32>
    %ge3A_2271 = arith.constant 503808 : i32
    %ge3A_2272 = vector.broadcast %ge3A_2271 : i32 to vector<16xi32>
    %ge3A_2273 = arith.cmpi sge, %get3A_2270, %ge3A_2272 : vector<16xi32>
    %sub3A_2274 = arith.constant 503808 : i32
    %sub3A_2275 = vector.broadcast %sub3A_2274 : i32 to vector<16xi32>
    %sub3A_2276 = arith.subi %get3A_2270, %sub3A_2275 : vector<16xi32>
    %select_n3A_2277 = arith.select %ge3A_2273, %sub3A_2276, %get3A_2270 : vector<16xi1>, vector<16xi32>
    %swap3A_2278 = arith.constant 15 : i32
    %swap3A_2279 = arith.index_cast %swap3A_2278 : i32 to index
    %swap3A_2280 = arith.constant 96 : index
    %swap3A_2281 = tpu.vector_load %arg5[%swap3A_2279, %swap3A_2280] {strides = array<i32>} : memref<24x128xi32, #tpu.memory_space<vmem>>, vector<1x16xi32>,
    %swap3A_2282 = vector.shape_cast %swap3A_2281 : vector<1x16xi32> to vector<16xi32>
    %swap3A_2283 = vector.shape_cast %select_n3A_2277 : vector<16xi32> to vector<1x16xi32>
    tpu.vector_store %arg5[%swap3A_2279, %swap3A_2280], %swap3A_2283 {strides = array<i32>} : memref<24x128xi32, #tpu.memory_space<vmem>>, vector<1x16xi32>,
    %get3A_2284 = arith.constant 15 : i32
    %get3A_2285 = arith.index_cast %get3A_2284 : i32 to index
    %get3A_2286 = arith.constant 112 : index
    %get3A_2287 = tpu.vector_load %arg5[%get3A_2285, %get3A_2286] {strides = array<i32>} : memref<24x128xi32, #tpu.memory_space<vmem>>, vector<1x16xi32>,
    %get3A_2288 = vector.shape_cast %get3A_2287 : vector<1x16xi32> to vector<16xi32>
    %ge3A_2289 = arith.constant 503808 : i32
    %ge3A_2290 = vector.broadcast %ge3A_2289 : i32 to vector<16xi32>
    %ge3A_2291 = arith.cmpi sge, %get3A_2288, %ge3A_2290 : vector<16xi32>
    %sub3A_2292 = arith.constant 503808 : i32
    %sub3A_2293 = vector.broadcast %sub3A_2292 : i32 to vector<16xi32>
    %sub3A_2294 = arith.subi %get3A_2288, %sub3A_2293 : vector<16xi32>
    %select_n3A_2295 = arith.select %ge3A_2291, %sub3A_2294, %get3A_2288 : vector<16xi1>, vector<16xi32>
    %swap3A_2296 = arith.constant 15 : i32
    %swap3A_2297 = arith.index_cast %swap3A_2296 : i32 to index
    %swap3A_2298 = arith.constant 112 : index
    %swap3A_2299 = tpu.vector_load %arg5[%swap3A_2297, %swap3A_2298] {strides = array<i32>} : memref<24x128xi32, #tpu.memory_space<vmem>>, vector<1x16xi32>,
    %swap3A_2300 = vector.shape_cast %swap3A_2299 : vector<1x16xi32> to vector<16xi32>
    %swap3A_2301 = vector.shape_cast %select_n3A_2295 : vector<16xi32> to vector<1x16xi32>
    tpu.vector_store %arg5[%swap3A_2297, %swap3A_2298], %swap3A_2301 {strides = array<i32>} : memref<24x128xi32, #tpu.memory_space<vmem>>, vector<1x16xi32>,
    %get3A_2302 = arith.constant 16 : i32
    %get3A_2303 = arith.index_cast %get3A_2302 : i32 to index
    %get3A_2304 = arith.constant 0 : index
    %get3A_2305 = tpu.vector_load %arg5[%get3A_2303, %get3A_2304] {strides = array<i32>} : memref<24x128xi32, #tpu.memory_space<vmem>>, vector<1x16xi32>,
    %get3A_2306 = vector.shape_cast %get3A_2305 : vector<1x16xi32> to vector<16xi32>
    %ge3A_2307 = arith.constant 503808 : i32
    %ge3A_2308 = vector.broadcast %ge3A_2307 : i32 to vector<16xi32>
    %ge3A_2309 = arith.cmpi sge, %get3A_2306, %ge3A_2308 : vector<16xi32>
    %sub3A_2310 = arith.constant 503808 : i32
    %sub3A_2311 = vector.broadcast %sub3A_2310 : i32 to vector<16xi32>
    %sub3A_2312 = arith.subi %get3A_2306, %sub3A_2311 : vector<16xi32>
    %select_n3A_2313 = arith.select %ge3A_2309, %sub3A_2312, %get3A_2306 : vector<16xi1>, vector<16xi32>
    %swap3A_2314 = arith.constant 16 : i32
    %swap3A_2315 = arith.index_cast %swap3A_2314 : i32 to index
    %swap3A_2316 = arith.constant 0 : index
    %swap3A_2317 = tpu.vector_load %arg5[%swap3A_2315, %swap3A_2316] {strides = array<i32>} : memref<24x128xi32, #tpu.memory_space<vmem>>, vector<1x16xi32>,
    %swap3A_2318 = vector.shape_cast %swap3A_2317 : vector<1x16xi32> to vector<16xi32>
    %swap3A_2319 = vector.shape_cast %select_n3A_2313 : vector<16xi32> to vector<1x16xi32>
    tpu.vector_store %arg5[%swap3A_2315, %swap3A_2316], %swap3A_2319 {strides = array<i32>} : memref<24x128xi32, #tpu.memory_space<vmem>>, vector<1x16xi32>,
    %get3A_2320 = arith.constant 16 : i32
    %get3A_2321 = arith.index_cast %get3A_2320 : i32 to index
    %get3A_2322 = arith.constant 16 : index
    %get3A_2323 = tpu.vector_load %arg5[%get3A_2321, %get3A_2322] {strides = array<i32>} : memref<24x128xi32, #tpu.memory_space<vmem>>, vector<1x16xi32>,
    %get3A_2324 = vector.shape_cast %get3A_2323 : vector<1x16xi32> to vector<16xi32>
    %ge3A_2325 = arith.constant 503808 : i32
    %ge3A_2326 = vector.broadcast %ge3A_2325 : i32 to vector<16xi32>
    %ge3A_2327 = arith.cmpi sge, %get3A_2324, %ge3A_2326 : vector<16xi32>
    %sub3A_2328 = arith.constant 503808 : i32
    %sub3A_2329 = vector.broadcast %sub3A_2328 : i32 to vector<16xi32>
    %sub3A_2330 = arith.subi %get3A_2324, %sub3A_2329 : vector<16xi32>
    %select_n3A_2331 = arith.select %ge3A_2327, %sub3A_2330, %get3A_2324 : vector<16xi1>, vector<16xi32>
    %swap3A_2332 = arith.constant 16 : i32
    %swap3A_2333 = arith.index_cast %swap3A_2332 : i32 to index
    %swap3A_2334 = arith.constant 16 : index
    %swap3A_2335 = tpu.vector_load %arg5[%swap3A_2333, %swap3A_2334] {strides = array<i32>} : memref<24x128xi32, #tpu.memory_space<vmem>>, vector<1x16xi32>,
    %swap3A_2336 = vector.shape_cast %swap3A_2335 : vector<1x16xi32> to vector<16xi32>
    %swap3A_2337 = vector.shape_cast %select_n3A_2331 : vector<16xi32> to vector<1x16xi32>
    tpu.vector_store %arg5[%swap3A_2333, %swap3A_2334], %swap3A_2337 {strides = array<i32>} : memref<24x128xi32, #tpu.memory_space<vmem>>, vector<1x16xi32>,
    %get3A_2338 = arith.constant 16 : i32
    %get3A_2339 = arith.index_cast %get3A_2338 : i32 to index
    %get3A_2340 = arith.constant 32 : index
    %get3A_2341 = tpu.vector_load %arg5[%get3A_2339, %get3A_2340] {strides = array<i32>} : memref<24x128xi32, #tpu.memory_space<vmem>>, vector<1x16xi32>,
    %get3A_2342 = vector.shape_cast %get3A_2341 : vector<1x16xi32> to vector<16xi32>
    %ge3A_2343 = arith.constant 503808 : i32
    %ge3A_2344 = vector.broadcast %ge3A_2343 : i32 to vector<16xi32>
    %ge3A_2345 = arith.cmpi sge, %get3A_2342, %ge3A_2344 : vector<16xi32>
    %sub3A_2346 = arith.constant 503808 : i32
    %sub3A_2347 = vector.broadcast %sub3A_2346 : i32 to vector<16xi32>
    %sub3A_2348 = arith.subi %get3A_2342, %sub3A_2347 : vector<16xi32>
    %select_n3A_2349 = arith.select %ge3A_2345, %sub3A_2348, %get3A_2342 : vector<16xi1>, vector<16xi32>
    %swap3A_2350 = arith.constant 16 : i32
    %swap3A_2351 = arith.index_cast %swap3A_2350 : i32 to index
    %swap3A_2352 = arith.constant 32 : index
    %swap3A_2353 = tpu.vector_load %arg5[%swap3A_2351, %swap3A_2352] {strides = array<i32>} : memref<24x128xi32, #tpu.memory_space<vmem>>, vector<1x16xi32>,
    %swap3A_2354 = vector.shape_cast %swap3A_2353 : vector<1x16xi32> to vector<16xi32>
    %swap3A_2355 = vector.shape_cast %select_n3A_2349 : vector<16xi32> to vector<1x16xi32>
    tpu.vector_store %arg5[%swap3A_2351, %swap3A_2352], %swap3A_2355 {strides = array<i32>} : memref<24x128xi32, #tpu.memory_space<vmem>>, vector<1x16xi32>,
    %get3A_2356 = arith.constant 16 : i32
    %get3A_2357 = arith.index_cast %get3A_2356 : i32 to index
    %get3A_2358 = arith.constant 48 : index
    %get3A_2359 = tpu.vector_load %arg5[%get3A_2357, %get3A_2358] {strides = array<i32>} : memref<24x128xi32, #tpu.memory_space<vmem>>, vector<1x16xi32>,
    %get3A_2360 = vector.shape_cast %get3A_2359 : vector<1x16xi32> to vector<16xi32>
    %ge3A_2361 = arith.constant 503808 : i32
    %ge3A_2362 = vector.broadcast %ge3A_2361 : i32 to vector<16xi32>
    %ge3A_2363 = arith.cmpi sge, %get3A_2360, %ge3A_2362 : vector<16xi32>
    %sub3A_2364 = arith.constant 503808 : i32
    %sub3A_2365 = vector.broadcast %sub3A_2364 : i32 to vector<16xi32>
    %sub3A_2366 = arith.subi %get3A_2360, %sub3A_2365 : vector<16xi32>
    %select_n3A_2367 = arith.select %ge3A_2363, %sub3A_2366, %get3A_2360 : vector<16xi1>, vector<16xi32>
    %swap3A_2368 = arith.constant 16 : i32
    %swap3A_2369 = arith.index_cast %swap3A_2368 : i32 to index
    %swap3A_2370 = arith.constant 48 : index
    %swap3A_2371 = tpu.vector_load %arg5[%swap3A_2369, %swap3A_2370] {strides = array<i32>} : memref<24x128xi32, #tpu.memory_space<vmem>>, vector<1x16xi32>,
    %swap3A_2372 = vector.shape_cast %swap3A_2371 : vector<1x16xi32> to vector<16xi32>
    %swap3A_2373 = vector.shape_cast %select_n3A_2367 : vector<16xi32> to vector<1x16xi32>
    tpu.vector_store %arg5[%swap3A_2369, %swap3A_2370], %swap3A_2373 {strides = array<i32>} : memref<24x128xi32, #tpu.memory_space<vmem>>, vector<1x16xi32>,
    %get3A_2374 = arith.constant 16 : i32
    %get3A_2375 = arith.index_cast %get3A_2374 : i32 to index
    %get3A_2376 = arith.constant 64 : index
    %get3A_2377 = tpu.vector_load %arg5[%get3A_2375, %get3A_2376] {strides = array<i32>} : memref<24x128xi32, #tpu.memory_space<vmem>>, vector<1x16xi32>,
    %get3A_2378 = vector.shape_cast %get3A_2377 : vector<1x16xi32> to vector<16xi32>
    %ge3A_2379 = arith.constant 503808 : i32
    %ge3A_2380 = vector.broadcast %ge3A_2379 : i32 to vector<16xi32>
    %ge3A_2381 = arith.cmpi sge, %get3A_2378, %ge3A_2380 : vector<16xi32>
    %sub3A_2382 = arith.constant 503808 : i32
    %sub3A_2383 = vector.broadcast %sub3A_2382 : i32 to vector<16xi32>
    %sub3A_2384 = arith.subi %get3A_2378, %sub3A_2383 : vector<16xi32>
    %select_n3A_2385 = arith.select %ge3A_2381, %sub3A_2384, %get3A_2378 : vector<16xi1>, vector<16xi32>
    %swap3A_2386 = arith.constant 16 : i32
    %swap3A_2387 = arith.index_cast %swap3A_2386 : i32 to index
    %swap3A_2388 = arith.constant 64 : index
    %swap3A_2389 = tpu.vector_load %arg5[%swap3A_2387, %swap3A_2388] {strides = array<i32>} : memref<24x128xi32, #tpu.memory_space<vmem>>, vector<1x16xi32>,
    %swap3A_2390 = vector.shape_cast %swap3A_2389 : vector<1x16xi32> to vector<16xi32>
    %swap3A_2391 = vector.shape_cast %select_n3A_2385 : vector<16xi32> to vector<1x16xi32>
    tpu.vector_store %arg5[%swap3A_2387, %swap3A_2388], %swap3A_2391 {strides = array<i32>} : memref<24x128xi32, #tpu.memory_space<vmem>>, vector<1x16xi32>,
    %get3A_2392 = arith.constant 16 : i32
    %get3A_2393 = arith.index_cast %get3A_2392 : i32 to index
    %get3A_2394 = arith.constant 80 : index
    %get3A_2395 = tpu.vector_load %arg5[%get3A_2393, %get3A_2394] {strides = array<i32>} : memref<24x128xi32, #tpu.memory_space<vmem>>, vector<1x16xi32>,
    %get3A_2396 = vector.shape_cast %get3A_2395 : vector<1x16xi32> to vector<16xi32>
    %ge3A_2397 = arith.constant 503808 : i32
    %ge3A_2398 = vector.broadcast %ge3A_2397 : i32 to vector<16xi32>
    %ge3A_2399 = arith.cmpi sge, %get3A_2396, %ge3A_2398 : vector<16xi32>
    %sub3A_2400 = arith.constant 503808 : i32
    %sub3A_2401 = vector.broadcast %sub3A_2400 : i32 to vector<16xi32>
    %sub3A_2402 = arith.subi %get3A_2396, %sub3A_2401 : vector<16xi32>
    %select_n3A_2403 = arith.select %ge3A_2399, %sub3A_2402, %get3A_2396 : vector<16xi1>, vector<16xi32>
    %swap3A_2404 = arith.constant 16 : i32
    %swap3A_2405 = arith.index_cast %swap3A_2404 : i32 to index
    %swap3A_2406 = arith.constant 80 : index
    %swap3A_2407 = tpu.vector_load %arg5[%swap3A_2405, %swap3A_2406] {strides = array<i32>} : memref<24x128xi32, #tpu.memory_space<vmem>>, vector<1x16xi32>,
    %swap3A_2408 = vector.shape_cast %swap3A_2407 : vector<1x16xi32> to vector<16xi32>
    %swap3A_2409 = vector.shape_cast %select_n3A_2403 : vector<16xi32> to vector<1x16xi32>
    tpu.vector_store %arg5[%swap3A_2405, %swap3A_2406], %swap3A_2409 {strides = array<i32>} : memref<24x128xi32, #tpu.memory_space<vmem>>, vector<1x16xi32>,
    %get3A_2410 = arith.constant 16 : i32
    %get3A_2411 = arith.index_cast %get3A_2410 : i32 to index
    %get3A_2412 = arith.constant 96 : index
    %get3A_2413 = tpu.vector_load %arg5[%get3A_2411, %get3A_2412] {strides = array<i32>} : memref<24x128xi32, #tpu.memory_space<vmem>>, vector<1x16xi32>,
    %get3A_2414 = vector.shape_cast %get3A_2413 : vector<1x16xi32> to vector<16xi32>
    %ge3A_2415 = arith.constant 503808 : i32
    %ge3A_2416 = vector.broadcast %ge3A_2415 : i32 to vector<16xi32>
    %ge3A_2417 = arith.cmpi sge, %get3A_2414, %ge3A_2416 : vector<16xi32>
    %sub3A_2418 = arith.constant 503808 : i32
    %sub3A_2419 = vector.broadcast %sub3A_2418 : i32 to vector<16xi32>
    %sub3A_2420 = arith.subi %get3A_2414, %sub3A_2419 : vector<16xi32>
    %select_n3A_2421 = arith.select %ge3A_2417, %sub3A_2420, %get3A_2414 : vector<16xi1>, vector<16xi32>
    %swap3A_2422 = arith.constant 16 : i32
    %swap3A_2423 = arith.index_cast %swap3A_2422 : i32 to index
    %swap3A_2424 = arith.constant 96 : index
    %swap3A_2425 = tpu.vector_load %arg5[%swap3A_2423, %swap3A_2424] {strides = array<i32>} : memref<24x128xi32, #tpu.memory_space<vmem>>, vector<1x16xi32>,
    %swap3A_2426 = vector.shape_cast %swap3A_2425 : vector<1x16xi32> to vector<16xi32>
    %swap3A_2427 = vector.shape_cast %select_n3A_2421 : vector<16xi32> to vector<1x16xi32>
    tpu.vector_store %arg5[%swap3A_2423, %swap3A_2424], %swap3A_2427 {strides = array<i32>} : memref<24x128xi32, #tpu.memory_space<vmem>>, vector<1x16xi32>,
    %get3A_2428 = arith.constant 16 : i32
    %get3A_2429 = arith.index_cast %get3A_2428 : i32 to index
    %get3A_2430 = arith.constant 112 : index
    %get3A_2431 = tpu.vector_load %arg5[%get3A_2429, %get3A_2430] {strides = array<i32>} : memref<24x128xi32, #tpu.memory_space<vmem>>, vector<1x16xi32>,
    %get3A_2432 = vector.shape_cast %get3A_2431 : vector<1x16xi32> to vector<16xi32>
    %ge3A_2433 = arith.constant 503808 : i32
    %ge3A_2434 = vector.broadcast %ge3A_2433 : i32 to vector<16xi32>
    %ge3A_2435 = arith.cmpi sge, %get3A_2432, %ge3A_2434 : vector<16xi32>
    %sub3A_2436 = arith.constant 503808 : i32
    %sub3A_2437 = vector.broadcast %sub3A_2436 : i32 to vector<16xi32>
    %sub3A_2438 = arith.subi %get3A_2432, %sub3A_2437 : vector<16xi32>
    %select_n3A_2439 = arith.select %ge3A_2435, %sub3A_2438, %get3A_2432 : vector<16xi1>, vector<16xi32>
    %swap3A_2440 = arith.constant 16 : i32
    %swap3A_2441 = arith.index_cast %swap3A_2440 : i32 to index
    %swap3A_2442 = arith.constant 112 : index
    %swap3A_2443 = tpu.vector_load %arg5[%swap3A_2441, %swap3A_2442] {strides = array<i32>} : memref<24x128xi32, #tpu.memory_space<vmem>>, vector<1x16xi32>,
    %swap3A_2444 = vector.shape_cast %swap3A_2443 : vector<1x16xi32> to vector<16xi32>
    %swap3A_2445 = vector.shape_cast %select_n3A_2439 : vector<16xi32> to vector<1x16xi32>
    tpu.vector_store %arg5[%swap3A_2441, %swap3A_2442], %swap3A_2445 {strides = array<i32>} : memref<24x128xi32, #tpu.memory_space<vmem>>, vector<1x16xi32>,
    %get3A_2446 = arith.constant 17 : i32
    %get3A_2447 = arith.index_cast %get3A_2446 : i32 to index
    %get3A_2448 = arith.constant 0 : index
    %get3A_2449 = tpu.vector_load %arg5[%get3A_2447, %get3A_2448] {strides = array<i32>} : memref<24x128xi32, #tpu.memory_space<vmem>>, vector<1x16xi32>,
    %get3A_2450 = vector.shape_cast %get3A_2449 : vector<1x16xi32> to vector<16xi32>
    %ge3A_2451 = arith.constant 503808 : i32
    %ge3A_2452 = vector.broadcast %ge3A_2451 : i32 to vector<16xi32>
    %ge3A_2453 = arith.cmpi sge, %get3A_2450, %ge3A_2452 : vector<16xi32>
    %sub3A_2454 = arith.constant 503808 : i32
    %sub3A_2455 = vector.broadcast %sub3A_2454 : i32 to vector<16xi32>
    %sub3A_2456 = arith.subi %get3A_2450, %sub3A_2455 : vector<16xi32>
    %select_n3A_2457 = arith.select %ge3A_2453, %sub3A_2456, %get3A_2450 : vector<16xi1>, vector<16xi32>
    %swap3A_2458 = arith.constant 17 : i32
    %swap3A_2459 = arith.index_cast %swap3A_2458 : i32 to index
    %swap3A_2460 = arith.constant 0 : index
    %swap3A_2461 = tpu.vector_load %arg5[%swap3A_2459, %swap3A_2460] {strides = array<i32>} : memref<24x128xi32, #tpu.memory_space<vmem>>, vector<1x16xi32>,
    %swap3A_2462 = vector.shape_cast %swap3A_2461 : vector<1x16xi32> to vector<16xi32>
    %swap3A_2463 = vector.shape_cast %select_n3A_2457 : vector<16xi32> to vector<1x16xi32>
    tpu.vector_store %arg5[%swap3A_2459, %swap3A_2460], %swap3A_2463 {strides = array<i32>} : memref<24x128xi32, #tpu.memory_space<vmem>>, vector<1x16xi32>,
    %get3A_2464 = arith.constant 17 : i32
    %get3A_2465 = arith.index_cast %get3A_2464 : i32 to index
    %get3A_2466 = arith.constant 16 : index
    %get3A_2467 = tpu.vector_load %arg5[%get3A_2465, %get3A_2466] {strides = array<i32>} : memref<24x128xi32, #tpu.memory_space<vmem>>, vector<1x16xi32>,
    %get3A_2468 = vector.shape_cast %get3A_2467 : vector<1x16xi32> to vector<16xi32>
    %ge3A_2469 = arith.constant 503808 : i32
    %ge3A_2470 = vector.broadcast %ge3A_2469 : i32 to vector<16xi32>
    %ge3A_2471 = arith.cmpi sge, %get3A_2468, %ge3A_2470 : vector<16xi32>
    %sub3A_2472 = arith.constant 503808 : i32
    %sub3A_2473 = vector.broadcast %sub3A_2472 : i32 to vector<16xi32>
    %sub3A_2474 = arith.subi %get3A_2468, %sub3A_2473 : vector<16xi32>
    %select_n3A_2475 = arith.select %ge3A_2471, %sub3A_2474, %get3A_2468 : vector<16xi1>, vector<16xi32>
    %swap3A_2476 = arith.constant 17 : i32
    %swap3A_2477 = arith.index_cast %swap3A_2476 : i32 to index
    %swap3A_2478 = arith.constant 16 : index
    %swap3A_2479 = tpu.vector_load %arg5[%swap3A_2477, %swap3A_2478] {strides = array<i32>} : memref<24x128xi32, #tpu.memory_space<vmem>>, vector<1x16xi32>,
    %swap3A_2480 = vector.shape_cast %swap3A_2479 : vector<1x16xi32> to vector<16xi32>
    %swap3A_2481 = vector.shape_cast %select_n3A_2475 : vector<16xi32> to vector<1x16xi32>
    tpu.vector_store %arg5[%swap3A_2477, %swap3A_2478], %swap3A_2481 {strides = array<i32>} : memref<24x128xi32, #tpu.memory_space<vmem>>, vector<1x16xi32>,
    %get3A_2482 = arith.constant 17 : i32
    %get3A_2483 = arith.index_cast %get3A_2482 : i32 to index
    %get3A_2484 = arith.constant 32 : index
    %get3A_2485 = tpu.vector_load %arg5[%get3A_2483, %get3A_2484] {strides = array<i32>} : memref<24x128xi32, #tpu.memory_space<vmem>>, vector<1x16xi32>,
    %get3A_2486 = vector.shape_cast %get3A_2485 : vector<1x16xi32> to vector<16xi32>
    %ge3A_2487 = arith.constant 503808 : i32
    %ge3A_2488 = vector.broadcast %ge3A_2487 : i32 to vector<16xi32>
    %ge3A_2489 = arith.cmpi sge, %get3A_2486, %ge3A_2488 : vector<16xi32>
    %sub3A_2490 = arith.constant 503808 : i32
    %sub3A_2491 = vector.broadcast %sub3A_2490 : i32 to vector<16xi32>
    %sub3A_2492 = arith.subi %get3A_2486, %sub3A_2491 : vector<16xi32>
    %select_n3A_2493 = arith.select %ge3A_2489, %sub3A_2492, %get3A_2486 : vector<16xi1>, vector<16xi32>
    %swap3A_2494 = arith.constant 17 : i32
    %swap3A_2495 = arith.index_cast %swap3A_2494 : i32 to index
    %swap3A_2496 = arith.constant 32 : index
    %swap3A_2497 = tpu.vector_load %arg5[%swap3A_2495, %swap3A_2496] {strides = array<i32>} : memref<24x128xi32, #tpu.memory_space<vmem>>, vector<1x16xi32>,
    %swap3A_2498 = vector.shape_cast %swap3A_2497 : vector<1x16xi32> to vector<16xi32>
    %swap3A_2499 = vector.shape_cast %select_n3A_2493 : vector<16xi32> to vector<1x16xi32>
    tpu.vector_store %arg5[%swap3A_2495, %swap3A_2496], %swap3A_2499 {strides = array<i32>} : memref<24x128xi32, #tpu.memory_space<vmem>>, vector<1x16xi32>,
    %get3A_2500 = arith.constant 17 : i32
    %get3A_2501 = arith.index_cast %get3A_2500 : i32 to index
    %get3A_2502 = arith.constant 48 : index
    %get3A_2503 = tpu.vector_load %arg5[%get3A_2501, %get3A_2502] {strides = array<i32>} : memref<24x128xi32, #tpu.memory_space<vmem>>, vector<1x16xi32>,
    %get3A_2504 = vector.shape_cast %get3A_2503 : vector<1x16xi32> to vector<16xi32>
    %ge3A_2505 = arith.constant 503808 : i32
    %ge3A_2506 = vector.broadcast %ge3A_2505 : i32 to vector<16xi32>
    %ge3A_2507 = arith.cmpi sge, %get3A_2504, %ge3A_2506 : vector<16xi32>
    %sub3A_2508 = arith.constant 503808 : i32
    %sub3A_2509 = vector.broadcast %sub3A_2508 : i32 to vector<16xi32>
    %sub3A_2510 = arith.subi %get3A_2504, %sub3A_2509 : vector<16xi32>
    %select_n3A_2511 = arith.select %ge3A_2507, %sub3A_2510, %get3A_2504 : vector<16xi1>, vector<16xi32>
    %swap3A_2512 = arith.constant 17 : i32
    %swap3A_2513 = arith.index_cast %swap3A_2512 : i32 to index
    %swap3A_2514 = arith.constant 48 : index
    %swap3A_2515 = tpu.vector_load %arg5[%swap3A_2513, %swap3A_2514] {strides = array<i32>} : memref<24x128xi32, #tpu.memory_space<vmem>>, vector<1x16xi32>,
    %swap3A_2516 = vector.shape_cast %swap3A_2515 : vector<1x16xi32> to vector<16xi32>
    %swap3A_2517 = vector.shape_cast %select_n3A_2511 : vector<16xi32> to vector<1x16xi32>
    tpu.vector_store %arg5[%swap3A_2513, %swap3A_2514], %swap3A_2517 {strides = array<i32>} : memref<24x128xi32, #tpu.memory_space<vmem>>, vector<1x16xi32>,
    %get3A_2518 = arith.constant 17 : i32
    %get3A_2519 = arith.index_cast %get3A_2518 : i32 to index
    %get3A_2520 = arith.constant 64 : index
    %get3A_2521 = tpu.vector_load %arg5[%get3A_2519, %get3A_2520] {strides = array<i32>} : memref<24x128xi32, #tpu.memory_space<vmem>>, vector<1x16xi32>,
    %get3A_2522 = vector.shape_cast %get3A_2521 : vector<1x16xi32> to vector<16xi32>
    %ge3A_2523 = arith.constant 503808 : i32
    %ge3A_2524 = vector.broadcast %ge3A_2523 : i32 to vector<16xi32>
    %ge3A_2525 = arith.cmpi sge, %get3A_2522, %ge3A_2524 : vector<16xi32>
    %sub3A_2526 = arith.constant 503808 : i32
    %sub3A_2527 = vector.broadcast %sub3A_2526 : i32 to vector<16xi32>
    %sub3A_2528 = arith.subi %get3A_2522, %sub3A_2527 : vector<16xi32>
    %select_n3A_2529 = arith.select %ge3A_2525, %sub3A_2528, %get3A_2522 : vector<16xi1>, vector<16xi32>
    %swap3A_2530 = arith.constant 17 : i32
    %swap3A_2531 = arith.index_cast %swap3A_2530 : i32 to index
    %swap3A_2532 = arith.constant 64 : index
    %swap3A_2533 = tpu.vector_load %arg5[%swap3A_2531, %swap3A_2532] {strides = array<i32>} : memref<24x128xi32, #tpu.memory_space<vmem>>, vector<1x16xi32>,
    %swap3A_2534 = vector.shape_cast %swap3A_2533 : vector<1x16xi32> to vector<16xi32>
    %swap3A_2535 = vector.shape_cast %select_n3A_2529 : vector<16xi32> to vector<1x16xi32>
    tpu.vector_store %arg5[%swap3A_2531, %swap3A_2532], %swap3A_2535 {strides = array<i32>} : memref<24x128xi32, #tpu.memory_space<vmem>>, vector<1x16xi32>,
    %get3A_2536 = arith.constant 17 : i32
    %get3A_2537 = arith.index_cast %get3A_2536 : i32 to index
    %get3A_2538 = arith.constant 80 : index
    %get3A_2539 = tpu.vector_load %arg5[%get3A_2537, %get3A_2538] {strides = array<i32>} : memref<24x128xi32, #tpu.memory_space<vmem>>, vector<1x16xi32>,
    %get3A_2540 = vector.shape_cast %get3A_2539 : vector<1x16xi32> to vector<16xi32>
    %ge3A_2541 = arith.constant 503808 : i32
    %ge3A_2542 = vector.broadcast %ge3A_2541 : i32 to vector<16xi32>
    %ge3A_2543 = arith.cmpi sge, %get3A_2540, %ge3A_2542 : vector<16xi32>
    %sub3A_2544 = arith.constant 503808 : i32
    %sub3A_2545 = vector.broadcast %sub3A_2544 : i32 to vector<16xi32>
    %sub3A_2546 = arith.subi %get3A_2540, %sub3A_2545 : vector<16xi32>
    %select_n3A_2547 = arith.select %ge3A_2543, %sub3A_2546, %get3A_2540 : vector<16xi1>, vector<16xi32>
    %swap3A_2548 = arith.constant 17 : i32
    %swap3A_2549 = arith.index_cast %swap3A_2548 : i32 to index
    %swap3A_2550 = arith.constant 80 : index
    %swap3A_2551 = tpu.vector_load %arg5[%swap3A_2549, %swap3A_2550] {strides = array<i32>} : memref<24x128xi32, #tpu.memory_space<vmem>>, vector<1x16xi32>,
    %swap3A_2552 = vector.shape_cast %swap3A_2551 : vector<1x16xi32> to vector<16xi32>
    %swap3A_2553 = vector.shape_cast %select_n3A_2547 : vector<16xi32> to vector<1x16xi32>
    tpu.vector_store %arg5[%swap3A_2549, %swap3A_2550], %swap3A_2553 {strides = array<i32>} : memref<24x128xi32, #tpu.memory_space<vmem>>, vector<1x16xi32>,
    %get3A_2554 = arith.constant 17 : i32
    %get3A_2555 = arith.index_cast %get3A_2554 : i32 to index
    %get3A_2556 = arith.constant 96 : index
    %get3A_2557 = tpu.vector_load %arg5[%get3A_2555, %get3A_2556] {strides = array<i32>} : memref<24x128xi32, #tpu.memory_space<vmem>>, vector<1x16xi32>,
    %get3A_2558 = vector.shape_cast %get3A_2557 : vector<1x16xi32> to vector<16xi32>
    %ge3A_2559 = arith.constant 503808 : i32
    %ge3A_2560 = vector.broadcast %ge3A_2559 : i32 to vector<16xi32>
    %ge3A_2561 = arith.cmpi sge, %get3A_2558, %ge3A_2560 : vector<16xi32>
    %sub3A_2562 = arith.constant 503808 : i32
    %sub3A_2563 = vector.broadcast %sub3A_2562 : i32 to vector<16xi32>
    %sub3A_2564 = arith.subi %get3A_2558, %sub3A_2563 : vector<16xi32>
    %select_n3A_2565 = arith.select %ge3A_2561, %sub3A_2564, %get3A_2558 : vector<16xi1>, vector<16xi32>
    %swap3A_2566 = arith.constant 17 : i32
    %swap3A_2567 = arith.index_cast %swap3A_2566 : i32 to index
    %swap3A_2568 = arith.constant 96 : index
    %swap3A_2569 = tpu.vector_load %arg5[%swap3A_2567, %swap3A_2568] {strides = array<i32>} : memref<24x128xi32, #tpu.memory_space<vmem>>, vector<1x16xi32>,
    %swap3A_2570 = vector.shape_cast %swap3A_2569 : vector<1x16xi32> to vector<16xi32>
    %swap3A_2571 = vector.shape_cast %select_n3A_2565 : vector<16xi32> to vector<1x16xi32>
    tpu.vector_store %arg5[%swap3A_2567, %swap3A_2568], %swap3A_2571 {strides = array<i32>} : memref<24x128xi32, #tpu.memory_space<vmem>>, vector<1x16xi32>,
    %get3A_2572 = arith.constant 17 : i32
    %get3A_2573 = arith.index_cast %get3A_2572 : i32 to index
    %get3A_2574 = arith.constant 112 : index
    %get3A_2575 = tpu.vector_load %arg5[%get3A_2573, %get3A_2574] {strides = array<i32>} : memref<24x128xi32, #tpu.memory_space<vmem>>, vector<1x16xi32>,
    %get3A_2576 = vector.shape_cast %get3A_2575 : vector<1x16xi32> to vector<16xi32>
    %ge3A_2577 = arith.constant 503808 : i32
    %ge3A_2578 = vector.broadcast %ge3A_2577 : i32 to vector<16xi32>
    %ge3A_2579 = arith.cmpi sge, %get3A_2576, %ge3A_2578 : vector<16xi32>
    %sub3A_2580 = arith.constant 503808 : i32
    %sub3A_2581 = vector.broadcast %sub3A_2580 : i32 to vector<16xi32>
    %sub3A_2582 = arith.subi %get3A_2576, %sub3A_2581 : vector<16xi32>
    %select_n3A_2583 = arith.select %ge3A_2579, %sub3A_2582, %get3A_2576 : vector<16xi1>, vector<16xi32>
    %swap3A_2584 = arith.constant 17 : i32
    %swap3A_2585 = arith.index_cast %swap3A_2584 : i32 to index
    %swap3A_2586 = arith.constant 112 : index
    %swap3A_2587 = tpu.vector_load %arg5[%swap3A_2585, %swap3A_2586] {strides = array<i32>} : memref<24x128xi32, #tpu.memory_space<vmem>>, vector<1x16xi32>,
    %swap3A_2588 = vector.shape_cast %swap3A_2587 : vector<1x16xi32> to vector<16xi32>
    %swap3A_2589 = vector.shape_cast %select_n3A_2583 : vector<16xi32> to vector<1x16xi32>
    tpu.vector_store %arg5[%swap3A_2585, %swap3A_2586], %swap3A_2589 {strides = array<i32>} : memref<24x128xi32, #tpu.memory_space<vmem>>, vector<1x16xi32>,
    %get3A_2590 = arith.constant 18 : i32
    %get3A_2591 = arith.index_cast %get3A_2590 : i32 to index
    %get3A_2592 = arith.constant 0 : index
    %get3A_2593 = tpu.vector_load %arg5[%get3A_2591, %get3A_2592] {strides = array<i32>} : memref<24x128xi32, #tpu.memory_space<vmem>>, vector<1x16xi32>,
    %get3A_2594 = vector.shape_cast %get3A_2593 : vector<1x16xi32> to vector<16xi32>
    %ge3A_2595 = arith.constant 503808 : i32
    %ge3A_2596 = vector.broadcast %ge3A_2595 : i32 to vector<16xi32>
    %ge3A_2597 = arith.cmpi sge, %get3A_2594, %ge3A_2596 : vector<16xi32>
    %sub3A_2598 = arith.constant 503808 : i32
    %sub3A_2599 = vector.broadcast %sub3A_2598 : i32 to vector<16xi32>
    %sub3A_2600 = arith.subi %get3A_2594, %sub3A_2599 : vector<16xi32>
    %select_n3A_2601 = arith.select %ge3A_2597, %sub3A_2600, %get3A_2594 : vector<16xi1>, vector<16xi32>
    %swap3A_2602 = arith.constant 18 : i32
    %swap3A_2603 = arith.index_cast %swap3A_2602 : i32 to index
    %swap3A_2604 = arith.constant 0 : index
    %swap3A_2605 = tpu.vector_load %arg5[%swap3A_2603, %swap3A_2604] {strides = array<i32>} : memref<24x128xi32, #tpu.memory_space<vmem>>, vector<1x16xi32>,
    %swap3A_2606 = vector.shape_cast %swap3A_2605 : vector<1x16xi32> to vector<16xi32>
    %swap3A_2607 = vector.shape_cast %select_n3A_2601 : vector<16xi32> to vector<1x16xi32>
    tpu.vector_store %arg5[%swap3A_2603, %swap3A_2604], %swap3A_2607 {strides = array<i32>} : memref<24x128xi32, #tpu.memory_space<vmem>>, vector<1x16xi32>,
    %get3A_2608 = arith.constant 18 : i32
    %get3A_2609 = arith.index_cast %get3A_2608 : i32 to index
    %get3A_2610 = arith.constant 16 : index
    %get3A_2611 = tpu.vector_load %arg5[%get3A_2609, %get3A_2610] {strides = array<i32>} : memref<24x128xi32, #tpu.memory_space<vmem>>, vector<1x16xi32>,
    %get3A_2612 = vector.shape_cast %get3A_2611 : vector<1x16xi32> to vector<16xi32>
    %ge3A_2613 = arith.constant 503808 : i32
    %ge3A_2614 = vector.broadcast %ge3A_2613 : i32 to vector<16xi32>
    %ge3A_2615 = arith.cmpi sge, %get3A_2612, %ge3A_2614 : vector<16xi32>
    %sub3A_2616 = arith.constant 503808 : i32
    %sub3A_2617 = vector.broadcast %sub3A_2616 : i32 to vector<16xi32>
    %sub3A_2618 = arith.subi %get3A_2612, %sub3A_2617 : vector<16xi32>
    %select_n3A_2619 = arith.select %ge3A_2615, %sub3A_2618, %get3A_2612 : vector<16xi1>, vector<16xi32>
    %swap3A_2620 = arith.constant 18 : i32
    %swap3A_2621 = arith.index_cast %swap3A_2620 : i32 to index
    %swap3A_2622 = arith.constant 16 : index
    %swap3A_2623 = tpu.vector_load %arg5[%swap3A_2621, %swap3A_2622] {strides = array<i32>} : memref<24x128xi32, #tpu.memory_space<vmem>>, vector<1x16xi32>,
    %swap3A_2624 = vector.shape_cast %swap3A_2623 : vector<1x16xi32> to vector<16xi32>
    %swap3A_2625 = vector.shape_cast %select_n3A_2619 : vector<16xi32> to vector<1x16xi32>
    tpu.vector_store %arg5[%swap3A_2621, %swap3A_2622], %swap3A_2625 {strides = array<i32>} : memref<24x128xi32, #tpu.memory_space<vmem>>, vector<1x16xi32>,
    %get3A_2626 = arith.constant 18 : i32
    %get3A_2627 = arith.index_cast %get3A_2626 : i32 to index
    %get3A_2628 = arith.constant 32 : index
    %get3A_2629 = tpu.vector_load %arg5[%get3A_2627, %get3A_2628] {strides = array<i32>} : memref<24x128xi32, #tpu.memory_space<vmem>>, vector<1x16xi32>,
    %get3A_2630 = vector.shape_cast %get3A_2629 : vector<1x16xi32> to vector<16xi32>
    %ge3A_2631 = arith.constant 503808 : i32
    %ge3A_2632 = vector.broadcast %ge3A_2631 : i32 to vector<16xi32>
    %ge3A_2633 = arith.cmpi sge, %get3A_2630, %ge3A_2632 : vector<16xi32>
    %sub3A_2634 = arith.constant 503808 : i32
    %sub3A_2635 = vector.broadcast %sub3A_2634 : i32 to vector<16xi32>
    %sub3A_2636 = arith.subi %get3A_2630, %sub3A_2635 : vector<16xi32>
    %select_n3A_2637 = arith.select %ge3A_2633, %sub3A_2636, %get3A_2630 : vector<16xi1>, vector<16xi32>
    %swap3A_2638 = arith.constant 18 : i32
    %swap3A_2639 = arith.index_cast %swap3A_2638 : i32 to index
    %swap3A_2640 = arith.constant 32 : index
    %swap3A_2641 = tpu.vector_load %arg5[%swap3A_2639, %swap3A_2640] {strides = array<i32>} : memref<24x128xi32, #tpu.memory_space<vmem>>, vector<1x16xi32>,
    %swap3A_2642 = vector.shape_cast %swap3A_2641 : vector<1x16xi32> to vector<16xi32>
    %swap3A_2643 = vector.shape_cast %select_n3A_2637 : vector<16xi32> to vector<1x16xi32>
    tpu.vector_store %arg5[%swap3A_2639, %swap3A_2640], %swap3A_2643 {strides = array<i32>} : memref<24x128xi32, #tpu.memory_space<vmem>>, vector<1x16xi32>,
    %get3A_2644 = arith.constant 18 : i32
    %get3A_2645 = arith.index_cast %get3A_2644 : i32 to index
    %get3A_2646 = arith.constant 48 : index
    %get3A_2647 = tpu.vector_load %arg5[%get3A_2645, %get3A_2646] {strides = array<i32>} : memref<24x128xi32, #tpu.memory_space<vmem>>, vector<1x16xi32>,
    %get3A_2648 = vector.shape_cast %get3A_2647 : vector<1x16xi32> to vector<16xi32>
    %ge3A_2649 = arith.constant 503808 : i32
    %ge3A_2650 = vector.broadcast %ge3A_2649 : i32 to vector<16xi32>
    %ge3A_2651 = arith.cmpi sge, %get3A_2648, %ge3A_2650 : vector<16xi32>
    %sub3A_2652 = arith.constant 503808 : i32
    %sub3A_2653 = vector.broadcast %sub3A_2652 : i32 to vector<16xi32>
    %sub3A_2654 = arith.subi %get3A_2648, %sub3A_2653 : vector<16xi32>
    %select_n3A_2655 = arith.select %ge3A_2651, %sub3A_2654, %get3A_2648 : vector<16xi1>, vector<16xi32>
    %swap3A_2656 = arith.constant 18 : i32
    %swap3A_2657 = arith.index_cast %swap3A_2656 : i32 to index
    %swap3A_2658 = arith.constant 48 : index
    %swap3A_2659 = tpu.vector_load %arg5[%swap3A_2657, %swap3A_2658] {strides = array<i32>} : memref<24x128xi32, #tpu.memory_space<vmem>>, vector<1x16xi32>,
    %swap3A_2660 = vector.shape_cast %swap3A_2659 : vector<1x16xi32> to vector<16xi32>
    %swap3A_2661 = vector.shape_cast %select_n3A_2655 : vector<16xi32> to vector<1x16xi32>
    tpu.vector_store %arg5[%swap3A_2657, %swap3A_2658], %swap3A_2661 {strides = array<i32>} : memref<24x128xi32, #tpu.memory_space<vmem>>, vector<1x16xi32>,
    %get3A_2662 = arith.constant 18 : i32
    %get3A_2663 = arith.index_cast %get3A_2662 : i32 to index
    %get3A_2664 = arith.constant 64 : index
    %get3A_2665 = tpu.vector_load %arg5[%get3A_2663, %get3A_2664] {strides = array<i32>} : memref<24x128xi32, #tpu.memory_space<vmem>>, vector<1x16xi32>,
    %get3A_2666 = vector.shape_cast %get3A_2665 : vector<1x16xi32> to vector<16xi32>
    %ge3A_2667 = arith.constant 503808 : i32
    %ge3A_2668 = vector.broadcast %ge3A_2667 : i32 to vector<16xi32>
    %ge3A_2669 = arith.cmpi sge, %get3A_2666, %ge3A_2668 : vector<16xi32>
    %sub3A_2670 = arith.constant 503808 : i32
    %sub3A_2671 = vector.broadcast %sub3A_2670 : i32 to vector<16xi32>
    %sub3A_2672 = arith.subi %get3A_2666, %sub3A_2671 : vector<16xi32>
    %select_n3A_2673 = arith.select %ge3A_2669, %sub3A_2672, %get3A_2666 : vector<16xi1>, vector<16xi32>
    %swap3A_2674 = arith.constant 18 : i32
    %swap3A_2675 = arith.index_cast %swap3A_2674 : i32 to index
    %swap3A_2676 = arith.constant 64 : index
    %swap3A_2677 = tpu.vector_load %arg5[%swap3A_2675, %swap3A_2676] {strides = array<i32>} : memref<24x128xi32, #tpu.memory_space<vmem>>, vector<1x16xi32>,
    %swap3A_2678 = vector.shape_cast %swap3A_2677 : vector<1x16xi32> to vector<16xi32>
    %swap3A_2679 = vector.shape_cast %select_n3A_2673 : vector<16xi32> to vector<1x16xi32>
    tpu.vector_store %arg5[%swap3A_2675, %swap3A_2676], %swap3A_2679 {strides = array<i32>} : memref<24x128xi32, #tpu.memory_space<vmem>>, vector<1x16xi32>,
    %get3A_2680 = arith.constant 18 : i32
    %get3A_2681 = arith.index_cast %get3A_2680 : i32 to index
    %get3A_2682 = arith.constant 80 : index
    %get3A_2683 = tpu.vector_load %arg5[%get3A_2681, %get3A_2682] {strides = array<i32>} : memref<24x128xi32, #tpu.memory_space<vmem>>, vector<1x16xi32>,
    %get3A_2684 = vector.shape_cast %get3A_2683 : vector<1x16xi32> to vector<16xi32>
    %ge3A_2685 = arith.constant 503808 : i32
    %ge3A_2686 = vector.broadcast %ge3A_2685 : i32 to vector<16xi32>
    %ge3A_2687 = arith.cmpi sge, %get3A_2684, %ge3A_2686 : vector<16xi32>
    %sub3A_2688 = arith.constant 503808 : i32
    %sub3A_2689 = vector.broadcast %sub3A_2688 : i32 to vector<16xi32>
    %sub3A_2690 = arith.subi %get3A_2684, %sub3A_2689 : vector<16xi32>
    %select_n3A_2691 = arith.select %ge3A_2687, %sub3A_2690, %get3A_2684 : vector<16xi1>, vector<16xi32>
    %swap3A_2692 = arith.constant 18 : i32
    %swap3A_2693 = arith.index_cast %swap3A_2692 : i32 to index
    %swap3A_2694 = arith.constant 80 : index
    %swap3A_2695 = tpu.vector_load %arg5[%swap3A_2693, %swap3A_2694] {strides = array<i32>} : memref<24x128xi32, #tpu.memory_space<vmem>>, vector<1x16xi32>,
    %swap3A_2696 = vector.shape_cast %swap3A_2695 : vector<1x16xi32> to vector<16xi32>
    %swap3A_2697 = vector.shape_cast %select_n3A_2691 : vector<16xi32> to vector<1x16xi32>
    tpu.vector_store %arg5[%swap3A_2693, %swap3A_2694], %swap3A_2697 {strides = array<i32>} : memref<24x128xi32, #tpu.memory_space<vmem>>, vector<1x16xi32>,
    %get3A_2698 = arith.constant 18 : i32
    %get3A_2699 = arith.index_cast %get3A_2698 : i32 to index
    %get3A_2700 = arith.constant 96 : index
    %get3A_2701 = tpu.vector_load %arg5[%get3A_2699, %get3A_2700] {strides = array<i32>} : memref<24x128xi32, #tpu.memory_space<vmem>>, vector<1x16xi32>,
    %get3A_2702 = vector.shape_cast %get3A_2701 : vector<1x16xi32> to vector<16xi32>
    %ge3A_2703 = arith.constant 503808 : i32
    %ge3A_2704 = vector.broadcast %ge3A_2703 : i32 to vector<16xi32>
    %ge3A_2705 = arith.cmpi sge, %get3A_2702, %ge3A_2704 : vector<16xi32>
    %sub3A_2706 = arith.constant 503808 : i32
    %sub3A_2707 = vector.broadcast %sub3A_2706 : i32 to vector<16xi32>
    %sub3A_2708 = arith.subi %get3A_2702, %sub3A_2707 : vector<16xi32>
    %select_n3A_2709 = arith.select %ge3A_2705, %sub3A_2708, %get3A_2702 : vector<16xi1>, vector<16xi32>
    %swap3A_2710 = arith.constant 18 : i32
    %swap3A_2711 = arith.index_cast %swap3A_2710 : i32 to index
    %swap3A_2712 = arith.constant 96 : index
    %swap3A_2713 = tpu.vector_load %arg5[%swap3A_2711, %swap3A_2712] {strides = array<i32>} : memref<24x128xi32, #tpu.memory_space<vmem>>, vector<1x16xi32>,
    %swap3A_2714 = vector.shape_cast %swap3A_2713 : vector<1x16xi32> to vector<16xi32>
    %swap3A_2715 = vector.shape_cast %select_n3A_2709 : vector<16xi32> to vector<1x16xi32>
    tpu.vector_store %arg5[%swap3A_2711, %swap3A_2712], %swap3A_2715 {strides = array<i32>} : memref<24x128xi32, #tpu.memory_space<vmem>>, vector<1x16xi32>,
    %get3A_2716 = arith.constant 18 : i32
    %get3A_2717 = arith.index_cast %get3A_2716 : i32 to index
    %get3A_2718 = arith.constant 112 : index
    %get3A_2719 = tpu.vector_load %arg5[%get3A_2717, %get3A_2718] {strides = array<i32>} : memref<24x128xi32, #tpu.memory_space<vmem>>, vector<1x16xi32>,
    %get3A_2720 = vector.shape_cast %get3A_2719 : vector<1x16xi32> to vector<16xi32>
    %ge3A_2721 = arith.constant 503808 : i32
    %ge3A_2722 = vector.broadcast %ge3A_2721 : i32 to vector<16xi32>
    %ge3A_2723 = arith.cmpi sge, %get3A_2720, %ge3A_2722 : vector<16xi32>
    %sub3A_2724 = arith.constant 503808 : i32
    %sub3A_2725 = vector.broadcast %sub3A_2724 : i32 to vector<16xi32>
    %sub3A_2726 = arith.subi %get3A_2720, %sub3A_2725 : vector<16xi32>
    %select_n3A_2727 = arith.select %ge3A_2723, %sub3A_2726, %get3A_2720 : vector<16xi1>, vector<16xi32>
    %swap3A_2728 = arith.constant 18 : i32
    %swap3A_2729 = arith.index_cast %swap3A_2728 : i32 to index
    %swap3A_2730 = arith.constant 112 : index
    %swap3A_2731 = tpu.vector_load %arg5[%swap3A_2729, %swap3A_2730] {strides = array<i32>} : memref<24x128xi32, #tpu.memory_space<vmem>>, vector<1x16xi32>,
    %swap3A_2732 = vector.shape_cast %swap3A_2731 : vector<1x16xi32> to vector<16xi32>
    %swap3A_2733 = vector.shape_cast %select_n3A_2727 : vector<16xi32> to vector<1x16xi32>
    tpu.vector_store %arg5[%swap3A_2729, %swap3A_2730], %swap3A_2733 {strides = array<i32>} : memref<24x128xi32, #tpu.memory_space<vmem>>, vector<1x16xi32>,
    %get3A_2734 = arith.constant 19 : i32
    %get3A_2735 = arith.index_cast %get3A_2734 : i32 to index
    %get3A_2736 = arith.constant 0 : index
    %get3A_2737 = tpu.vector_load %arg5[%get3A_2735, %get3A_2736] {strides = array<i32>} : memref<24x128xi32, #tpu.memory_space<vmem>>, vector<1x16xi32>,
    %get3A_2738 = vector.shape_cast %get3A_2737 : vector<1x16xi32> to vector<16xi32>
    %ge3A_2739 = arith.constant 503808 : i32
    %ge3A_2740 = vector.broadcast %ge3A_2739 : i32 to vector<16xi32>
    %ge3A_2741 = arith.cmpi sge, %get3A_2738, %ge3A_2740 : vector<16xi32>
    %sub3A_2742 = arith.constant 503808 : i32
    %sub3A_2743 = vector.broadcast %sub3A_2742 : i32 to vector<16xi32>
    %sub3A_2744 = arith.subi %get3A_2738, %sub3A_2743 : vector<16xi32>
    %select_n3A_2745 = arith.select %ge3A_2741, %sub3A_2744, %get3A_2738 : vector<16xi1>, vector<16xi32>
    %swap3A_2746 = arith.constant 19 : i32
    %swap3A_2747 = arith.index_cast %swap3A_2746 : i32 to index
    %swap3A_2748 = arith.constant 0 : index
    %swap3A_2749 = tpu.vector_load %arg5[%swap3A_2747, %swap3A_2748] {strides = array<i32>} : memref<24x128xi32, #tpu.memory_space<vmem>>, vector<1x16xi32>,
    %swap3A_2750 = vector.shape_cast %swap3A_2749 : vector<1x16xi32> to vector<16xi32>
    %swap3A_2751 = vector.shape_cast %select_n3A_2745 : vector<16xi32> to vector<1x16xi32>
    tpu.vector_store %arg5[%swap3A_2747, %swap3A_2748], %swap3A_2751 {strides = array<i32>} : memref<24x128xi32, #tpu.memory_space<vmem>>, vector<1x16xi32>,
    %get3A_2752 = arith.constant 19 : i32
    %get3A_2753 = arith.index_cast %get3A_2752 : i32 to index
    %get3A_2754 = arith.constant 16 : index
    %get3A_2755 = tpu.vector_load %arg5[%get3A_2753, %get3A_2754] {strides = array<i32>} : memref<24x128xi32, #tpu.memory_space<vmem>>, vector<1x16xi32>,
    %get3A_2756 = vector.shape_cast %get3A_2755 : vector<1x16xi32> to vector<16xi32>
    %ge3A_2757 = arith.constant 503808 : i32
    %ge3A_2758 = vector.broadcast %ge3A_2757 : i32 to vector<16xi32>
    %ge3A_2759 = arith.cmpi sge, %get3A_2756, %ge3A_2758 : vector<16xi32>
    %sub3A_2760 = arith.constant 503808 : i32
    %sub3A_2761 = vector.broadcast %sub3A_2760 : i32 to vector<16xi32>
    %sub3A_2762 = arith.subi %get3A_2756, %sub3A_2761 : vector<16xi32>
    %select_n3A_2763 = arith.select %ge3A_2759, %sub3A_2762, %get3A_2756 : vector<16xi1>, vector<16xi32>
    %swap3A_2764 = arith.constant 19 : i32
    %swap3A_2765 = arith.index_cast %swap3A_2764 : i32 to index
    %swap3A_2766 = arith.constant 16 : index
    %swap3A_2767 = tpu.vector_load %arg5[%swap3A_2765, %swap3A_2766] {strides = array<i32>} : memref<24x128xi32, #tpu.memory_space<vmem>>, vector<1x16xi32>,
    %swap3A_2768 = vector.shape_cast %swap3A_2767 : vector<1x16xi32> to vector<16xi32>
    %swap3A_2769 = vector.shape_cast %select_n3A_2763 : vector<16xi32> to vector<1x16xi32>
    tpu.vector_store %arg5[%swap3A_2765, %swap3A_2766], %swap3A_2769 {strides = array<i32>} : memref<24x128xi32, #tpu.memory_space<vmem>>, vector<1x16xi32>,
    %get3A_2770 = arith.constant 19 : i32
    %get3A_2771 = arith.index_cast %get3A_2770 : i32 to index
    %get3A_2772 = arith.constant 32 : index
    %get3A_2773 = tpu.vector_load %arg5[%get3A_2771, %get3A_2772] {strides = array<i32>} : memref<24x128xi32, #tpu.memory_space<vmem>>, vector<1x16xi32>,
    %get3A_2774 = vector.shape_cast %get3A_2773 : vector<1x16xi32> to vector<16xi32>
    %ge3A_2775 = arith.constant 503808 : i32
    %ge3A_2776 = vector.broadcast %ge3A_2775 : i32 to vector<16xi32>
    %ge3A_2777 = arith.cmpi sge, %get3A_2774, %ge3A_2776 : vector<16xi32>
    %sub3A_2778 = arith.constant 503808 : i32
    %sub3A_2779 = vector.broadcast %sub3A_2778 : i32 to vector<16xi32>
    %sub3A_2780 = arith.subi %get3A_2774, %sub3A_2779 : vector<16xi32>
    %select_n3A_2781 = arith.select %ge3A_2777, %sub3A_2780, %get3A_2774 : vector<16xi1>, vector<16xi32>
    %swap3A_2782 = arith.constant 19 : i32
    %swap3A_2783 = arith.index_cast %swap3A_2782 : i32 to index
    %swap3A_2784 = arith.constant 32 : index
    %swap3A_2785 = tpu.vector_load %arg5[%swap3A_2783, %swap3A_2784] {strides = array<i32>} : memref<24x128xi32, #tpu.memory_space<vmem>>, vector<1x16xi32>,
    %swap3A_2786 = vector.shape_cast %swap3A_2785 : vector<1x16xi32> to vector<16xi32>
    %swap3A_2787 = vector.shape_cast %select_n3A_2781 : vector<16xi32> to vector<1x16xi32>
    tpu.vector_store %arg5[%swap3A_2783, %swap3A_2784], %swap3A_2787 {strides = array<i32>} : memref<24x128xi32, #tpu.memory_space<vmem>>, vector<1x16xi32>,
    %get3A_2788 = arith.constant 19 : i32
    %get3A_2789 = arith.index_cast %get3A_2788 : i32 to index
    %get3A_2790 = arith.constant 48 : index
    %get3A_2791 = tpu.vector_load %arg5[%get3A_2789, %get3A_2790] {strides = array<i32>} : memref<24x128xi32, #tpu.memory_space<vmem>>, vector<1x16xi32>,
    %get3A_2792 = vector.shape_cast %get3A_2791 : vector<1x16xi32> to vector<16xi32>
    %ge3A_2793 = arith.constant 503808 : i32
    %ge3A_2794 = vector.broadcast %ge3A_2793 : i32 to vector<16xi32>
    %ge3A_2795 = arith.cmpi sge, %get3A_2792, %ge3A_2794 : vector<16xi32>
    %sub3A_2796 = arith.constant 503808 : i32
    %sub3A_2797 = vector.broadcast %sub3A_2796 : i32 to vector<16xi32>
    %sub3A_2798 = arith.subi %get3A_2792, %sub3A_2797 : vector<16xi32>
    %select_n3A_2799 = arith.select %ge3A_2795, %sub3A_2798, %get3A_2792 : vector<16xi1>, vector<16xi32>
    %swap3A_2800 = arith.constant 19 : i32
    %swap3A_2801 = arith.index_cast %swap3A_2800 : i32 to index
    %swap3A_2802 = arith.constant 48 : index
    %swap3A_2803 = tpu.vector_load %arg5[%swap3A_2801, %swap3A_2802] {strides = array<i32>} : memref<24x128xi32, #tpu.memory_space<vmem>>, vector<1x16xi32>,
    %swap3A_2804 = vector.shape_cast %swap3A_2803 : vector<1x16xi32> to vector<16xi32>
    %swap3A_2805 = vector.shape_cast %select_n3A_2799 : vector<16xi32> to vector<1x16xi32>
    tpu.vector_store %arg5[%swap3A_2801, %swap3A_2802], %swap3A_2805 {strides = array<i32>} : memref<24x128xi32, #tpu.memory_space<vmem>>, vector<1x16xi32>,
    %get3A_2806 = arith.constant 19 : i32
    %get3A_2807 = arith.index_cast %get3A_2806 : i32 to index
    %get3A_2808 = arith.constant 64 : index
    %get3A_2809 = tpu.vector_load %arg5[%get3A_2807, %get3A_2808] {strides = array<i32>} : memref<24x128xi32, #tpu.memory_space<vmem>>, vector<1x16xi32>,
    %get3A_2810 = vector.shape_cast %get3A_2809 : vector<1x16xi32> to vector<16xi32>
    %ge3A_2811 = arith.constant 503808 : i32
    %ge3A_2812 = vector.broadcast %ge3A_2811 : i32 to vector<16xi32>
    %ge3A_2813 = arith.cmpi sge, %get3A_2810, %ge3A_2812 : vector<16xi32>
    %sub3A_2814 = arith.constant 503808 : i32
    %sub3A_2815 = vector.broadcast %sub3A_2814 : i32 to vector<16xi32>
    %sub3A_2816 = arith.subi %get3A_2810, %sub3A_2815 : vector<16xi32>
    %select_n3A_2817 = arith.select %ge3A_2813, %sub3A_2816, %get3A_2810 : vector<16xi1>, vector<16xi32>
    %swap3A_2818 = arith.constant 19 : i32
    %swap3A_2819 = arith.index_cast %swap3A_2818 : i32 to index
    %swap3A_2820 = arith.constant 64 : index
    %swap3A_2821 = tpu.vector_load %arg5[%swap3A_2819, %swap3A_2820] {strides = array<i32>} : memref<24x128xi32, #tpu.memory_space<vmem>>, vector<1x16xi32>,
    %swap3A_2822 = vector.shape_cast %swap3A_2821 : vector<1x16xi32> to vector<16xi32>
    %swap3A_2823 = vector.shape_cast %select_n3A_2817 : vector<16xi32> to vector<1x16xi32>
    tpu.vector_store %arg5[%swap3A_2819, %swap3A_2820], %swap3A_2823 {strides = array<i32>} : memref<24x128xi32, #tpu.memory_space<vmem>>, vector<1x16xi32>,
    %get3A_2824 = arith.constant 19 : i32
    %get3A_2825 = arith.index_cast %get3A_2824 : i32 to index
    %get3A_2826 = arith.constant 80 : index
    %get3A_2827 = tpu.vector_load %arg5[%get3A_2825, %get3A_2826] {strides = array<i32>} : memref<24x128xi32, #tpu.memory_space<vmem>>, vector<1x16xi32>,
    %get3A_2828 = vector.shape_cast %get3A_2827 : vector<1x16xi32> to vector<16xi32>
    %ge3A_2829 = arith.constant 503808 : i32
    %ge3A_2830 = vector.broadcast %ge3A_2829 : i32 to vector<16xi32>
    %ge3A_2831 = arith.cmpi sge, %get3A_2828, %ge3A_2830 : vector<16xi32>
    %sub3A_2832 = arith.constant 503808 : i32
    %sub3A_2833 = vector.broadcast %sub3A_2832 : i32 to vector<16xi32>
    %sub3A_2834 = arith.subi %get3A_2828, %sub3A_2833 : vector<16xi32>
    %select_n3A_2835 = arith.select %ge3A_2831, %sub3A_2834, %get3A_2828 : vector<16xi1>, vector<16xi32>
    %swap3A_2836 = arith.constant 19 : i32
    %swap3A_2837 = arith.index_cast %swap3A_2836 : i32 to index
    %swap3A_2838 = arith.constant 80 : index
    %swap3A_2839 = tpu.vector_load %arg5[%swap3A_2837, %swap3A_2838] {strides = array<i32>} : memref<24x128xi32, #tpu.memory_space<vmem>>, vector<1x16xi32>,
    %swap3A_2840 = vector.shape_cast %swap3A_2839 : vector<1x16xi32> to vector<16xi32>
    %swap3A_2841 = vector.shape_cast %select_n3A_2835 : vector<16xi32> to vector<1x16xi32>
    tpu.vector_store %arg5[%swap3A_2837, %swap3A_2838], %swap3A_2841 {strides = array<i32>} : memref<24x128xi32, #tpu.memory_space<vmem>>, vector<1x16xi32>,
    %get3A_2842 = arith.constant 19 : i32
    %get3A_2843 = arith.index_cast %get3A_2842 : i32 to index
    %get3A_2844 = arith.constant 96 : index
    %get3A_2845 = tpu.vector_load %arg5[%get3A_2843, %get3A_2844] {strides = array<i32>} : memref<24x128xi32, #tpu.memory_space<vmem>>, vector<1x16xi32>,
    %get3A_2846 = vector.shape_cast %get3A_2845 : vector<1x16xi32> to vector<16xi32>
    %ge3A_2847 = arith.constant 503808 : i32
    %ge3A_2848 = vector.broadcast %ge3A_2847 : i32 to vector<16xi32>
    %ge3A_2849 = arith.cmpi sge, %get3A_2846, %ge3A_2848 : vector<16xi32>
    %sub3A_2850 = arith.constant 503808 : i32
    %sub3A_2851 = vector.broadcast %sub3A_2850 : i32 to vector<16xi32>
    %sub3A_2852 = arith.subi %get3A_2846, %sub3A_2851 : vector<16xi32>
    %select_n3A_2853 = arith.select %ge3A_2849, %sub3A_2852, %get3A_2846 : vector<16xi1>, vector<16xi32>
    %swap3A_2854 = arith.constant 19 : i32
    %swap3A_2855 = arith.index_cast %swap3A_2854 : i32 to index
    %swap3A_2856 = arith.constant 96 : index
    %swap3A_2857 = tpu.vector_load %arg5[%swap3A_2855, %swap3A_2856] {strides = array<i32>} : memref<24x128xi32, #tpu.memory_space<vmem>>, vector<1x16xi32>,
    %swap3A_2858 = vector.shape_cast %swap3A_2857 : vector<1x16xi32> to vector<16xi32>
    %swap3A_2859 = vector.shape_cast %select_n3A_2853 : vector<16xi32> to vector<1x16xi32>
    tpu.vector_store %arg5[%swap3A_2855, %swap3A_2856], %swap3A_2859 {strides = array<i32>} : memref<24x128xi32, #tpu.memory_space<vmem>>, vector<1x16xi32>,
    %get3A_2860 = arith.constant 19 : i32
    %get3A_2861 = arith.index_cast %get3A_2860 : i32 to index
    %get3A_2862 = arith.constant 112 : index
    %get3A_2863 = tpu.vector_load %arg5[%get3A_2861, %get3A_2862] {strides = array<i32>} : memref<24x128xi32, #tpu.memory_space<vmem>>, vector<1x16xi32>,
    %get3A_2864 = vector.shape_cast %get3A_2863 : vector<1x16xi32> to vector<16xi32>
    %ge3A_2865 = arith.constant 503808 : i32
    %ge3A_2866 = vector.broadcast %ge3A_2865 : i32 to vector<16xi32>
    %ge3A_2867 = arith.cmpi sge, %get3A_2864, %ge3A_2866 : vector<16xi32>
    %sub3A_2868 = arith.constant 503808 : i32
    %sub3A_2869 = vector.broadcast %sub3A_2868 : i32 to vector<16xi32>
    %sub3A_2870 = arith.subi %get3A_2864, %sub3A_2869 : vector<16xi32>
    %select_n3A_2871 = arith.select %ge3A_2867, %sub3A_2870, %get3A_2864 : vector<16xi1>, vector<16xi32>
    %swap3A_2872 = arith.constant 19 : i32
    %swap3A_2873 = arith.index_cast %swap3A_2872 : i32 to index
    %swap3A_2874 = arith.constant 112 : index
    %swap3A_2875 = tpu.vector_load %arg5[%swap3A_2873, %swap3A_2874] {strides = array<i32>} : memref<24x128xi32, #tpu.memory_space<vmem>>, vector<1x16xi32>,
    %swap3A_2876 = vector.shape_cast %swap3A_2875 : vector<1x16xi32> to vector<16xi32>
    %swap3A_2877 = vector.shape_cast %select_n3A_2871 : vector<16xi32> to vector<1x16xi32>
    tpu.vector_store %arg5[%swap3A_2873, %swap3A_2874], %swap3A_2877 {strides = array<i32>} : memref<24x128xi32, #tpu.memory_space<vmem>>, vector<1x16xi32>,
    %get3A_2878 = arith.constant 20 : i32
    %get3A_2879 = arith.index_cast %get3A_2878 : i32 to index
    %get3A_2880 = arith.constant 0 : index
    %get3A_2881 = tpu.vector_load %arg5[%get3A_2879, %get3A_2880] {strides = array<i32>} : memref<24x128xi32, #tpu.memory_space<vmem>>, vector<1x16xi32>,
    %get3A_2882 = vector.shape_cast %get3A_2881 : vector<1x16xi32> to vector<16xi32>
    %ge3A_2883 = arith.constant 503808 : i32
    %ge3A_2884 = vector.broadcast %ge3A_2883 : i32 to vector<16xi32>
    %ge3A_2885 = arith.cmpi sge, %get3A_2882, %ge3A_2884 : vector<16xi32>
    %sub3A_2886 = arith.constant 503808 : i32
    %sub3A_2887 = vector.broadcast %sub3A_2886 : i32 to vector<16xi32>
    %sub3A_2888 = arith.subi %get3A_2882, %sub3A_2887 : vector<16xi32>
    %select_n3A_2889 = arith.select %ge3A_2885, %sub3A_2888, %get3A_2882 : vector<16xi1>, vector<16xi32>
    %swap3A_2890 = arith.constant 20 : i32
    %swap3A_2891 = arith.index_cast %swap3A_2890 : i32 to index
    %swap3A_2892 = arith.constant 0 : index
    %swap3A_2893 = tpu.vector_load %arg5[%swap3A_2891, %swap3A_2892] {strides = array<i32>} : memref<24x128xi32, #tpu.memory_space<vmem>>, vector<1x16xi32>,
    %swap3A_2894 = vector.shape_cast %swap3A_2893 : vector<1x16xi32> to vector<16xi32>
    %swap3A_2895 = vector.shape_cast %select_n3A_2889 : vector<16xi32> to vector<1x16xi32>
    tpu.vector_store %arg5[%swap3A_2891, %swap3A_2892], %swap3A_2895 {strides = array<i32>} : memref<24x128xi32, #tpu.memory_space<vmem>>, vector<1x16xi32>,
    %get3A_2896 = arith.constant 20 : i32
    %get3A_2897 = arith.index_cast %get3A_2896 : i32 to index
    %get3A_2898 = arith.constant 16 : index
    %get3A_2899 = tpu.vector_load %arg5[%get3A_2897, %get3A_2898] {strides = array<i32>} : memref<24x128xi32, #tpu.memory_space<vmem>>, vector<1x16xi32>,
    %get3A_2900 = vector.shape_cast %get3A_2899 : vector<1x16xi32> to vector<16xi32>
    %ge3A_2901 = arith.constant 503808 : i32
    %ge3A_2902 = vector.broadcast %ge3A_2901 : i32 to vector<16xi32>
    %ge3A_2903 = arith.cmpi sge, %get3A_2900, %ge3A_2902 : vector<16xi32>
    %sub3A_2904 = arith.constant 503808 : i32
    %sub3A_2905 = vector.broadcast %sub3A_2904 : i32 to vector<16xi32>
    %sub3A_2906 = arith.subi %get3A_2900, %sub3A_2905 : vector<16xi32>
    %select_n3A_2907 = arith.select %ge3A_2903, %sub3A_2906, %get3A_2900 : vector<16xi1>, vector<16xi32>
    %swap3A_2908 = arith.constant 20 : i32
    %swap3A_2909 = arith.index_cast %swap3A_2908 : i32 to index
    %swap3A_2910 = arith.constant 16 : index
    %swap3A_2911 = tpu.vector_load %arg5[%swap3A_2909, %swap3A_2910] {strides = array<i32>} : memref<24x128xi32, #tpu.memory_space<vmem>>, vector<1x16xi32>,
    %swap3A_2912 = vector.shape_cast %swap3A_2911 : vector<1x16xi32> to vector<16xi32>
    %swap3A_2913 = vector.shape_cast %select_n3A_2907 : vector<16xi32> to vector<1x16xi32>
    tpu.vector_store %arg5[%swap3A_2909, %swap3A_2910], %swap3A_2913 {strides = array<i32>} : memref<24x128xi32, #tpu.memory_space<vmem>>, vector<1x16xi32>,
    %get3A_2914 = arith.constant 20 : i32
    %get3A_2915 = arith.index_cast %get3A_2914 : i32 to index
    %get3A_2916 = arith.constant 32 : index
    %get3A_2917 = tpu.vector_load %arg5[%get3A_2915, %get3A_2916] {strides = array<i32>} : memref<24x128xi32, #tpu.memory_space<vmem>>, vector<1x16xi32>,
    %get3A_2918 = vector.shape_cast %get3A_2917 : vector<1x16xi32> to vector<16xi32>
    %ge3A_2919 = arith.constant 503808 : i32
    %ge3A_2920 = vector.broadcast %ge3A_2919 : i32 to vector<16xi32>
    %ge3A_2921 = arith.cmpi sge, %get3A_2918, %ge3A_2920 : vector<16xi32>
    %sub3A_2922 = arith.constant 503808 : i32
    %sub3A_2923 = vector.broadcast %sub3A_2922 : i32 to vector<16xi32>
    %sub3A_2924 = arith.subi %get3A_2918, %sub3A_2923 : vector<16xi32>
    %select_n3A_2925 = arith.select %ge3A_2921, %sub3A_2924, %get3A_2918 : vector<16xi1>, vector<16xi32>
    %swap3A_2926 = arith.constant 20 : i32
    %swap3A_2927 = arith.index_cast %swap3A_2926 : i32 to index
    %swap3A_2928 = arith.constant 32 : index
    %swap3A_2929 = tpu.vector_load %arg5[%swap3A_2927, %swap3A_2928] {strides = array<i32>} : memref<24x128xi32, #tpu.memory_space<vmem>>, vector<1x16xi32>,
    %swap3A_2930 = vector.shape_cast %swap3A_2929 : vector<1x16xi32> to vector<16xi32>
    %swap3A_2931 = vector.shape_cast %select_n3A_2925 : vector<16xi32> to vector<1x16xi32>
    tpu.vector_store %arg5[%swap3A_2927, %swap3A_2928], %swap3A_2931 {strides = array<i32>} : memref<24x128xi32, #tpu.memory_space<vmem>>, vector<1x16xi32>,
    %get3A_2932 = arith.constant 20 : i32
    %get3A_2933 = arith.index_cast %get3A_2932 : i32 to index
    %get3A_2934 = arith.constant 48 : index
    %get3A_2935 = tpu.vector_load %arg5[%get3A_2933, %get3A_2934] {strides = array<i32>} : memref<24x128xi32, #tpu.memory_space<vmem>>, vector<1x16xi32>,
    %get3A_2936 = vector.shape_cast %get3A_2935 : vector<1x16xi32> to vector<16xi32>
    %ge3A_2937 = arith.constant 503808 : i32
    %ge3A_2938 = vector.broadcast %ge3A_2937 : i32 to vector<16xi32>
    %ge3A_2939 = arith.cmpi sge, %get3A_2936, %ge3A_2938 : vector<16xi32>
    %sub3A_2940 = arith.constant 503808 : i32
    %sub3A_2941 = vector.broadcast %sub3A_2940 : i32 to vector<16xi32>
    %sub3A_2942 = arith.subi %get3A_2936, %sub3A_2941 : vector<16xi32>
    %select_n3A_2943 = arith.select %ge3A_2939, %sub3A_2942, %get3A_2936 : vector<16xi1>, vector<16xi32>
    %swap3A_2944 = arith.constant 20 : i32
    %swap3A_2945 = arith.index_cast %swap3A_2944 : i32 to index
    %swap3A_2946 = arith.constant 48 : index
    %swap3A_2947 = tpu.vector_load %arg5[%swap3A_2945, %swap3A_2946] {strides = array<i32>} : memref<24x128xi32, #tpu.memory_space<vmem>>, vector<1x16xi32>,
    %swap3A_2948 = vector.shape_cast %swap3A_2947 : vector<1x16xi32> to vector<16xi32>
    %swap3A_2949 = vector.shape_cast %select_n3A_2943 : vector<16xi32> to vector<1x16xi32>
    tpu.vector_store %arg5[%swap3A_2945, %swap3A_2946], %swap3A_2949 {strides = array<i32>} : memref<24x128xi32, #tpu.memory_space<vmem>>, vector<1x16xi32>,
    %get3A_2950 = arith.constant 20 : i32
    %get3A_2951 = arith.index_cast %get3A_2950 : i32 to index
    %get3A_2952 = arith.constant 64 : index
    %get3A_2953 = tpu.vector_load %arg5[%get3A_2951, %get3A_2952] {strides = array<i32>} : memref<24x128xi32, #tpu.memory_space<vmem>>, vector<1x16xi32>,
    %get3A_2954 = vector.shape_cast %get3A_2953 : vector<1x16xi32> to vector<16xi32>
    %ge3A_2955 = arith.constant 503808 : i32
    %ge3A_2956 = vector.broadcast %ge3A_2955 : i32 to vector<16xi32>
    %ge3A_2957 = arith.cmpi sge, %get3A_2954, %ge3A_2956 : vector<16xi32>
    %sub3A_2958 = arith.constant 503808 : i32
    %sub3A_2959 = vector.broadcast %sub3A_2958 : i32 to vector<16xi32>
    %sub3A_2960 = arith.subi %get3A_2954, %sub3A_2959 : vector<16xi32>
    %select_n3A_2961 = arith.select %ge3A_2957, %sub3A_2960, %get3A_2954 : vector<16xi1>, vector<16xi32>
    %swap3A_2962 = arith.constant 20 : i32
    %swap3A_2963 = arith.index_cast %swap3A_2962 : i32 to index
    %swap3A_2964 = arith.constant 64 : index
    %swap3A_2965 = tpu.vector_load %arg5[%swap3A_2963, %swap3A_2964] {strides = array<i32>} : memref<24x128xi32, #tpu.memory_space<vmem>>, vector<1x16xi32>,
    %swap3A_2966 = vector.shape_cast %swap3A_2965 : vector<1x16xi32> to vector<16xi32>
    %swap3A_2967 = vector.shape_cast %select_n3A_2961 : vector<16xi32> to vector<1x16xi32>
    tpu.vector_store %arg5[%swap3A_2963, %swap3A_2964], %swap3A_2967 {strides = array<i32>} : memref<24x128xi32, #tpu.memory_space<vmem>>, vector<1x16xi32>,
    %get3A_2968 = arith.constant 20 : i32
    %get3A_2969 = arith.index_cast %get3A_2968 : i32 to index
    %get3A_2970 = arith.constant 80 : index
    %get3A_2971 = tpu.vector_load %arg5[%get3A_2969, %get3A_2970] {strides = array<i32>} : memref<24x128xi32, #tpu.memory_space<vmem>>, vector<1x16xi32>,
    %get3A_2972 = vector.shape_cast %get3A_2971 : vector<1x16xi32> to vector<16xi32>
    %ge3A_2973 = arith.constant 503808 : i32
    %ge3A_2974 = vector.broadcast %ge3A_2973 : i32 to vector<16xi32>
    %ge3A_2975 = arith.cmpi sge, %get3A_2972, %ge3A_2974 : vector<16xi32>
    %sub3A_2976 = arith.constant 503808 : i32
    %sub3A_2977 = vector.broadcast %sub3A_2976 : i32 to vector<16xi32>
    %sub3A_2978 = arith.subi %get3A_2972, %sub3A_2977 : vector<16xi32>
    %select_n3A_2979 = arith.select %ge3A_2975, %sub3A_2978, %get3A_2972 : vector<16xi1>, vector<16xi32>
    %swap3A_2980 = arith.constant 20 : i32
    %swap3A_2981 = arith.index_cast %swap3A_2980 : i32 to index
    %swap3A_2982 = arith.constant 80 : index
    %swap3A_2983 = tpu.vector_load %arg5[%swap3A_2981, %swap3A_2982] {strides = array<i32>} : memref<24x128xi32, #tpu.memory_space<vmem>>, vector<1x16xi32>,
    %swap3A_2984 = vector.shape_cast %swap3A_2983 : vector<1x16xi32> to vector<16xi32>
    %swap3A_2985 = vector.shape_cast %select_n3A_2979 : vector<16xi32> to vector<1x16xi32>
    tpu.vector_store %arg5[%swap3A_2981, %swap3A_2982], %swap3A_2985 {strides = array<i32>} : memref<24x128xi32, #tpu.memory_space<vmem>>, vector<1x16xi32>,
    %get3A_2986 = arith.constant 20 : i32
    %get3A_2987 = arith.index_cast %get3A_2986 : i32 to index
    %get3A_2988 = arith.constant 96 : index
    %get3A_2989 = tpu.vector_load %arg5[%get3A_2987, %get3A_2988] {strides = array<i32>} : memref<24x128xi32, #tpu.memory_space<vmem>>, vector<1x16xi32>,
    %get3A_2990 = vector.shape_cast %get3A_2989 : vector<1x16xi32> to vector<16xi32>
    %ge3A_2991 = arith.constant 503808 : i32
    %ge3A_2992 = vector.broadcast %ge3A_2991 : i32 to vector<16xi32>
    %ge3A_2993 = arith.cmpi sge, %get3A_2990, %ge3A_2992 : vector<16xi32>
    %sub3A_2994 = arith.constant 503808 : i32
    %sub3A_2995 = vector.broadcast %sub3A_2994 : i32 to vector<16xi32>
    %sub3A_2996 = arith.subi %get3A_2990, %sub3A_2995 : vector<16xi32>
    %select_n3A_2997 = arith.select %ge3A_2993, %sub3A_2996, %get3A_2990 : vector<16xi1>, vector<16xi32>
    %swap3A_2998 = arith.constant 20 : i32
    %swap3A_2999 = arith.index_cast %swap3A_2998 : i32 to index
    %swap3A_3000 = arith.constant 96 : index
    %swap3A_3001 = tpu.vector_load %arg5[%swap3A_2999, %swap3A_3000] {strides = array<i32>} : memref<24x128xi32, #tpu.memory_space<vmem>>, vector<1x16xi32>,
    %swap3A_3002 = vector.shape_cast %swap3A_3001 : vector<1x16xi32> to vector<16xi32>
    %swap3A_3003 = vector.shape_cast %select_n3A_2997 : vector<16xi32> to vector<1x16xi32>
    tpu.vector_store %arg5[%swap3A_2999, %swap3A_3000], %swap3A_3003 {strides = array<i32>} : memref<24x128xi32, #tpu.memory_space<vmem>>, vector<1x16xi32>,
    %get3A_3004 = arith.constant 20 : i32
    %get3A_3005 = arith.index_cast %get3A_3004 : i32 to index
    %get3A_3006 = arith.constant 112 : index
    %get3A_3007 = tpu.vector_load %arg5[%get3A_3005, %get3A_3006] {strides = array<i32>} : memref<24x128xi32, #tpu.memory_space<vmem>>, vector<1x16xi32>,
    %get3A_3008 = vector.shape_cast %get3A_3007 : vector<1x16xi32> to vector<16xi32>
    %ge3A_3009 = arith.constant 503808 : i32
    %ge3A_3010 = vector.broadcast %ge3A_3009 : i32 to vector<16xi32>
    %ge3A_3011 = arith.cmpi sge, %get3A_3008, %ge3A_3010 : vector<16xi32>
    %sub3A_3012 = arith.constant 503808 : i32
    %sub3A_3013 = vector.broadcast %sub3A_3012 : i32 to vector<16xi32>
    %sub3A_3014 = arith.subi %get3A_3008, %sub3A_3013 : vector<16xi32>
    %select_n3A_3015 = arith.select %ge3A_3011, %sub3A_3014, %get3A_3008 : vector<16xi1>, vector<16xi32>
    %swap3A_3016 = arith.constant 20 : i32
    %swap3A_3017 = arith.index_cast %swap3A_3016 : i32 to index
    %swap3A_3018 = arith.constant 112 : index
    %swap3A_3019 = tpu.vector_load %arg5[%swap3A_3017, %swap3A_3018] {strides = array<i32>} : memref<24x128xi32, #tpu.memory_space<vmem>>, vector<1x16xi32>,
    %swap3A_3020 = vector.shape_cast %swap3A_3019 : vector<1x16xi32> to vector<16xi32>
    %swap3A_3021 = vector.shape_cast %select_n3A_3015 : vector<16xi32> to vector<1x16xi32>
    tpu.vector_store %arg5[%swap3A_3017, %swap3A_3018], %swap3A_3021 {strides = array<i32>} : memref<24x128xi32, #tpu.memory_space<vmem>>, vector<1x16xi32>,
    %get3A_3022 = arith.constant 21 : i32
    %get3A_3023 = arith.index_cast %get3A_3022 : i32 to index
    %get3A_3024 = arith.constant 0 : index
    %get3A_3025 = tpu.vector_load %arg5[%get3A_3023, %get3A_3024] {strides = array<i32>} : memref<24x128xi32, #tpu.memory_space<vmem>>, vector<1x16xi32>,
    %get3A_3026 = vector.shape_cast %get3A_3025 : vector<1x16xi32> to vector<16xi32>
    %ge3A_3027 = arith.constant 503808 : i32
    %ge3A_3028 = vector.broadcast %ge3A_3027 : i32 to vector<16xi32>
    %ge3A_3029 = arith.cmpi sge, %get3A_3026, %ge3A_3028 : vector<16xi32>
    %sub3A_3030 = arith.constant 503808 : i32
    %sub3A_3031 = vector.broadcast %sub3A_3030 : i32 to vector<16xi32>
    %sub3A_3032 = arith.subi %get3A_3026, %sub3A_3031 : vector<16xi32>
    %select_n3A_3033 = arith.select %ge3A_3029, %sub3A_3032, %get3A_3026 : vector<16xi1>, vector<16xi32>
    %swap3A_3034 = arith.constant 21 : i32
    %swap3A_3035 = arith.index_cast %swap3A_3034 : i32 to index
    %swap3A_3036 = arith.constant 0 : index
    %swap3A_3037 = tpu.vector_load %arg5[%swap3A_3035, %swap3A_3036] {strides = array<i32>} : memref<24x128xi32, #tpu.memory_space<vmem>>, vector<1x16xi32>,
    %swap3A_3038 = vector.shape_cast %swap3A_3037 : vector<1x16xi32> to vector<16xi32>
    %swap3A_3039 = vector.shape_cast %select_n3A_3033 : vector<16xi32> to vector<1x16xi32>
    tpu.vector_store %arg5[%swap3A_3035, %swap3A_3036], %swap3A_3039 {strides = array<i32>} : memref<24x128xi32, #tpu.memory_space<vmem>>, vector<1x16xi32>,
    %get3A_3040 = arith.constant 21 : i32
    %get3A_3041 = arith.index_cast %get3A_3040 : i32 to index
    %get3A_3042 = arith.constant 16 : index
    %get3A_3043 = tpu.vector_load %arg5[%get3A_3041, %get3A_3042] {strides = array<i32>} : memref<24x128xi32, #tpu.memory_space<vmem>>, vector<1x16xi32>,
    %get3A_3044 = vector.shape_cast %get3A_3043 : vector<1x16xi32> to vector<16xi32>
    %ge3A_3045 = arith.constant 503808 : i32
    %ge3A_3046 = vector.broadcast %ge3A_3045 : i32 to vector<16xi32>
    %ge3A_3047 = arith.cmpi sge, %get3A_3044, %ge3A_3046 : vector<16xi32>
    %sub3A_3048 = arith.constant 503808 : i32
    %sub3A_3049 = vector.broadcast %sub3A_3048 : i32 to vector<16xi32>
    %sub3A_3050 = arith.subi %get3A_3044, %sub3A_3049 : vector<16xi32>
    %select_n3A_3051 = arith.select %ge3A_3047, %sub3A_3050, %get3A_3044 : vector<16xi1>, vector<16xi32>
    %swap3A_3052 = arith.constant 21 : i32
    %swap3A_3053 = arith.index_cast %swap3A_3052 : i32 to index
    %swap3A_3054 = arith.constant 16 : index
    %swap3A_3055 = tpu.vector_load %arg5[%swap3A_3053, %swap3A_3054] {strides = array<i32>} : memref<24x128xi32, #tpu.memory_space<vmem>>, vector<1x16xi32>,
    %swap3A_3056 = vector.shape_cast %swap3A_3055 : vector<1x16xi32> to vector<16xi32>
    %swap3A_3057 = vector.shape_cast %select_n3A_3051 : vector<16xi32> to vector<1x16xi32>
    tpu.vector_store %arg5[%swap3A_3053, %swap3A_3054], %swap3A_3057 {strides = array<i32>} : memref<24x128xi32, #tpu.memory_space<vmem>>, vector<1x16xi32>,
    %get3A_3058 = arith.constant 21 : i32
    %get3A_3059 = arith.index_cast %get3A_3058 : i32 to index
    %get3A_3060 = arith.constant 32 : index
    %get3A_3061 = tpu.vector_load %arg5[%get3A_3059, %get3A_3060] {strides = array<i32>} : memref<24x128xi32, #tpu.memory_space<vmem>>, vector<1x16xi32>,
    %get3A_3062 = vector.shape_cast %get3A_3061 : vector<1x16xi32> to vector<16xi32>
    %ge3A_3063 = arith.constant 503808 : i32
    %ge3A_3064 = vector.broadcast %ge3A_3063 : i32 to vector<16xi32>
    %ge3A_3065 = arith.cmpi sge, %get3A_3062, %ge3A_3064 : vector<16xi32>
    %sub3A_3066 = arith.constant 503808 : i32
    %sub3A_3067 = vector.broadcast %sub3A_3066 : i32 to vector<16xi32>
    %sub3A_3068 = arith.subi %get3A_3062, %sub3A_3067 : vector<16xi32>
    %select_n3A_3069 = arith.select %ge3A_3065, %sub3A_3068, %get3A_3062 : vector<16xi1>, vector<16xi32>
    %swap3A_3070 = arith.constant 21 : i32
    %swap3A_3071 = arith.index_cast %swap3A_3070 : i32 to index
    %swap3A_3072 = arith.constant 32 : index
    %swap3A_3073 = tpu.vector_load %arg5[%swap3A_3071, %swap3A_3072] {strides = array<i32>} : memref<24x128xi32, #tpu.memory_space<vmem>>, vector<1x16xi32>,
    %swap3A_3074 = vector.shape_cast %swap3A_3073 : vector<1x16xi32> to vector<16xi32>
    %swap3A_3075 = vector.shape_cast %select_n3A_3069 : vector<16xi32> to vector<1x16xi32>
    tpu.vector_store %arg5[%swap3A_3071, %swap3A_3072], %swap3A_3075 {strides = array<i32>} : memref<24x128xi32, #tpu.memory_space<vmem>>, vector<1x16xi32>,
    %get3A_3076 = arith.constant 21 : i32
    %get3A_3077 = arith.index_cast %get3A_3076 : i32 to index
    %get3A_3078 = arith.constant 48 : index
    %get3A_3079 = tpu.vector_load %arg5[%get3A_3077, %get3A_3078] {strides = array<i32>} : memref<24x128xi32, #tpu.memory_space<vmem>>, vector<1x16xi32>,
    %get3A_3080 = vector.shape_cast %get3A_3079 : vector<1x16xi32> to vector<16xi32>
    %ge3A_3081 = arith.constant 503808 : i32
    %ge3A_3082 = vector.broadcast %ge3A_3081 : i32 to vector<16xi32>
    %ge3A_3083 = arith.cmpi sge, %get3A_3080, %ge3A_3082 : vector<16xi32>
    %sub3A_3084 = arith.constant 503808 : i32
    %sub3A_3085 = vector.broadcast %sub3A_3084 : i32 to vector<16xi32>
    %sub3A_3086 = arith.subi %get3A_3080, %sub3A_3085 : vector<16xi32>
    %select_n3A_3087 = arith.select %ge3A_3083, %sub3A_3086, %get3A_3080 : vector<16xi1>, vector<16xi32>
    %swap3A_3088 = arith.constant 21 : i32
    %swap3A_3089 = arith.index_cast %swap3A_3088 : i32 to index
    %swap3A_3090 = arith.constant 48 : index
    %swap3A_3091 = tpu.vector_load %arg5[%swap3A_3089, %swap3A_3090] {strides = array<i32>} : memref<24x128xi32, #tpu.memory_space<vmem>>, vector<1x16xi32>,
    %swap3A_3092 = vector.shape_cast %swap3A_3091 : vector<1x16xi32> to vector<16xi32>
    %swap3A_3093 = vector.shape_cast %select_n3A_3087 : vector<16xi32> to vector<1x16xi32>
    tpu.vector_store %arg5[%swap3A_3089, %swap3A_3090], %swap3A_3093 {strides = array<i32>} : memref<24x128xi32, #tpu.memory_space<vmem>>, vector<1x16xi32>,
    %get3A_3094 = arith.constant 21 : i32
    %get3A_3095 = arith.index_cast %get3A_3094 : i32 to index
    %get3A_3096 = arith.constant 64 : index
    %get3A_3097 = tpu.vector_load %arg5[%get3A_3095, %get3A_3096] {strides = array<i32>} : memref<24x128xi32, #tpu.memory_space<vmem>>, vector<1x16xi32>,
    %get3A_3098 = vector.shape_cast %get3A_3097 : vector<1x16xi32> to vector<16xi32>
    %ge3A_3099 = arith.constant 503808 : i32
    %ge3A_3100 = vector.broadcast %ge3A_3099 : i32 to vector<16xi32>
    %ge3A_3101 = arith.cmpi sge, %get3A_3098, %ge3A_3100 : vector<16xi32>
    %sub3A_3102 = arith.constant 503808 : i32
    %sub3A_3103 = vector.broadcast %sub3A_3102 : i32 to vector<16xi32>
    %sub3A_3104 = arith.subi %get3A_3098, %sub3A_3103 : vector<16xi32>
    %select_n3A_3105 = arith.select %ge3A_3101, %sub3A_3104, %get3A_3098 : vector<16xi1>, vector<16xi32>
    %swap3A_3106 = arith.constant 21 : i32
    %swap3A_3107 = arith.index_cast %swap3A_3106 : i32 to index
    %swap3A_3108 = arith.constant 64 : index
    %swap3A_3109 = tpu.vector_load %arg5[%swap3A_3107, %swap3A_3108] {strides = array<i32>} : memref<24x128xi32, #tpu.memory_space<vmem>>, vector<1x16xi32>,
    %swap3A_3110 = vector.shape_cast %swap3A_3109 : vector<1x16xi32> to vector<16xi32>
    %swap3A_3111 = vector.shape_cast %select_n3A_3105 : vector<16xi32> to vector<1x16xi32>
    tpu.vector_store %arg5[%swap3A_3107, %swap3A_3108], %swap3A_3111 {strides = array<i32>} : memref<24x128xi32, #tpu.memory_space<vmem>>, vector<1x16xi32>,
    %get3A_3112 = arith.constant 21 : i32
    %get3A_3113 = arith.index_cast %get3A_3112 : i32 to index
    %get3A_3114 = arith.constant 80 : index
    %get3A_3115 = tpu.vector_load %arg5[%get3A_3113, %get3A_3114] {strides = array<i32>} : memref<24x128xi32, #tpu.memory_space<vmem>>, vector<1x16xi32>,
    %get3A_3116 = vector.shape_cast %get3A_3115 : vector<1x16xi32> to vector<16xi32>
    %ge3A_3117 = arith.constant 503808 : i32
    %ge3A_3118 = vector.broadcast %ge3A_3117 : i32 to vector<16xi32>
    %ge3A_3119 = arith.cmpi sge, %get3A_3116, %ge3A_3118 : vector<16xi32>
    %sub3A_3120 = arith.constant 503808 : i32
    %sub3A_3121 = vector.broadcast %sub3A_3120 : i32 to vector<16xi32>
    %sub3A_3122 = arith.subi %get3A_3116, %sub3A_3121 : vector<16xi32>
    %select_n3A_3123 = arith.select %ge3A_3119, %sub3A_3122, %get3A_3116 : vector<16xi1>, vector<16xi32>
    %swap3A_3124 = arith.constant 21 : i32
    %swap3A_3125 = arith.index_cast %swap3A_3124 : i32 to index
    %swap3A_3126 = arith.constant 80 : index
    %swap3A_3127 = tpu.vector_load %arg5[%swap3A_3125, %swap3A_3126] {strides = array<i32>} : memref<24x128xi32, #tpu.memory_space<vmem>>, vector<1x16xi32>,
    %swap3A_3128 = vector.shape_cast %swap3A_3127 : vector<1x16xi32> to vector<16xi32>
    %swap3A_3129 = vector.shape_cast %select_n3A_3123 : vector<16xi32> to vector<1x16xi32>
    tpu.vector_store %arg5[%swap3A_3125, %swap3A_3126], %swap3A_3129 {strides = array<i32>} : memref<24x128xi32, #tpu.memory_space<vmem>>, vector<1x16xi32>,
    %get3A_3130 = arith.constant 21 : i32
    %get3A_3131 = arith.index_cast %get3A_3130 : i32 to index
    %get3A_3132 = arith.constant 96 : index
    %get3A_3133 = tpu.vector_load %arg5[%get3A_3131, %get3A_3132] {strides = array<i32>} : memref<24x128xi32, #tpu.memory_space<vmem>>, vector<1x16xi32>,
    %get3A_3134 = vector.shape_cast %get3A_3133 : vector<1x16xi32> to vector<16xi32>
    %ge3A_3135 = arith.constant 503808 : i32
    %ge3A_3136 = vector.broadcast %ge3A_3135 : i32 to vector<16xi32>
    %ge3A_3137 = arith.cmpi sge, %get3A_3134, %ge3A_3136 : vector<16xi32>
    %sub3A_3138 = arith.constant 503808 : i32
    %sub3A_3139 = vector.broadcast %sub3A_3138 : i32 to vector<16xi32>
    %sub3A_3140 = arith.subi %get3A_3134, %sub3A_3139 : vector<16xi32>
    %select_n3A_3141 = arith.select %ge3A_3137, %sub3A_3140, %get3A_3134 : vector<16xi1>, vector<16xi32>
    %swap3A_3142 = arith.constant 21 : i32
    %swap3A_3143 = arith.index_cast %swap3A_3142 : i32 to index
    %swap3A_3144 = arith.constant 96 : index
    %swap3A_3145 = tpu.vector_load %arg5[%swap3A_3143, %swap3A_3144] {strides = array<i32>} : memref<24x128xi32, #tpu.memory_space<vmem>>, vector<1x16xi32>,
    %swap3A_3146 = vector.shape_cast %swap3A_3145 : vector<1x16xi32> to vector<16xi32>
    %swap3A_3147 = vector.shape_cast %select_n3A_3141 : vector<16xi32> to vector<1x16xi32>
    tpu.vector_store %arg5[%swap3A_3143, %swap3A_3144], %swap3A_3147 {strides = array<i32>} : memref<24x128xi32, #tpu.memory_space<vmem>>, vector<1x16xi32>,
    %get3A_3148 = arith.constant 21 : i32
    %get3A_3149 = arith.index_cast %get3A_3148 : i32 to index
    %get3A_3150 = arith.constant 112 : index
    %get3A_3151 = tpu.vector_load %arg5[%get3A_3149, %get3A_3150] {strides = array<i32>} : memref<24x128xi32, #tpu.memory_space<vmem>>, vector<1x16xi32>,
    %get3A_3152 = vector.shape_cast %get3A_3151 : vector<1x16xi32> to vector<16xi32>
    %ge3A_3153 = arith.constant 503808 : i32
    %ge3A_3154 = vector.broadcast %ge3A_3153 : i32 to vector<16xi32>
    %ge3A_3155 = arith.cmpi sge, %get3A_3152, %ge3A_3154 : vector<16xi32>
    %sub3A_3156 = arith.constant 503808 : i32
    %sub3A_3157 = vector.broadcast %sub3A_3156 : i32 to vector<16xi32>
    %sub3A_3158 = arith.subi %get3A_3152, %sub3A_3157 : vector<16xi32>
    %select_n3A_3159 = arith.select %ge3A_3155, %sub3A_3158, %get3A_3152 : vector<16xi1>, vector<16xi32>
    %swap3A_3160 = arith.constant 21 : i32
    %swap3A_3161 = arith.index_cast %swap3A_3160 : i32 to index
    %swap3A_3162 = arith.constant 112 : index
    %swap3A_3163 = tpu.vector_load %arg5[%swap3A_3161, %swap3A_3162] {strides = array<i32>} : memref<24x128xi32, #tpu.memory_space<vmem>>, vector<1x16xi32>,
    %swap3A_3164 = vector.shape_cast %swap3A_3163 : vector<1x16xi32> to vector<16xi32>
    %swap3A_3165 = vector.shape_cast %select_n3A_3159 : vector<16xi32> to vector<1x16xi32>
    tpu.vector_store %arg5[%swap3A_3161, %swap3A_3162], %swap3A_3165 {strides = array<i32>} : memref<24x128xi32, #tpu.memory_space<vmem>>, vector<1x16xi32>,
    %get3A_3166 = arith.constant 22 : i32
    %get3A_3167 = arith.index_cast %get3A_3166 : i32 to index
    %get3A_3168 = arith.constant 0 : index
    %get3A_3169 = tpu.vector_load %arg5[%get3A_3167, %get3A_3168] {strides = array<i32>} : memref<24x128xi32, #tpu.memory_space<vmem>>, vector<1x16xi32>,
    %get3A_3170 = vector.shape_cast %get3A_3169 : vector<1x16xi32> to vector<16xi32>
    %ge3A_3171 = arith.constant 503808 : i32
    %ge3A_3172 = vector.broadcast %ge3A_3171 : i32 to vector<16xi32>
    %ge3A_3173 = arith.cmpi sge, %get3A_3170, %ge3A_3172 : vector<16xi32>
    %sub3A_3174 = arith.constant 503808 : i32
    %sub3A_3175 = vector.broadcast %sub3A_3174 : i32 to vector<16xi32>
    %sub3A_3176 = arith.subi %get3A_3170, %sub3A_3175 : vector<16xi32>
    %select_n3A_3177 = arith.select %ge3A_3173, %sub3A_3176, %get3A_3170 : vector<16xi1>, vector<16xi32>
    %swap3A_3178 = arith.constant 22 : i32
    %swap3A_3179 = arith.index_cast %swap3A_3178 : i32 to index
    %swap3A_3180 = arith.constant 0 : index
    %swap3A_3181 = tpu.vector_load %arg5[%swap3A_3179, %swap3A_3180] {strides = array<i32>} : memref<24x128xi32, #tpu.memory_space<vmem>>, vector<1x16xi32>,
    %swap3A_3182 = vector.shape_cast %swap3A_3181 : vector<1x16xi32> to vector<16xi32>
    %swap3A_3183 = vector.shape_cast %select_n3A_3177 : vector<16xi32> to vector<1x16xi32>
    tpu.vector_store %arg5[%swap3A_3179, %swap3A_3180], %swap3A_3183 {strides = array<i32>} : memref<24x128xi32, #tpu.memory_space<vmem>>, vector<1x16xi32>,
    %get3A_3184 = arith.constant 22 : i32
    %get3A_3185 = arith.index_cast %get3A_3184 : i32 to index
    %get3A_3186 = arith.constant 16 : index
    %get3A_3187 = tpu.vector_load %arg5[%get3A_3185, %get3A_3186] {strides = array<i32>} : memref<24x128xi32, #tpu.memory_space<vmem>>, vector<1x16xi32>,
    %get3A_3188 = vector.shape_cast %get3A_3187 : vector<1x16xi32> to vector<16xi32>
    %ge3A_3189 = arith.constant 503808 : i32
    %ge3A_3190 = vector.broadcast %ge3A_3189 : i32 to vector<16xi32>
    %ge3A_3191 = arith.cmpi sge, %get3A_3188, %ge3A_3190 : vector<16xi32>
    %sub3A_3192 = arith.constant 503808 : i32
    %sub3A_3193 = vector.broadcast %sub3A_3192 : i32 to vector<16xi32>
    %sub3A_3194 = arith.subi %get3A_3188, %sub3A_3193 : vector<16xi32>
    %select_n3A_3195 = arith.select %ge3A_3191, %sub3A_3194, %get3A_3188 : vector<16xi1>, vector<16xi32>
    %swap3A_3196 = arith.constant 22 : i32
    %swap3A_3197 = arith.index_cast %swap3A_3196 : i32 to index
    %swap3A_3198 = arith.constant 16 : index
    %swap3A_3199 = tpu.vector_load %arg5[%swap3A_3197, %swap3A_3198] {strides = array<i32>} : memref<24x128xi32, #tpu.memory_space<vmem>>, vector<1x16xi32>,
    %swap3A_3200 = vector.shape_cast %swap3A_3199 : vector<1x16xi32> to vector<16xi32>
    %swap3A_3201 = vector.shape_cast %select_n3A_3195 : vector<16xi32> to vector<1x16xi32>
    tpu.vector_store %arg5[%swap3A_3197, %swap3A_3198], %swap3A_3201 {strides = array<i32>} : memref<24x128xi32, #tpu.memory_space<vmem>>, vector<1x16xi32>,
    %get3A_3202 = arith.constant 22 : i32
    %get3A_3203 = arith.index_cast %get3A_3202 : i32 to index
    %get3A_3204 = arith.constant 32 : index
    %get3A_3205 = tpu.vector_load %arg5[%get3A_3203, %get3A_3204] {strides = array<i32>} : memref<24x128xi32, #tpu.memory_space<vmem>>, vector<1x16xi32>,
    %get3A_3206 = vector.shape_cast %get3A_3205 : vector<1x16xi32> to vector<16xi32>
    %ge3A_3207 = arith.constant 503808 : i32
    %ge3A_3208 = vector.broadcast %ge3A_3207 : i32 to vector<16xi32>
    %ge3A_3209 = arith.cmpi sge, %get3A_3206, %ge3A_3208 : vector<16xi32>
    %sub3A_3210 = arith.constant 503808 : i32
    %sub3A_3211 = vector.broadcast %sub3A_3210 : i32 to vector<16xi32>
    %sub3A_3212 = arith.subi %get3A_3206, %sub3A_3211 : vector<16xi32>
    %select_n3A_3213 = arith.select %ge3A_3209, %sub3A_3212, %get3A_3206 : vector<16xi1>, vector<16xi32>
    %swap3A_3214 = arith.constant 22 : i32
    %swap3A_3215 = arith.index_cast %swap3A_3214 : i32 to index
    %swap3A_3216 = arith.constant 32 : index
    %swap3A_3217 = tpu.vector_load %arg5[%swap3A_3215, %swap3A_3216] {strides = array<i32>} : memref<24x128xi32, #tpu.memory_space<vmem>>, vector<1x16xi32>,
    %swap3A_3218 = vector.shape_cast %swap3A_3217 : vector<1x16xi32> to vector<16xi32>
    %swap3A_3219 = vector.shape_cast %select_n3A_3213 : vector<16xi32> to vector<1x16xi32>
    tpu.vector_store %arg5[%swap3A_3215, %swap3A_3216], %swap3A_3219 {strides = array<i32>} : memref<24x128xi32, #tpu.memory_space<vmem>>, vector<1x16xi32>,
    %get3A_3220 = arith.constant 22 : i32
    %get3A_3221 = arith.index_cast %get3A_3220 : i32 to index
    %get3A_3222 = arith.constant 48 : index
    %get3A_3223 = tpu.vector_load %arg5[%get3A_3221, %get3A_3222] {strides = array<i32>} : memref<24x128xi32, #tpu.memory_space<vmem>>, vector<1x16xi32>,
    %get3A_3224 = vector.shape_cast %get3A_3223 : vector<1x16xi32> to vector<16xi32>
    %ge3A_3225 = arith.constant 503808 : i32
    %ge3A_3226 = vector.broadcast %ge3A_3225 : i32 to vector<16xi32>
    %ge3A_3227 = arith.cmpi sge, %get3A_3224, %ge3A_3226 : vector<16xi32>
    %sub3A_3228 = arith.constant 503808 : i32
    %sub3A_3229 = vector.broadcast %sub3A_3228 : i32 to vector<16xi32>
    %sub3A_3230 = arith.subi %get3A_3224, %sub3A_3229 : vector<16xi32>
    %select_n3A_3231 = arith.select %ge3A_3227, %sub3A_3230, %get3A_3224 : vector<16xi1>, vector<16xi32>
    %swap3A_3232 = arith.constant 22 : i32
    %swap3A_3233 = arith.index_cast %swap3A_3232 : i32 to index
    %swap3A_3234 = arith.constant 48 : index
    %swap3A_3235 = tpu.vector_load %arg5[%swap3A_3233, %swap3A_3234] {strides = array<i32>} : memref<24x128xi32, #tpu.memory_space<vmem>>, vector<1x16xi32>,
    %swap3A_3236 = vector.shape_cast %swap3A_3235 : vector<1x16xi32> to vector<16xi32>
    %swap3A_3237 = vector.shape_cast %select_n3A_3231 : vector<16xi32> to vector<1x16xi32>
    tpu.vector_store %arg5[%swap3A_3233, %swap3A_3234], %swap3A_3237 {strides = array<i32>} : memref<24x128xi32, #tpu.memory_space<vmem>>, vector<1x16xi32>,
    %get3A_3238 = arith.constant 22 : i32
    %get3A_3239 = arith.index_cast %get3A_3238 : i32 to index
    %get3A_3240 = arith.constant 64 : index
    %get3A_3241 = tpu.vector_load %arg5[%get3A_3239, %get3A_3240] {strides = array<i32>} : memref<24x128xi32, #tpu.memory_space<vmem>>, vector<1x16xi32>,
    %get3A_3242 = vector.shape_cast %get3A_3241 : vector<1x16xi32> to vector<16xi32>
    %ge3A_3243 = arith.constant 503808 : i32
    %ge3A_3244 = vector.broadcast %ge3A_3243 : i32 to vector<16xi32>
    %ge3A_3245 = arith.cmpi sge, %get3A_3242, %ge3A_3244 : vector<16xi32>
    %sub3A_3246 = arith.constant 503808 : i32
    %sub3A_3247 = vector.broadcast %sub3A_3246 : i32 to vector<16xi32>
    %sub3A_3248 = arith.subi %get3A_3242, %sub3A_3247 : vector<16xi32>
    %select_n3A_3249 = arith.select %ge3A_3245, %sub3A_3248, %get3A_3242 : vector<16xi1>, vector<16xi32>
    %swap3A_3250 = arith.constant 22 : i32
    %swap3A_3251 = arith.index_cast %swap3A_3250 : i32 to index
    %swap3A_3252 = arith.constant 64 : index
    %swap3A_3253 = tpu.vector_load %arg5[%swap3A_3251, %swap3A_3252] {strides = array<i32>} : memref<24x128xi32, #tpu.memory_space<vmem>>, vector<1x16xi32>,
    %swap3A_3254 = vector.shape_cast %swap3A_3253 : vector<1x16xi32> to vector<16xi32>
    %swap3A_3255 = vector.shape_cast %select_n3A_3249 : vector<16xi32> to vector<1x16xi32>
    tpu.vector_store %arg5[%swap3A_3251, %swap3A_3252], %swap3A_3255 {strides = array<i32>} : memref<24x128xi32, #tpu.memory_space<vmem>>, vector<1x16xi32>,
    %get3A_3256 = arith.constant 22 : i32
    %get3A_3257 = arith.index_cast %get3A_3256 : i32 to index
    %get3A_3258 = arith.constant 80 : index
    %get3A_3259 = tpu.vector_load %arg5[%get3A_3257, %get3A_3258] {strides = array<i32>} : memref<24x128xi32, #tpu.memory_space<vmem>>, vector<1x16xi32>,
    %get3A_3260 = vector.shape_cast %get3A_3259 : vector<1x16xi32> to vector<16xi32>
    %ge3A_3261 = arith.constant 503808 : i32
    %ge3A_3262 = vector.broadcast %ge3A_3261 : i32 to vector<16xi32>
    %ge3A_3263 = arith.cmpi sge, %get3A_3260, %ge3A_3262 : vector<16xi32>
    %sub3A_3264 = arith.constant 503808 : i32
    %sub3A_3265 = vector.broadcast %sub3A_3264 : i32 to vector<16xi32>
    %sub3A_3266 = arith.subi %get3A_3260, %sub3A_3265 : vector<16xi32>
    %select_n3A_3267 = arith.select %ge3A_3263, %sub3A_3266, %get3A_3260 : vector<16xi1>, vector<16xi32>
    %swap3A_3268 = arith.constant 22 : i32
    %swap3A_3269 = arith.index_cast %swap3A_3268 : i32 to index
    %swap3A_3270 = arith.constant 80 : index
    %swap3A_3271 = tpu.vector_load %arg5[%swap3A_3269, %swap3A_3270] {strides = array<i32>} : memref<24x128xi32, #tpu.memory_space<vmem>>, vector<1x16xi32>,
    %swap3A_3272 = vector.shape_cast %swap3A_3271 : vector<1x16xi32> to vector<16xi32>
    %swap3A_3273 = vector.shape_cast %select_n3A_3267 : vector<16xi32> to vector<1x16xi32>
    tpu.vector_store %arg5[%swap3A_3269, %swap3A_3270], %swap3A_3273 {strides = array<i32>} : memref<24x128xi32, #tpu.memory_space<vmem>>, vector<1x16xi32>,
    %get3A_3274 = arith.constant 22 : i32
    %get3A_3275 = arith.index_cast %get3A_3274 : i32 to index
    %get3A_3276 = arith.constant 96 : index
    %get3A_3277 = tpu.vector_load %arg5[%get3A_3275, %get3A_3276] {strides = array<i32>} : memref<24x128xi32, #tpu.memory_space<vmem>>, vector<1x16xi32>,
    %get3A_3278 = vector.shape_cast %get3A_3277 : vector<1x16xi32> to vector<16xi32>
    %ge3A_3279 = arith.constant 503808 : i32
    %ge3A_3280 = vector.broadcast %ge3A_3279 : i32 to vector<16xi32>
    %ge3A_3281 = arith.cmpi sge, %get3A_3278, %ge3A_3280 : vector<16xi32>
    %sub3A_3282 = arith.constant 503808 : i32
    %sub3A_3283 = vector.broadcast %sub3A_3282 : i32 to vector<16xi32>
    %sub3A_3284 = arith.subi %get3A_3278, %sub3A_3283 : vector<16xi32>
    %select_n3A_3285 = arith.select %ge3A_3281, %sub3A_3284, %get3A_3278 : vector<16xi1>, vector<16xi32>
    %swap3A_3286 = arith.constant 22 : i32
    %swap3A_3287 = arith.index_cast %swap3A_3286 : i32 to index
    %swap3A_3288 = arith.constant 96 : index
    %swap3A_3289 = tpu.vector_load %arg5[%swap3A_3287, %swap3A_3288] {strides = array<i32>} : memref<24x128xi32, #tpu.memory_space<vmem>>, vector<1x16xi32>,
    %swap3A_3290 = vector.shape_cast %swap3A_3289 : vector<1x16xi32> to vector<16xi32>
    %swap3A_3291 = vector.shape_cast %select_n3A_3285 : vector<16xi32> to vector<1x16xi32>
    tpu.vector_store %arg5[%swap3A_3287, %swap3A_3288], %swap3A_3291 {strides = array<i32>} : memref<24x128xi32, #tpu.memory_space<vmem>>, vector<1x16xi32>,
    %get3A_3292 = arith.constant 22 : i32
    %get3A_3293 = arith.index_cast %get3A_3292 : i32 to index
    %get3A_3294 = arith.constant 112 : index
    %get3A_3295 = tpu.vector_load %arg5[%get3A_3293, %get3A_3294] {strides = array<i32>} : memref<24x128xi32, #tpu.memory_space<vmem>>, vector<1x16xi32>,
    %get3A_3296 = vector.shape_cast %get3A_3295 : vector<1x16xi32> to vector<16xi32>
    %ge3A_3297 = arith.constant 503808 : i32
    %ge3A_3298 = vector.broadcast %ge3A_3297 : i32 to vector<16xi32>
    %ge3A_3299 = arith.cmpi sge, %get3A_3296, %ge3A_3298 : vector<16xi32>
    %sub3A_3300 = arith.constant 503808 : i32
    %sub3A_3301 = vector.broadcast %sub3A_3300 : i32 to vector<16xi32>
    %sub3A_3302 = arith.subi %get3A_3296, %sub3A_3301 : vector<16xi32>
    %select_n3A_3303 = arith.select %ge3A_3299, %sub3A_3302, %get3A_3296 : vector<16xi1>, vector<16xi32>
    %swap3A_3304 = arith.constant 22 : i32
    %swap3A_3305 = arith.index_cast %swap3A_3304 : i32 to index
    %swap3A_3306 = arith.constant 112 : index
    %swap3A_3307 = tpu.vector_load %arg5[%swap3A_3305, %swap3A_3306] {strides = array<i32>} : memref<24x128xi32, #tpu.memory_space<vmem>>, vector<1x16xi32>,
    %swap3A_3308 = vector.shape_cast %swap3A_3307 : vector<1x16xi32> to vector<16xi32>
    %swap3A_3309 = vector.shape_cast %select_n3A_3303 : vector<16xi32> to vector<1x16xi32>
    tpu.vector_store %arg5[%swap3A_3305, %swap3A_3306], %swap3A_3309 {strides = array<i32>} : memref<24x128xi32, #tpu.memory_space<vmem>>, vector<1x16xi32>,
    %get3A_3310 = arith.constant 23 : i32
    %get3A_3311 = arith.index_cast %get3A_3310 : i32 to index
    %get3A_3312 = arith.constant 0 : index
    %get3A_3313 = tpu.vector_load %arg5[%get3A_3311, %get3A_3312] {strides = array<i32>} : memref<24x128xi32, #tpu.memory_space<vmem>>, vector<1x16xi32>,
    %get3A_3314 = vector.shape_cast %get3A_3313 : vector<1x16xi32> to vector<16xi32>
    %ge3A_3315 = arith.constant 503808 : i32
    %ge3A_3316 = vector.broadcast %ge3A_3315 : i32 to vector<16xi32>
    %ge3A_3317 = arith.cmpi sge, %get3A_3314, %ge3A_3316 : vector<16xi32>
    %sub3A_3318 = arith.constant 503808 : i32
    %sub3A_3319 = vector.broadcast %sub3A_3318 : i32 to vector<16xi32>
    %sub3A_3320 = arith.subi %get3A_3314, %sub3A_3319 : vector<16xi32>
    %select_n3A_3321 = arith.select %ge3A_3317, %sub3A_3320, %get3A_3314 : vector<16xi1>, vector<16xi32>
    %swap3A_3322 = arith.constant 23 : i32
    %swap3A_3323 = arith.index_cast %swap3A_3322 : i32 to index
    %swap3A_3324 = arith.constant 0 : index
    %swap3A_3325 = tpu.vector_load %arg5[%swap3A_3323, %swap3A_3324] {strides = array<i32>} : memref<24x128xi32, #tpu.memory_space<vmem>>, vector<1x16xi32>,
    %swap3A_3326 = vector.shape_cast %swap3A_3325 : vector<1x16xi32> to vector<16xi32>
    %swap3A_3327 = vector.shape_cast %select_n3A_3321 : vector<16xi32> to vector<1x16xi32>
    tpu.vector_store %arg5[%swap3A_3323, %swap3A_3324], %swap3A_3327 {strides = array<i32>} : memref<24x128xi32, #tpu.memory_space<vmem>>, vector<1x16xi32>,
    %get3A_3328 = arith.constant 23 : i32
    %get3A_3329 = arith.index_cast %get3A_3328 : i32 to index
    %get3A_3330 = arith.constant 16 : index
    %get3A_3331 = tpu.vector_load %arg5[%get3A_3329, %get3A_3330] {strides = array<i32>} : memref<24x128xi32, #tpu.memory_space<vmem>>, vector<1x16xi32>,
    %get3A_3332 = vector.shape_cast %get3A_3331 : vector<1x16xi32> to vector<16xi32>
    %ge3A_3333 = arith.constant 503808 : i32
    %ge3A_3334 = vector.broadcast %ge3A_3333 : i32 to vector<16xi32>
    %ge3A_3335 = arith.cmpi sge, %get3A_3332, %ge3A_3334 : vector<16xi32>
    %sub3A_3336 = arith.constant 503808 : i32
    %sub3A_3337 = vector.broadcast %sub3A_3336 : i32 to vector<16xi32>
    %sub3A_3338 = arith.subi %get3A_3332, %sub3A_3337 : vector<16xi32>
    %select_n3A_3339 = arith.select %ge3A_3335, %sub3A_3338, %get3A_3332 : vector<16xi1>, vector<16xi32>
    %swap3A_3340 = arith.constant 23 : i32
    %swap3A_3341 = arith.index_cast %swap3A_3340 : i32 to index
    %swap3A_3342 = arith.constant 16 : index
    %swap3A_3343 = tpu.vector_load %arg5[%swap3A_3341, %swap3A_3342] {strides = array<i32>} : memref<24x128xi32, #tpu.memory_space<vmem>>, vector<1x16xi32>,
    %swap3A_3344 = vector.shape_cast %swap3A_3343 : vector<1x16xi32> to vector<16xi32>
    %swap3A_3345 = vector.shape_cast %select_n3A_3339 : vector<16xi32> to vector<1x16xi32>
    tpu.vector_store %arg5[%swap3A_3341, %swap3A_3342], %swap3A_3345 {strides = array<i32>} : memref<24x128xi32, #tpu.memory_space<vmem>>, vector<1x16xi32>,
    %get3A_3346 = arith.constant 23 : i32
    %get3A_3347 = arith.index_cast %get3A_3346 : i32 to index
    %get3A_3348 = arith.constant 32 : index
    %get3A_3349 = tpu.vector_load %arg5[%get3A_3347, %get3A_3348] {strides = array<i32>} : memref<24x128xi32, #tpu.memory_space<vmem>>, vector<1x16xi32>,
    %get3A_3350 = vector.shape_cast %get3A_3349 : vector<1x16xi32> to vector<16xi32>
    %ge3A_3351 = arith.constant 503808 : i32
    %ge3A_3352 = vector.broadcast %ge3A_3351 : i32 to vector<16xi32>
    %ge3A_3353 = arith.cmpi sge, %get3A_3350, %ge3A_3352 : vector<16xi32>
    %sub3A_3354 = arith.constant 503808 : i32
    %sub3A_3355 = vector.broadcast %sub3A_3354 : i32 to vector<16xi32>
    %sub3A_3356 = arith.subi %get3A_3350, %sub3A_3355 : vector<16xi32>
    %select_n3A_3357 = arith.select %ge3A_3353, %sub3A_3356, %get3A_3350 : vector<16xi1>, vector<16xi32>
    %swap3A_3358 = arith.constant 23 : i32
    %swap3A_3359 = arith.index_cast %swap3A_3358 : i32 to index
    %swap3A_3360 = arith.constant 32 : index
    %swap3A_3361 = tpu.vector_load %arg5[%swap3A_3359, %swap3A_3360] {strides = array<i32>} : memref<24x128xi32, #tpu.memory_space<vmem>>, vector<1x16xi32>,
    %swap3A_3362 = vector.shape_cast %swap3A_3361 : vector<1x16xi32> to vector<16xi32>
    %swap3A_3363 = vector.shape_cast %select_n3A_3357 : vector<16xi32> to vector<1x16xi32>
    tpu.vector_store %arg5[%swap3A_3359, %swap3A_3360], %swap3A_3363 {strides = array<i32>} : memref<24x128xi32, #tpu.memory_space<vmem>>, vector<1x16xi32>,
    %get3A_3364 = arith.constant 23 : i32
    %get3A_3365 = arith.index_cast %get3A_3364 : i32 to index
    %get3A_3366 = arith.constant 48 : index
    %get3A_3367 = tpu.vector_load %arg5[%get3A_3365, %get3A_3366] {strides = array<i32>} : memref<24x128xi32, #tpu.memory_space<vmem>>, vector<1x16xi32>,
    %get3A_3368 = vector.shape_cast %get3A_3367 : vector<1x16xi32> to vector<16xi32>
    %ge3A_3369 = arith.constant 503808 : i32
    %ge3A_3370 = vector.broadcast %ge3A_3369 : i32 to vector<16xi32>
    %ge3A_3371 = arith.cmpi sge, %get3A_3368, %ge3A_3370 : vector<16xi32>
    %sub3A_3372 = arith.constant 503808 : i32
    %sub3A_3373 = vector.broadcast %sub3A_3372 : i32 to vector<16xi32>
    %sub3A_3374 = arith.subi %get3A_3368, %sub3A_3373 : vector<16xi32>
    %select_n3A_3375 = arith.select %ge3A_3371, %sub3A_3374, %get3A_3368 : vector<16xi1>, vector<16xi32>
    %swap3A_3376 = arith.constant 23 : i32
    %swap3A_3377 = arith.index_cast %swap3A_3376 : i32 to index
    %swap3A_3378 = arith.constant 48 : index
    %swap3A_3379 = tpu.vector_load %arg5[%swap3A_3377, %swap3A_3378] {strides = array<i32>} : memref<24x128xi32, #tpu.memory_space<vmem>>, vector<1x16xi32>,
    %swap3A_3380 = vector.shape_cast %swap3A_3379 : vector<1x16xi32> to vector<16xi32>
    %swap3A_3381 = vector.shape_cast %select_n3A_3375 : vector<16xi32> to vector<1x16xi32>
    tpu.vector_store %arg5[%swap3A_3377, %swap3A_3378], %swap3A_3381 {strides = array<i32>} : memref<24x128xi32, #tpu.memory_space<vmem>>, vector<1x16xi32>,
    %get3A_3382 = arith.constant 23 : i32
    %get3A_3383 = arith.index_cast %get3A_3382 : i32 to index
    %get3A_3384 = arith.constant 64 : index
    %get3A_3385 = tpu.vector_load %arg5[%get3A_3383, %get3A_3384] {strides = array<i32>} : memref<24x128xi32, #tpu.memory_space<vmem>>, vector<1x16xi32>,
    %get3A_3386 = vector.shape_cast %get3A_3385 : vector<1x16xi32> to vector<16xi32>
    %ge3A_3387 = arith.constant 503808 : i32
    %ge3A_3388 = vector.broadcast %ge3A_3387 : i32 to vector<16xi32>
    %ge3A_3389 = arith.cmpi sge, %get3A_3386, %ge3A_3388 : vector<16xi32>
    %sub3A_3390 = arith.constant 503808 : i32
    %sub3A_3391 = vector.broadcast %sub3A_3390 : i32 to vector<16xi32>
    %sub3A_3392 = arith.subi %get3A_3386, %sub3A_3391 : vector<16xi32>
    %select_n3A_3393 = arith.select %ge3A_3389, %sub3A_3392, %get3A_3386 : vector<16xi1>, vector<16xi32>
    %swap3A_3394 = arith.constant 23 : i32
    %swap3A_3395 = arith.index_cast %swap3A_3394 : i32 to index
    %swap3A_3396 = arith.constant 64 : index
    %swap3A_3397 = tpu.vector_load %arg5[%swap3A_3395, %swap3A_3396] {strides = array<i32>} : memref<24x128xi32, #tpu.memory_space<vmem>>, vector<1x16xi32>,
    %swap3A_3398 = vector.shape_cast %swap3A_3397 : vector<1x16xi32> to vector<16xi32>
    %swap3A_3399 = vector.shape_cast %select_n3A_3393 : vector<16xi32> to vector<1x16xi32>
    tpu.vector_store %arg5[%swap3A_3395, %swap3A_3396], %swap3A_3399 {strides = array<i32>} : memref<24x128xi32, #tpu.memory_space<vmem>>, vector<1x16xi32>,
    %get3A_3400 = arith.constant 23 : i32
    %get3A_3401 = arith.index_cast %get3A_3400 : i32 to index
    %get3A_3402 = arith.constant 80 : index
    %get3A_3403 = tpu.vector_load %arg5[%get3A_3401, %get3A_3402] {strides = array<i32>} : memref<24x128xi32, #tpu.memory_space<vmem>>, vector<1x16xi32>,
    %get3A_3404 = vector.shape_cast %get3A_3403 : vector<1x16xi32> to vector<16xi32>
    %ge3A_3405 = arith.constant 503808 : i32
    %ge3A_3406 = vector.broadcast %ge3A_3405 : i32 to vector<16xi32>
    %ge3A_3407 = arith.cmpi sge, %get3A_3404, %ge3A_3406 : vector<16xi32>
    %sub3A_3408 = arith.constant 503808 : i32
    %sub3A_3409 = vector.broadcast %sub3A_3408 : i32 to vector<16xi32>
    %sub3A_3410 = arith.subi %get3A_3404, %sub3A_3409 : vector<16xi32>
    %select_n3A_3411 = arith.select %ge3A_3407, %sub3A_3410, %get3A_3404 : vector<16xi1>, vector<16xi32>
    %swap3A_3412 = arith.constant 23 : i32
    %swap3A_3413 = arith.index_cast %swap3A_3412 : i32 to index
    %swap3A_3414 = arith.constant 80 : index
    %swap3A_3415 = tpu.vector_load %arg5[%swap3A_3413, %swap3A_3414] {strides = array<i32>} : memref<24x128xi32, #tpu.memory_space<vmem>>, vector<1x16xi32>,
    %swap3A_3416 = vector.shape_cast %swap3A_3415 : vector<1x16xi32> to vector<16xi32>
    %swap3A_3417 = vector.shape_cast %select_n3A_3411 : vector<16xi32> to vector<1x16xi32>
    tpu.vector_store %arg5[%swap3A_3413, %swap3A_3414], %swap3A_3417 {strides = array<i32>} : memref<24x128xi32, #tpu.memory_space<vmem>>, vector<1x16xi32>,
    %get3A_3418 = arith.constant 23 : i32
    %get3A_3419 = arith.index_cast %get3A_3418 : i32 to index
    %get3A_3420 = arith.constant 96 : index
    %get3A_3421 = tpu.vector_load %arg5[%get3A_3419, %get3A_3420] {strides = array<i32>} : memref<24x128xi32, #tpu.memory_space<vmem>>, vector<1x16xi32>,
    %get3A_3422 = vector.shape_cast %get3A_3421 : vector<1x16xi32> to vector<16xi32>
    %ge3A_3423 = arith.constant 503808 : i32
    %ge3A_3424 = vector.broadcast %ge3A_3423 : i32 to vector<16xi32>
    %ge3A_3425 = arith.cmpi sge, %get3A_3422, %ge3A_3424 : vector<16xi32>
    %sub3A_3426 = arith.constant 503808 : i32
    %sub3A_3427 = vector.broadcast %sub3A_3426 : i32 to vector<16xi32>
    %sub3A_3428 = arith.subi %get3A_3422, %sub3A_3427 : vector<16xi32>
    %select_n3A_3429 = arith.select %ge3A_3425, %sub3A_3428, %get3A_3422 : vector<16xi1>, vector<16xi32>
    %swap3A_3430 = arith.constant 23 : i32
    %swap3A_3431 = arith.index_cast %swap3A_3430 : i32 to index
    %swap3A_3432 = arith.constant 96 : index
    %swap3A_3433 = tpu.vector_load %arg5[%swap3A_3431, %swap3A_3432] {strides = array<i32>} : memref<24x128xi32, #tpu.memory_space<vmem>>, vector<1x16xi32>,
    %swap3A_3434 = vector.shape_cast %swap3A_3433 : vector<1x16xi32> to vector<16xi32>
    %swap3A_3435 = vector.shape_cast %select_n3A_3429 : vector<16xi32> to vector<1x16xi32>
    tpu.vector_store %arg5[%swap3A_3431, %swap3A_3432], %swap3A_3435 {strides = array<i32>} : memref<24x128xi32, #tpu.memory_space<vmem>>, vector<1x16xi32>,
    %get3A_3436 = arith.constant 23 : i32
    %get3A_3437 = arith.index_cast %get3A_3436 : i32 to index
    %get3A_3438 = arith.constant 112 : index
    %get3A_3439 = tpu.vector_load %arg5[%get3A_3437, %get3A_3438] {strides = array<i32>} : memref<24x128xi32, #tpu.memory_space<vmem>>, vector<1x16xi32>,
    %get3A_3440 = vector.shape_cast %get3A_3439 : vector<1x16xi32> to vector<16xi32>
    %ge3A_3441 = arith.constant 503808 : i32
    %ge3A_3442 = vector.broadcast %ge3A_3441 : i32 to vector<16xi32>
    %ge3A_3443 = arith.cmpi sge, %get3A_3440, %ge3A_3442 : vector<16xi32>
    %sub3A_3444 = arith.constant 503808 : i32
    %sub3A_3445 = vector.broadcast %sub3A_3444 : i32 to vector<16xi32>
    %sub3A_3446 = arith.subi %get3A_3440, %sub3A_3445 : vector<16xi32>
    %select_n3A_3447 = arith.select %ge3A_3443, %sub3A_3446, %get3A_3440 : vector<16xi1>, vector<16xi32>
    %swap3A_3448 = arith.constant 23 : i32
    %swap3A_3449 = arith.index_cast %swap3A_3448 : i32 to index
    %swap3A_3450 = arith.constant 112 : index
    %swap3A_3451 = tpu.vector_load %arg5[%swap3A_3449, %swap3A_3450] {strides = array<i32>} : memref<24x128xi32, #tpu.memory_space<vmem>>, vector<1x16xi32>,
    %swap3A_3452 = vector.shape_cast %swap3A_3451 : vector<1x16xi32> to vector<16xi32>
    %swap3A_3453 = vector.shape_cast %select_n3A_3447 : vector<16xi32> to vector<1x16xi32>
    tpu.vector_store %arg5[%swap3A_3449, %swap3A_3450], %swap3A_3453 {strides = array<i32>} : memref<24x128xi32, #tpu.memory_space<vmem>>, vector<1x16xi32>,
    %dma_start3A = arith.constant 0 : i32
    %dma_start3A_3454 = arith.constant 0 : i32
    %dma_start3A_3455 = arith.constant 0 : i32
    %dma_start3A_3456 = tpu.memref_slice %arg6[%dma_start3A_3454, %dma_start3A_3455] : memref<384x128xf32, #tpu.memory_space<vmem>> -> memref<128x128xf32, #tpu.memory_space<vmem>>
    %dma_start3A_3457 = arith.constant 0 : i32
    %dma_start3A_3458 = tpu.memref_slice %arg5[%dma_start3A, %dma_start3A_3457] : memref<24x128xi32, #tpu.memory_space<vmem>> -> memref<1x128xi32, #tpu.memory_space<vmem>>
    %dma_start3A_3459 = tpu.memref_squeeze %dma_start3A_3458 : memref<1x128xi32, #tpu.memory_space<vmem>> -> memref<128xi32, #tpu.memory_space<vmem>>
    %dma_start3A_3460 = arith.constant 0 : i32
    %dma_start3A_3461 = arith.constant 0 : i32
    %dma_start3A_3462 = tpu.memref_slice %arg3[%dma_start3A_3460, %dma_start3A_3461] : memref<503808x128xf32, #tpu.memory_space<hbm>> -> memref<503808x128xf32, #tpu.memory_space<hbm>>
    tpu.enqueue_indirect_dma source(%dma_start3A_3462 : memref<503808x128xf32, #tpu.memory_space<hbm>>) target(%dma_start3A_3456 : memref<128x128xf32, #tpu.memory_space<vmem>>) offsets(%dma_start3A_3459 : memref<128xi32, #tpu.memory_space<vmem>>) semaphore(%arg8 : memref<!tpu.dma_semaphore, #tpu.memory_space<semaphore_mem>>)
    %dma_start3A_3463 = arith.constant 1 : i32
    %dma_start3A_3464 = arith.constant 128 : i32
    %dma_start3A_3465 = arith.constant 0 : i32
    %dma_start3A_3466 = tpu.memref_slice %arg6[%dma_start3A_3464, %dma_start3A_3465] : memref<384x128xf32, #tpu.memory_space<vmem>> -> memref<128x128xf32, #tpu.memory_space<vmem>>
    %dma_start3A_3467 = arith.constant 0 : i32
    %dma_start3A_3468 = tpu.memref_slice %arg5[%dma_start3A_3463, %dma_start3A_3467] : memref<24x128xi32, #tpu.memory_space<vmem>> -> memref<1x128xi32, #tpu.memory_space<vmem>>
    %dma_start3A_3469 = tpu.memref_squeeze %dma_start3A_3468 : memref<1x128xi32, #tpu.memory_space<vmem>> -> memref<128xi32, #tpu.memory_space<vmem>>
    %dma_start3A_3470 = arith.constant 0 : i32
    %dma_start3A_3471 = arith.constant 0 : i32
    %dma_start3A_3472 = tpu.memref_slice %arg3[%dma_start3A_3470, %dma_start3A_3471] : memref<503808x128xf32, #tpu.memory_space<hbm>> -> memref<503808x128xf32, #tpu.memory_space<hbm>>
    tpu.enqueue_indirect_dma source(%dma_start3A_3472 : memref<503808x128xf32, #tpu.memory_space<hbm>>) target(%dma_start3A_3466 : memref<128x128xf32, #tpu.memory_space<vmem>>) offsets(%dma_start3A_3469 : memref<128xi32, #tpu.memory_space<vmem>>) semaphore(%arg8 : memref<!tpu.dma_semaphore, #tpu.memory_space<semaphore_mem>>)
    %dma_start3A_3473 = arith.constant 2 : i32
    %dma_start3A_3474 = arith.constant 256 : i32
    %dma_start3A_3475 = arith.constant 0 : i32
    %dma_start3A_3476 = tpu.memref_slice %arg6[%dma_start3A_3474, %dma_start3A_3475] : memref<384x128xf32, #tpu.memory_space<vmem>> -> memref<128x128xf32, #tpu.memory_space<vmem>>
    %dma_start3A_3477 = arith.constant 0 : i32
    %dma_start3A_3478 = tpu.memref_slice %arg5[%dma_start3A_3473, %dma_start3A_3477] : memref<24x128xi32, #tpu.memory_space<vmem>> -> memref<1x128xi32, #tpu.memory_space<vmem>>
    %dma_start3A_3479 = tpu.memref_squeeze %dma_start3A_3478 : memref<1x128xi32, #tpu.memory_space<vmem>> -> memref<128xi32, #tpu.memory_space<vmem>>
    %dma_start3A_3480 = arith.constant 0 : i32
    %dma_start3A_3481 = arith.constant 0 : i32
    %dma_start3A_3482 = tpu.memref_slice %arg3[%dma_start3A_3480, %dma_start3A_3481] : memref<503808x128xf32, #tpu.memory_space<hbm>> -> memref<503808x128xf32, #tpu.memory_space<hbm>>
    tpu.enqueue_indirect_dma source(%dma_start3A_3482 : memref<503808x128xf32, #tpu.memory_space<hbm>>) target(%dma_start3A_3476 : memref<128x128xf32, #tpu.memory_space<vmem>>) offsets(%dma_start3A_3479 : memref<128xi32, #tpu.memory_space<vmem>>) semaphore(%arg8 : memref<!tpu.dma_semaphore, #tpu.memory_space<semaphore_mem>>)
    %dma_start3A_3483 = arith.constant 3 : i32
    %dma_start3A_3484 = arith.constant 0 : i32
    %dma_start3A_3485 = arith.constant 0 : i32
    %dma_start3A_3486 = tpu.memref_slice %arg7[%dma_start3A_3484, %dma_start3A_3485] : memref<384x128xf32, #tpu.memory_space<vmem>> -> memref<128x128xf32, #tpu.memory_space<vmem>>
    %dma_start3A_3487 = arith.constant 0 : i32
    %dma_start3A_3488 = tpu.memref_slice %arg5[%dma_start3A_3483, %dma_start3A_3487] : memref<24x128xi32, #tpu.memory_space<vmem>> -> memref<1x128xi32, #tpu.memory_space<vmem>>
    %dma_start3A_3489 = tpu.memref_squeeze %dma_start3A_3488 : memref<1x128xi32, #tpu.memory_space<vmem>> -> memref<128xi32, #tpu.memory_space<vmem>>
    %dma_start3A_3490 = arith.constant 0 : i32
    %dma_start3A_3491 = arith.constant 0 : i32
    %dma_start3A_3492 = tpu.memref_slice %arg3[%dma_start3A_3490, %dma_start3A_3491] : memref<503808x128xf32, #tpu.memory_space<hbm>> -> memref<503808x128xf32, #tpu.memory_space<hbm>>
    tpu.enqueue_indirect_dma source(%dma_start3A_3492 : memref<503808x128xf32, #tpu.memory_space<hbm>>) target(%dma_start3A_3486 : memref<128x128xf32, #tpu.memory_space<vmem>>) offsets(%dma_start3A_3489 : memref<128xi32, #tpu.memory_space<vmem>>) semaphore(%arg9 : memref<!tpu.dma_semaphore, #tpu.memory_space<semaphore_mem>>)
    %dma_start3A_3493 = arith.constant 4 : i32
    %dma_start3A_3494 = arith.constant 128 : i32
    %dma_start3A_3495 = arith.constant 0 : i32
    %dma_start3A_3496 = tpu.memref_slice %arg7[%dma_start3A_3494, %dma_start3A_3495] : memref<384x128xf32, #tpu.memory_space<vmem>> -> memref<128x128xf32, #tpu.memory_space<vmem>>
    %dma_start3A_3497 = arith.constant 0 : i32
    %dma_start3A_3498 = tpu.memref_slice %arg5[%dma_start3A_3493, %dma_start3A_3497] : memref<24x128xi32, #tpu.memory_space<vmem>> -> memref<1x128xi32, #tpu.memory_space<vmem>>
    %dma_start3A_3499 = tpu.memref_squeeze %dma_start3A_3498 : memref<1x128xi32, #tpu.memory_space<vmem>> -> memref<128xi32, #tpu.memory_space<vmem>>
    %dma_start3A_3500 = arith.constant 0 : i32
    %dma_start3A_3501 = arith.constant 0 : i32
    %dma_start3A_3502 = tpu.memref_slice %arg3[%dma_start3A_3500, %dma_start3A_3501] : memref<503808x128xf32, #tpu.memory_space<hbm>> -> memref<503808x128xf32, #tpu.memory_space<hbm>>
    tpu.enqueue_indirect_dma source(%dma_start3A_3502 : memref<503808x128xf32, #tpu.memory_space<hbm>>) target(%dma_start3A_3496 : memref<128x128xf32, #tpu.memory_space<vmem>>) offsets(%dma_start3A_3499 : memref<128xi32, #tpu.memory_space<vmem>>) semaphore(%arg9 : memref<!tpu.dma_semaphore, #tpu.memory_space<semaphore_mem>>)
    %dma_start3A_3503 = arith.constant 5 : i32
    %dma_start3A_3504 = arith.constant 256 : i32
    %dma_start3A_3505 = arith.constant 0 : i32
    %dma_start3A_3506 = tpu.memref_slice %arg7[%dma_start3A_3504, %dma_start3A_3505] : memref<384x128xf32, #tpu.memory_space<vmem>> -> memref<128x128xf32, #tpu.memory_space<vmem>>
    %dma_start3A_3507 = arith.constant 0 : i32
    %dma_start3A_3508 = tpu.memref_slice %arg5[%dma_start3A_3503, %dma_start3A_3507] : memref<24x128xi32, #tpu.memory_space<vmem>> -> memref<1x128xi32, #tpu.memory_space<vmem>>
    %dma_start3A_3509 = tpu.memref_squeeze %dma_start3A_3508 : memref<1x128xi32, #tpu.memory_space<vmem>> -> memref<128xi32, #tpu.memory_space<vmem>>
    %dma_start3A_3510 = arith.constant 0 : i32
    %dma_start3A_3511 = arith.constant 0 : i32
    %dma_start3A_3512 = tpu.memref_slice %arg3[%dma_start3A_3510, %dma_start3A_3511] : memref<503808x128xf32, #tpu.memory_space<hbm>> -> memref<503808x128xf32, #tpu.memory_space<hbm>>
    tpu.enqueue_indirect_dma source(%dma_start3A_3512 : memref<503808x128xf32, #tpu.memory_space<hbm>>) target(%dma_start3A_3506 : memref<128x128xf32, #tpu.memory_space<vmem>>) offsets(%dma_start3A_3509 : memref<128xi32, #tpu.memory_space<vmem>>) semaphore(%arg9 : memref<!tpu.dma_semaphore, #tpu.memory_space<semaphore_mem>>)
    %dma_wait3A = arith.constant 0 : i32
    %dma_wait3A_3513 = arith.constant 0 : i32
    %dma_wait3A_3514 = arith.constant 0 : i32
    %dma_wait3A_3515 = tpu.memref_slice %arg6[%dma_wait3A_3513, %dma_wait3A_3514] : memref<384x128xf32, #tpu.memory_space<vmem>> -> memref<128x128xf32, #tpu.memory_space<vmem>>
    %dma_wait3A_3516 = arith.constant 0 : i32
    %dma_wait3A_3517 = tpu.memref_slice %arg5[%dma_wait3A, %dma_wait3A_3516] : memref<24x128xi32, #tpu.memory_space<vmem>> -> memref<1x128xi32, #tpu.memory_space<vmem>>
    %dma_wait3A_3518 = tpu.memref_squeeze %dma_wait3A_3517 : memref<1x128xi32, #tpu.memory_space<vmem>> -> memref<128xi32, #tpu.memory_space<vmem>>
    %dma_wait3A_3519 = arith.constant 0 : i32
    %dma_wait3A_3520 = arith.constant 0 : i32
    %dma_wait3A_3521 = tpu.memref_slice %arg3[%dma_wait3A_3519, %dma_wait3A_3520] : memref<503808x128xf32, #tpu.memory_space<hbm>> -> memref<503808x128xf32, #tpu.memory_space<hbm>>
    tpu.wait_indirect_dma semaphore(%arg8 : memref<!tpu.dma_semaphore, #tpu.memory_space<semaphore_mem>>) src(%dma_wait3A_3521 : memref<503808x128xf32, #tpu.memory_space<hbm>>) dst(%dma_wait3A_3515 : memref<128x128xf32, #tpu.memory_space<vmem>>)
    %dma_wait3A_3522 = arith.constant 1 : i32
    %dma_wait3A_3523 = arith.constant 128 : i32
    %dma_wait3A_3524 = arith.constant 0 : i32
    %dma_wait3A_3525 = tpu.memref_slice %arg6[%dma_wait3A_3523, %dma_wait3A_3524] : memref<384x128xf32, #tpu.memory_space<vmem>> -> memref<128x128xf32, #tpu.memory_space<vmem>>
    %dma_wait3A_3526 = arith.constant 0 : i32
    %dma_wait3A_3527 = tpu.memref_slice %arg5[%dma_wait3A_3522, %dma_wait3A_3526] : memref<24x128xi32, #tpu.memory_space<vmem>> -> memref<1x128xi32, #tpu.memory_space<vmem>>
    %dma_wait3A_3528 = tpu.memref_squeeze %dma_wait3A_3527 : memref<1x128xi32, #tpu.memory_space<vmem>> -> memref<128xi32, #tpu.memory_space<vmem>>
    %dma_wait3A_3529 = arith.constant 0 : i32
    %dma_wait3A_3530 = arith.constant 0 : i32
    %dma_wait3A_3531 = tpu.memref_slice %arg3[%dma_wait3A_3529, %dma_wait3A_3530] : memref<503808x128xf32, #tpu.memory_space<hbm>> -> memref<503808x128xf32, #tpu.memory_space<hbm>>
    tpu.wait_indirect_dma semaphore(%arg8 : memref<!tpu.dma_semaphore, #tpu.memory_space<semaphore_mem>>) src(%dma_wait3A_3531 : memref<503808x128xf32, #tpu.memory_space<hbm>>) dst(%dma_wait3A_3525 : memref<128x128xf32, #tpu.memory_space<vmem>>)
    %dma_wait3A_3532 = arith.constant 2 : i32
    %dma_wait3A_3533 = arith.constant 256 : i32
    %dma_wait3A_3534 = arith.constant 0 : i32
    %dma_wait3A_3535 = tpu.memref_slice %arg6[%dma_wait3A_3533, %dma_wait3A_3534] : memref<384x128xf32, #tpu.memory_space<vmem>> -> memref<128x128xf32, #tpu.memory_space<vmem>>
    %dma_wait3A_3536 = arith.constant 0 : i32
    %dma_wait3A_3537 = tpu.memref_slice %arg5[%dma_wait3A_3532, %dma_wait3A_3536] : memref<24x128xi32, #tpu.memory_space<vmem>> -> memref<1x128xi32, #tpu.memory_space<vmem>>
    %dma_wait3A_3538 = tpu.memref_squeeze %dma_wait3A_3537 : memref<1x128xi32, #tpu.memory_space<vmem>> -> memref<128xi32, #tpu.memory_space<vmem>>
    %dma_wait3A_3539 = arith.constant 0 : i32
    %dma_wait3A_3540 = arith.constant 0 : i32
    %dma_wait3A_3541 = tpu.memref_slice %arg3[%dma_wait3A_3539, %dma_wait3A_3540] : memref<503808x128xf32, #tpu.memory_space<hbm>> -> memref<503808x128xf32, #tpu.memory_space<hbm>>
    tpu.wait_indirect_dma semaphore(%arg8 : memref<!tpu.dma_semaphore, #tpu.memory_space<semaphore_mem>>) src(%dma_wait3A_3541 : memref<503808x128xf32, #tpu.memory_space<hbm>>) dst(%dma_wait3A_3535 : memref<128x128xf32, #tpu.memory_space<vmem>>)
    %add3A_3542 = arith.constant 0 : i32
    %add3A_3543 = arith.addi %mul3A_2, %add3A_3542 : i32
    "tpu.region"() ({
      %run_scoped3A = tpu.sem_alloc : memref<!tpu.dma_semaphore, #tpu.memory_space<semaphore_mem>>
      %dma_start3A_3948 = arith.constant 0 : i32
      %dma_start3A_3949 = tpu.memref_slice %arg4[%add3A_3543, %dma_start3A_3948] : memref<98304x128xf32, #tpu.memory_space<hbm>> -> memref<384x128xf32, #tpu.memory_space<hbm>>
      %dma_start3A_3950 = arith.constant 0 : i32
      %dma_start3A_3951 = tpu.memref_slice %arg4[%add3A_3543, %dma_start3A_3950] : memref<98304x128xf32, #tpu.memory_space<hbm>> -> memref<384x128xf32, #tpu.memory_space<hbm>>
      tpu.enqueue_dma source(%arg6 : memref<384x128xf32, #tpu.memory_space<vmem>>) target(%dma_start3A_3951 : memref<384x128xf32, #tpu.memory_space<hbm>>) target_semaphore(%run_scoped3A : memref<!tpu.dma_semaphore, #tpu.memory_space<semaphore_mem>>)
      %dma_wait3A_3952 = arith.constant 0 : i32
      %dma_wait3A_3953 = tpu.memref_slice %arg4[%add3A_3543, %dma_wait3A_3952] : memref<98304x128xf32, #tpu.memory_space<hbm>> -> memref<384x128xf32, #tpu.memory_space<hbm>>
      %dma_wait3A_3954 = arith.constant 0 : i32
      %dma_wait3A_3955 = tpu.memref_slice %arg4[%add3A_3543, %dma_wait3A_3954] : memref<98304x128xf32, #tpu.memory_space<hbm>> -> memref<384x128xf32, #tpu.memory_space<hbm>>
      tpu.wait_dma2 semaphore(%run_scoped3A : memref<!tpu.dma_semaphore, #tpu.memory_space<semaphore_mem>>) src(%arg6 : memref<384x128xf32, #tpu.memory_space<vmem>>) dst(%dma_wait3A_3955 : memref<384x128xf32, #tpu.memory_space<hbm>>)
      tpu.yield
    }) : () -> ()
    %dma_start3A_3544 = arith.constant 6 : i32
    %dma_start3A_3545 = arith.constant 0 : i32
    %dma_start3A_3546 = arith.constant 0 : i32
    %dma_start3A_3547 = tpu.memref_slice %arg6[%dma_start3A_3545, %dma_start3A_3546] : memref<384x128xf32, #tpu.memory_space<vmem>> -> memref<128x128xf32, #tpu.memory_space<vmem>>
    %dma_start3A_3548 = arith.constant 0 : i32
    %dma_start3A_3549 = tpu.memref_slice %arg5[%dma_start3A_3544, %dma_start3A_3548] : memref<24x128xi32, #tpu.memory_space<vmem>> -> memref<1x128xi32, #tpu.memory_space<vmem>>
    %dma_start3A_3550 = tpu.memref_squeeze %dma_start3A_3549 : memref<1x128xi32, #tpu.memory_space<vmem>> -> memref<128xi32, #tpu.memory_space<vmem>>
    %dma_start3A_3551 = arith.constant 0 : i32
    %dma_start3A_3552 = arith.constant 0 : i32
    %dma_start3A_3553 = tpu.memref_slice %arg3[%dma_start3A_3551, %dma_start3A_3552] : memref<503808x128xf32, #tpu.memory_space<hbm>> -> memref<503808x128xf32, #tpu.memory_space<hbm>>
    tpu.enqueue_indirect_dma source(%dma_start3A_3553 : memref<503808x128xf32, #tpu.memory_space<hbm>>) target(%dma_start3A_3547 : memref<128x128xf32, #tpu.memory_space<vmem>>) offsets(%dma_start3A_3550 : memref<128xi32, #tpu.memory_space<vmem>>) semaphore(%arg8 : memref<!tpu.dma_semaphore, #tpu.memory_space<semaphore_mem>>)
    %dma_start3A_3554 = arith.constant 7 : i32
    %dma_start3A_3555 = arith.constant 128 : i32
    %dma_start3A_3556 = arith.constant 0 : i32
    %dma_start3A_3557 = tpu.memref_slice %arg6[%dma_start3A_3555, %dma_start3A_3556] : memref<384x128xf32, #tpu.memory_space<vmem>> -> memref<128x128xf32, #tpu.memory_space<vmem>>
    %dma_start3A_3558 = arith.constant 0 : i32
    %dma_start3A_3559 = tpu.memref_slice %arg5[%dma_start3A_3554, %dma_start3A_3558] : memref<24x128xi32, #tpu.memory_space<vmem>> -> memref<1x128xi32, #tpu.memory_space<vmem>>
    %dma_start3A_3560 = tpu.memref_squeeze %dma_start3A_3559 : memref<1x128xi32, #tpu.memory_space<vmem>> -> memref<128xi32, #tpu.memory_space<vmem>>
    %dma_start3A_3561 = arith.constant 0 : i32
    %dma_start3A_3562 = arith.constant 0 : i32
    %dma_start3A_3563 = tpu.memref_slice %arg3[%dma_start3A_3561, %dma_start3A_3562] : memref<503808x128xf32, #tpu.memory_space<hbm>> -> memref<503808x128xf32, #tpu.memory_space<hbm>>
    tpu.enqueue_indirect_dma source(%dma_start3A_3563 : memref<503808x128xf32, #tpu.memory_space<hbm>>) target(%dma_start3A_3557 : memref<128x128xf32, #tpu.memory_space<vmem>>) offsets(%dma_start3A_3560 : memref<128xi32, #tpu.memory_space<vmem>>) semaphore(%arg8 : memref<!tpu.dma_semaphore, #tpu.memory_space<semaphore_mem>>)
    %dma_start3A_3564 = arith.constant 8 : i32
    %dma_start3A_3565 = arith.constant 256 : i32
    %dma_start3A_3566 = arith.constant 0 : i32
    %dma_start3A_3567 = tpu.memref_slice %arg6[%dma_start3A_3565, %dma_start3A_3566] : memref<384x128xf32, #tpu.memory_space<vmem>> -> memref<128x128xf32, #tpu.memory_space<vmem>>
    %dma_start3A_3568 = arith.constant 0 : i32
    %dma_start3A_3569 = tpu.memref_slice %arg5[%dma_start3A_3564, %dma_start3A_3568] : memref<24x128xi32, #tpu.memory_space<vmem>> -> memref<1x128xi32, #tpu.memory_space<vmem>>
    %dma_start3A_3570 = tpu.memref_squeeze %dma_start3A_3569 : memref<1x128xi32, #tpu.memory_space<vmem>> -> memref<128xi32, #tpu.memory_space<vmem>>
    %dma_start3A_3571 = arith.constant 0 : i32
    %dma_start3A_3572 = arith.constant 0 : i32
    %dma_start3A_3573 = tpu.memref_slice %arg3[%dma_start3A_3571, %dma_start3A_3572] : memref<503808x128xf32, #tpu.memory_space<hbm>> -> memref<503808x128xf32, #tpu.memory_space<hbm>>
    tpu.enqueue_indirect_dma source(%dma_start3A_3573 : memref<503808x128xf32, #tpu.memory_space<hbm>>) target(%dma_start3A_3567 : memref<128x128xf32, #tpu.memory_space<vmem>>) offsets(%dma_start3A_3570 : memref<128xi32, #tpu.memory_space<vmem>>) semaphore(%arg8 : memref<!tpu.dma_semaphore, #tpu.memory_space<semaphore_mem>>)
    %dma_wait3A_3574 = arith.constant 3 : i32
    %dma_wait3A_3575 = arith.constant 0 : i32
    %dma_wait3A_3576 = arith.constant 0 : i32
    %dma_wait3A_3577 = tpu.memref_slice %arg7[%dma_wait3A_3575, %dma_wait3A_3576] : memref<384x128xf32, #tpu.memory_space<vmem>> -> memref<128x128xf32, #tpu.memory_space<vmem>>
    %dma_wait3A_3578 = arith.constant 0 : i32
    %dma_wait3A_3579 = tpu.memref_slice %arg5[%dma_wait3A_3574, %dma_wait3A_3578] : memref<24x128xi32, #tpu.memory_space<vmem>> -> memref<1x128xi32, #tpu.memory_space<vmem>>
    %dma_wait3A_3580 = tpu.memref_squeeze %dma_wait3A_3579 : memref<1x128xi32, #tpu.memory_space<vmem>> -> memref<128xi32, #tpu.memory_space<vmem>>
    %dma_wait3A_3581 = arith.constant 0 : i32
    %dma_wait3A_3582 = arith.constant 0 : i32
    %dma_wait3A_3583 = tpu.memref_slice %arg3[%dma_wait3A_3581, %dma_wait3A_3582] : memref<503808x128xf32, #tpu.memory_space<hbm>> -> memref<503808x128xf32, #tpu.memory_space<hbm>>
    tpu.wait_indirect_dma semaphore(%arg9 : memref<!tpu.dma_semaphore, #tpu.memory_space<semaphore_mem>>) src(%dma_wait3A_3583 : memref<503808x128xf32, #tpu.memory_space<hbm>>) dst(%dma_wait3A_3577 : memref<128x128xf32, #tpu.memory_space<vmem>>)
    %dma_wait3A_3584 = arith.constant 4 : i32
    %dma_wait3A_3585 = arith.constant 128 : i32
    %dma_wait3A_3586 = arith.constant 0 : i32
    %dma_wait3A_3587 = tpu.memref_slice %arg7[%dma_wait3A_3585, %dma_wait3A_3586] : memref<384x128xf32, #tpu.memory_space<vmem>> -> memref<128x128xf32, #tpu.memory_space<vmem>>
    %dma_wait3A_3588 = arith.constant 0 : i32
    %dma_wait3A_3589 = tpu.memref_slice %arg5[%dma_wait3A_3584, %dma_wait3A_3588] : memref<24x128xi32, #tpu.memory_space<vmem>> -> memref<1x128xi32, #tpu.memory_space<vmem>>
    %dma_wait3A_3590 = tpu.memref_squeeze %dma_wait3A_3589 : memref<1x128xi32, #tpu.memory_space<vmem>> -> memref<128xi32, #tpu.memory_space<vmem>>
    %dma_wait3A_3591 = arith.constant 0 : i32
    %dma_wait3A_3592 = arith.constant 0 : i32
    %dma_wait3A_3593 = tpu.memref_slice %arg3[%dma_wait3A_3591, %dma_wait3A_3592] : memref<503808x128xf32, #tpu.memory_space<hbm>> -> memref<503808x128xf32, #tpu.memory_space<hbm>>
    tpu.wait_indirect_dma semaphore(%arg9 : memref<!tpu.dma_semaphore, #tpu.memory_space<semaphore_mem>>) src(%dma_wait3A_3593 : memref<503808x128xf32, #tpu.memory_space<hbm>>) dst(%dma_wait3A_3587 : memref<128x128xf32, #tpu.memory_space<vmem>>)
    %dma_wait3A_3594 = arith.constant 5 : i32
    %dma_wait3A_3595 = arith.constant 256 : i32
    %dma_wait3A_3596 = arith.constant 0 : i32
    %dma_wait3A_3597 = tpu.memref_slice %arg7[%dma_wait3A_3595, %dma_wait3A_3596] : memref<384x128xf32, #tpu.memory_space<vmem>> -> memref<128x128xf32, #tpu.memory_space<vmem>>
    %dma_wait3A_3598 = arith.constant 0 : i32
    %dma_wait3A_3599 = tpu.memref_slice %arg5[%dma_wait3A_3594, %dma_wait3A_3598] : memref<24x128xi32, #tpu.memory_space<vmem>> -> memref<1x128xi32, #tpu.memory_space<vmem>>
    %dma_wait3A_3600 = tpu.memref_squeeze %dma_wait3A_3599 : memref<1x128xi32, #tpu.memory_space<vmem>> -> memref<128xi32, #tpu.memory_space<vmem>>
    %dma_wait3A_3601 = arith.constant 0 : i32
    %dma_wait3A_3602 = arith.constant 0 : i32
    %dma_wait3A_3603 = tpu.memref_slice %arg3[%dma_wait3A_3601, %dma_wait3A_3602] : memref<503808x128xf32, #tpu.memory_space<hbm>> -> memref<503808x128xf32, #tpu.memory_space<hbm>>
    tpu.wait_indirect_dma semaphore(%arg9 : memref<!tpu.dma_semaphore, #tpu.memory_space<semaphore_mem>>) src(%dma_wait3A_3603 : memref<503808x128xf32, #tpu.memory_space<hbm>>) dst(%dma_wait3A_3597 : memref<128x128xf32, #tpu.memory_space<vmem>>)
    %add3A_3604 = arith.constant 384 : i32
    %add3A_3605 = arith.addi %mul3A_2, %add3A_3604 : i32
    "tpu.region"() ({
      %run_scoped3A = tpu.sem_alloc : memref<!tpu.dma_semaphore, #tpu.memory_space<semaphore_mem>>
      %dma_start3A_3948 = arith.constant 0 : i32
      %dma_start3A_3949 = tpu.memref_slice %arg4[%add3A_3605, %dma_start3A_3948] : memref<98304x128xf32, #tpu.memory_space<hbm>> -> memref<384x128xf32, #tpu.memory_space<hbm>>
      %dma_start3A_3950 = arith.constant 0 : i32
      %dma_start3A_3951 = tpu.memref_slice %arg4[%add3A_3605, %dma_start3A_3950] : memref<98304x128xf32, #tpu.memory_space<hbm>> -> memref<384x128xf32, #tpu.memory_space<hbm>>
      tpu.enqueue_dma source(%arg7 : memref<384x128xf32, #tpu.memory_space<vmem>>) target(%dma_start3A_3951 : memref<384x128xf32, #tpu.memory_space<hbm>>) target_semaphore(%run_scoped3A : memref<!tpu.dma_semaphore, #tpu.memory_space<semaphore_mem>>)
      %dma_wait3A_3952 = arith.constant 0 : i32
      %dma_wait3A_3953 = tpu.memref_slice %arg4[%add3A_3605, %dma_wait3A_3952] : memref<98304x128xf32, #tpu.memory_space<hbm>> -> memref<384x128xf32, #tpu.memory_space<hbm>>
      %dma_wait3A_3954 = arith.constant 0 : i32
      %dma_wait3A_3955 = tpu.memref_slice %arg4[%add3A_3605, %dma_wait3A_3954] : memref<98304x128xf32, #tpu.memory_space<hbm>> -> memref<384x128xf32, #tpu.memory_space<hbm>>
      tpu.wait_dma2 semaphore(%run_scoped3A : memref<!tpu.dma_semaphore, #tpu.memory_space<semaphore_mem>>) src(%arg7 : memref<384x128xf32, #tpu.memory_space<vmem>>) dst(%dma_wait3A_3955 : memref<384x128xf32, #tpu.memory_space<hbm>>)
      tpu.yield
    }) : () -> ()
    %dma_start3A_3606 = arith.constant 9 : i32
    %dma_start3A_3607 = arith.constant 0 : i32
    %dma_start3A_3608 = arith.constant 0 : i32
    %dma_start3A_3609 = tpu.memref_slice %arg7[%dma_start3A_3607, %dma_start3A_3608] : memref<384x128xf32, #tpu.memory_space<vmem>> -> memref<128x128xf32, #tpu.memory_space<vmem>>
    %dma_start3A_3610 = arith.constant 0 : i32
    %dma_start3A_3611 = tpu.memref_slice %arg5[%dma_start3A_3606, %dma_start3A_3610] : memref<24x128xi32, #tpu.memory_space<vmem>> -> memref<1x128xi32, #tpu.memory_space<vmem>>
    %dma_start3A_3612 = tpu.memref_squeeze %dma_start3A_3611 : memref<1x128xi32, #tpu.memory_space<vmem>> -> memref<128xi32, #tpu.memory_space<vmem>>
    %dma_start3A_3613 = arith.constant 0 : i32
    %dma_start3A_3614 = arith.constant 0 : i32
    %dma_start3A_3615 = tpu.memref_slice %arg3[%dma_start3A_3613, %dma_start3A_3614] : memref<503808x128xf32, #tpu.memory_space<hbm>> -> memref<503808x128xf32, #tpu.memory_space<hbm>>
    tpu.enqueue_indirect_dma source(%dma_start3A_3615 : memref<503808x128xf32, #tpu.memory_space<hbm>>) target(%dma_start3A_3609 : memref<128x128xf32, #tpu.memory_space<vmem>>) offsets(%dma_start3A_3612 : memref<128xi32, #tpu.memory_space<vmem>>) semaphore(%arg9 : memref<!tpu.dma_semaphore, #tpu.memory_space<semaphore_mem>>)
    %dma_start3A_3616 = arith.constant 10 : i32
    %dma_start3A_3617 = arith.constant 128 : i32
    %dma_start3A_3618 = arith.constant 0 : i32
    %dma_start3A_3619 = tpu.memref_slice %arg7[%dma_start3A_3617, %dma_start3A_3618] : memref<384x128xf32, #tpu.memory_space<vmem>> -> memref<128x128xf32, #tpu.memory_space<vmem>>
    %dma_start3A_3620 = arith.constant 0 : i32
    %dma_start3A_3621 = tpu.memref_slice %arg5[%dma_start3A_3616, %dma_start3A_3620] : memref<24x128xi32, #tpu.memory_space<vmem>> -> memref<1x128xi32, #tpu.memory_space<vmem>>
    %dma_start3A_3622 = tpu.memref_squeeze %dma_start3A_3621 : memref<1x128xi32, #tpu.memory_space<vmem>> -> memref<128xi32, #tpu.memory_space<vmem>>
    %dma_start3A_3623 = arith.constant 0 : i32
    %dma_start3A_3624 = arith.constant 0 : i32
    %dma_start3A_3625 = tpu.memref_slice %arg3[%dma_start3A_3623, %dma_start3A_3624] : memref<503808x128xf32, #tpu.memory_space<hbm>> -> memref<503808x128xf32, #tpu.memory_space<hbm>>
    tpu.enqueue_indirect_dma source(%dma_start3A_3625 : memref<503808x128xf32, #tpu.memory_space<hbm>>) target(%dma_start3A_3619 : memref<128x128xf32, #tpu.memory_space<vmem>>) offsets(%dma_start3A_3622 : memref<128xi32, #tpu.memory_space<vmem>>) semaphore(%arg9 : memref<!tpu.dma_semaphore, #tpu.memory_space<semaphore_mem>>)
    %dma_start3A_3626 = arith.constant 11 : i32
    %dma_start3A_3627 = arith.constant 256 : i32
    %dma_start3A_3628 = arith.constant 0 : i32
    %dma_start3A_3629 = tpu.memref_slice %arg7[%dma_start3A_3627, %dma_start3A_3628] : memref<384x128xf32, #tpu.memory_space<vmem>> -> memref<128x128xf32, #tpu.memory_space<vmem>>
    %dma_start3A_3630 = arith.constant 0 : i32
    %dma_start3A_3631 = tpu.memref_slice %arg5[%dma_start3A_3626, %dma_start3A_3630] : memref<24x128xi32, #tpu.memory_space<vmem>> -> memref<1x128xi32, #tpu.memory_space<vmem>>
    %dma_start3A_3632 = tpu.memref_squeeze %dma_start3A_3631 : memref<1x128xi32, #tpu.memory_space<vmem>> -> memref<128xi32, #tpu.memory_space<vmem>>
    %dma_start3A_3633 = arith.constant 0 : i32
    %dma_start3A_3634 = arith.constant 0 : i32
    %dma_start3A_3635 = tpu.memref_slice %arg3[%dma_start3A_3633, %dma_start3A_3634] : memref<503808x128xf32, #tpu.memory_space<hbm>> -> memref<503808x128xf32, #tpu.memory_space<hbm>>
    tpu.enqueue_indirect_dma source(%dma_start3A_3635 : memref<503808x128xf32, #tpu.memory_space<hbm>>) target(%dma_start3A_3629 : memref<128x128xf32, #tpu.memory_space<vmem>>) offsets(%dma_start3A_3632 : memref<128xi32, #tpu.memory_space<vmem>>) semaphore(%arg9 : memref<!tpu.dma_semaphore, #tpu.memory_space<semaphore_mem>>)
    %dma_wait3A_3636 = arith.constant 6 : i32
    %dma_wait3A_3637 = arith.constant 0 : i32
    %dma_wait3A_3638 = arith.constant 0 : i32
    %dma_wait3A_3639 = tpu.memref_slice %arg6[%dma_wait3A_3637, %dma_wait3A_3638] : memref<384x128xf32, #tpu.memory_space<vmem>> -> memref<128x128xf32, #tpu.memory_space<vmem>>
    %dma_wait3A_3640 = arith.constant 0 : i32
    %dma_wait3A_3641 = tpu.memref_slice %arg5[%dma_wait3A_3636, %dma_wait3A_3640] : memref<24x128xi32, #tpu.memory_space<vmem>> -> memref<1x128xi32, #tpu.memory_space<vmem>>
    %dma_wait3A_3642 = tpu.memref_squeeze %dma_wait3A_3641 : memref<1x128xi32, #tpu.memory_space<vmem>> -> memref<128xi32, #tpu.memory_space<vmem>>
    %dma_wait3A_3643 = arith.constant 0 : i32
    %dma_wait3A_3644 = arith.constant 0 : i32
    %dma_wait3A_3645 = tpu.memref_slice %arg3[%dma_wait3A_3643, %dma_wait3A_3644] : memref<503808x128xf32, #tpu.memory_space<hbm>> -> memref<503808x128xf32, #tpu.memory_space<hbm>>
    tpu.wait_indirect_dma semaphore(%arg8 : memref<!tpu.dma_semaphore, #tpu.memory_space<semaphore_mem>>) src(%dma_wait3A_3645 : memref<503808x128xf32, #tpu.memory_space<hbm>>) dst(%dma_wait3A_3639 : memref<128x128xf32, #tpu.memory_space<vmem>>)
    %dma_wait3A_3646 = arith.constant 7 : i32
    %dma_wait3A_3647 = arith.constant 128 : i32
    %dma_wait3A_3648 = arith.constant 0 : i32
    %dma_wait3A_3649 = tpu.memref_slice %arg6[%dma_wait3A_3647, %dma_wait3A_3648] : memref<384x128xf32, #tpu.memory_space<vmem>> -> memref<128x128xf32, #tpu.memory_space<vmem>>
    %dma_wait3A_3650 = arith.constant 0 : i32
    %dma_wait3A_3651 = tpu.memref_slice %arg5[%dma_wait3A_3646, %dma_wait3A_3650] : memref<24x128xi32, #tpu.memory_space<vmem>> -> memref<1x128xi32, #tpu.memory_space<vmem>>
    %dma_wait3A_3652 = tpu.memref_squeeze %dma_wait3A_3651 : memref<1x128xi32, #tpu.memory_space<vmem>> -> memref<128xi32, #tpu.memory_space<vmem>>
    %dma_wait3A_3653 = arith.constant 0 : i32
    %dma_wait3A_3654 = arith.constant 0 : i32
    %dma_wait3A_3655 = tpu.memref_slice %arg3[%dma_wait3A_3653, %dma_wait3A_3654] : memref<503808x128xf32, #tpu.memory_space<hbm>> -> memref<503808x128xf32, #tpu.memory_space<hbm>>
    tpu.wait_indirect_dma semaphore(%arg8 : memref<!tpu.dma_semaphore, #tpu.memory_space<semaphore_mem>>) src(%dma_wait3A_3655 : memref<503808x128xf32, #tpu.memory_space<hbm>>) dst(%dma_wait3A_3649 : memref<128x128xf32, #tpu.memory_space<vmem>>)
    %dma_wait3A_3656 = arith.constant 8 : i32
    %dma_wait3A_3657 = arith.constant 256 : i32
    %dma_wait3A_3658 = arith.constant 0 : i32
    %dma_wait3A_3659 = tpu.memref_slice %arg6[%dma_wait3A_3657, %dma_wait3A_3658] : memref<384x128xf32, #tpu.memory_space<vmem>> -> memref<128x128xf32, #tpu.memory_space<vmem>>
    %dma_wait3A_3660 = arith.constant 0 : i32
    %dma_wait3A_3661 = tpu.memref_slice %arg5[%dma_wait3A_3656, %dma_wait3A_3660] : memref<24x128xi32, #tpu.memory_space<vmem>> -> memref<1x128xi32, #tpu.memory_space<vmem>>
    %dma_wait3A_3662 = tpu.memref_squeeze %dma_wait3A_3661 : memref<1x128xi32, #tpu.memory_space<vmem>> -> memref<128xi32, #tpu.memory_space<vmem>>
    %dma_wait3A_3663 = arith.constant 0 : i32
    %dma_wait3A_3664 = arith.constant 0 : i32
    %dma_wait3A_3665 = tpu.memref_slice %arg3[%dma_wait3A_3663, %dma_wait3A_3664] : memref<503808x128xf32, #tpu.memory_space<hbm>> -> memref<503808x128xf32, #tpu.memory_space<hbm>>
    tpu.wait_indirect_dma semaphore(%arg8 : memref<!tpu.dma_semaphore, #tpu.memory_space<semaphore_mem>>) src(%dma_wait3A_3665 : memref<503808x128xf32, #tpu.memory_space<hbm>>) dst(%dma_wait3A_3659 : memref<128x128xf32, #tpu.memory_space<vmem>>)
    %add3A_3666 = arith.constant 768 : i32
    %add3A_3667 = arith.addi %mul3A_2, %add3A_3666 : i32
    "tpu.region"() ({
      %run_scoped3A = tpu.sem_alloc : memref<!tpu.dma_semaphore, #tpu.memory_space<semaphore_mem>>
      %dma_start3A_3948 = arith.constant 0 : i32
      %dma_start3A_3949 = tpu.memref_slice %arg4[%add3A_3667, %dma_start3A_3948] : memref<98304x128xf32, #tpu.memory_space<hbm>> -> memref<384x128xf32, #tpu.memory_space<hbm>>
      %dma_start3A_3950 = arith.constant 0 : i32
      %dma_start3A_3951 = tpu.memref_slice %arg4[%add3A_3667, %dma_start3A_3950] : memref<98304x128xf32, #tpu.memory_space<hbm>> -> memref<384x128xf32, #tpu.memory_space<hbm>>
      tpu.enqueue_dma source(%arg6 : memref<384x128xf32, #tpu.memory_space<vmem>>) target(%dma_start3A_3951 : memref<384x128xf32, #tpu.memory_space<hbm>>) target_semaphore(%run_scoped3A : memref<!tpu.dma_semaphore, #tpu.memory_space<semaphore_mem>>)
      %dma_wait3A_3952 = arith.constant 0 : i32
      %dma_wait3A_3953 = tpu.memref_slice %arg4[%add3A_3667, %dma_wait3A_3952] : memref<98304x128xf32, #tpu.memory_space<hbm>> -> memref<384x128xf32, #tpu.memory_space<hbm>>
      %dma_wait3A_3954 = arith.constant 0 : i32
      %dma_wait3A_3955 = tpu.memref_slice %arg4[%add3A_3667, %dma_wait3A_3954] : memref<98304x128xf32, #tpu.memory_space<hbm>> -> memref<384x128xf32, #tpu.memory_space<hbm>>
      tpu.wait_dma2 semaphore(%run_scoped3A : memref<!tpu.dma_semaphore, #tpu.memory_space<semaphore_mem>>) src(%arg6 : memref<384x128xf32, #tpu.memory_space<vmem>>) dst(%dma_wait3A_3955 : memref<384x128xf32, #tpu.memory_space<hbm>>)
      tpu.yield
    }) : () -> ()
    %dma_start3A_3668 = arith.constant 12 : i32
    %dma_start3A_3669 = arith.constant 0 : i32
    %dma_start3A_3670 = arith.constant 0 : i32
    %dma_start3A_3671 = tpu.memref_slice %arg6[%dma_start3A_3669, %dma_start3A_3670] : memref<384x128xf32, #tpu.memory_space<vmem>> -> memref<128x128xf32, #tpu.memory_space<vmem>>
    %dma_start3A_3672 = arith.constant 0 : i32
    %dma_start3A_3673 = tpu.memref_slice %arg5[%dma_start3A_3668, %dma_start3A_3672] : memref<24x128xi32, #tpu.memory_space<vmem>> -> memref<1x128xi32, #tpu.memory_space<vmem>>
    %dma_start3A_3674 = tpu.memref_squeeze %dma_start3A_3673 : memref<1x128xi32, #tpu.memory_space<vmem>> -> memref<128xi32, #tpu.memory_space<vmem>>
    %dma_start3A_3675 = arith.constant 0 : i32
    %dma_start3A_3676 = arith.constant 0 : i32
    %dma_start3A_3677 = tpu.memref_slice %arg3[%dma_start3A_3675, %dma_start3A_3676] : memref<503808x128xf32, #tpu.memory_space<hbm>> -> memref<503808x128xf32, #tpu.memory_space<hbm>>
    tpu.enqueue_indirect_dma source(%dma_start3A_3677 : memref<503808x128xf32, #tpu.memory_space<hbm>>) target(%dma_start3A_3671 : memref<128x128xf32, #tpu.memory_space<vmem>>) offsets(%dma_start3A_3674 : memref<128xi32, #tpu.memory_space<vmem>>) semaphore(%arg8 : memref<!tpu.dma_semaphore, #tpu.memory_space<semaphore_mem>>)
    %dma_start3A_3678 = arith.constant 13 : i32
    %dma_start3A_3679 = arith.constant 128 : i32
    %dma_start3A_3680 = arith.constant 0 : i32
    %dma_start3A_3681 = tpu.memref_slice %arg6[%dma_start3A_3679, %dma_start3A_3680] : memref<384x128xf32, #tpu.memory_space<vmem>> -> memref<128x128xf32, #tpu.memory_space<vmem>>
    %dma_start3A_3682 = arith.constant 0 : i32
    %dma_start3A_3683 = tpu.memref_slice %arg5[%dma_start3A_3678, %dma_start3A_3682] : memref<24x128xi32, #tpu.memory_space<vmem>> -> memref<1x128xi32, #tpu.memory_space<vmem>>
    %dma_start3A_3684 = tpu.memref_squeeze %dma_start3A_3683 : memref<1x128xi32, #tpu.memory_space<vmem>> -> memref<128xi32, #tpu.memory_space<vmem>>
    %dma_start3A_3685 = arith.constant 0 : i32
    %dma_start3A_3686 = arith.constant 0 : i32
    %dma_start3A_3687 = tpu.memref_slice %arg3[%dma_start3A_3685, %dma_start3A_3686] : memref<503808x128xf32, #tpu.memory_space<hbm>> -> memref<503808x128xf32, #tpu.memory_space<hbm>>
    tpu.enqueue_indirect_dma source(%dma_start3A_3687 : memref<503808x128xf32, #tpu.memory_space<hbm>>) target(%dma_start3A_3681 : memref<128x128xf32, #tpu.memory_space<vmem>>) offsets(%dma_start3A_3684 : memref<128xi32, #tpu.memory_space<vmem>>) semaphore(%arg8 : memref<!tpu.dma_semaphore, #tpu.memory_space<semaphore_mem>>)
    %dma_start3A_3688 = arith.constant 14 : i32
    %dma_start3A_3689 = arith.constant 256 : i32
    %dma_start3A_3690 = arith.constant 0 : i32
    %dma_start3A_3691 = tpu.memref_slice %arg6[%dma_start3A_3689, %dma_start3A_3690] : memref<384x128xf32, #tpu.memory_space<vmem>> -> memref<128x128xf32, #tpu.memory_space<vmem>>
    %dma_start3A_3692 = arith.constant 0 : i32
    %dma_start3A_3693 = tpu.memref_slice %arg5[%dma_start3A_3688, %dma_start3A_3692] : memref<24x128xi32, #tpu.memory_space<vmem>> -> memref<1x128xi32, #tpu.memory_space<vmem>>
    %dma_start3A_3694 = tpu.memref_squeeze %dma_start3A_3693 : memref<1x128xi32, #tpu.memory_space<vmem>> -> memref<128xi32, #tpu.memory_space<vmem>>
    %dma_start3A_3695 = arith.constant 0 : i32
    %dma_start3A_3696 = arith.constant 0 : i32
    %dma_start3A_3697 = tpu.memref_slice %arg3[%dma_start3A_3695, %dma_start3A_3696] : memref<503808x128xf32, #tpu.memory_space<hbm>> -> memref<503808x128xf32, #tpu.memory_space<hbm>>
    tpu.enqueue_indirect_dma source(%dma_start3A_3697 : memref<503808x128xf32, #tpu.memory_space<hbm>>) target(%dma_start3A_3691 : memref<128x128xf32, #tpu.memory_space<vmem>>) offsets(%dma_start3A_3694 : memref<128xi32, #tpu.memory_space<vmem>>) semaphore(%arg8 : memref<!tpu.dma_semaphore, #tpu.memory_space<semaphore_mem>>)
    %dma_wait3A_3698 = arith.constant 9 : i32
    %dma_wait3A_3699 = arith.constant 0 : i32
    %dma_wait3A_3700 = arith.constant 0 : i32
    %dma_wait3A_3701 = tpu.memref_slice %arg7[%dma_wait3A_3699, %dma_wait3A_3700] : memref<384x128xf32, #tpu.memory_space<vmem>> -> memref<128x128xf32, #tpu.memory_space<vmem>>
    %dma_wait3A_3702 = arith.constant 0 : i32
    %dma_wait3A_3703 = tpu.memref_slice %arg5[%dma_wait3A_3698, %dma_wait3A_3702] : memref<24x128xi32, #tpu.memory_space<vmem>> -> memref<1x128xi32, #tpu.memory_space<vmem>>
    %dma_wait3A_3704 = tpu.memref_squeeze %dma_wait3A_3703 : memref<1x128xi32, #tpu.memory_space<vmem>> -> memref<128xi32, #tpu.memory_space<vmem>>
    %dma_wait3A_3705 = arith.constant 0 : i32
    %dma_wait3A_3706 = arith.constant 0 : i32
    %dma_wait3A_3707 = tpu.memref_slice %arg3[%dma_wait3A_3705, %dma_wait3A_3706] : memref<503808x128xf32, #tpu.memory_space<hbm>> -> memref<503808x128xf32, #tpu.memory_space<hbm>>
    tpu.wait_indirect_dma semaphore(%arg9 : memref<!tpu.dma_semaphore, #tpu.memory_space<semaphore_mem>>) src(%dma_wait3A_3707 : memref<503808x128xf32, #tpu.memory_space<hbm>>) dst(%dma_wait3A_3701 : memref<128x128xf32, #tpu.memory_space<vmem>>)
    %dma_wait3A_3708 = arith.constant 10 : i32
    %dma_wait3A_3709 = arith.constant 128 : i32
    %dma_wait3A_3710 = arith.constant 0 : i32
    %dma_wait3A_3711 = tpu.memref_slice %arg7[%dma_wait3A_3709, %dma_wait3A_3710] : memref<384x128xf32, #tpu.memory_space<vmem>> -> memref<128x128xf32, #tpu.memory_space<vmem>>
    %dma_wait3A_3712 = arith.constant 0 : i32
    %dma_wait3A_3713 = tpu.memref_slice %arg5[%dma_wait3A_3708, %dma_wait3A_3712] : memref<24x128xi32, #tpu.memory_space<vmem>> -> memref<1x128xi32, #tpu.memory_space<vmem>>
    %dma_wait3A_3714 = tpu.memref_squeeze %dma_wait3A_3713 : memref<1x128xi32, #tpu.memory_space<vmem>> -> memref<128xi32, #tpu.memory_space<vmem>>
    %dma_wait3A_3715 = arith.constant 0 : i32
    %dma_wait3A_3716 = arith.constant 0 : i32
    %dma_wait3A_3717 = tpu.memref_slice %arg3[%dma_wait3A_3715, %dma_wait3A_3716] : memref<503808x128xf32, #tpu.memory_space<hbm>> -> memref<503808x128xf32, #tpu.memory_space<hbm>>
    tpu.wait_indirect_dma semaphore(%arg9 : memref<!tpu.dma_semaphore, #tpu.memory_space<semaphore_mem>>) src(%dma_wait3A_3717 : memref<503808x128xf32, #tpu.memory_space<hbm>>) dst(%dma_wait3A_3711 : memref<128x128xf32, #tpu.memory_space<vmem>>)
    %dma_wait3A_3718 = arith.constant 11 : i32
    %dma_wait3A_3719 = arith.constant 256 : i32
    %dma_wait3A_3720 = arith.constant 0 : i32
    %dma_wait3A_3721 = tpu.memref_slice %arg7[%dma_wait3A_3719, %dma_wait3A_3720] : memref<384x128xf32, #tpu.memory_space<vmem>> -> memref<128x128xf32, #tpu.memory_space<vmem>>
    %dma_wait3A_3722 = arith.constant 0 : i32
    %dma_wait3A_3723 = tpu.memref_slice %arg5[%dma_wait3A_3718, %dma_wait3A_3722] : memref<24x128xi32, #tpu.memory_space<vmem>> -> memref<1x128xi32, #tpu.memory_space<vmem>>
    %dma_wait3A_3724 = tpu.memref_squeeze %dma_wait3A_3723 : memref<1x128xi32, #tpu.memory_space<vmem>> -> memref<128xi32, #tpu.memory_space<vmem>>
    %dma_wait3A_3725 = arith.constant 0 : i32
    %dma_wait3A_3726 = arith.constant 0 : i32
    %dma_wait3A_3727 = tpu.memref_slice %arg3[%dma_wait3A_3725, %dma_wait3A_3726] : memref<503808x128xf32, #tpu.memory_space<hbm>> -> memref<503808x128xf32, #tpu.memory_space<hbm>>
    tpu.wait_indirect_dma semaphore(%arg9 : memref<!tpu.dma_semaphore, #tpu.memory_space<semaphore_mem>>) src(%dma_wait3A_3727 : memref<503808x128xf32, #tpu.memory_space<hbm>>) dst(%dma_wait3A_3721 : memref<128x128xf32, #tpu.memory_space<vmem>>)
    %add3A_3728 = arith.constant 1152 : i32
    %add3A_3729 = arith.addi %mul3A_2, %add3A_3728 : i32
    "tpu.region"() ({
      %run_scoped3A = tpu.sem_alloc : memref<!tpu.dma_semaphore, #tpu.memory_space<semaphore_mem>>
      %dma_start3A_3948 = arith.constant 0 : i32
      %dma_start3A_3949 = tpu.memref_slice %arg4[%add3A_3729, %dma_start3A_3948] : memref<98304x128xf32, #tpu.memory_space<hbm>> -> memref<384x128xf32, #tpu.memory_space<hbm>>
      %dma_start3A_3950 = arith.constant 0 : i32
      %dma_start3A_3951 = tpu.memref_slice %arg4[%add3A_3729, %dma_start3A_3950] : memref<98304x128xf32, #tpu.memory_space<hbm>> -> memref<384x128xf32, #tpu.memory_space<hbm>>
      tpu.enqueue_dma source(%arg7 : memref<384x128xf32, #tpu.memory_space<vmem>>) target(%dma_start3A_3951 : memref<384x128xf32, #tpu.memory_space<hbm>>) target_semaphore(%run_scoped3A : memref<!tpu.dma_semaphore, #tpu.memory_space<semaphore_mem>>)
      %dma_wait3A_3952 = arith.constant 0 : i32
      %dma_wait3A_3953 = tpu.memref_slice %arg4[%add3A_3729, %dma_wait3A_3952] : memref<98304x128xf32, #tpu.memory_space<hbm>> -> memref<384x128xf32, #tpu.memory_space<hbm>>
      %dma_wait3A_3954 = arith.constant 0 : i32
      %dma_wait3A_3955 = tpu.memref_slice %arg4[%add3A_3729, %dma_wait3A_3954] : memref<98304x128xf32, #tpu.memory_space<hbm>> -> memref<384x128xf32, #tpu.memory_space<hbm>>
      tpu.wait_dma2 semaphore(%run_scoped3A : memref<!tpu.dma_semaphore, #tpu.memory_space<semaphore_mem>>) src(%arg7 : memref<384x128xf32, #tpu.memory_space<vmem>>) dst(%dma_wait3A_3955 : memref<384x128xf32, #tpu.memory_space<hbm>>)
      tpu.yield
    }) : () -> ()
    %dma_start3A_3730 = arith.constant 15 : i32
    %dma_start3A_3731 = arith.constant 0 : i32
    %dma_start3A_3732 = arith.constant 0 : i32
    %dma_start3A_3733 = tpu.memref_slice %arg7[%dma_start3A_3731, %dma_start3A_3732] : memref<384x128xf32, #tpu.memory_space<vmem>> -> memref<128x128xf32, #tpu.memory_space<vmem>>
    %dma_start3A_3734 = arith.constant 0 : i32
    %dma_start3A_3735 = tpu.memref_slice %arg5[%dma_start3A_3730, %dma_start3A_3734] : memref<24x128xi32, #tpu.memory_space<vmem>> -> memref<1x128xi32, #tpu.memory_space<vmem>>
    %dma_start3A_3736 = tpu.memref_squeeze %dma_start3A_3735 : memref<1x128xi32, #tpu.memory_space<vmem>> -> memref<128xi32, #tpu.memory_space<vmem>>
    %dma_start3A_3737 = arith.constant 0 : i32
    %dma_start3A_3738 = arith.constant 0 : i32
    %dma_start3A_3739 = tpu.memref_slice %arg3[%dma_start3A_3737, %dma_start3A_3738] : memref<503808x128xf32, #tpu.memory_space<hbm>> -> memref<503808x128xf32, #tpu.memory_space<hbm>>
    tpu.enqueue_indirect_dma source(%dma_start3A_3739 : memref<503808x128xf32, #tpu.memory_space<hbm>>) target(%dma_start3A_3733 : memref<128x128xf32, #tpu.memory_space<vmem>>) offsets(%dma_start3A_3736 : memref<128xi32, #tpu.memory_space<vmem>>) semaphore(%arg9 : memref<!tpu.dma_semaphore, #tpu.memory_space<semaphore_mem>>)
    %dma_start3A_3740 = arith.constant 16 : i32
    %dma_start3A_3741 = arith.constant 128 : i32
    %dma_start3A_3742 = arith.constant 0 : i32
    %dma_start3A_3743 = tpu.memref_slice %arg7[%dma_start3A_3741, %dma_start3A_3742] : memref<384x128xf32, #tpu.memory_space<vmem>> -> memref<128x128xf32, #tpu.memory_space<vmem>>
    %dma_start3A_3744 = arith.constant 0 : i32
    %dma_start3A_3745 = tpu.memref_slice %arg5[%dma_start3A_3740, %dma_start3A_3744] : memref<24x128xi32, #tpu.memory_space<vmem>> -> memref<1x128xi32, #tpu.memory_space<vmem>>
    %dma_start3A_3746 = tpu.memref_squeeze %dma_start3A_3745 : memref<1x128xi32, #tpu.memory_space<vmem>> -> memref<128xi32, #tpu.memory_space<vmem>>
    %dma_start3A_3747 = arith.constant 0 : i32
    %dma_start3A_3748 = arith.constant 0 : i32
    %dma_start3A_3749 = tpu.memref_slice %arg3[%dma_start3A_3747, %dma_start3A_3748] : memref<503808x128xf32, #tpu.memory_space<hbm>> -> memref<503808x128xf32, #tpu.memory_space<hbm>>
    tpu.enqueue_indirect_dma source(%dma_start3A_3749 : memref<503808x128xf32, #tpu.memory_space<hbm>>) target(%dma_start3A_3743 : memref<128x128xf32, #tpu.memory_space<vmem>>) offsets(%dma_start3A_3746 : memref<128xi32, #tpu.memory_space<vmem>>) semaphore(%arg9 : memref<!tpu.dma_semaphore, #tpu.memory_space<semaphore_mem>>)
    %dma_start3A_3750 = arith.constant 17 : i32
    %dma_start3A_3751 = arith.constant 256 : i32
    %dma_start3A_3752 = arith.constant 0 : i32
    %dma_start3A_3753 = tpu.memref_slice %arg7[%dma_start3A_3751, %dma_start3A_3752] : memref<384x128xf32, #tpu.memory_space<vmem>> -> memref<128x128xf32, #tpu.memory_space<vmem>>
    %dma_start3A_3754 = arith.constant 0 : i32
    %dma_start3A_3755 = tpu.memref_slice %arg5[%dma_start3A_3750, %dma_start3A_3754] : memref<24x128xi32, #tpu.memory_space<vmem>> -> memref<1x128xi32, #tpu.memory_space<vmem>>
    %dma_start3A_3756 = tpu.memref_squeeze %dma_start3A_3755 : memref<1x128xi32, #tpu.memory_space<vmem>> -> memref<128xi32, #tpu.memory_space<vmem>>
    %dma_start3A_3757 = arith.constant 0 : i32
    %dma_start3A_3758 = arith.constant 0 : i32
    %dma_start3A_3759 = tpu.memref_slice %arg3[%dma_start3A_3757, %dma_start3A_3758] : memref<503808x128xf32, #tpu.memory_space<hbm>> -> memref<503808x128xf32, #tpu.memory_space<hbm>>
    tpu.enqueue_indirect_dma source(%dma_start3A_3759 : memref<503808x128xf32, #tpu.memory_space<hbm>>) target(%dma_start3A_3753 : memref<128x128xf32, #tpu.memory_space<vmem>>) offsets(%dma_start3A_3756 : memref<128xi32, #tpu.memory_space<vmem>>) semaphore(%arg9 : memref<!tpu.dma_semaphore, #tpu.memory_space<semaphore_mem>>)
    %dma_wait3A_3760 = arith.constant 12 : i32
    %dma_wait3A_3761 = arith.constant 0 : i32
    %dma_wait3A_3762 = arith.constant 0 : i32
    %dma_wait3A_3763 = tpu.memref_slice %arg6[%dma_wait3A_3761, %dma_wait3A_3762] : memref<384x128xf32, #tpu.memory_space<vmem>> -> memref<128x128xf32, #tpu.memory_space<vmem>>
    %dma_wait3A_3764 = arith.constant 0 : i32
    %dma_wait3A_3765 = tpu.memref_slice %arg5[%dma_wait3A_3760, %dma_wait3A_3764] : memref<24x128xi32, #tpu.memory_space<vmem>> -> memref<1x128xi32, #tpu.memory_space<vmem>>
    %dma_wait3A_3766 = tpu.memref_squeeze %dma_wait3A_3765 : memref<1x128xi32, #tpu.memory_space<vmem>> -> memref<128xi32, #tpu.memory_space<vmem>>
    %dma_wait3A_3767 = arith.constant 0 : i32
    %dma_wait3A_3768 = arith.constant 0 : i32
    %dma_wait3A_3769 = tpu.memref_slice %arg3[%dma_wait3A_3767, %dma_wait3A_3768] : memref<503808x128xf32, #tpu.memory_space<hbm>> -> memref<503808x128xf32, #tpu.memory_space<hbm>>
    tpu.wait_indirect_dma semaphore(%arg8 : memref<!tpu.dma_semaphore, #tpu.memory_space<semaphore_mem>>) src(%dma_wait3A_3769 : memref<503808x128xf32, #tpu.memory_space<hbm>>) dst(%dma_wait3A_3763 : memref<128x128xf32, #tpu.memory_space<vmem>>)
    %dma_wait3A_3770 = arith.constant 13 : i32
    %dma_wait3A_3771 = arith.constant 128 : i32
    %dma_wait3A_3772 = arith.constant 0 : i32
    %dma_wait3A_3773 = tpu.memref_slice %arg6[%dma_wait3A_3771, %dma_wait3A_3772] : memref<384x128xf32, #tpu.memory_space<vmem>> -> memref<128x128xf32, #tpu.memory_space<vmem>>
    %dma_wait3A_3774 = arith.constant 0 : i32
    %dma_wait3A_3775 = tpu.memref_slice %arg5[%dma_wait3A_3770, %dma_wait3A_3774] : memref<24x128xi32, #tpu.memory_space<vmem>> -> memref<1x128xi32, #tpu.memory_space<vmem>>
    %dma_wait3A_3776 = tpu.memref_squeeze %dma_wait3A_3775 : memref<1x128xi32, #tpu.memory_space<vmem>> -> memref<128xi32, #tpu.memory_space<vmem>>
    %dma_wait3A_3777 = arith.constant 0 : i32
    %dma_wait3A_3778 = arith.constant 0 : i32
    %dma_wait3A_3779 = tpu.memref_slice %arg3[%dma_wait3A_3777, %dma_wait3A_3778] : memref<503808x128xf32, #tpu.memory_space<hbm>> -> memref<503808x128xf32, #tpu.memory_space<hbm>>
    tpu.wait_indirect_dma semaphore(%arg8 : memref<!tpu.dma_semaphore, #tpu.memory_space<semaphore_mem>>) src(%dma_wait3A_3779 : memref<503808x128xf32, #tpu.memory_space<hbm>>) dst(%dma_wait3A_3773 : memref<128x128xf32, #tpu.memory_space<vmem>>)
    %dma_wait3A_3780 = arith.constant 14 : i32
    %dma_wait3A_3781 = arith.constant 256 : i32
    %dma_wait3A_3782 = arith.constant 0 : i32
    %dma_wait3A_3783 = tpu.memref_slice %arg6[%dma_wait3A_3781, %dma_wait3A_3782] : memref<384x128xf32, #tpu.memory_space<vmem>> -> memref<128x128xf32, #tpu.memory_space<vmem>>
    %dma_wait3A_3784 = arith.constant 0 : i32
    %dma_wait3A_3785 = tpu.memref_slice %arg5[%dma_wait3A_3780, %dma_wait3A_3784] : memref<24x128xi32, #tpu.memory_space<vmem>> -> memref<1x128xi32, #tpu.memory_space<vmem>>
    %dma_wait3A_3786 = tpu.memref_squeeze %dma_wait3A_3785 : memref<1x128xi32, #tpu.memory_space<vmem>> -> memref<128xi32, #tpu.memory_space<vmem>>
    %dma_wait3A_3787 = arith.constant 0 : i32
    %dma_wait3A_3788 = arith.constant 0 : i32
    %dma_wait3A_3789 = tpu.memref_slice %arg3[%dma_wait3A_3787, %dma_wait3A_3788] : memref<503808x128xf32, #tpu.memory_space<hbm>> -> memref<503808x128xf32, #tpu.memory_space<hbm>>
    tpu.wait_indirect_dma semaphore(%arg8 : memref<!tpu.dma_semaphore, #tpu.memory_space<semaphore_mem>>) src(%dma_wait3A_3789 : memref<503808x128xf32, #tpu.memory_space<hbm>>) dst(%dma_wait3A_3783 : memref<128x128xf32, #tpu.memory_space<vmem>>)
    %add3A_3790 = arith.constant 1536 : i32
    %add3A_3791 = arith.addi %mul3A_2, %add3A_3790 : i32
    "tpu.region"() ({
      %run_scoped3A = tpu.sem_alloc : memref<!tpu.dma_semaphore, #tpu.memory_space<semaphore_mem>>
      %dma_start3A_3948 = arith.constant 0 : i32
      %dma_start3A_3949 = tpu.memref_slice %arg4[%add3A_3791, %dma_start3A_3948] : memref<98304x128xf32, #tpu.memory_space<hbm>> -> memref<384x128xf32, #tpu.memory_space<hbm>>
      %dma_start3A_3950 = arith.constant 0 : i32
      %dma_start3A_3951 = tpu.memref_slice %arg4[%add3A_3791, %dma_start3A_3950] : memref<98304x128xf32, #tpu.memory_space<hbm>> -> memref<384x128xf32, #tpu.memory_space<hbm>>
      tpu.enqueue_dma source(%arg6 : memref<384x128xf32, #tpu.memory_space<vmem>>) target(%dma_start3A_3951 : memref<384x128xf32, #tpu.memory_space<hbm>>) target_semaphore(%run_scoped3A : memref<!tpu.dma_semaphore, #tpu.memory_space<semaphore_mem>>)
      %dma_wait3A_3952 = arith.constant 0 : i32
      %dma_wait3A_3953 = tpu.memref_slice %arg4[%add3A_3791, %dma_wait3A_3952] : memref<98304x128xf32, #tpu.memory_space<hbm>> -> memref<384x128xf32, #tpu.memory_space<hbm>>
      %dma_wait3A_3954 = arith.constant 0 : i32
      %dma_wait3A_3955 = tpu.memref_slice %arg4[%add3A_3791, %dma_wait3A_3954] : memref<98304x128xf32, #tpu.memory_space<hbm>> -> memref<384x128xf32, #tpu.memory_space<hbm>>
      tpu.wait_dma2 semaphore(%run_scoped3A : memref<!tpu.dma_semaphore, #tpu.memory_space<semaphore_mem>>) src(%arg6 : memref<384x128xf32, #tpu.memory_space<vmem>>) dst(%dma_wait3A_3955 : memref<384x128xf32, #tpu.memory_space<hbm>>)
      tpu.yield
    }) : () -> ()
    %dma_start3A_3792 = arith.constant 18 : i32
    %dma_start3A_3793 = arith.constant 0 : i32
    %dma_start3A_3794 = arith.constant 0 : i32
    %dma_start3A_3795 = tpu.memref_slice %arg6[%dma_start3A_3793, %dma_start3A_3794] : memref<384x128xf32, #tpu.memory_space<vmem>> -> memref<128x128xf32, #tpu.memory_space<vmem>>
    %dma_start3A_3796 = arith.constant 0 : i32
    %dma_start3A_3797 = tpu.memref_slice %arg5[%dma_start3A_3792, %dma_start3A_3796] : memref<24x128xi32, #tpu.memory_space<vmem>> -> memref<1x128xi32, #tpu.memory_space<vmem>>
    %dma_start3A_3798 = tpu.memref_squeeze %dma_start3A_3797 : memref<1x128xi32, #tpu.memory_space<vmem>> -> memref<128xi32, #tpu.memory_space<vmem>>
    %dma_start3A_3799 = arith.constant 0 : i32
    %dma_start3A_3800 = arith.constant 0 : i32
    %dma_start3A_3801 = tpu.memref_slice %arg3[%dma_start3A_3799, %dma_start3A_3800] : memref<503808x128xf32, #tpu.memory_space<hbm>> -> memref<503808x128xf32, #tpu.memory_space<hbm>>
    tpu.enqueue_indirect_dma source(%dma_start3A_3801 : memref<503808x128xf32, #tpu.memory_space<hbm>>) target(%dma_start3A_3795 : memref<128x128xf32, #tpu.memory_space<vmem>>) offsets(%dma_start3A_3798 : memref<128xi32, #tpu.memory_space<vmem>>) semaphore(%arg8 : memref<!tpu.dma_semaphore, #tpu.memory_space<semaphore_mem>>)
    %dma_start3A_3802 = arith.constant 19 : i32
    %dma_start3A_3803 = arith.constant 128 : i32
    %dma_start3A_3804 = arith.constant 0 : i32
    %dma_start3A_3805 = tpu.memref_slice %arg6[%dma_start3A_3803, %dma_start3A_3804] : memref<384x128xf32, #tpu.memory_space<vmem>> -> memref<128x128xf32, #tpu.memory_space<vmem>>
    %dma_start3A_3806 = arith.constant 0 : i32
    %dma_start3A_3807 = tpu.memref_slice %arg5[%dma_start3A_3802, %dma_start3A_3806] : memref<24x128xi32, #tpu.memory_space<vmem>> -> memref<1x128xi32, #tpu.memory_space<vmem>>
    %dma_start3A_3808 = tpu.memref_squeeze %dma_start3A_3807 : memref<1x128xi32, #tpu.memory_space<vmem>> -> memref<128xi32, #tpu.memory_space<vmem>>
    %dma_start3A_3809 = arith.constant 0 : i32
    %dma_start3A_3810 = arith.constant 0 : i32
    %dma_start3A_3811 = tpu.memref_slice %arg3[%dma_start3A_3809, %dma_start3A_3810] : memref<503808x128xf32, #tpu.memory_space<hbm>> -> memref<503808x128xf32, #tpu.memory_space<hbm>>
    tpu.enqueue_indirect_dma source(%dma_start3A_3811 : memref<503808x128xf32, #tpu.memory_space<hbm>>) target(%dma_start3A_3805 : memref<128x128xf32, #tpu.memory_space<vmem>>) offsets(%dma_start3A_3808 : memref<128xi32, #tpu.memory_space<vmem>>) semaphore(%arg8 : memref<!tpu.dma_semaphore, #tpu.memory_space<semaphore_mem>>)
    %dma_start3A_3812 = arith.constant 20 : i32
    %dma_start3A_3813 = arith.constant 256 : i32
    %dma_start3A_3814 = arith.constant 0 : i32
    %dma_start3A_3815 = tpu.memref_slice %arg6[%dma_start3A_3813, %dma_start3A_3814] : memref<384x128xf32, #tpu.memory_space<vmem>> -> memref<128x128xf32, #tpu.memory_space<vmem>>
    %dma_start3A_3816 = arith.constant 0 : i32
    %dma_start3A_3817 = tpu.memref_slice %arg5[%dma_start3A_3812, %dma_start3A_3816] : memref<24x128xi32, #tpu.memory_space<vmem>> -> memref<1x128xi32, #tpu.memory_space<vmem>>
    %dma_start3A_3818 = tpu.memref_squeeze %dma_start3A_3817 : memref<1x128xi32, #tpu.memory_space<vmem>> -> memref<128xi32, #tpu.memory_space<vmem>>
    %dma_start3A_3819 = arith.constant 0 : i32
    %dma_start3A_3820 = arith.constant 0 : i32
    %dma_start3A_3821 = tpu.memref_slice %arg3[%dma_start3A_3819, %dma_start3A_3820] : memref<503808x128xf32, #tpu.memory_space<hbm>> -> memref<503808x128xf32, #tpu.memory_space<hbm>>
    tpu.enqueue_indirect_dma source(%dma_start3A_3821 : memref<503808x128xf32, #tpu.memory_space<hbm>>) target(%dma_start3A_3815 : memref<128x128xf32, #tpu.memory_space<vmem>>) offsets(%dma_start3A_3818 : memref<128xi32, #tpu.memory_space<vmem>>) semaphore(%arg8 : memref<!tpu.dma_semaphore, #tpu.memory_space<semaphore_mem>>)
    %dma_wait3A_3822 = arith.constant 15 : i32
    %dma_wait3A_3823 = arith.constant 0 : i32
    %dma_wait3A_3824 = arith.constant 0 : i32
    %dma_wait3A_3825 = tpu.memref_slice %arg7[%dma_wait3A_3823, %dma_wait3A_3824] : memref<384x128xf32, #tpu.memory_space<vmem>> -> memref<128x128xf32, #tpu.memory_space<vmem>>
    %dma_wait3A_3826 = arith.constant 0 : i32
    %dma_wait3A_3827 = tpu.memref_slice %arg5[%dma_wait3A_3822, %dma_wait3A_3826] : memref<24x128xi32, #tpu.memory_space<vmem>> -> memref<1x128xi32, #tpu.memory_space<vmem>>
    %dma_wait3A_3828 = tpu.memref_squeeze %dma_wait3A_3827 : memref<1x128xi32, #tpu.memory_space<vmem>> -> memref<128xi32, #tpu.memory_space<vmem>>
    %dma_wait3A_3829 = arith.constant 0 : i32
    %dma_wait3A_3830 = arith.constant 0 : i32
    %dma_wait3A_3831 = tpu.memref_slice %arg3[%dma_wait3A_3829, %dma_wait3A_3830] : memref<503808x128xf32, #tpu.memory_space<hbm>> -> memref<503808x128xf32, #tpu.memory_space<hbm>>
    tpu.wait_indirect_dma semaphore(%arg9 : memref<!tpu.dma_semaphore, #tpu.memory_space<semaphore_mem>>) src(%dma_wait3A_3831 : memref<503808x128xf32, #tpu.memory_space<hbm>>) dst(%dma_wait3A_3825 : memref<128x128xf32, #tpu.memory_space<vmem>>)
    %dma_wait3A_3832 = arith.constant 16 : i32
    %dma_wait3A_3833 = arith.constant 128 : i32
    %dma_wait3A_3834 = arith.constant 0 : i32
    %dma_wait3A_3835 = tpu.memref_slice %arg7[%dma_wait3A_3833, %dma_wait3A_3834] : memref<384x128xf32, #tpu.memory_space<vmem>> -> memref<128x128xf32, #tpu.memory_space<vmem>>
    %dma_wait3A_3836 = arith.constant 0 : i32
    %dma_wait3A_3837 = tpu.memref_slice %arg5[%dma_wait3A_3832, %dma_wait3A_3836] : memref<24x128xi32, #tpu.memory_space<vmem>> -> memref<1x128xi32, #tpu.memory_space<vmem>>
    %dma_wait3A_3838 = tpu.memref_squeeze %dma_wait3A_3837 : memref<1x128xi32, #tpu.memory_space<vmem>> -> memref<128xi32, #tpu.memory_space<vmem>>
    %dma_wait3A_3839 = arith.constant 0 : i32
    %dma_wait3A_3840 = arith.constant 0 : i32
    %dma_wait3A_3841 = tpu.memref_slice %arg3[%dma_wait3A_3839, %dma_wait3A_3840] : memref<503808x128xf32, #tpu.memory_space<hbm>> -> memref<503808x128xf32, #tpu.memory_space<hbm>>
    tpu.wait_indirect_dma semaphore(%arg9 : memref<!tpu.dma_semaphore, #tpu.memory_space<semaphore_mem>>) src(%dma_wait3A_3841 : memref<503808x128xf32, #tpu.memory_space<hbm>>) dst(%dma_wait3A_3835 : memref<128x128xf32, #tpu.memory_space<vmem>>)
    %dma_wait3A_3842 = arith.constant 17 : i32
    %dma_wait3A_3843 = arith.constant 256 : i32
    %dma_wait3A_3844 = arith.constant 0 : i32
    %dma_wait3A_3845 = tpu.memref_slice %arg7[%dma_wait3A_3843, %dma_wait3A_3844] : memref<384x128xf32, #tpu.memory_space<vmem>> -> memref<128x128xf32, #tpu.memory_space<vmem>>
    %dma_wait3A_3846 = arith.constant 0 : i32
    %dma_wait3A_3847 = tpu.memref_slice %arg5[%dma_wait3A_3842, %dma_wait3A_3846] : memref<24x128xi32, #tpu.memory_space<vmem>> -> memref<1x128xi32, #tpu.memory_space<vmem>>
    %dma_wait3A_3848 = tpu.memref_squeeze %dma_wait3A_3847 : memref<1x128xi32, #tpu.memory_space<vmem>> -> memref<128xi32, #tpu.memory_space<vmem>>
    %dma_wait3A_3849 = arith.constant 0 : i32
    %dma_wait3A_3850 = arith.constant 0 : i32
    %dma_wait3A_3851 = tpu.memref_slice %arg3[%dma_wait3A_3849, %dma_wait3A_3850] : memref<503808x128xf32, #tpu.memory_space<hbm>> -> memref<503808x128xf32, #tpu.memory_space<hbm>>
    tpu.wait_indirect_dma semaphore(%arg9 : memref<!tpu.dma_semaphore, #tpu.memory_space<semaphore_mem>>) src(%dma_wait3A_3851 : memref<503808x128xf32, #tpu.memory_space<hbm>>) dst(%dma_wait3A_3845 : memref<128x128xf32, #tpu.memory_space<vmem>>)
    %add3A_3852 = arith.constant 1920 : i32
    %add3A_3853 = arith.addi %mul3A_2, %add3A_3852 : i32
    "tpu.region"() ({
      %run_scoped3A = tpu.sem_alloc : memref<!tpu.dma_semaphore, #tpu.memory_space<semaphore_mem>>
      %dma_start3A_3948 = arith.constant 0 : i32
      %dma_start3A_3949 = tpu.memref_slice %arg4[%add3A_3853, %dma_start3A_3948] : memref<98304x128xf32, #tpu.memory_space<hbm>> -> memref<384x128xf32, #tpu.memory_space<hbm>>
      %dma_start3A_3950 = arith.constant 0 : i32
      %dma_start3A_3951 = tpu.memref_slice %arg4[%add3A_3853, %dma_start3A_3950] : memref<98304x128xf32, #tpu.memory_space<hbm>> -> memref<384x128xf32, #tpu.memory_space<hbm>>
      tpu.enqueue_dma source(%arg7 : memref<384x128xf32, #tpu.memory_space<vmem>>) target(%dma_start3A_3951 : memref<384x128xf32, #tpu.memory_space<hbm>>) target_semaphore(%run_scoped3A : memref<!tpu.dma_semaphore, #tpu.memory_space<semaphore_mem>>)
      %dma_wait3A_3952 = arith.constant 0 : i32
      %dma_wait3A_3953 = tpu.memref_slice %arg4[%add3A_3853, %dma_wait3A_3952] : memref<98304x128xf32, #tpu.memory_space<hbm>> -> memref<384x128xf32, #tpu.memory_space<hbm>>
      %dma_wait3A_3954 = arith.constant 0 : i32
      %dma_wait3A_3955 = tpu.memref_slice %arg4[%add3A_3853, %dma_wait3A_3954] : memref<98304x128xf32, #tpu.memory_space<hbm>> -> memref<384x128xf32, #tpu.memory_space<hbm>>
      tpu.wait_dma2 semaphore(%run_scoped3A : memref<!tpu.dma_semaphore, #tpu.memory_space<semaphore_mem>>) src(%arg7 : memref<384x128xf32, #tpu.memory_space<vmem>>) dst(%dma_wait3A_3955 : memref<384x128xf32, #tpu.memory_space<hbm>>)
      tpu.yield
    }) : () -> ()
    %dma_start3A_3854 = arith.constant 21 : i32
    %dma_start3A_3855 = arith.constant 0 : i32
    %dma_start3A_3856 = arith.constant 0 : i32
    %dma_start3A_3857 = tpu.memref_slice %arg7[%dma_start3A_3855, %dma_start3A_3856] : memref<384x128xf32, #tpu.memory_space<vmem>> -> memref<128x128xf32, #tpu.memory_space<vmem>>
    %dma_start3A_3858 = arith.constant 0 : i32
    %dma_start3A_3859 = tpu.memref_slice %arg5[%dma_start3A_3854, %dma_start3A_3858] : memref<24x128xi32, #tpu.memory_space<vmem>> -> memref<1x128xi32, #tpu.memory_space<vmem>>
    %dma_start3A_3860 = tpu.memref_squeeze %dma_start3A_3859 : memref<1x128xi32, #tpu.memory_space<vmem>> -> memref<128xi32, #tpu.memory_space<vmem>>
    %dma_start3A_3861 = arith.constant 0 : i32
    %dma_start3A_3862 = arith.constant 0 : i32
    %dma_start3A_3863 = tpu.memref_slice %arg3[%dma_start3A_3861, %dma_start3A_3862] : memref<503808x128xf32, #tpu.memory_space<hbm>> -> memref<503808x128xf32, #tpu.memory_space<hbm>>
    tpu.enqueue_indirect_dma source(%dma_start3A_3863 : memref<503808x128xf32, #tpu.memory_space<hbm>>) target(%dma_start3A_3857 : memref<128x128xf32, #tpu.memory_space<vmem>>) offsets(%dma_start3A_3860 : memref<128xi32, #tpu.memory_space<vmem>>) semaphore(%arg9 : memref<!tpu.dma_semaphore, #tpu.memory_space<semaphore_mem>>)
    %dma_start3A_3864 = arith.constant 22 : i32
    %dma_start3A_3865 = arith.constant 128 : i32
    %dma_start3A_3866 = arith.constant 0 : i32
    %dma_start3A_3867 = tpu.memref_slice %arg7[%dma_start3A_3865, %dma_start3A_3866] : memref<384x128xf32, #tpu.memory_space<vmem>> -> memref<128x128xf32, #tpu.memory_space<vmem>>
    %dma_start3A_3868 = arith.constant 0 : i32
    %dma_start3A_3869 = tpu.memref_slice %arg5[%dma_start3A_3864, %dma_start3A_3868] : memref<24x128xi32, #tpu.memory_space<vmem>> -> memref<1x128xi32, #tpu.memory_space<vmem>>
    %dma_start3A_3870 = tpu.memref_squeeze %dma_start3A_3869 : memref<1x128xi32, #tpu.memory_space<vmem>> -> memref<128xi32, #tpu.memory_space<vmem>>
    %dma_start3A_3871 = arith.constant 0 : i32
    %dma_start3A_3872 = arith.constant 0 : i32
    %dma_start3A_3873 = tpu.memref_slice %arg3[%dma_start3A_3871, %dma_start3A_3872] : memref<503808x128xf32, #tpu.memory_space<hbm>> -> memref<503808x128xf32, #tpu.memory_space<hbm>>
    tpu.enqueue_indirect_dma source(%dma_start3A_3873 : memref<503808x128xf32, #tpu.memory_space<hbm>>) target(%dma_start3A_3867 : memref<128x128xf32, #tpu.memory_space<vmem>>) offsets(%dma_start3A_3870 : memref<128xi32, #tpu.memory_space<vmem>>) semaphore(%arg9 : memref<!tpu.dma_semaphore, #tpu.memory_space<semaphore_mem>>)
    %dma_start3A_3874 = arith.constant 23 : i32
    %dma_start3A_3875 = arith.constant 256 : i32
    %dma_start3A_3876 = arith.constant 0 : i32
    %dma_start3A_3877 = tpu.memref_slice %arg7[%dma_start3A_3875, %dma_start3A_3876] : memref<384x128xf32, #tpu.memory_space<vmem>> -> memref<128x128xf32, #tpu.memory_space<vmem>>
    %dma_start3A_3878 = arith.constant 0 : i32
    %dma_start3A_3879 = tpu.memref_slice %arg5[%dma_start3A_3874, %dma_start3A_3878] : memref<24x128xi32, #tpu.memory_space<vmem>> -> memref<1x128xi32, #tpu.memory_space<vmem>>
    %dma_start3A_3880 = tpu.memref_squeeze %dma_start3A_3879 : memref<1x128xi32, #tpu.memory_space<vmem>> -> memref<128xi32, #tpu.memory_space<vmem>>
    %dma_start3A_3881 = arith.constant 0 : i32
    %dma_start3A_3882 = arith.constant 0 : i32
    %dma_start3A_3883 = tpu.memref_slice %arg3[%dma_start3A_3881, %dma_start3A_3882] : memref<503808x128xf32, #tpu.memory_space<hbm>> -> memref<503808x128xf32, #tpu.memory_space<hbm>>
    tpu.enqueue_indirect_dma source(%dma_start3A_3883 : memref<503808x128xf32, #tpu.memory_space<hbm>>) target(%dma_start3A_3877 : memref<128x128xf32, #tpu.memory_space<vmem>>) offsets(%dma_start3A_3880 : memref<128xi32, #tpu.memory_space<vmem>>) semaphore(%arg9 : memref<!tpu.dma_semaphore, #tpu.memory_space<semaphore_mem>>)
    %dma_wait3A_3884 = arith.constant 18 : i32
    %dma_wait3A_3885 = arith.constant 0 : i32
    %dma_wait3A_3886 = arith.constant 0 : i32
    %dma_wait3A_3887 = tpu.memref_slice %arg6[%dma_wait3A_3885, %dma_wait3A_3886] : memref<384x128xf32, #tpu.memory_space<vmem>> -> memref<128x128xf32, #tpu.memory_space<vmem>>
    %dma_wait3A_3888 = arith.constant 0 : i32
    %dma_wait3A_3889 = tpu.memref_slice %arg5[%dma_wait3A_3884, %dma_wait3A_3888] : memref<24x128xi32, #tpu.memory_space<vmem>> -> memref<1x128xi32, #tpu.memory_space<vmem>>
    %dma_wait3A_3890 = tpu.memref_squeeze %dma_wait3A_3889 : memref<1x128xi32, #tpu.memory_space<vmem>> -> memref<128xi32, #tpu.memory_space<vmem>>
    %dma_wait3A_3891 = arith.constant 0 : i32
    %dma_wait3A_3892 = arith.constant 0 : i32
    %dma_wait3A_3893 = tpu.memref_slice %arg3[%dma_wait3A_3891, %dma_wait3A_3892] : memref<503808x128xf32, #tpu.memory_space<hbm>> -> memref<503808x128xf32, #tpu.memory_space<hbm>>
    tpu.wait_indirect_dma semaphore(%arg8 : memref<!tpu.dma_semaphore, #tpu.memory_space<semaphore_mem>>) src(%dma_wait3A_3893 : memref<503808x128xf32, #tpu.memory_space<hbm>>) dst(%dma_wait3A_3887 : memref<128x128xf32, #tpu.memory_space<vmem>>)
    %dma_wait3A_3894 = arith.constant 19 : i32
    %dma_wait3A_3895 = arith.constant 128 : i32
    %dma_wait3A_3896 = arith.constant 0 : i32
    %dma_wait3A_3897 = tpu.memref_slice %arg6[%dma_wait3A_3895, %dma_wait3A_3896] : memref<384x128xf32, #tpu.memory_space<vmem>> -> memref<128x128xf32, #tpu.memory_space<vmem>>
    %dma_wait3A_3898 = arith.constant 0 : i32
    %dma_wait3A_3899 = tpu.memref_slice %arg5[%dma_wait3A_3894, %dma_wait3A_3898] : memref<24x128xi32, #tpu.memory_space<vmem>> -> memref<1x128xi32, #tpu.memory_space<vmem>>
    %dma_wait3A_3900 = tpu.memref_squeeze %dma_wait3A_3899 : memref<1x128xi32, #tpu.memory_space<vmem>> -> memref<128xi32, #tpu.memory_space<vmem>>
    %dma_wait3A_3901 = arith.constant 0 : i32
    %dma_wait3A_3902 = arith.constant 0 : i32
    %dma_wait3A_3903 = tpu.memref_slice %arg3[%dma_wait3A_3901, %dma_wait3A_3902] : memref<503808x128xf32, #tpu.memory_space<hbm>> -> memref<503808x128xf32, #tpu.memory_space<hbm>>
    tpu.wait_indirect_dma semaphore(%arg8 : memref<!tpu.dma_semaphore, #tpu.memory_space<semaphore_mem>>) src(%dma_wait3A_3903 : memref<503808x128xf32, #tpu.memory_space<hbm>>) dst(%dma_wait3A_3897 : memref<128x128xf32, #tpu.memory_space<vmem>>)
    %dma_wait3A_3904 = arith.constant 20 : i32
    %dma_wait3A_3905 = arith.constant 256 : i32
    %dma_wait3A_3906 = arith.constant 0 : i32
    %dma_wait3A_3907 = tpu.memref_slice %arg6[%dma_wait3A_3905, %dma_wait3A_3906] : memref<384x128xf32, #tpu.memory_space<vmem>> -> memref<128x128xf32, #tpu.memory_space<vmem>>
    %dma_wait3A_3908 = arith.constant 0 : i32
    %dma_wait3A_3909 = tpu.memref_slice %arg5[%dma_wait3A_3904, %dma_wait3A_3908] : memref<24x128xi32, #tpu.memory_space<vmem>> -> memref<1x128xi32, #tpu.memory_space<vmem>>
    %dma_wait3A_3910 = tpu.memref_squeeze %dma_wait3A_3909 : memref<1x128xi32, #tpu.memory_space<vmem>> -> memref<128xi32, #tpu.memory_space<vmem>>
    %dma_wait3A_3911 = arith.constant 0 : i32
    %dma_wait3A_3912 = arith.constant 0 : i32
    %dma_wait3A_3913 = tpu.memref_slice %arg3[%dma_wait3A_3911, %dma_wait3A_3912] : memref<503808x128xf32, #tpu.memory_space<hbm>> -> memref<503808x128xf32, #tpu.memory_space<hbm>>
    tpu.wait_indirect_dma semaphore(%arg8 : memref<!tpu.dma_semaphore, #tpu.memory_space<semaphore_mem>>) src(%dma_wait3A_3913 : memref<503808x128xf32, #tpu.memory_space<hbm>>) dst(%dma_wait3A_3907 : memref<128x128xf32, #tpu.memory_space<vmem>>)
    %add3A_3914 = arith.constant 2304 : i32
    %add3A_3915 = arith.addi %mul3A_2, %add3A_3914 : i32
    "tpu.region"() ({
      %run_scoped3A = tpu.sem_alloc : memref<!tpu.dma_semaphore, #tpu.memory_space<semaphore_mem>>
      %dma_start3A_3948 = arith.constant 0 : i32
      %dma_start3A_3949 = tpu.memref_slice %arg4[%add3A_3915, %dma_start3A_3948] : memref<98304x128xf32, #tpu.memory_space<hbm>> -> memref<384x128xf32, #tpu.memory_space<hbm>>
      %dma_start3A_3950 = arith.constant 0 : i32
      %dma_start3A_3951 = tpu.memref_slice %arg4[%add3A_3915, %dma_start3A_3950] : memref<98304x128xf32, #tpu.memory_space<hbm>> -> memref<384x128xf32, #tpu.memory_space<hbm>>
      tpu.enqueue_dma source(%arg6 : memref<384x128xf32, #tpu.memory_space<vmem>>) target(%dma_start3A_3951 : memref<384x128xf32, #tpu.memory_space<hbm>>) target_semaphore(%run_scoped3A : memref<!tpu.dma_semaphore, #tpu.memory_space<semaphore_mem>>)
      %dma_wait3A_3952 = arith.constant 0 : i32
      %dma_wait3A_3953 = tpu.memref_slice %arg4[%add3A_3915, %dma_wait3A_3952] : memref<98304x128xf32, #tpu.memory_space<hbm>> -> memref<384x128xf32, #tpu.memory_space<hbm>>
      %dma_wait3A_3954 = arith.constant 0 : i32
      %dma_wait3A_3955 = tpu.memref_slice %arg4[%add3A_3915, %dma_wait3A_3954] : memref<98304x128xf32, #tpu.memory_space<hbm>> -> memref<384x128xf32, #tpu.memory_space<hbm>>
      tpu.wait_dma2 semaphore(%run_scoped3A : memref<!tpu.dma_semaphore, #tpu.memory_space<semaphore_mem>>) src(%arg6 : memref<384x128xf32, #tpu.memory_space<vmem>>) dst(%dma_wait3A_3955 : memref<384x128xf32, #tpu.memory_space<hbm>>)
      tpu.yield
    }) : () -> ()
    %dma_wait3A_3916 = arith.constant 21 : i32
    %dma_wait3A_3917 = arith.constant 0 : i32
    %dma_wait3A_3918 = arith.constant 0 : i32
    %dma_wait3A_3919 = tpu.memref_slice %arg7[%dma_wait3A_3917, %dma_wait3A_3918] : memref<384x128xf32, #tpu.memory_space<vmem>> -> memref<128x128xf32, #tpu.memory_space<vmem>>
    %dma_wait3A_3920 = arith.constant 0 : i32
    %dma_wait3A_3921 = tpu.memref_slice %arg5[%dma_wait3A_3916, %dma_wait3A_3920] : memref<24x128xi32, #tpu.memory_space<vmem>> -> memref<1x128xi32, #tpu.memory_space<vmem>>
    %dma_wait3A_3922 = tpu.memref_squeeze %dma_wait3A_3921 : memref<1x128xi32, #tpu.memory_space<vmem>> -> memref<128xi32, #tpu.memory_space<vmem>>
    %dma_wait3A_3923 = arith.constant 0 : i32
    %dma_wait3A_3924 = arith.constant 0 : i32
    %dma_wait3A_3925 = tpu.memref_slice %arg3[%dma_wait3A_3923, %dma_wait3A_3924] : memref<503808x128xf32, #tpu.memory_space<hbm>> -> memref<503808x128xf32, #tpu.memory_space<hbm>>
    tpu.wait_indirect_dma semaphore(%arg9 : memref<!tpu.dma_semaphore, #tpu.memory_space<semaphore_mem>>) src(%dma_wait3A_3925 : memref<503808x128xf32, #tpu.memory_space<hbm>>) dst(%dma_wait3A_3919 : memref<128x128xf32, #tpu.memory_space<vmem>>)
    %dma_wait3A_3926 = arith.constant 22 : i32
    %dma_wait3A_3927 = arith.constant 128 : i32
    %dma_wait3A_3928 = arith.constant 0 : i32
    %dma_wait3A_3929 = tpu.memref_slice %arg7[%dma_wait3A_3927, %dma_wait3A_3928] : memref<384x128xf32, #tpu.memory_space<vmem>> -> memref<128x128xf32, #tpu.memory_space<vmem>>
    %dma_wait3A_3930 = arith.constant 0 : i32
    %dma_wait3A_3931 = tpu.memref_slice %arg5[%dma_wait3A_3926, %dma_wait3A_3930] : memref<24x128xi32, #tpu.memory_space<vmem>> -> memref<1x128xi32, #tpu.memory_space<vmem>>
    %dma_wait3A_3932 = tpu.memref_squeeze %dma_wait3A_3931 : memref<1x128xi32, #tpu.memory_space<vmem>> -> memref<128xi32, #tpu.memory_space<vmem>>
    %dma_wait3A_3933 = arith.constant 0 : i32
    %dma_wait3A_3934 = arith.constant 0 : i32
    %dma_wait3A_3935 = tpu.memref_slice %arg3[%dma_wait3A_3933, %dma_wait3A_3934] : memref<503808x128xf32, #tpu.memory_space<hbm>> -> memref<503808x128xf32, #tpu.memory_space<hbm>>
    tpu.wait_indirect_dma semaphore(%arg9 : memref<!tpu.dma_semaphore, #tpu.memory_space<semaphore_mem>>) src(%dma_wait3A_3935 : memref<503808x128xf32, #tpu.memory_space<hbm>>) dst(%dma_wait3A_3929 : memref<128x128xf32, #tpu.memory_space<vmem>>)
    %dma_wait3A_3936 = arith.constant 23 : i32
    %dma_wait3A_3937 = arith.constant 256 : i32
    %dma_wait3A_3938 = arith.constant 0 : i32
    %dma_wait3A_3939 = tpu.memref_slice %arg7[%dma_wait3A_3937, %dma_wait3A_3938] : memref<384x128xf32, #tpu.memory_space<vmem>> -> memref<128x128xf32, #tpu.memory_space<vmem>>
    %dma_wait3A_3940 = arith.constant 0 : i32
    %dma_wait3A_3941 = tpu.memref_slice %arg5[%dma_wait3A_3936, %dma_wait3A_3940] : memref<24x128xi32, #tpu.memory_space<vmem>> -> memref<1x128xi32, #tpu.memory_space<vmem>>
    %dma_wait3A_3942 = tpu.memref_squeeze %dma_wait3A_3941 : memref<1x128xi32, #tpu.memory_space<vmem>> -> memref<128xi32, #tpu.memory_space<vmem>>
    %dma_wait3A_3943 = arith.constant 0 : i32
    %dma_wait3A_3944 = arith.constant 0 : i32
    %dma_wait3A_3945 = tpu.memref_slice %arg3[%dma_wait3A_3943, %dma_wait3A_3944] : memref<503808x128xf32, #tpu.memory_space<hbm>> -> memref<503808x128xf32, #tpu.memory_space<hbm>>
    tpu.wait_indirect_dma semaphore(%arg9 : memref<!tpu.dma_semaphore, #tpu.memory_space<semaphore_mem>>) src(%dma_wait3A_3945 : memref<503808x128xf32, #tpu.memory_space<hbm>>) dst(%dma_wait3A_3939 : memref<128x128xf32, #tpu.memory_space<vmem>>)
    %add3A_3946 = arith.constant 2688 : i32
    %add3A_3947 = arith.addi %mul3A_2, %add3A_3946 : i32
    "tpu.region"() ({
      %run_scoped3A = tpu.sem_alloc : memref<!tpu.dma_semaphore, #tpu.memory_space<semaphore_mem>>
      %dma_start3A_3948 = arith.constant 0 : i32
      %dma_start3A_3949 = tpu.memref_slice %arg4[%add3A_3947, %dma_start3A_3948] : memref<98304x128xf32, #tpu.memory_space<hbm>> -> memref<384x128xf32, #tpu.memory_space<hbm>>
      %dma_start3A_3950 = arith.constant 0 : i32
      %dma_start3A_3951 = tpu.memref_slice %arg4[%add3A_3947, %dma_start3A_3950] : memref<98304x128xf32, #tpu.memory_space<hbm>> -> memref<384x128xf32, #tpu.memory_space<hbm>>
      tpu.enqueue_dma source(%arg7 : memref<384x128xf32, #tpu.memory_space<vmem>>) target(%dma_start3A_3951 : memref<384x128xf32, #tpu.memory_space<hbm>>) target_semaphore(%run_scoped3A : memref<!tpu.dma_semaphore, #tpu.memory_space<semaphore_mem>>)
      %dma_wait3A_3952 = arith.constant 0 : i32
      %dma_wait3A_3953 = tpu.memref_slice %arg4[%add3A_3947, %dma_wait3A_3952] : memref<98304x128xf32, #tpu.memory_space<hbm>> -> memref<384x128xf32, #tpu.memory_space<hbm>>
      %dma_wait3A_3954 = arith.constant 0 : i32
      %dma_wait3A_3955 = tpu.memref_slice %arg4[%add3A_3947, %dma_wait3A_3954] : memref<98304x128xf32, #tpu.memory_space<hbm>> -> memref<384x128xf32, #tpu.memory_space<hbm>>
      tpu.wait_dma2 semaphore(%run_scoped3A : memref<!tpu.dma_semaphore, #tpu.memory_space<semaphore_mem>>) src(%arg7 : memref<384x128xf32, #tpu.memory_space<vmem>>) dst(%dma_wait3A_3955 : memref<384x128xf32, #tpu.memory_space<hbm>>)
      tpu.yield
    }) : () -> ()
    return
  }
}

module attributes {stable_mosaic.version = 14 : i64} {
  func.func @_pack_body(%arg0: i32, %arg1: memref<64x12288xf32, #tpu.memory_space<vmem>>, %arg2: memref<64x12288xf32, #tpu.memory_space<vmem>>, %arg3: memref<64x128xf32, #tpu.memory_space<vmem>>, %arg4: memref<64x128xf32, #tpu.memory_space<vmem>>, %arg5: memref<12288x128xf32, #tpu.memory_space<vmem>>) attributes {dimension_semantics = [#tpu.dimension_semantics<arbitrary>], iteration_bounds = array<i64: 41>, scalar_prefetch = 0 : i64, scratch_operands = 0 : i64, tpu.core_type = #tpu.core_type<tc>, window_params = [{transform_indices = @transform_0, window_bounds = array<i64: 64, 12288>}, {transform_indices = @transform_1, window_bounds = array<i64: 64, 12288>}, {pipeline_mode = #tpu.pipeline_mode<synchronous>, transform_indices = @transform_2, window_bounds = array<i64: 64, 128>}, {pipeline_mode = #tpu.pipeline_mode<synchronous>, transform_indices = @transform_3, window_bounds = array<i64: 64, 128>}, {transform_indices = @transform_4, window_bounds = array<i64: 12288, 128>}]} {
    %get3A = arith.constant 0 : index
    %get3A_0 = arith.constant 0 : index
    %get3A_1 = vector.load %arg1[%get3A, %get3A_0] : memref<64x12288xf32, #tpu.memory_space<vmem>>, vector<64x12288xf32>
    %get3A_2 = arith.constant 0 : index
    %get3A_3 = arith.constant 0 : index
    %get3A_4 = vector.load %arg3[%get3A_2, %get3A_3] : memref<64x128xf32, #tpu.memory_space<vmem>>, vector<64x128xf32>
    %dot_general3A = arith.constant dense<0.000000e+00> : vector<12288x128xf32>
    %dot_general3A_5 = tpu.matmul %get3A_1, %get3A_4, %dot_general3A {dimension_numbers = #tpu.dot_dimension_numbers<[0], [0], [1], [1], [0, 1, 1, 1], [], []>, transpose_lhs_hint = false} : vector<64x12288xf32>, vector<64x128xf32>, vector<12288x128xf32> -> vector<12288x128xf32>
    %get3A_6 = arith.constant 0 : index
    %get3A_7 = arith.constant 0 : index
    %get3A_8 = vector.load %arg2[%get3A_6, %get3A_7] : memref<64x12288xf32, #tpu.memory_space<vmem>>, vector<64x12288xf32>
    %get3A_9 = arith.constant 0 : index
    %get3A_10 = arith.constant 0 : index
    %get3A_11 = vector.load %arg4[%get3A_9, %get3A_10] : memref<64x128xf32, #tpu.memory_space<vmem>>, vector<64x128xf32>
    %dot_general3A_12 = arith.constant dense<0.000000e+00> : vector<12288x128xf32>
    %dot_general3A_13 = tpu.matmul %get3A_8, %get3A_11, %dot_general3A_12 {dimension_numbers = #tpu.dot_dimension_numbers<[0], [0], [1], [1], [0, 1, 1, 1], [], []>, transpose_lhs_hint = false} : vector<64x12288xf32>, vector<64x128xf32>, vector<12288x128xf32> -> vector<12288x128xf32>
    %add3A = arith.addf %dot_general3A_5, %dot_general3A_13 : vector<12288x128xf32>
    %swap3A = arith.constant 0 : index
    %swap3A_14 = arith.constant 0 : index
    %swap3A_15 = vector.load %arg5[%swap3A, %swap3A_14] : memref<12288x128xf32, #tpu.memory_space<vmem>>, vector<12288x128xf32>
    tpu.vector_store %arg5[%swap3A, %swap3A_14], %add3A {strides = array<i32>} : memref<12288x128xf32, #tpu.memory_space<vmem>>, vector<12288x128xf32>,
    return
  }
  func.func @transform_0(%arg0: i32) -> (i32, i32) {
    %c0_i32 = arith.constant 0 : i32
    %c0_i32_0 = arith.constant 0 : i32
    return %c0_i32, %arg0 : i32, i32
  }
  func.func @transform_1(%arg0: i32) -> (i32, i32) {
    %add3A = arith.constant 41 : i32
    %add3A_0 = arith.addi %arg0, %add3A : i32
    %min3A = arith.constant 81 : i32
    %min3A_1 = arith.minsi %add3A_0, %min3A : i32
    %c0_i32 = arith.constant 0 : i32
    %c0_i32_2 = arith.constant 0 : i32
    return %c0_i32, %min3A_1 : i32, i32
  }
  func.func @transform_2(%arg0: i32) -> (i32, i32) {
    %c0_i32 = arith.constant 0 : i32
    %c0_i32_0 = arith.constant 0 : i32
    %c0_i32_1 = arith.constant 0 : i32
    return %c0_i32, %c0_i32_0 : i32, i32
  }
  func.func @transform_3(%arg0: i32) -> (i32, i32) {
    %c0_i32 = arith.constant 0 : i32
    %c0_i32_0 = arith.constant 0 : i32
    %c0_i32_1 = arith.constant 0 : i32
    return %c0_i32, %c0_i32_0 : i32, i32
  }
  func.func @transform_4(%arg0: i32) -> (i32, i32) {
    %c0_i32 = arith.constant 0 : i32
    %c0_i32_0 = arith.constant 0 : i32
    return %arg0, %c0_i32 : i32, i32
  }
}

module attributes {stable_mosaic.version = 14 : i64} {
  func.func @_mlp_body(%arg0: i32, %arg1: memref<2048x128xf32, #tpu.memory_space<vmem>>, %arg2: memref<2048x128xf32, #tpu.memory_space<vmem>>, %arg3: memref<2048x128xf32, #tpu.memory_space<vmem>>, %arg4: memref<2048x128xf32, #tpu.memory_space<vmem>>, %arg5: memref<2048x128xf32, #tpu.memory_space<vmem>>, %arg6: memref<2048x128xf32, #tpu.memory_space<vmem>>, %arg7: memref<2048x6xi32, #tpu.memory_space<vmem>>, %arg8: memref<64x256xf32, #tpu.memory_space<vmem>>, %arg9: memref<1x256xf32, #tpu.memory_space<vmem>>, %arg10: memref<256x256xf32, #tpu.memory_space<vmem>>, %arg11: memref<1x256xf32, #tpu.memory_space<vmem>>, %arg12: memref<1x256xf32, #tpu.memory_space<vmem>>, %arg13: memref<1xf32, #tpu.memory_space<smem>>, %arg14: memref<2048xf32, #tpu.memory_space<vmem>>) attributes {dimension_semantics = [#tpu.dimension_semantics<arbitrary>], iteration_bounds = array<i64: 8>, scalar_prefetch = 0 : i64, scratch_operands = 0 : i64, tpu.core_type = #tpu.core_type<tc>, window_params = [{transform_indices = @transform_0, window_bounds = array<i64: 2048, 128>}, {transform_indices = @transform_1, window_bounds = array<i64: 2048, 128>}, {transform_indices = @transform_2, window_bounds = array<i64: 2048, 128>}, {transform_indices = @transform_3, window_bounds = array<i64: 2048, 128>}, {transform_indices = @transform_4, window_bounds = array<i64: 2048, 128>}, {transform_indices = @transform_5, window_bounds = array<i64: 2048, 128>}, {transform_indices = @transform_6, window_bounds = array<i64: 2048, 6>}, {pipeline_mode = #tpu.pipeline_mode<synchronous>, transform_indices = @transform_7, window_bounds = array<i64: 64, 256>}, {pipeline_mode = #tpu.pipeline_mode<synchronous>, transform_indices = @transform_8, window_bounds = array<i64: 1, 256>}, {pipeline_mode = #tpu.pipeline_mode<synchronous>, transform_indices = @transform_9, window_bounds = array<i64: 256, 256>}, {pipeline_mode = #tpu.pipeline_mode<synchronous>, transform_indices = @transform_10, window_bounds = array<i64: 1, 256>}, {pipeline_mode = #tpu.pipeline_mode<synchronous>, transform_indices = @transform_11, window_bounds = array<i64: 1, 256>}, {transform_indices = @transform_12, window_bounds = array<i64: 1>}, {transform_indices = @transform_13, window_bounds = array<i64: 2048>}]} {
    %get3A = arith.constant 0 : index
    %get3A_0 = arith.constant 0 : index
    %get3A_1 = vector.load %arg7[%get3A, %get3A_0] : memref<2048x6xi32, #tpu.memory_space<vmem>>, vector<2048x6xi32>
    %broadcast_in_dim3A = arith.constant 0.000000e+00 : f32
    %broadcast_in_dim3A_2 = vector.broadcast %broadcast_in_dim3A : f32 to vector<2048x64xf32>
    %get3A_3 = arith.constant 0 : index
    %get3A_4 = arith.constant 0 : index
    %get3A_5 = vector.load %arg1[%get3A_3, %get3A_4] : memref<2048x128xf32, #tpu.memory_space<vmem>>, vector<2048x128xf32>
    %slice3A = vector.extract_strided_slice %get3A_1 {offsets = [0, 0], sizes = [2048, 1], strides = [1, 1]} : vector<2048x6xi32> to vector<2048x1xi32>
    %ge3A = arith.constant 503808 : i32
    %ge3A_6 = vector.broadcast %ge3A : i32 to vector<2048x1xi32>
    %ge3A_7 = arith.cmpi sge, %slice3A, %ge3A_6 : vector<2048x1xi32>
    %convert_element_type3A = arith.extui %ge3A_7 : vector<2048x1xi1> to vector<2048x1xi32>
    %convert_element_type3A_8 = arith.sitofp %convert_element_type3A : vector<2048x1xi32> to vector<2048x1xf32>
    %slice3A_9 = vector.extract_strided_slice %get3A_5 {offsets = [0, 0], sizes = [2048, 64], strides = [1, 1]} : vector<2048x128xf32> to vector<2048x64xf32>
    %slice3A_10 = vector.extract_strided_slice %get3A_5 {offsets = [0, 64], sizes = [2048, 64], strides = [1, 1]} : vector<2048x128xf32> to vector<2048x64xf32>
    %sub3A = arith.subf %slice3A_10, %slice3A_9 : vector<2048x64xf32>
    %mul3A = vector.broadcast %convert_element_type3A_8 : vector<2048x1xf32> to vector<2048x64xf32>
    %mul3A_11 = arith.mulf %sub3A, %mul3A : vector<2048x64xf32>
    %add3A = arith.addf %slice3A_9, %mul3A_11 : vector<2048x64xf32>
    %add3A_12 = arith.addf %broadcast_in_dim3A_2, %add3A : vector<2048x64xf32>
    %get3A_13 = arith.constant 0 : index
    %get3A_14 = arith.constant 0 : index
    %get3A_15 = vector.load %arg2[%get3A_13, %get3A_14] : memref<2048x128xf32, #tpu.memory_space<vmem>>, vector<2048x128xf32>
    %slice3A_16 = vector.extract_strided_slice %get3A_1 {offsets = [0, 1], sizes = [2048, 1], strides = [1, 1]} : vector<2048x6xi32> to vector<2048x1xi32>
    %ge3A_17 = arith.constant 503808 : i32
    %ge3A_18 = vector.broadcast %ge3A_17 : i32 to vector<2048x1xi32>
    %ge3A_19 = arith.cmpi sge, %slice3A_16, %ge3A_18 : vector<2048x1xi32>
    %convert_element_type3A_20 = arith.extui %ge3A_19 : vector<2048x1xi1> to vector<2048x1xi32>
    %convert_element_type3A_21 = arith.sitofp %convert_element_type3A_20 : vector<2048x1xi32> to vector<2048x1xf32>
    %slice3A_22 = vector.extract_strided_slice %get3A_15 {offsets = [0, 0], sizes = [2048, 64], strides = [1, 1]} : vector<2048x128xf32> to vector<2048x64xf32>
    %slice3A_23 = vector.extract_strided_slice %get3A_15 {offsets = [0, 64], sizes = [2048, 64], strides = [1, 1]} : vector<2048x128xf32> to vector<2048x64xf32>
    %sub3A_24 = arith.subf %slice3A_23, %slice3A_22 : vector<2048x64xf32>
    %mul3A_25 = vector.broadcast %convert_element_type3A_21 : vector<2048x1xf32> to vector<2048x64xf32>
    %mul3A_26 = arith.mulf %sub3A_24, %mul3A_25 : vector<2048x64xf32>
    %add3A_27 = arith.addf %slice3A_22, %mul3A_26 : vector<2048x64xf32>
    %add3A_28 = arith.addf %add3A_12, %add3A_27 : vector<2048x64xf32>
    %get3A_29 = arith.constant 0 : index
    %get3A_30 = arith.constant 0 : index
    %get3A_31 = vector.load %arg3[%get3A_29, %get3A_30] : memref<2048x128xf32, #tpu.memory_space<vmem>>, vector<2048x128xf32>
    %slice3A_32 = vector.extract_strided_slice %get3A_1 {offsets = [0, 2], sizes = [2048, 1], strides = [1, 1]} : vector<2048x6xi32> to vector<2048x1xi32>
    %ge3A_33 = arith.constant 503808 : i32
    %ge3A_34 = vector.broadcast %ge3A_33 : i32 to vector<2048x1xi32>
    %ge3A_35 = arith.cmpi sge, %slice3A_32, %ge3A_34 : vector<2048x1xi32>
    %convert_element_type3A_36 = arith.extui %ge3A_35 : vector<2048x1xi1> to vector<2048x1xi32>
    %convert_element_type3A_37 = arith.sitofp %convert_element_type3A_36 : vector<2048x1xi32> to vector<2048x1xf32>
    %slice3A_38 = vector.extract_strided_slice %get3A_31 {offsets = [0, 0], sizes = [2048, 64], strides = [1, 1]} : vector<2048x128xf32> to vector<2048x64xf32>
    %slice3A_39 = vector.extract_strided_slice %get3A_31 {offsets = [0, 64], sizes = [2048, 64], strides = [1, 1]} : vector<2048x128xf32> to vector<2048x64xf32>
    %sub3A_40 = arith.subf %slice3A_39, %slice3A_38 : vector<2048x64xf32>
    %mul3A_41 = vector.broadcast %convert_element_type3A_37 : vector<2048x1xf32> to vector<2048x64xf32>
    %mul3A_42 = arith.mulf %sub3A_40, %mul3A_41 : vector<2048x64xf32>
    %add3A_43 = arith.addf %slice3A_38, %mul3A_42 : vector<2048x64xf32>
    %add3A_44 = arith.addf %add3A_28, %add3A_43 : vector<2048x64xf32>
    %get3A_45 = arith.constant 0 : index
    %get3A_46 = arith.constant 0 : index
    %get3A_47 = vector.load %arg4[%get3A_45, %get3A_46] : memref<2048x128xf32, #tpu.memory_space<vmem>>, vector<2048x128xf32>
    %slice3A_48 = vector.extract_strided_slice %get3A_1 {offsets = [0, 3], sizes = [2048, 1], strides = [1, 1]} : vector<2048x6xi32> to vector<2048x1xi32>
    %ge3A_49 = arith.constant 503808 : i32
    %ge3A_50 = vector.broadcast %ge3A_49 : i32 to vector<2048x1xi32>
    %ge3A_51 = arith.cmpi sge, %slice3A_48, %ge3A_50 : vector<2048x1xi32>
    %convert_element_type3A_52 = arith.extui %ge3A_51 : vector<2048x1xi1> to vector<2048x1xi32>
    %convert_element_type3A_53 = arith.sitofp %convert_element_type3A_52 : vector<2048x1xi32> to vector<2048x1xf32>
    %slice3A_54 = vector.extract_strided_slice %get3A_47 {offsets = [0, 0], sizes = [2048, 64], strides = [1, 1]} : vector<2048x128xf32> to vector<2048x64xf32>
    %slice3A_55 = vector.extract_strided_slice %get3A_47 {offsets = [0, 64], sizes = [2048, 64], strides = [1, 1]} : vector<2048x128xf32> to vector<2048x64xf32>
    %sub3A_56 = arith.subf %slice3A_55, %slice3A_54 : vector<2048x64xf32>
    %mul3A_57 = vector.broadcast %convert_element_type3A_53 : vector<2048x1xf32> to vector<2048x64xf32>
    %mul3A_58 = arith.mulf %sub3A_56, %mul3A_57 : vector<2048x64xf32>
    %add3A_59 = arith.addf %slice3A_54, %mul3A_58 : vector<2048x64xf32>
    %add3A_60 = arith.addf %add3A_44, %add3A_59 : vector<2048x64xf32>
    %get3A_61 = arith.constant 0 : index
    %get3A_62 = arith.constant 0 : index
    %get3A_63 = vector.load %arg5[%get3A_61, %get3A_62] : memref<2048x128xf32, #tpu.memory_space<vmem>>, vector<2048x128xf32>
    %slice3A_64 = vector.extract_strided_slice %get3A_1 {offsets = [0, 4], sizes = [2048, 1], strides = [1, 1]} : vector<2048x6xi32> to vector<2048x1xi32>
    %ge3A_65 = arith.constant 503808 : i32
    %ge3A_66 = vector.broadcast %ge3A_65 : i32 to vector<2048x1xi32>
    %ge3A_67 = arith.cmpi sge, %slice3A_64, %ge3A_66 : vector<2048x1xi32>
    %convert_element_type3A_68 = arith.extui %ge3A_67 : vector<2048x1xi1> to vector<2048x1xi32>
    %convert_element_type3A_69 = arith.sitofp %convert_element_type3A_68 : vector<2048x1xi32> to vector<2048x1xf32>
    %slice3A_70 = vector.extract_strided_slice %get3A_63 {offsets = [0, 0], sizes = [2048, 64], strides = [1, 1]} : vector<2048x128xf32> to vector<2048x64xf32>
    %slice3A_71 = vector.extract_strided_slice %get3A_63 {offsets = [0, 64], sizes = [2048, 64], strides = [1, 1]} : vector<2048x128xf32> to vector<2048x64xf32>
    %sub3A_72 = arith.subf %slice3A_71, %slice3A_70 : vector<2048x64xf32>
    %mul3A_73 = vector.broadcast %convert_element_type3A_69 : vector<2048x1xf32> to vector<2048x64xf32>
    %mul3A_74 = arith.mulf %sub3A_72, %mul3A_73 : vector<2048x64xf32>
    %add3A_75 = arith.addf %slice3A_70, %mul3A_74 : vector<2048x64xf32>
    %add3A_76 = arith.addf %add3A_60, %add3A_75 : vector<2048x64xf32>
    %get3A_77 = arith.constant 0 : index
    %get3A_78 = arith.constant 0 : index
    %get3A_79 = vector.load %arg6[%get3A_77, %get3A_78] : memref<2048x128xf32, #tpu.memory_space<vmem>>, vector<2048x128xf32>
    %slice3A_80 = vector.extract_strided_slice %get3A_1 {offsets = [0, 5], sizes = [2048, 1], strides = [1, 1]} : vector<2048x6xi32> to vector<2048x1xi32>
    %ge3A_81 = arith.constant 503808 : i32
    %ge3A_82 = vector.broadcast %ge3A_81 : i32 to vector<2048x1xi32>
    %ge3A_83 = arith.cmpi sge, %slice3A_80, %ge3A_82 : vector<2048x1xi32>
    %convert_element_type3A_84 = arith.extui %ge3A_83 : vector<2048x1xi1> to vector<2048x1xi32>
    %convert_element_type3A_85 = arith.sitofp %convert_element_type3A_84 : vector<2048x1xi32> to vector<2048x1xf32>
    %slice3A_86 = vector.extract_strided_slice %get3A_79 {offsets = [0, 0], sizes = [2048, 64], strides = [1, 1]} : vector<2048x128xf32> to vector<2048x64xf32>
    %slice3A_87 = vector.extract_strided_slice %get3A_79 {offsets = [0, 64], sizes = [2048, 64], strides = [1, 1]} : vector<2048x128xf32> to vector<2048x64xf32>
    %sub3A_88 = arith.subf %slice3A_87, %slice3A_86 : vector<2048x64xf32>
    %mul3A_89 = vector.broadcast %convert_element_type3A_85 : vector<2048x1xf32> to vector<2048x64xf32>
    %mul3A_90 = arith.mulf %sub3A_88, %mul3A_89 : vector<2048x64xf32>
    %add3A_91 = arith.addf %slice3A_86, %mul3A_90 : vector<2048x64xf32>
    %add3A_92 = arith.addf %add3A_76, %add3A_91 : vector<2048x64xf32>
    %mul3A_93 = arith.constant 0.166666672 : f32
    %mul3A_94 = vector.broadcast %mul3A_93 : f32 to vector<2048x64xf32>
    %mul3A_95 = arith.mulf %add3A_92, %mul3A_94 : vector<2048x64xf32>
    %get3A_96 = arith.constant 0 : index
    %get3A_97 = arith.constant 0 : index
    %get3A_98 = vector.load %arg8[%get3A_96, %get3A_97] : memref<64x256xf32, #tpu.memory_space<vmem>>, vector<64x256xf32>
    %dot_general3A = arith.constant dense<0.000000e+00> : vector<2048x256xf32>
    %dot_general3A_99 = tpu.matmul %mul3A_95, %get3A_98, %dot_general3A {dimension_numbers = #tpu.dot_dimension_numbers<[1], [0], [0], [1], [0, 0, 1, 1], [], []>, transpose_lhs_hint = false} : vector<2048x64xf32>, vector<64x256xf32>, vector<2048x256xf32> -> vector<2048x256xf32>
    %get3A_100 = arith.constant 0 : index
    %get3A_101 = arith.constant 0 : index
    %get3A_102 = vector.load %arg9[%get3A_100, %get3A_101] : memref<1x256xf32, #tpu.memory_space<vmem>>, vector<1x256xf32>
    %add3A_103 = vector.broadcast %get3A_102 : vector<1x256xf32> to vector<2048x256xf32>
    %add3A_104 = arith.addf %dot_general3A_99, %add3A_103 : vector<2048x256xf32>
    %mul3A_105 = arith.constant 5.000000e-01 : f32
    %mul3A_106 = vector.broadcast %mul3A_105 : f32 to vector<2048x256xf32>
    %mul3A_107 = arith.mulf %mul3A_106, %add3A_104 : vector<2048x256xf32>
    %mul3A_108 = arith.constant 0.707106769 : f32
    %mul3A_109 = vector.broadcast %mul3A_108 : f32 to vector<2048x256xf32>
    %mul3A_110 = arith.mulf %add3A_104, %mul3A_109 : vector<2048x256xf32>
    %erf3A = math.erf %mul3A_110 : vector<2048x256xf32>
    %add3A_111 = arith.constant 1.000000e+00 : f32
    %add3A_112 = vector.broadcast %add3A_111 : f32 to vector<2048x256xf32>
    %add3A_113 = arith.addf %add3A_112, %erf3A : vector<2048x256xf32>
    %mul3A_114 = arith.mulf %mul3A_107, %add3A_113 : vector<2048x256xf32>
    %get3A_115 = arith.constant 0 : index
    %get3A_116 = arith.constant 0 : index
    %get3A_117 = vector.load %arg10[%get3A_115, %get3A_116] : memref<256x256xf32, #tpu.memory_space<vmem>>, vector<256x256xf32>
    %dot_general3A_118 = arith.constant dense<0.000000e+00> : vector<2048x256xf32>
    %dot_general3A_119 = tpu.matmul %mul3A_114, %get3A_117, %dot_general3A_118 {dimension_numbers = #tpu.dot_dimension_numbers<[1], [0], [0], [1], [0, 0, 1, 1], [], []>, transpose_lhs_hint = false} : vector<2048x256xf32>, vector<256x256xf32>, vector<2048x256xf32> -> vector<2048x256xf32>
    %get3A_120 = arith.constant 0 : index
    %get3A_121 = arith.constant 0 : index
    %get3A_122 = vector.load %arg11[%get3A_120, %get3A_121] : memref<1x256xf32, #tpu.memory_space<vmem>>, vector<1x256xf32>
    %add3A_123 = vector.broadcast %get3A_122 : vector<1x256xf32> to vector<2048x256xf32>
    %add3A_124 = arith.addf %dot_general3A_119, %add3A_123 : vector<2048x256xf32>
    %mul3A_125 = arith.constant 5.000000e-01 : f32
    %mul3A_126 = vector.broadcast %mul3A_125 : f32 to vector<2048x256xf32>
    %mul3A_127 = arith.mulf %mul3A_126, %add3A_124 : vector<2048x256xf32>
    %mul3A_128 = arith.constant 0.707106769 : f32
    %mul3A_129 = vector.broadcast %mul3A_128 : f32 to vector<2048x256xf32>
    %mul3A_130 = arith.mulf %add3A_124, %mul3A_129 : vector<2048x256xf32>
    %erf3A_131 = math.erf %mul3A_130 : vector<2048x256xf32>
    %add3A_132 = arith.constant 1.000000e+00 : f32
    %add3A_133 = vector.broadcast %add3A_132 : f32 to vector<2048x256xf32>
    %add3A_134 = arith.addf %add3A_133, %erf3A_131 : vector<2048x256xf32>
    %mul3A_135 = arith.mulf %mul3A_127, %add3A_134 : vector<2048x256xf32>
    %get3A_136 = arith.constant 0 : index
    %get3A_137 = arith.constant 0 : index
    %get3A_138 = vector.load %arg12[%get3A_136, %get3A_137] : memref<1x256xf32, #tpu.memory_space<vmem>>, vector<1x256xf32>
    %mul3A_139 = vector.broadcast %get3A_138 : vector<1x256xf32> to vector<2048x256xf32>
    %mul3A_140 = arith.mulf %mul3A_135, %mul3A_139 : vector<2048x256xf32>
    %reduce_sum3A = arith.constant dense<0.000000e+00> : vector<2048xf32>
    %reduce_sum3A_141 = vector.multi_reduction <add>, %mul3A_140, %reduce_sum3A [1] : vector<2048x256xf32> to vector<2048xf32>
    %get3A_142 = arith.constant 0 : index
    %get3A_143 = memref.load %arg13[%get3A_142] : memref<1xf32, #tpu.memory_space<smem>>
    %add3A_144 = vector.broadcast %get3A_143 : f32 to vector<2048xf32>
    %add3A_145 = arith.addf %reduce_sum3A_141, %add3A_144 : vector<2048xf32>
    %neg3A = arith.constant 0.000000e+00 : f32
    %neg3A_146 = vector.broadcast %neg3A : f32 to vector<2048xf32>
    %neg3A_147 = arith.subf %neg3A_146, %add3A_145 : vector<2048xf32>
    %exp3A = math.exp %neg3A_147 : vector<2048xf32>
    %add3A_148 = arith.constant 1.000000e+00 : f32
    %add3A_149 = vector.broadcast %add3A_148 : f32 to vector<2048xf32>
    %add3A_150 = arith.addf %add3A_149, %exp3A : vector<2048xf32>
    %div3A = arith.constant 1.000000e+00 : f32
    %div3A_151 = vector.broadcast %div3A : f32 to vector<2048xf32>
    %div3A_152 = arith.divf %div3A_151, %add3A_150 : vector<2048xf32>
    %swap3A = arith.constant 0 : index
    %swap3A_153 = vector.load %arg14[%swap3A] : memref<2048xf32, #tpu.memory_space<vmem>>, vector<2048xf32>
    tpu.vector_store %arg14[%swap3A], %div3A_152 {strides = array<i32>} : memref<2048xf32, #tpu.memory_space<vmem>>, vector<2048xf32>,
    return
  }
  func.func @transform_0(%arg0: i32) -> (i32, i32) {
    %add3A = arith.constant 0 : i32
    %add3A_0 = arith.addi %add3A, %arg0 : i32
    %c0_i32 = arith.constant 0 : i32
    %c0_i32_1 = arith.constant 0 : i32
    return %add3A_0, %c0_i32 : i32, i32
  }
  func.func @transform_1(%arg0: i32) -> (i32, i32) {
    %add3A = arith.constant 8 : i32
    %add3A_0 = arith.addi %add3A, %arg0 : i32
    %c0_i32 = arith.constant 0 : i32
    %c0_i32_1 = arith.constant 0 : i32
    return %add3A_0, %c0_i32 : i32, i32
  }
  func.func @transform_2(%arg0: i32) -> (i32, i32) {
    %add3A = arith.constant 16 : i32
    %add3A_0 = arith.addi %add3A, %arg0 : i32
    %c0_i32 = arith.constant 0 : i32
    %c0_i32_1 = arith.constant 0 : i32
    return %add3A_0, %c0_i32 : i32, i32
  }
  func.func @transform_3(%arg0: i32) -> (i32, i32) {
    %add3A = arith.constant 24 : i32
    %add3A_0 = arith.addi %add3A, %arg0 : i32
    %c0_i32 = arith.constant 0 : i32
    %c0_i32_1 = arith.constant 0 : i32
    return %add3A_0, %c0_i32 : i32, i32
  }
  func.func @transform_4(%arg0: i32) -> (i32, i32) {
    %add3A = arith.constant 32 : i32
    %add3A_0 = arith.addi %add3A, %arg0 : i32
    %c0_i32 = arith.constant 0 : i32
    %c0_i32_1 = arith.constant 0 : i32
    return %add3A_0, %c0_i32 : i32, i32
  }
  func.func @transform_5(%arg0: i32) -> (i32, i32) {
    %add3A = arith.constant 40 : i32
    %add3A_0 = arith.addi %add3A, %arg0 : i32
    %c0_i32 = arith.constant 0 : i32
    %c0_i32_1 = arith.constant 0 : i32
    return %add3A_0, %c0_i32 : i32, i32
  }
  func.func @transform_6(%arg0: i32) -> (i32, i32) {
    %c0_i32 = arith.constant 0 : i32
    %c0_i32_0 = arith.constant 0 : i32
    return %arg0, %c0_i32 : i32, i32
  }
  func.func @transform_7(%arg0: i32) -> (i32, i32) {
    %c0_i32 = arith.constant 0 : i32
    %c0_i32_0 = arith.constant 0 : i32
    %c0_i32_1 = arith.constant 0 : i32
    return %c0_i32, %c0_i32_0 : i32, i32
  }
  func.func @transform_8(%arg0: i32) -> (i32, i32) {
    %c0_i32 = arith.constant 0 : i32
    %c0_i32_0 = arith.constant 0 : i32
    %c0_i32_1 = arith.constant 0 : i32
    return %c0_i32, %c0_i32_0 : i32, i32
  }
  func.func @transform_9(%arg0: i32) -> (i32, i32) {
    %c0_i32 = arith.constant 0 : i32
    %c0_i32_0 = arith.constant 0 : i32
    %c0_i32_1 = arith.constant 0 : i32
    return %c0_i32, %c0_i32_0 : i32, i32
  }
  func.func @transform_10(%arg0: i32) -> (i32, i32) {
    %c0_i32 = arith.constant 0 : i32
    %c0_i32_0 = arith.constant 0 : i32
    %c0_i32_1 = arith.constant 0 : i32
    return %c0_i32, %c0_i32_0 : i32, i32
  }
  func.func @transform_11(%arg0: i32) -> (i32, i32) {
    %c0_i32 = arith.constant 0 : i32
    %c0_i32_0 = arith.constant 0 : i32
    %c0_i32_1 = arith.constant 0 : i32
    return %c0_i32, %c0_i32_0 : i32, i32
  }
  func.func @transform_12(%arg0: i32) -> i32 {
    %c0_i32 = arith.constant 0 : i32
    %c0_i32_0 = arith.constant 0 : i32
    return %c0_i32 : i32
  }
  func.func @transform_13(%arg0: i32) -> i32 {
    %c0_i32 = arith.constant 0 : i32
    return %arg0 : i32
  }
}

</mosaic_0001>

<sc_bundles>
// kernel: kernel.5.cloned.1.call-start
scs
__scs_entry_jumppad:
0x0: {  	(pc) =	sbr.rel $0x88, $3  }
0x1: {  	(tag) =	ssettag $0x0;
	lr =	simm.s32 $0x1  }
0x2: {  	[smem:$0x3F99] =	sst lr;
	_ =	strace $0xD0000000  }
0x3: {  	_ = 	snop  }
0x4: {  	_ = 	snop  }
0x5: {  	_ = 	snop  }
0x6: {  	_ = 	snop  }
0x7: {  	_ = 	snop  }
__scs_overlays_trampoline_lowered:
0x8: {  	[smem:$0x3FA8] =	sst s0  }
0x9: {  	[smem:$0x3FA9] =	sst s1  }
0xa: {  	[smem:$0x3FAA] =	sst s2  }
0xb: {  	[smem:$0x3FAB] =	sst s3  }
0xc: {  	[smem:$0x3FAC] =	sst s4  }
0xd: {  	[smem:$0x3FAD] =	sst s5  }
0xe: {  	[smem:$0x3FAE] =	sst s6  }
0xf: {  	[smem:$0x3FAF] =	sst s7  }
0x10: {  	[smem:$0x3FB0] =	sst s8  }
0x11: {  	[smem:$0x3FB1] =	sst s9;
	s0 =	simm.s32 @!p0 $0x0  }
0x12: {  	s1 =	sld [smem:$0x3F97];
	s0 =	simm.s32 @p0 $0x1  }
0x13: {  	[smem:$0x3FB2] =	sst s0;
	s0 =	simm.s32 @!p1 $0x0  }
0x14: {  	s2 =	sld [smem:$0x3F96];
	s0 =	simm.s32 @p1 $0x1  }
0x15: {  	[smem:$0x3FB3] =	sst s0;
	s0 =	simm.s32 @!p2 $0x0  }
0x16: {  	s3 =	sld [smem:$0x3FDB];
	s0 =	simm.s32 @p2 $0x1  }
0x17: {  	s4 =	simm.s32 $0x1BF5;
	[smem:$0x3FB5] =	sst s0  }
0x18: {  	s0 =	sld [smem:$0x3F98];
	_ =	swait.ge [sflag:s4], $0x0  }
0x19: {  	s7 =	sld [smem:$0x3F99]  }
0x1a: {  	s8 =	sadd.s32 $0xFFFFE003, lr  }
0x1b: {  	s9 =	sadd.s32 $0xFFFFFEF7, lr;
	s5 =	simm.s32 $0xFFFFFFFF;
	p2 =	slt.u32 s8, $0xFFFFF086  }
0x1c: {  	p1 =	slt.u32 s9, $0xF7A;
	s5 =	simm.s32 @!p2 $0x0  }
0x1d: {  	s5 =	simm.s32 @p1 $0x1;
	p0 =	seq.s32 s7, s2  }
0x1e: {  	s7 =	smul.u32 @!p0 $0xF7A, s2;
	p2 =	seq.s32 @!p0 s5, $0x0  }
0x1f: {  	s9 =	smul.u32 $0xF7A, s1;
	s8 =	simm.s32 @!p0 $0x1BF5;
	p2 =	por !p2, p0  }
0x20: {  	[sflag:s8] =	ssyncset.s32 @!p0 $0xFFFFF086;
	s6 =	sadd.s32 @!p0 s3, s7;
	s7 =	simm.s32 @!p0 $0x108  }
0x21: {  	s3 =	sadd.s32 s3, s9;
	s6 =	sadd.s32 @!p0 $0x88, s6;
	s7 =	simm.s32 @p2 $0x1082  }
0x22: {  	[simem:s7], [sflag:s8] =	dma.local @!p0 [hbm:s6], $0xF7A  }
0x23: {  	s9 =	sor.u32 $0xD0000000, s2;
	s6 =	simm.s32 $0x108;
	_ =	swait.ge @!p0 [sflag:s8], $0x0  }
0x24: {  	s3 =	sadd.s32 $0x88, s3;
	s6 =	simm.s32 @!p1 $0x1082;
	[sflag:s4] =	ssyncset.s32 $0xFFFFF086  }
0x25: {  	[simem:s6], [sflag:s4] =	dma.local [hbm:s3], $0xF7A  }
0x26: {  	[smem:$0x3F99] =	sst s1;
	(tag) =	ssettag s2;
	_ =	strace s9  }
0x27: {  	s1 =	sld [smem:$0x3FA9]  }
0x28: {  	s2 =	sld [smem:$0x3FAA]  }
0x29: {  	s4 =	sld [smem:$0x3FAC]  }
0x2a: {  	p0 =	seq.s32 s5, $0x0;
	s5 =	sld [smem:$0x3FAD]  }
0x2b: {  	s6 =	sld [smem:$0x3FAE]  }
0x2c: {  	s7 =	sld [smem:$0x3FAF]  }
0x2d: {  	s3 =	simm.s32 $0x108;
	s8 =	sld [smem:$0x3FB0]  }
0x2e: {  	s3 =	simm.s32 @!p0 $0x1082;
	s9 =	sld [smem:$0x3FB1]  }
0x2f: {  	lr =	sadd.s32 s0, s3;
	s0 =	sld [smem:$0x3FA8]  }
0x30: {  	s3 =	sld [smem:$0x3FAB]  }
0x31: {  	[smem:$0x3FB4] =	sst s10  }
0x32: {  	s10 =	sld [smem:$0x3FB2];
	_ =	sdelay $0x3  }
0x33: {  	p0 =	seq.s32 s10, $0x1;
	s10 =	sld [smem:$0x3FB4];
	_ =	sdelay $0x3  }
0x34: {  	[smem:$0x3FB4] =	sst s10  }
0x35: {  	s10 =	sld [smem:$0x3FB3];
	_ =	sdelay $0x3  }
0x36: {  	p1 =	seq.s32 s10, $0x1;
	s10 =	sld [smem:$0x3FB4];
	_ =	sdelay $0x3  }
0x37: {  	[smem:$0x3FB4] =	sst s10  }
0x38: {  	s10 =	sld [smem:$0x3FB5]  }
0x39: {  	_ = 	snop;
	(pc) =	sbr.ind lr, $3  }
0x3a: {  	_ = 	snop  }
0x3b: {  	_ = 	snop  }
0x3c: {  	p2 =	seq.s32 s10, $0x1;
	s10 =	sld [smem:$0x3FB4]  }
0x3d: {  	_ =	shalt  }
0x3e: {  	_ =	shalt  }
0x3f: {  	_ =	shalt  }
0x40: {  	_ =	shalt  }
0x41: {  	_ =	shalt  }
0x42: {  	_ =	shalt  }
0x43: {  	_ =	shalt  }
0x44: {  	_ =	shalt  }
0x45: {  	_ =	shalt  }
0x46: {  	_ =	shalt  }
0x47: {  	_ =	shalt  }
0x48: {  	_ =	shalt  }
0x49: {  	_ =	shalt  }
0x4a: {  	_ =	shalt  }
0x4b: {  	_ =	shalt  }
0x4c: {  	_ =	shalt  }
0x4d: {  	_ =	shalt  }
0x4e: {  	_ =	shalt  }
0x4f: {  	_ =	shalt  }
0x50: {  	_ =	shalt  }
0x51: {  	_ =	shalt  }
0x52: {  	_ =	shalt  }
0x53: {  	_ =	shalt  }
0x54: {  	_ =	shalt  }
0x55: {  	_ =	shalt  }
0x56: {  	_ =	shalt  }
0x57: {  	_ =	shalt  }
0x58: {  	_ =	shalt  }
0x59: {  	_ =	shalt  }
0x5a: {  	_ =	shalt  }
0x5b: {  	_ =	shalt  }
0x5c: {  	_ =	shalt  }
0x5d: {  	_ =	shalt  }
0x5e: {  	_ =	shalt  }
0x5f: {  	_ =	shalt  }
0x60: {  	_ =	shalt  }
0x61: {  	_ =	shalt  }
0x62: {  	_ =	shalt  }
0x63: {  	_ =	shalt  }
0x64: {  	_ =	shalt  }
0x65: {  	_ =	shalt  }
0x66: {  	_ =	shalt  }
0x67: {  	_ =	shalt  }
0x68: {  	_ =	shalt  }
0x69: {  	_ =	shalt  }
0x6a: {  	_ =	shalt  }
0x6b: {  	_ =	shalt  }
0x6c: {  	_ =	shalt  }
0x6d: {  	_ =	shalt  }
0x6e: {  	_ =	shalt  }
0x6f: {  	_ =	shalt  }
0x70: {  	_ =	shalt  }
0x71: {  	_ =	shalt  }
0x72: {  	_ =	shalt  }
0x73: {  	_ =	shalt  }
0x74: {  	_ =	shalt  }
0x75: {  	_ =	shalt  }
0x76: {  	_ =	shalt  }
0x77: {  	_ =	shalt  }
0x78: {  	_ =	shalt  }
0x79: {  	_ =	shalt  }
0x7a: {  	_ =	shalt  }
0x7b: {  	_ =	shalt  }
0x7c: {  	_ =	shalt  }
0x7d: {  	_ =	shalt  }
0x7e: {  	_ =	shalt  }
0x7f: {  	_ =	shalt  }
0x80: {  	_ =	shalt  }
0x81: {  	_ =	shalt  }
0x82: {  	_ =	shalt  }
0x83: {  	_ =	shalt  }
0x84: {  	_ =	shalt  }
0x85: {  	_ =	shalt  }
0x86: {  	_ =	shalt  }
0x87: {  	_ =	shalt  }
.Lfunc_end0:
.L_simem_size_0:
called_computation_lowered:
.L_overlay_start_0:
0x88: {  	s2 =	sld [smem:$0x3FD9]  }
0x89: {  	s3 =	sld [smem:$0x3FFE];
	_ =	sdelay $0x1  }
0x8a: {  	s1 =	srdreg.scid  }
0x8b: {  	s0 =	sand.u32 $0x1, s1  }
0x8c: {  	s16 =	sshll.u32 s0, $0xA;
	s2 =	sadd.s32 s3, s2  }
0x8d: {  	s2 =	sadd.s32 s2, s16  }
0x8e: {  	[smem:$0x3FC0] =	sst s2  }
0x8f: {  	_ = 	snop  }
0x90: {  	(tm) =	ssettm $0x1  }
0x91: {  	s17 =	sld [smem:$0x3FFB];
	_ =	sdelay $0x3  }
0x92: {  	_ =	strace s17  }
0x93: {  	s2 =	sld [smem:$0x3FFC];
	_ =	sdelay $0x3  }
0x94: {  	_ =	strace s2  }
0x95: {  	s2 =	sld [smem:$0x3FFD];
	_ =	sdelay $0x3  }
0x96: {  	_ =	strace s2  }
0x97: {  	_ =	strace $0x8FFFFFFF  }
0x98: {  	s18 =	sld [smem:$0x3FDB];
	_ =	sdelay $0x1  }
0x99: {  	s19 =	simm.s32 $_scs_section_size  }
0x9a: {  	s4 =	simm.s32 $_size__tile_overlayer_lowered;
	s5 =	simm.s32 $_tile_overlayer_lowered  }
0x9b: {  	s22 =	simm.s32 $0x1BFF;
	s21 =	sshll.u32 s5, $0x1;
	s2 =	sadd.s32 s19, s18  }
0x9c: {  	s6 =	simm.s32 $0x0;
	s20 =	sshll.u32 s4, $0x1;
	s4 =	sadd.s32 s21, s2  }
0x9d: {  	[timem:s6], [sflag:s22] =	dma.local [hbm:s4], s20  }
0x9e: {  	_ =	swait.ge [sflag:s22], s20  }
0x9f: {  	s3 =	ssub.s32 $0x0, s20;
	[sflag:s22] =	ssyncset.done $0x0  }
0xa0: {  	[sflag:s22] =	ssyncadd.s32 s3;
	_ =	sdelay $0x1  }
0xa1: {  	s23 =	simm.s32 $0x1B8B  }
0xa2: {  	_ =	swait.ge [sflag:s23], $0x1  }
0xa3: {  	[sflag:s23] =	ssyncset.done $0x0  }
0xa4: {  	s25 =	simm.s32 $0x1B8E;
	s24 =	sld [smem:$0x3FFE];
	[sflag:s23] =	ssyncadd.s32 $0xFFFFFFFF  }
0xa5: {  	s26 =	simm.s32 $execute0_lowered;
	[smem:$0x3FD2] =	sst s25  }
0xa6: {  	s4 =	sshll.u32 s26, $0x1;
	_ =	strace $0x80000046;
	[dreg:$0x1] =	wrdreg $0xFFFFFFFF  }
0xa7: {  	s28 =	simm.s32 $_size_execute0_lowered;
	s2 =	sadd.s32 s2, s4;
	[dreg:$0x0] =	wrdreg $0x0  }
0xa8: {  	s4 =	sshll.u32 s28, $0x1;
	[dreg:$0x2] =	wrdreg s2  }
0xa9: {  	[dreg:$0x3] =	wrdreg s4  }
0xaa: {  	[dreg:$0x4] =	wrdreg $0xC0  }
0xab: {  	_ =	task [dreg:s6], $0x5FFFF  }
0xac: {  	[dreg:$0x1] =	wrdreg $0xFFFFFFFF  }
0xad: {  	[dreg:$0x0] =	wrdreg $0x60  }
0xae: {  	[dreg:$0x2] =	wrdreg s24  }
0xaf: {  	[dreg:$0x3] =	wrdreg $0x9  }
0xb0: {  	_ =	task.clear_ibuf [dreg:s6], $0x4FFFF;
	_ =	strace $0x90000046  }
0xb1: {  	s29 =	simm.s32 $0x9;
	_ =	strace $0x80000048  }
0xb2: {  	_ =	swait.ge [sflag:s29], $0x1  }
0xb3: {  	[sflag:s29] =	ssyncadd.s32 $0xFFFFFFFF  }
0xb4: {  	_ =	strace $0x90000048  }
0xb5: {  	_ =	sfence  }
0xb6: {  	s30 =	sld [smem:$0x0];
	_ =	sdelay $0x2  }
0xb7: {  	s31 =	sshll.u32 s1, $0xD;
	s1 =	sshrl.u32 s1, $0x2  }
0xb8: {  	s3 =	sand.u32 $0x4000, s31;
	s1 =	sadd.s32 s1, s30  }
0xb9: {  	s0 =	sor.u32 s3, s0;
	s1 =	sshll.u32 s1, $0x11  }
0xba: {  	s0 =	sor.u32 s1, s0  }
0xbb: {  	s0 =	sadd.s32 $0x8F2B, s0  }
0xbc: {  	[sflag:s0] =	ssyncadd.remote.s32 $0x1  }
0xbd: {  	_ =	sfence.sel $0xFFFF  }
0xbe: {  	[dreg:$0x0] =	wrdreg $0xFFFFFFFF;
	(pc) =	sbr.abs _section_cstart, $3  }
0xbf: {  	[dreg:$0x1] =	wrdreg $0xFFFFFFFF  }
0xc0: {  	_ =	task.clear_ibuf [dreg:s6], $0x2FFFF;
	_ =	strace $0x9FFFFFFF  }
0xc1: {  	(tm) =	ssettm $0x7FFFFFFF  }
tec
execute0_lowered:
.L_overlay_start_1:
0x0: {  	(tag) =	ssettag $0x1  }
0x1: {  	s1 =	srdreg.scid  }
0x2: {  	s0 =	stileid.u32;
	s4 =	rddreg [dreg:$0x0]  }
0x3: {  	s9 =	simm.s32 $0x4C00;
	s21 =	simm.s32 $0x100;
	s10 =	simm.s32 $0x8C00  }
0x4: {  	s22 =	simm.s32 $0x180;
	s11 =	simm.s32 $0xCC00;
	s23 =	simm.s32 $0x200  }
0x5: {  	s24 =	simm.s32 $0x280;
	s1 =	sand.u32 $0x1, s1;
	s2 =	sshll.u32 s0, $0x1  }
0x6: {  	s25 =	simm.s32 $0x300;
	s3 =	sor.u32 s1, s2;
	s2 =	simm.s32 $0x0  }
0x7: {  	s26 =	simm.s32 $0x380;
	s28 =	simm.s32 $0x980;
	[smem:$0x7FF] =	sst s2  }
0x8: {  	s29 =	simm.s32 $0xA00;
	_ =	strace $0x80000047;
	[dreg:$0xa] =	wrdreg s21  }
0x9: {  	s30 =	simm.s32 $0xA80;
	s31 =	simm.s32 $0xB00;
	[dreg:$0xb] =	wrdreg s22  }
0xa: {  	s7 =	sadd.s32 $0x7B4200, s4;
	s5 =	smul.u32 $0x180, s3;
	[dreg:$0xc] =	wrdreg s23  }
0xb: {  	s1 =	ssub.s32 $0x2, s1;
	s6 =	smul.u32 $0xC000, s3;
	[dreg:$0xd] =	wrdreg s24  }
0xc: {  	s8 =	smul.u32 $0x60000, s3;
	s19 =	sshrl.u32 s1, $0x1;
	[dreg:$0xe] =	wrdreg s25  }
0xd: {  	s1 =	ssub.s32 s1, s19;
	[dreg:$0xf] =	wrdreg s26;
	s19 =	simm.s32 $0x580  }
0xe: {  	s21 =	simm.s32 $0x680;
	s22 =	simm.s32 $0x700;
	s23 =	simm.s32 $0x780  }
0xf: {  	s24 =	simm.s32 $0x800;
	s25 =	simm.s32 $0x880;
	s26 =	simm.s32 $0x900  }
0x10: {  	s5 =	sadd.s32 s5, s4;
	s3 =	sadd.s32 s7, s6;
	s13 =	sshrl.u32 s8, $0x3  }
0x11: {  	s4 =	sadd.s32 $0x4200, s4;
	s8 =	simm.s32 $0xC00;
	s5 =	sadd.s32 $0x1200, s5  }
0x12: {  	s12 =	sadd.s32 $0x1800, s3;
	s14 =	sadd.s32 $0x3000, s3;
	[dreg:$0x2] =	wrdreg s5  }
0x13: {  	s6 =	sadd.s32 s7, s13;
	s7 =	simm.s32 $0x80;
	[dreg:$0x3] =	wrdreg s12  }
0x14: {  	s13 =	simm.s32 $0x14C00;
	[dreg:$0x4] =	wrdreg s14;
	s15 =	sadd.s32 $0x4800, s6  }
0x15: {  	s16 =	sadd.s32 $0x6000, s6;
	s17 =	sadd.s32 $0x7800, s6;
	[dreg:$0x5] =	wrdreg s15  }
0x16: {  	s18 =	sadd.s32 $0x9000, s6;
	s20 =	sadd.s32 $0xA800, s6;
	[dreg:$0x6] =	wrdreg s16  }
0x17: {  	s5 =	smax.u32 s1, $0x1;
	s6 =	simm.s32 $0x3;
	[dreg:$0x7] =	wrdreg s17  }
0x18: {  	s12 =	simm.s32 $0x10C00;
	s14 =	simm.s32 $0x1;
	[dreg:$0x8] =	wrdreg s18  }
0x19: {  	s1 =	simm.s32 $0xB80;
	[dreg:$0x9] =	wrdreg s20;
	s16 =	simm.s32 $0x2  }
0x1a: {  	s17 =	simm.s32 $0x480;
	s18 =	simm.s32 $0x500;
	s20 =	simm.s32 $0x600  }
.LBB2_1:
0x1b: {  	s0 =	rddreg [dreg:$0x2]  }
0x1c: {  	[tilespmem:s2], [sflag:$0x3] =	stream.linear.gather [hbm4b:s0+s2], $0xC00, $0x38;
	[tilespmem:$0x18C00] =	vst v63  }
0x1d: {  	_ =	swait.ge [sflag:s6], $0xC00  }
0x1e: {  	[sflag:s6] =	ssyncset.done $0x0  }
0x1f: {  	[sflag:s6] =	ssyncadd.s32 $0xFFFFF400  }
0x20: {  	v0 =	vld [tilespmem:$0x0]  }
0x21: {  	v1 =	vld [tilespmem:$0x10]  }
0x22: {  	v2 =	vld [tilespmem:$0x20]  }
0x23: {  	v3 =	vld [tilespmem:$0x30]  }
0x24: {  	v4 =	vld [tilespmem:$0x40]  }
0x25: {  	v6 =	vld [tilespmem:$0x50];
	vm0 =	vgt.s32 v0, $0x7AFFF;
	v5 =	vadd.s32 $0xFFF85000, v0  }
0x26: {  	v7 =	vld [tilespmem:$0x60];
	vm5 =	vgt.s32 v1, $0x7AFFF;
	v50 =	vadd.s32 $0xFFF85000, v1;
	v0 =	vsel vm0, v5, v0  }
0x27: {  	v53 =	vld [tilespmem:$0x70];
	vm6 =	vgt.s32 v2, $0x7AFFF;
	v52 =	vadd.s32 $0xFFF85000, v2;
	v51 =	vsel vm5, v50, v1;
	[tilespmem:$0x0] =	vst v0  }
0x28: {  	v56 =	vld [tilespmem:$0x80];
	vm7 =	vgt.s32 v3, $0x7AFFF;
	v55 =	vadd.s32 $0xFFF85000, v3;
	v54 =	vsel vm6, v52, v2;
	[tilespmem:$0x10] =	vst v51  }
0x29: {  	v59 =	vld [tilespmem:$0x90];
	vm8 =	vgt.s32 v4, $0x7AFFF;
	v58 =	vadd.s32 $0xFFF85000, v4;
	v57 =	vsel vm7, v55, v3;
	[tilespmem:$0x20] =	vst v54  }
0x2a: {  	v62 =	vld [tilespmem:$0xA0];
	vm9 =	vgt.s32 v6, $0x7AFFF;
	v61 =	vadd.s32 $0xFFF85000, v6;
	v60 =	vsel vm8, v58, v4;
	[tilespmem:$0x30] =	vst v57  }
0x2b: {  	v10 =	vld [tilespmem:$0xB0];
	vm10 =	vgt.s32 v7, $0x7AFFF;
	v9 =	vadd.s32 $0xFFF85000, v7;
	v63 =	vsel vm9, v61, v6;
	[tilespmem:$0x40] =	vst v60  }
0x2c: {  	v13 =	vld [tilespmem:$0xC0];
	vm11 =	vgt.s32 v53, $0x7AFFF;
	v12 =	vadd.s32 $0xFFF85000, v53;
	v11 =	vsel vm10, v9, v7;
	[tilespmem:$0x50] =	vst v63  }
0x2d: {  	v16 =	vld [tilespmem:$0xD0];
	vm12 =	vgt.s32 v56, $0x7AFFF;
	v15 =	vadd.s32 $0xFFF85000, v56;
	v14 =	vsel vm11, v12, v53;
	[tilespmem:$0x60] =	vst v11  }
0x2e: {  	v19 =	vld [tilespmem:$0xE0];
	vm13 =	vgt.s32 v59, $0x7AFFF;
	v18 =	vadd.s32 $0xFFF85000, v59;
	v17 =	vsel vm12, v15, v56;
	[tilespmem:$0x70] =	vst v14  }
0x2f: {  	v22 =	vld [tilespmem:$0xF0];
	vm14 =	vgt.s32 v62, $0x7AFFF;
	v21 =	vadd.s32 $0xFFF85000, v62;
	v20 =	vsel vm13, v18, v59;
	[tilespmem:$0x80] =	vst v17  }
0x30: {  	v25 =	vld [tilespmem:$0x100];
	vm15 =	vgt.s32 v10, $0x7AFFF;
	v24 =	vadd.s32 $0xFFF85000, v10;
	v23 =	vsel vm14, v21, v62;
	[tilespmem:$0x90] =	vst v20  }
0x31: {  	v28 =	vld [tilespmem:$0x110];
	vm4 =	vgt.s32 v13, $0x7AFFF;
	v27 =	vadd.s32 $0xFFF85000, v13;
	v26 =	vsel vm15, v24, v10;
	[tilespmem:$0xA0] =	vst v23  }
0x32: {  	v31 =	vld [tilespmem:$0x120];
	v30 =	vadd.s32 $0xFFF85000, v16;
	v29 =	vsel vm4, v27, v13;
	vm5 =	vgt.s32 v16, $0x7AFFF;
	[tilespmem:$0xB0] =	vst v26  }
0x33: {  	v34 =	vld [tilespmem:$0x130];
	v33 =	vadd.s32 $0xFFF85000, v19;
	vm6 =	vgt.s32 v19, $0x7AFFF;
	[tilespmem:$0xC0] =	vst v29;
	v32 =	vsel vm5, v30, v16  }
0x34: {  	v37 =	vld [tilespmem:$0x140];
	v36 =	vadd.s32 $0xFFF85000, v22;
	vm7 =	vgt.s32 v22, $0x7AFFF;
	v35 =	vsel vm6, v33, v19;
	[tilespmem:$0xD0] =	vst v32  }
0x35: {  	v40 =	vld [tilespmem:$0x150];
	v39 =	vadd.s32 $0xFFF85000, v25;
	vm8 =	vgt.s32 v25, $0x7AFFF;
	v38 =	vsel vm7, v36, v22;
	[tilespmem:$0xE0] =	vst v35  }
0x36: {  	v43 =	vld [tilespmem:$0x160];
	v42 =	vadd.s32 $0xFFF85000, v28;
	vm9 =	vgt.s32 v28, $0x7AFFF;
	v41 =	vsel vm8, v39, v25;
	[tilespmem:$0xF0] =	vst v38  }
0x37: {  	v46 =	vld [tilespmem:$0x170];
	v45 =	vadd.s32 $0xFFF85000, v31;
	vm10 =	vgt.s32 v31, $0x7AFFF;
	v44 =	vsel vm9, v42, v28;
	[tilespmem:$0x100] =	vst v41  }
0x38: {  	v49 =	vld [tilespmem:$0x180];
	v48 =	vadd.s32 $0xFFF85000, v34;
	vm11 =	vgt.s32 v34, $0x7AFFF;
	v47 =	vsel vm10, v45, v31;
	[tilespmem:$0x110] =	vst v44  }
0x39: {  	vm12 =	vgt.s32 v37, $0x7AFFF;
	v52 =	vld [tilespmem:$0x190];
	v50 =	vsel vm11, v48, v34;
	v51 =	vadd.s32 $0xFFF85000, v37;
	[tilespmem:$0x120] =	vst v47  }
0x3a: {  	vm13 =	vgt.s32 v40, $0x7AFFF;
	v55 =	vld [tilespmem:$0x1A0];
	v54 =	vadd.s32 $0xFFF85000, v40;
	[tilespmem:$0x130] =	vst v50;
	v53 =	vsel vm12, v51, v37  }
0x3b: {  	vm14 =	vgt.s32 v43, $0x7AFFF;
	v58 =	vld [tilespmem:$0x1B0];
	v57 =	vadd.s32 $0xFFF85000, v43;
	v56 =	vsel vm13, v54, v40;
	[tilespmem:$0x140] =	vst v53  }
0x3c: {  	vm15 =	vgt.s32 v46, $0x7AFFF;
	v61 =	vld [tilespmem:$0x1C0];
	v60 =	vadd.s32 $0xFFF85000, v46;
	v59 =	vsel vm14, v57, v43;
	[tilespmem:$0x150] =	vst v56  }
0x3d: {  	vm4 =	vgt.s32 v49, $0x7AFFF;
	v9 =	vld [tilespmem:$0x1D0];
	v63 =	vadd.s32 $0xFFF85000, v49;
	v62 =	vsel vm15, v60, v46;
	[tilespmem:$0x160] =	vst v59  }
0x3e: {  	v12 =	vld [tilespmem:$0x1E0];
	v10 =	vsel vm4, v63, v49;
	[tilespmem:$0x170] =	vst v62;
	vm5 =	vgt.s32 v52, $0x7AFFF;
	v11 =	vadd.s32 $0xFFF85000, v52  }
0x3f: {  	v15 =	vld [tilespmem:$0x1F0];
	[tilespmem:$0x180] =	vst v10;
	vm6 =	vgt.s32 v55, $0x7AFFF;
	v14 =	vadd.s32 $0xFFF85000, v55;
	v13 =	vsel vm5, v11, v52  }
0x40: {  	v18 =	vld [tilespmem:$0x200];
	vm7 =	vgt.s32 v58, $0x7AFFF;
	v17 =	vadd.s32 $0xFFF85000, v58;
	v16 =	vsel vm6, v14, v55;
	[tilespmem:$0x190] =	vst v13  }
0x41: {  	v21 =	vld [tilespmem:$0x210];
	vm8 =	vgt.s32 v61, $0x7AFFF;
	v20 =	vadd.s32 $0xFFF85000, v61;
	v19 =	vsel vm7, v17, v58;
	[tilespmem:$0x1A0] =	vst v16  }
0x42: {  	v24 =	vld [tilespmem:$0x220];
	vm9 =	vgt.s32 v9, $0x7AFFF;
	v23 =	vadd.s32 $0xFFF85000, v9;
	v22 =	vsel vm8, v20, v61;
	[tilespmem:$0x1B0] =	vst v19  }
0x43: {  	v27 =	vld [tilespmem:$0x230];
	vm10 =	vgt.s32 v12, $0x7AFFF;
	v26 =	vadd.s32 $0xFFF85000, v12;
	v25 =	vsel vm9, v23, v9;
	[tilespmem:$0x1C0] =	vst v22  }
0x44: {  	v30 =	vld [tilespmem:$0x240];
	vm11 =	vgt.s32 v15, $0x7AFFF;
	v29 =	vadd.s32 $0xFFF85000, v15;
	v28 =	vsel vm10, v26, v12;
	[tilespmem:$0x1D0] =	vst v25  }
0x45: {  	v33 =	vld [tilespmem:$0x250];
	vm12 =	vgt.s32 v18, $0x7AFFF;
	v32 =	vadd.s32 $0xFFF85000, v18;
	v31 =	vsel vm11, v29, v15;
	[tilespmem:$0x1E0] =	vst v28  }
0x46: {  	v36 =	vld [tilespmem:$0x260];
	vm13 =	vgt.s32 v21, $0x7AFFF;
	v35 =	vadd.s32 $0xFFF85000, v21;
	v34 =	vsel vm12, v32, v18;
	[tilespmem:$0x1F0] =	vst v31  }
0x47: {  	v39 =	vld [tilespmem:$0x270];
	vm14 =	vgt.s32 v24, $0x7AFFF;
	v38 =	vadd.s32 $0xFFF85000, v24;
	v37 =	vsel vm13, v35, v21;
	[tilespmem:$0x200] =	vst v34  }
0x48: {  	v42 =	vld [tilespmem:$0x280];
	vm15 =	vgt.s32 v27, $0x7AFFF;
	v41 =	vadd.s32 $0xFFF85000, v27;
	v40 =	vsel vm14, v38, v24;
	[tilespmem:$0x210] =	vst v37  }
0x49: {  	v45 =	vld [tilespmem:$0x290];
	v43 =	vsel vm15, v41, v27;
	vm4 =	vgt.s32 v30, $0x7AFFF;
	v44 =	vadd.s32 $0xFFF85000, v30;
	[tilespmem:$0x220] =	vst v40  }
0x4a: {  	v48 =	vld [tilespmem:$0x2A0];
	vm5 =	vgt.s32 v33, $0x7AFFF;
	v47 =	vadd.s32 $0xFFF85000, v33;
	[tilespmem:$0x230] =	vst v43;
	v46 =	vsel vm4, v44, v30  }
0x4b: {  	v51 =	vld [tilespmem:$0x2B0];
	vm6 =	vgt.s32 v36, $0x7AFFF;
	v50 =	vadd.s32 $0xFFF85000, v36;
	v49 =	vsel vm5, v47, v33;
	[tilespmem:$0x240] =	vst v46  }
0x4c: {  	v54 =	vld [tilespmem:$0x2C0];
	vm7 =	vgt.s32 v39, $0x7AFFF;
	v53 =	vadd.s32 $0xFFF85000, v39;
	v52 =	vsel vm6, v50, v36;
	[tilespmem:$0x250] =	vst v49  }
0x4d: {  	v57 =	vld [tilespmem:$0x2D0];
	vm8 =	vgt.s32 v42, $0x7AFFF;
	v56 =	vadd.s32 $0xFFF85000, v42;
	v55 =	vsel vm7, v53, v39;
	[tilespmem:$0x260] =	vst v52  }
0x4e: {  	v60 =	vld [tilespmem:$0x2E0];
	vm9 =	vgt.s32 v45, $0x7AFFF;
	v59 =	vadd.s32 $0xFFF85000, v45;
	v58 =	vsel vm8, v56, v42;
	[tilespmem:$0x270] =	vst v55  }
0x4f: {  	v63 =	vld [tilespmem:$0x2F0];
	vm10 =	vgt.s32 v48, $0x7AFFF;
	v62 =	vadd.s32 $0xFFF85000, v48;
	v61 =	vsel vm9, v59, v45;
	[tilespmem:$0x280] =	vst v58  }
0x50: {  	v11 =	vld [tilespmem:$0x300];
	v9 =	vsel vm10, v62, v48;
	vm11 =	vgt.s32 v51, $0x7AFFF;
	v10 =	vadd.s32 $0xFFF85000, v51;
	[tilespmem:$0x290] =	vst v61  }
0x51: {  	v14 =	vld [tilespmem:$0x310];
	vm12 =	vgt.s32 v54, $0x7AFFF;
	v13 =	vadd.s32 $0xFFF85000, v54;
	[tilespmem:$0x2A0] =	vst v9;
	v12 =	vsel vm11, v10, v51  }
0x52: {  	v17 =	vld [tilespmem:$0x320];
	vm13 =	vgt.s32 v57, $0x7AFFF;
	v16 =	vadd.s32 $0xFFF85000, v57;
	v15 =	vsel vm12, v13, v54;
	[tilespmem:$0x2B0] =	vst v12  }
0x53: {  	v20 =	vld [tilespmem:$0x330];
	vm14 =	vgt.s32 v60, $0x7AFFF;
	v19 =	vadd.s32 $0xFFF85000, v60;
	v18 =	vsel vm13, v16, v57;
	[tilespmem:$0x2C0] =	vst v15  }
0x54: {  	v23 =	vld [tilespmem:$0x340];
	vm15 =	vgt.s32 v63, $0x7AFFF;
	v22 =	vadd.s32 $0xFFF85000, v63;
	v21 =	vsel vm14, v19, v60;
	[tilespmem:$0x2D0] =	vst v18  }
0x55: {  	v26 =	vld [tilespmem:$0x350];
	v24 =	vsel vm15, v22, v63;
	[tilespmem:$0x2E0] =	vst v21;
	vm4 =	vgt.s32 v11, $0x7AFFF;
	v25 =	vadd.s32 $0xFFF85000, v11  }
0x56: {  	v29 =	vld [tilespmem:$0x360];
	[tilespmem:$0x2F0] =	vst v24;
	vm5 =	vgt.s32 v14, $0x7AFFF;
	v28 =	vadd.s32 $0xFFF85000, v14;
	v27 =	vsel vm4, v25, v11  }
0x57: {  	v32 =	vld [tilespmem:$0x370];
	vm6 =	vgt.s32 v17, $0x7AFFF;
	v31 =	vadd.s32 $0xFFF85000, v17;
	v30 =	vsel vm5, v28, v14;
	[tilespmem:$0x300] =	vst v27  }
0x58: {  	v35 =	vld [tilespmem:$0x380];
	vm7 =	vgt.s32 v20, $0x7AFFF;
	v34 =	vadd.s32 $0xFFF85000, v20;
	v33 =	vsel vm6, v31, v17;
	[tilespmem:$0x310] =	vst v30  }
0x59: {  	v38 =	vld [tilespmem:$0x390];
	vm8 =	vgt.s32 v23, $0x7AFFF;
	v37 =	vadd.s32 $0xFFF85000, v23;
	v36 =	vsel vm7, v34, v20;
	[tilespmem:$0x320] =	vst v33  }
0x5a: {  	v41 =	vld [tilespmem:$0x3A0];
	vm9 =	vgt.s32 v26, $0x7AFFF;
	v40 =	vadd.s32 $0xFFF85000, v26;
	v39 =	vsel vm8, v37, v23;
	[tilespmem:$0x330] =	vst v36  }
0x5b: {  	v44 =	vld [tilespmem:$0x3B0];
	vm10 =	vgt.s32 v29, $0x7AFFF;
	v43 =	vadd.s32 $0xFFF85000, v29;
	v42 =	vsel vm9, v40, v26;
	[tilespmem:$0x340] =	vst v39  }
0x5c: {  	v47 =	vld [tilespmem:$0x3C0];
	vm11 =	vgt.s32 v32, $0x7AFFF;
	v46 =	vadd.s32 $0xFFF85000, v32;
	v45 =	vsel vm10, v43, v29;
	[tilespmem:$0x350] =	vst v42  }
0x5d: {  	v50 =	vld [tilespmem:$0x3D0];
	vm12 =	vgt.s32 v35, $0x7AFFF;
	v49 =	vadd.s32 $0xFFF85000, v35;
	v48 =	vsel vm11, v46, v32;
	[tilespmem:$0x360] =	vst v45  }
0x5e: {  	v53 =	vld [tilespmem:$0x3E0];
	vm13 =	vgt.s32 v38, $0x7AFFF;
	v52 =	vadd.s32 $0xFFF85000, v38;
	v51 =	vsel vm12, v49, v35;
	[tilespmem:$0x370] =	vst v48  }
0x5f: {  	v56 =	vld [tilespmem:$0x3F0];
	vm14 =	vgt.s32 v41, $0x7AFFF;
	v55 =	vadd.s32 $0xFFF85000, v41;
	v54 =	vsel vm13, v52, v38;
	[tilespmem:$0x380] =	vst v51  }
0x60: {  	v59 =	vld [tilespmem:$0x400];
	v57 =	vsel vm14, v55, v41;
	vm15 =	vgt.s32 v44, $0x7AFFF;
	v58 =	vadd.s32 $0xFFF85000, v44;
	[tilespmem:$0x390] =	vst v54  }
0x61: {  	v62 =	vld [tilespmem:$0x410];
	vm4 =	vgt.s32 v47, $0x7AFFF;
	v61 =	vadd.s32 $0xFFF85000, v47;
	[tilespmem:$0x3A0] =	vst v57;
	v60 =	vsel vm15, v58, v44  }
0x62: {  	v10 =	vld [tilespmem:$0x420];
	vm5 =	vgt.s32 v50, $0x7AFFF;
	v9 =	vadd.s32 $0xFFF85000, v50;
	v63 =	vsel vm4, v61, v47;
	[tilespmem:$0x3B0] =	vst v60  }
0x63: {  	v13 =	vld [tilespmem:$0x430];
	vm6 =	vgt.s32 v53, $0x7AFFF;
	v12 =	vadd.s32 $0xFFF85000, v53;
	v11 =	vsel vm5, v9, v50;
	[tilespmem:$0x3C0] =	vst v63  }
0x64: {  	v16 =	vld [tilespmem:$0x440];
	vm7 =	vgt.s32 v56, $0x7AFFF;
	v15 =	vadd.s32 $0xFFF85000, v56;
	v14 =	vsel vm6, v12, v53;
	[tilespmem:$0x3D0] =	vst v11  }
0x65: {  	v19 =	vld [tilespmem:$0x450];
	vm8 =	vgt.s32 v59, $0x7AFFF;
	v18 =	vadd.s32 $0xFFF85000, v59;
	v17 =	vsel vm7, v15, v56;
	[tilespmem:$0x3E0] =	vst v14  }
0x66: {  	v22 =	vld [tilespmem:$0x460];
	vm9 =	vgt.s32 v62, $0x7AFFF;
	v21 =	vadd.s32 $0xFFF85000, v62;
	v20 =	vsel vm8, v18, v59;
	[tilespmem:$0x3F0] =	vst v17  }
0x67: {  	v25 =	vld [tilespmem:$0x470];
	v23 =	vsel vm9, v21, v62;
	vm10 =	vgt.s32 v10, $0x7AFFF;
	v24 =	vadd.s32 $0xFFF85000, v10;
	[tilespmem:$0x400] =	vst v20  }
0x68: {  	v28 =	vld [tilespmem:$0x480];
	vm11 =	vgt.s32 v13, $0x7AFFF;
	v27 =	vadd.s32 $0xFFF85000, v13;
	[tilespmem:$0x410] =	vst v23;
	v26 =	vsel vm10, v24, v10  }
0x69: {  	v31 =	vld [tilespmem:$0x490];
	vm12 =	vgt.s32 v16, $0x7AFFF;
	v30 =	vadd.s32 $0xFFF85000, v16;
	v29 =	vsel vm11, v27, v13;
	[tilespmem:$0x420] =	vst v26  }
0x6a: {  	v34 =	vld [tilespmem:$0x4A0];
	vm13 =	vgt.s32 v19, $0x7AFFF;
	v33 =	vadd.s32 $0xFFF85000, v19;
	v32 =	vsel vm12, v30, v16;
	[tilespmem:$0x430] =	vst v29  }
0x6b: {  	v37 =	vld [tilespmem:$0x4B0];
	vm14 =	vgt.s32 v22, $0x7AFFF;
	v36 =	vadd.s32 $0xFFF85000, v22;
	v35 =	vsel vm13, v33, v19;
	[tilespmem:$0x440] =	vst v32  }
0x6c: {  	v40 =	vld [tilespmem:$0x4C0];
	v38 =	vsel vm14, v36, v22;
	[tilespmem:$0x450] =	vst v35;
	vm15 =	vgt.s32 v25, $0x7AFFF;
	v39 =	vadd.s32 $0xFFF85000, v25  }
0x6d: {  	v43 =	vld [tilespmem:$0x4D0];
	[tilespmem:$0x460] =	vst v38;
	vm4 =	vgt.s32 v28, $0x7AFFF;
	v42 =	vadd.s32 $0xFFF85000, v28;
	v41 =	vsel vm15, v39, v25  }
0x6e: {  	v46 =	vld [tilespmem:$0x4E0];
	vm5 =	vgt.s32 v31, $0x7AFFF;
	v45 =	vadd.s32 $0xFFF85000, v31;
	v44 =	vsel vm4, v42, v28;
	[tilespmem:$0x470] =	vst v41  }
0x6f: {  	v49 =	vld [tilespmem:$0x4F0];
	vm6 =	vgt.s32 v34, $0x7AFFF;
	v48 =	vadd.s32 $0xFFF85000, v34;
	v47 =	vsel vm5, v45, v31;
	[tilespmem:$0x480] =	vst v44  }
0x70: {  	v52 =	vld [tilespmem:$0x500];
	vm7 =	vgt.s32 v37, $0x7AFFF;
	v51 =	vadd.s32 $0xFFF85000, v37;
	v50 =	vsel vm6, v48, v34;
	[tilespmem:$0x490] =	vst v47  }
0x71: {  	v55 =	vld [tilespmem:$0x510];
	vm8 =	vgt.s32 v40, $0x7AFFF;
	v54 =	vadd.s32 $0xFFF85000, v40;
	v53 =	vsel vm7, v51, v37;
	[tilespmem:$0x4A0] =	vst v50  }
0x72: {  	v58 =	vld [tilespmem:$0x520];
	vm9 =	vgt.s32 v43, $0x7AFFF;
	v57 =	vadd.s32 $0xFFF85000, v43;
	v56 =	vsel vm8, v54, v40;
	[tilespmem:$0x4B0] =	vst v53  }
0x73: {  	v61 =	vld [tilespmem:$0x530];
	vm10 =	vgt.s32 v46, $0x7AFFF;
	v60 =	vadd.s32 $0xFFF85000, v46;
	v59 =	vsel vm9, v57, v43;
	[tilespmem:$0x4C0] =	vst v56  }
0x74: {  	v9 =	vld [tilespmem:$0x540];
	vm11 =	vgt.s32 v49, $0x7AFFF;
	v63 =	vadd.s32 $0xFFF85000, v49;
	v62 =	vsel vm10, v60, v46;
	[tilespmem:$0x4D0] =	vst v59  }
0x75: {  	v12 =	vld [tilespmem:$0x550];
	vm12 =	vgt.s32 v52, $0x7AFFF;
	v11 =	vadd.s32 $0xFFF85000, v52;
	v10 =	vsel vm11, v63, v49;
	[tilespmem:$0x4E0] =	vst v62  }
0x76: {  	v15 =	vld [tilespmem:$0x560];
	vm13 =	vgt.s32 v55, $0x7AFFF;
	v14 =	vadd.s32 $0xFFF85000, v55;
	v13 =	vsel vm12, v11, v52;
	[tilespmem:$0x4F0] =	vst v10  }
0x77: {  	v18 =	vld [tilespmem:$0x570];
	v16 =	vsel vm13, v14, v55;
	vm14 =	vgt.s32 v58, $0x7AFFF;
	v17 =	vadd.s32 $0xFFF85000, v58;
	[tilespmem:$0x500] =	vst v13  }
0x78: {  	v21 =	vld [tilespmem:$0x580];
	vm15 =	vgt.s32 v61, $0x7AFFF;
	v20 =	vadd.s32 $0xFFF85000, v61;
	[tilespmem:$0x510] =	vst v16;
	v19 =	vsel vm14, v17, v58  }
0x79: {  	v24 =	vld [tilespmem:$0x590];
	vm4 =	vgt.s32 v9, $0x7AFFF;
	v23 =	vadd.s32 $0xFFF85000, v9;
	v22 =	vsel vm15, v20, v61;
	[tilespmem:$0x520] =	vst v19  }
0x7a: {  	v27 =	vld [tilespmem:$0x5A0];
	vm5 =	vgt.s32 v12, $0x7AFFF;
	v26 =	vadd.s32 $0xFFF85000, v12;
	v25 =	vsel vm4, v23, v9;
	[tilespmem:$0x530] =	vst v22  }
0x7b: {  	v30 =	vld [tilespmem:$0x5B0];
	vm6 =	vgt.s32 v15, $0x7AFFF;
	v29 =	vadd.s32 $0xFFF85000, v15;
	v28 =	vsel vm5, v26, v12;
	[tilespmem:$0x540] =	vst v25  }
0x7c: {  	v33 =	vld [tilespmem:$0x5C0];
	vm7 =	vgt.s32 v18, $0x7AFFF;
	v32 =	vadd.s32 $0xFFF85000, v18;
	v31 =	vsel vm6, v29, v15;
	[tilespmem:$0x550] =	vst v28  }
0x7d: {  	v36 =	vld [tilespmem:$0x5D0];
	vm8 =	vgt.s32 v21, $0x7AFFF;
	v35 =	vadd.s32 $0xFFF85000, v21;
	v34 =	vsel vm7, v32, v18;
	[tilespmem:$0x560] =	vst v31  }
0x7e: {  	v39 =	vld [tilespmem:$0x5E0];
	v37 =	vsel vm8, v35, v21;
	vm9 =	vgt.s32 v24, $0x7AFFF;
	v38 =	vadd.s32 $0xFFF85000, v24;
	[tilespmem:$0x570] =	vst v34  }
0x7f: {  	v42 =	vld [tilespmem:$0x5F0];
	vm10 =	vgt.s32 v27, $0x7AFFF;
	v41 =	vadd.s32 $0xFFF85000, v27;
	[tilespmem:$0x580] =	vst v37;
	v40 =	vsel vm9, v38, v24  }
0x80: {  	v45 =	vld [tilespmem:$0x600];
	vm11 =	vgt.s32 v30, $0x7AFFF;
	v44 =	vadd.s32 $0xFFF85000, v30;
	v43 =	vsel vm10, v41, v27;
	[tilespmem:$0x590] =	vst v40  }
0x81: {  	v48 =	vld [tilespmem:$0x610];
	vm12 =	vgt.s32 v33, $0x7AFFF;
	v47 =	vadd.s32 $0xFFF85000, v33;
	v46 =	vsel vm11, v44, v30;
	[tilespmem:$0x5A0] =	vst v43  }
0x82: {  	v51 =	vld [tilespmem:$0x620];
	vm13 =	vgt.s32 v36, $0x7AFFF;
	v50 =	vadd.s32 $0xFFF85000, v36;
	v49 =	vsel vm12, v47, v33;
	[tilespmem:$0x5B0] =	vst v46  }
0x83: {  	v54 =	vld [tilespmem:$0x630];
	v52 =	vsel vm13, v50, v36;
	[tilespmem:$0x5C0] =	vst v49;
	vm14 =	vgt.s32 v39, $0x7AFFF;
	v53 =	vadd.s32 $0xFFF85000, v39  }
0x84: {  	v57 =	vld [tilespmem:$0x640];
	[tilespmem:$0x5D0] =	vst v52;
	vm15 =	vgt.s32 v42, $0x7AFFF;
	v56 =	vadd.s32 $0xFFF85000, v42;
	v55 =	vsel vm14, v53, v39  }
0x85: {  	v60 =	vld [tilespmem:$0x650];
	vm4 =	vgt.s32 v45, $0x7AFFF;
	v59 =	vadd.s32 $0xFFF85000, v45;
	v58 =	vsel vm15, v56, v42;
	[tilespmem:$0x5E0] =	vst v55  }
0x86: {  	v63 =	vld [tilespmem:$0x660];
	vm5 =	vgt.s32 v48, $0x7AFFF;
	v62 =	vadd.s32 $0xFFF85000, v48;
	v61 =	vsel vm4, v59, v45;
	[tilespmem:$0x5F0] =	vst v58  }
0x87: {  	v11 =	vld [tilespmem:$0x670];
	vm6 =	vgt.s32 v51, $0x7AFFF;
	v10 =	vadd.s32 $0xFFF85000, v51;
	v9 =	vsel vm5, v62, v48;
	[tilespmem:$0x600] =	vst v61  }
0x88: {  	v14 =	vld [tilespmem:$0x680];
	vm7 =	vgt.s32 v54, $0x7AFFF;
	v13 =	vadd.s32 $0xFFF85000, v54;
	v12 =	vsel vm6, v10, v51;
	[tilespmem:$0x610] =	vst v9  }
0x89: {  	v17 =	vld [tilespmem:$0x690];
	vm8 =	vgt.s32 v57, $0x7AFFF;
	v16 =	vadd.s32 $0xFFF85000, v57;
	v15 =	vsel vm7, v13, v54;
	[tilespmem:$0x620] =	vst v12  }
0x8a: {  	v20 =	vld [tilespmem:$0x6A0];
	vm9 =	vgt.s32 v60, $0x7AFFF;
	v19 =	vadd.s32 $0xFFF85000, v60;
	v18 =	vsel vm8, v16, v57;
	[tilespmem:$0x630] =	vst v15  }
0x8b: {  	v23 =	vld [tilespmem:$0x6B0];
	vm10 =	vgt.s32 v63, $0x7AFFF;
	v22 =	vadd.s32 $0xFFF85000, v63;
	v21 =	vsel vm9, v19, v60;
	[tilespmem:$0x640] =	vst v18  }
0x8c: {  	v26 =	vld [tilespmem:$0x6C0];
	vm11 =	vgt.s32 v11, $0x7AFFF;
	v25 =	vadd.s32 $0xFFF85000, v11;
	v24 =	vsel vm10, v22, v63;
	[tilespmem:$0x650] =	vst v21  }
0x8d: {  	v29 =	vld [tilespmem:$0x6D0];
	vm12 =	vgt.s32 v14, $0x7AFFF;
	v28 =	vadd.s32 $0xFFF85000, v14;
	v27 =	vsel vm11, v25, v11;
	[tilespmem:$0x660] =	vst v24  }
0x8e: {  	v32 =	vld [tilespmem:$0x6E0];
	v30 =	vsel vm12, v28, v14;
	vm13 =	vgt.s32 v17, $0x7AFFF;
	v31 =	vadd.s32 $0xFFF85000, v17;
	[tilespmem:$0x670] =	vst v27  }
0x8f: {  	v35 =	vld [tilespmem:$0x6F0];
	vm14 =	vgt.s32 v20, $0x7AFFF;
	v34 =	vadd.s32 $0xFFF85000, v20;
	[tilespmem:$0x680] =	vst v30;
	v33 =	vsel vm13, v31, v17  }
0x90: {  	v38 =	vld [tilespmem:$0x700];
	vm15 =	vgt.s32 v23, $0x7AFFF;
	v37 =	vadd.s32 $0xFFF85000, v23;
	v36 =	vsel vm14, v34, v20;
	[tilespmem:$0x690] =	vst v33  }
0x91: {  	v41 =	vld [tilespmem:$0x710];
	vm4 =	vgt.s32 v26, $0x7AFFF;
	v40 =	vadd.s32 $0xFFF85000, v26;
	v39 =	vsel vm15, v37, v23;
	[tilespmem:$0x6A0] =	vst v36  }
0x92: {  	v44 =	vld [tilespmem:$0x720];
	vm5 =	vgt.s32 v29, $0x7AFFF;
	v43 =	vadd.s32 $0xFFF85000, v29;
	v42 =	vsel vm4, v40, v26;
	[tilespmem:$0x6B0] =	vst v39  }
0x93: {  	v47 =	vld [tilespmem:$0x730];
	vm6 =	vgt.s32 v32, $0x7AFFF;
	v46 =	vadd.s32 $0xFFF85000, v32;
	v45 =	vsel vm5, v43, v29;
	[tilespmem:$0x6C0] =	vst v42  }
0x94: {  	v50 =	vld [tilespmem:$0x740];
	vm7 =	vgt.s32 v35, $0x7AFFF;
	v49 =	vadd.s32 $0xFFF85000, v35;
	v48 =	vsel vm6, v46, v32;
	[tilespmem:$0x6D0] =	vst v45  }
0x95: {  	v53 =	vld [tilespmem:$0x750];
	v51 =	vsel vm7, v49, v35;
	vm8 =	vgt.s32 v38, $0x7AFFF;
	v52 =	vadd.s32 $0xFFF85000, v38;
	[tilespmem:$0x6E0] =	vst v48  }
0x96: {  	v56 =	vld [tilespmem:$0x760];
	vm9 =	vgt.s32 v41, $0x7AFFF;
	v55 =	vadd.s32 $0xFFF85000, v41;
	[tilespmem:$0x6F0] =	vst v51;
	v54 =	vsel vm8, v52, v38  }
0x97: {  	v59 =	vld [tilespmem:$0x770];
	vm10 =	vgt.s32 v44, $0x7AFFF;
	v58 =	vadd.s32 $0xFFF85000, v44;
	v57 =	vsel vm9, v55, v41;
	[tilespmem:$0x700] =	vst v54  }
0x98: {  	v62 =	vld [tilespmem:$0x780];
	vm11 =	vgt.s32 v47, $0x7AFFF;
	v61 =	vadd.s32 $0xFFF85000, v47;
	v60 =	vsel vm10, v58, v44;
	[tilespmem:$0x710] =	vst v57  }
0x99: {  	vm12 =	vgt.s32 v50, $0x7AFFF;
	v8 =	vadd.s32 $0xFFF85000, v50;
	v9 =	vld [tilespmem:$0x790];
	v63 =	vsel vm11, v61, v47;
	[tilespmem:$0x720] =	vst v60  }
0x9a: {  	v12 =	vld [tilespmem:$0x7A0];
	v10 =	vsel vm12, v8, v50;
	[tilespmem:$0x730] =	vst v63;
	vm13 =	vgt.s32 v53, $0x7AFFF;
	v11 =	vadd.s32 $0xFFF85000, v53  }
0x9b: {  	v15 =	vld [tilespmem:$0x7B0];
	[tilespmem:$0x740] =	vst v10;
	vm14 =	vgt.s32 v56, $0x7AFFF;
	v14 =	vadd.s32 $0xFFF85000, v56;
	v13 =	vsel vm13, v11, v53  }
0x9c: {  	v18 =	vld [tilespmem:$0x7C0];
	vm15 =	vgt.s32 v59, $0x7AFFF;
	v17 =	vadd.s32 $0xFFF85000, v59;
	v16 =	vsel vm14, v14, v56;
	[tilespmem:$0x750] =	vst v13  }
0x9d: {  	v21 =	vld [tilespmem:$0x7D0];
	vm4 =	vgt.s32 v62, $0x7AFFF;
	v20 =	vadd.s32 $0xFFF85000, v62;
	v19 =	vsel vm15, v17, v59;
	[tilespmem:$0x760] =	vst v16  }
0x9e: {  	v24 =	vld [tilespmem:$0x7E0];
	v22 =	vsel vm4, v20, v62;
	vm5 =	vgt.s32 v9, $0x7AFFF;
	v23 =	vadd.s32 $0xFFF85000, v9;
	[tilespmem:$0x770] =	vst v19  }
0x9f: {  	v27 =	vld [tilespmem:$0x7F0];
	vm6 =	vgt.s32 v12, $0x7AFFF;
	v26 =	vadd.s32 $0xFFF85000, v12;
	[tilespmem:$0x780] =	vst v22;
	v25 =	vsel vm5, v23, v9  }
0xa0: {  	v30 =	vld [tilespmem:$0x800];
	vm7 =	vgt.s32 v15, $0x7AFFF;
	v29 =	vadd.s32 $0xFFF85000, v15;
	v28 =	vsel vm6, v26, v12;
	[tilespmem:$0x790] =	vst v25  }
0xa1: {  	v33 =	vld [tilespmem:$0x810];
	vm8 =	vgt.s32 v18, $0x7AFFF;
	v32 =	vadd.s32 $0xFFF85000, v18;
	v31 =	vsel vm7, v29, v15;
	[tilespmem:$0x7A0] =	vst v28  }
0xa2: {  	v36 =	vld [tilespmem:$0x820];
	vm9 =	vgt.s32 v21, $0x7AFFF;
	v35 =	vadd.s32 $0xFFF85000, v21;
	v34 =	vsel vm8, v32, v18;
	[tilespmem:$0x7B0] =	vst v31  }
0xa3: {  	v39 =	vld [tilespmem:$0x830];
	vm10 =	vgt.s32 v24, $0x7AFFF;
	v38 =	vadd.s32 $0xFFF85000, v24;
	v37 =	vsel vm9, v35, v21;
	[tilespmem:$0x7C0] =	vst v34  }
0xa4: {  	v42 =	vld [tilespmem:$0x840];
	vm11 =	vgt.s32 v27, $0x7AFFF;
	v41 =	vadd.s32 $0xFFF85000, v27;
	v40 =	vsel vm10, v38, v24;
	[tilespmem:$0x7D0] =	vst v37  }
0xa5: {  	v45 =	vld [tilespmem:$0x850];
	vm12 =	vgt.s32 v30, $0x7AFFF;
	v44 =	vadd.s32 $0xFFF85000, v30;
	v43 =	vsel vm11, v41, v27;
	[tilespmem:$0x7E0] =	vst v40  }
0xa6: {  	v48 =	vld [tilespmem:$0x860];
	v46 =	vsel vm12, v44, v30;
	vm13 =	vgt.s32 v33, $0x7AFFF;
	v47 =	vadd.s32 $0xFFF85000, v33;
	[tilespmem:$0x7F0] =	vst v43  }
0xa7: {  	v51 =	vld [tilespmem:$0x870];
	vm14 =	vgt.s32 v36, $0x7AFFF;
	v50 =	vadd.s32 $0xFFF85000, v36;
	[tilespmem:$0x800] =	vst v46;
	v49 =	vsel vm13, v47, v33  }
0xa8: {  	v54 =	vld [tilespmem:$0x880];
	vm15 =	vgt.s32 v39, $0x7AFFF;
	v53 =	vadd.s32 $0xFFF85000, v39;
	v52 =	vsel vm14, v50, v36;
	[tilespmem:$0x810] =	vst v49  }
0xa9: {  	v57 =	vld [tilespmem:$0x890];
	vm4 =	vgt.s32 v42, $0x7AFFF;
	v56 =	vadd.s32 $0xFFF85000, v42;
	v55 =	vsel vm15, v53, v39;
	[tilespmem:$0x820] =	vst v52  }
0xaa: {  	v60 =	vld [tilespmem:$0x8A0];
	vm5 =	vgt.s32 v45, $0x7AFFF;
	v59 =	vadd.s32 $0xFFF85000, v45;
	v58 =	vsel vm4, v56, v42;
	[tilespmem:$0x830] =	vst v55  }
0xab: {  	v63 =	vld [tilespmem:$0x8B0];
	vm6 =	vgt.s32 v48, $0x7AFFF;
	v62 =	vadd.s32 $0xFFF85000, v48;
	v61 =	vsel vm5, v59, v45;
	[tilespmem:$0x840] =	vst v58  }
0xac: {  	v11 =	vld [tilespmem:$0x8C0];
	vm7 =	vgt.s32 v51, $0x7AFFF;
	v10 =	vadd.s32 $0xFFF85000, v51;
	v9 =	vsel vm6, v62, v48;
	[tilespmem:$0x850] =	vst v61  }
0xad: {  	v14 =	vld [tilespmem:$0x8D0];
	v12 =	vsel vm7, v10, v51;
	vm8 =	vgt.s32 v54, $0x7AFFF;
	v13 =	vadd.s32 $0xFFF85000, v54;
	[tilespmem:$0x860] =	vst v9  }
0xae: {  	v17 =	vld [tilespmem:$0x8E0];
	vm9 =	vgt.s32 v57, $0x7AFFF;
	v16 =	vadd.s32 $0xFFF85000, v57;
	[tilespmem:$0x870] =	vst v12;
	v15 =	vsel vm8, v13, v54  }
0xaf: {  	v20 =	vld [tilespmem:$0x8F0];
	vm10 =	vgt.s32 v60, $0x7AFFF;
	v19 =	vadd.s32 $0xFFF85000, v60;
	v18 =	vsel vm9, v16, v57;
	[tilespmem:$0x880] =	vst v15  }
0xb0: {  	v23 =	vld [tilespmem:$0x900];
	vm11 =	vgt.s32 v63, $0x7AFFF;
	v22 =	vadd.s32 $0xFFF85000, v63;
	v21 =	vsel vm10, v19, v60;
	[tilespmem:$0x890] =	vst v18  }
0xb1: {  	v26 =	vld [tilespmem:$0x910];
	v24 =	vsel vm11, v22, v63;
	[tilespmem:$0x8A0] =	vst v21;
	vm12 =	vgt.s32 v11, $0x7AFFF;
	v25 =	vadd.s32 $0xFFF85000, v11  }
0xb2: {  	v29 =	vld [tilespmem:$0x920];
	[tilespmem:$0x8B0] =	vst v24;
	vm13 =	vgt.s32 v14, $0x7AFFF;
	v28 =	vadd.s32 $0xFFF85000, v14;
	v27 =	vsel vm12, v25, v11  }
0xb3: {  	v32 =	vld [tilespmem:$0x930];
	vm14 =	vgt.s32 v17, $0x7AFFF;
	v31 =	vadd.s32 $0xFFF85000, v17;
	v30 =	vsel vm13, v28, v14;
	[tilespmem:$0x8C0] =	vst v27  }
0xb4: {  	v35 =	vld [tilespmem:$0x940];
	vm15 =	vgt.s32 v20, $0x7AFFF;
	v34 =	vadd.s32 $0xFFF85000, v20;
	v33 =	vsel vm14, v31, v17;
	[tilespmem:$0x8D0] =	vst v30  }
0xb5: {  	v38 =	vld [tilespmem:$0x950];
	v36 =	vsel vm15, v34, v20;
	vm4 =	vgt.s32 v23, $0x7AFFF;
	v37 =	vadd.s32 $0xFFF85000, v23;
	[tilespmem:$0x8E0] =	vst v33  }
0xb6: {  	v41 =	vld [tilespmem:$0x960];
	vm5 =	vgt.s32 v26, $0x7AFFF;
	v40 =	vadd.s32 $0xFFF85000, v26;
	[tilespmem:$0x8F0] =	vst v36;
	v39 =	vsel vm4, v37, v23  }
0xb7: {  	v44 =	vld [tilespmem:$0x970];
	vm6 =	vgt.s32 v29, $0x7AFFF;
	v43 =	vadd.s32 $0xFFF85000, v29;
	v42 =	vsel vm5, v40, v26;
	[tilespmem:$0x900] =	vst v39  }
0xb8: {  	v47 =	vld [tilespmem:$0x980];
	vm7 =	vgt.s32 v32, $0x7AFFF;
	v46 =	vadd.s32 $0xFFF85000, v32;
	v45 =	vsel vm6, v43, v29;
	[tilespmem:$0x910] =	vst v42  }
0xb9: {  	v50 =	vld [tilespmem:$0x990];
	vm8 =	vgt.s32 v35, $0x7AFFF;
	v49 =	vadd.s32 $0xFFF85000, v35;
	v48 =	vsel vm7, v46, v32;
	[tilespmem:$0x920] =	vst v45  }
0xba: {  	v53 =	vld [tilespmem:$0x9A0];
	vm9 =	vgt.s32 v38, $0x7AFFF;
	v52 =	vadd.s32 $0xFFF85000, v38;
	v51 =	vsel vm8, v49, v35;
	[tilespmem:$0x930] =	vst v48  }
0xbb: {  	v56 =	vld [tilespmem:$0x9B0];
	vm10 =	vgt.s32 v41, $0x7AFFF;
	v55 =	vadd.s32 $0xFFF85000, v41;
	v54 =	vsel vm9, v52, v38;
	[tilespmem:$0x940] =	vst v51  }
0xbc: {  	v59 =	vld [tilespmem:$0x9C0];
	vm11 =	vgt.s32 v44, $0x7AFFF;
	v58 =	vadd.s32 $0xFFF85000, v44;
	v57 =	vsel vm10, v55, v41;
	[tilespmem:$0x950] =	vst v54  }
0xbd: {  	v62 =	vld [tilespmem:$0x9D0];
	v60 =	vsel vm11, v58, v44;
	vm12 =	vgt.s32 v47, $0x7AFFF;
	v61 =	vadd.s32 $0xFFF85000, v47;
	[tilespmem:$0x960] =	vst v57  }
0xbe: {  	v9 =	vld [tilespmem:$0x9E0];
	vm13 =	vgt.s32 v50, $0x7AFFF;
	v8 =	vadd.s32 $0xFFF85000, v50;
	[tilespmem:$0x970] =	vst v60;
	v63 =	vsel vm12, v61, v47  }
0xbf: {  	v12 =	vld [tilespmem:$0x9F0];
	vm14 =	vgt.s32 v53, $0x7AFFF;
	v11 =	vadd.s32 $0xFFF85000, v53;
	v10 =	vsel vm13, v8, v50;
	[tilespmem:$0x980] =	vst v63  }
0xc0: {  	v15 =	vld [tilespmem:$0xA00];
	vm15 =	vgt.s32 v56, $0x7AFFF;
	v14 =	vadd.s32 $0xFFF85000, v56;
	v13 =	vsel vm14, v11, v53;
	[tilespmem:$0x990] =	vst v10  }
0xc1: {  	v18 =	vld [tilespmem:$0xA10];
	vm4 =	vgt.s32 v59, $0x7AFFF;
	v17 =	vadd.s32 $0xFFF85000, v59;
	v16 =	vsel vm15, v14, v56;
	[tilespmem:$0x9A0] =	vst v13  }
0xc2: {  	v21 =	vld [tilespmem:$0xA20];
	vm5 =	vgt.s32 v62, $0x7AFFF;
	v20 =	vadd.s32 $0xFFF85000, v62;
	v19 =	vsel vm4, v17, v59;
	[tilespmem:$0x9B0] =	vst v16  }
0xc3: {  	v24 =	vld [tilespmem:$0xA30];
	v22 =	vsel vm5, v20, v62;
	vm6 =	vgt.s32 v9, $0x7AFFF;
	v23 =	vadd.s32 $0xFFF85000, v9;
	[tilespmem:$0x9C0] =	vst v19  }
0xc4: {  	v27 =	vld [tilespmem:$0xA40];
	vm7 =	vgt.s32 v12, $0x7AFFF;
	v26 =	vadd.s32 $0xFFF85000, v12;
	[tilespmem:$0x9D0] =	vst v22;
	v25 =	vsel vm6, v23, v9  }
0xc5: {  	v30 =	vld [tilespmem:$0xA50];
	v28 =	vsel vm7, v26, v12;
	vm8 =	vgt.s32 v15, $0x7AFFF;
	v29 =	vadd.s32 $0xFFF85000, v15;
	[tilespmem:$0x9E0] =	vst v25  }
0xc6: {  	v33 =	vld [tilespmem:$0xA60];
	vm9 =	vgt.s32 v18, $0x7AFFF;
	v32 =	vadd.s32 $0xFFF85000, v18;
	[tilespmem:$0x9F0] =	vst v28;
	v31 =	vsel vm8, v29, v15  }
0xc7: {  	v36 =	vld [tilespmem:$0xA70];
	vm10 =	vgt.s32 v21, $0x7AFFF;
	v35 =	vadd.s32 $0xFFF85000, v21;
	v34 =	vsel vm9, v32, v18;
	[tilespmem:$0xA00] =	vst v31  }
0xc8: {  	v39 =	vld [tilespmem:$0xA80];
	vm11 =	vgt.s32 v24, $0x7AFFF;
	v38 =	vadd.s32 $0xFFF85000, v24;
	v37 =	vsel vm10, v35, v21;
	[tilespmem:$0xA10] =	vst v34  }
0xc9: {  	v42 =	vld [tilespmem:$0xA90];
	v40 =	vsel vm11, v38, v24;
	[tilespmem:$0xA20] =	vst v37;
	vm12 =	vgt.s32 v27, $0x7AFFF;
	v41 =	vadd.s32 $0xFFF85000, v27  }
0xca: {  	v45 =	vld [tilespmem:$0xAA0];
	[tilespmem:$0xA30] =	vst v40;
	vm13 =	vgt.s32 v30, $0x7AFFF;
	v44 =	vadd.s32 $0xFFF85000, v30;
	v43 =	vsel vm12, v41, v27  }
0xcb: {  	v48 =	vld [tilespmem:$0xAB0];
	vm14 =	vgt.s32 v33, $0x7AFFF;
	v47 =	vadd.s32 $0xFFF85000, v33;
	v46 =	vsel vm13, v44, v30;
	[tilespmem:$0xA40] =	vst v43  }
0xcc: {  	v51 =	vld [tilespmem:$0xAC0];
	vm15 =	vgt.s32 v36, $0x7AFFF;
	v50 =	vadd.s32 $0xFFF85000, v36;
	v49 =	vsel vm14, v47, v33;
	[tilespmem:$0xA50] =	vst v46  }
0xcd: {  	v54 =	vld [tilespmem:$0xAD0];
	v52 =	vsel vm15, v50, v36;
	vm4 =	vgt.s32 v39, $0x7AFFF;
	v53 =	vadd.s32 $0xFFF85000, v39;
	[tilespmem:$0xA60] =	vst v49  }
0xce: {  	v57 =	vld [tilespmem:$0xAE0];
	vm5 =	vgt.s32 v42, $0x7AFFF;
	v56 =	vadd.s32 $0xFFF85000, v42;
	[tilespmem:$0xA70] =	vst v52;
	v55 =	vsel vm4, v53, v39  }
0xcf: {  	v60 =	vld [tilespmem:$0xAF0];
	vm6 =	vgt.s32 v45, $0x7AFFF;
	v59 =	vadd.s32 $0xFFF85000, v45;
	v58 =	vsel vm5, v56, v42;
	[tilespmem:$0xA80] =	vst v55  }
0xd0: {  	v63 =	vld [tilespmem:$0xB00];
	vm7 =	vgt.s32 v48, $0x7AFFF;
	v62 =	vadd.s32 $0xFFF85000, v48;
	v61 =	vsel vm6, v59, v45;
	[tilespmem:$0xA90] =	vst v58  }
0xd1: {  	v10 =	vld [tilespmem:$0xB10];
	vm8 =	vgt.s32 v51, $0x7AFFF;
	v9 =	vadd.s32 $0xFFF85000, v51;
	v8 =	vsel vm7, v62, v48;
	[tilespmem:$0xAA0] =	vst v61  }
0xd2: {  	v13 =	vld [tilespmem:$0xB20];
	vm9 =	vgt.s32 v54, $0x7AFFF;
	v12 =	vadd.s32 $0xFFF85000, v54;
	v11 =	vsel vm8, v9, v51;
	[tilespmem:$0xAB0] =	vst v8  }
0xd3: {  	v16 =	vld [tilespmem:$0xB30];
	vm10 =	vgt.s32 v57, $0x7AFFF;
	v15 =	vadd.s32 $0xFFF85000, v57;
	v14 =	vsel vm9, v12, v54;
	[tilespmem:$0xAC0] =	vst v11  }
0xd4: {  	v19 =	vld [tilespmem:$0xB40];
	vm11 =	vgt.s32 v60, $0x7AFFF;
	v18 =	vadd.s32 $0xFFF85000, v60;
	v17 =	vsel vm10, v15, v57;
	[tilespmem:$0xAD0] =	vst v14  }
0xd5: {  	v22 =	vld [tilespmem:$0xB50];
	v20 =	vsel vm11, v18, v60;
	vm12 =	vgt.s32 v63, $0x7AFFF;
	v21 =	vadd.s32 $0xFFF85000, v63;
	[tilespmem:$0xAE0] =	vst v17  }
0xd6: {  	v25 =	vld [tilespmem:$0xB60];
	vm13 =	vgt.s32 v10, $0x7AFFF;
	v24 =	vadd.s32 $0xFFF85000, v10;
	[tilespmem:$0xAF0] =	vst v20;
	v23 =	vsel vm12, v21, v63  }
0xd7: {  	v28 =	vld [tilespmem:$0xB70];
	vm14 =	vgt.s32 v13, $0x7AFFF;
	v27 =	vadd.s32 $0xFFF85000, v13;
	v26 =	vsel vm13, v24, v10;
	[tilespmem:$0xB00] =	vst v23  }
0xd8: {  	v31 =	vld [tilespmem:$0xB80];
	vm15 =	vgt.s32 v16, $0x7AFFF;
	v30 =	vadd.s32 $0xFFF85000, v16;
	v29 =	vsel vm14, v27, v13;
	[tilespmem:$0xB10] =	vst v26  }
0xd9: {  	v34 =	vld [tilespmem:$0xB90];
	vm4 =	vgt.s32 v19, $0x7AFFF;
	v33 =	vadd.s32 $0xFFF85000, v19;
	v32 =	vsel vm15, v30, v16;
	[tilespmem:$0xB20] =	vst v29  }
0xda: {  	v37 =	vld [tilespmem:$0xBA0];
	vm5 =	vgt.s32 v22, $0x7AFFF;
	v36 =	vadd.s32 $0xFFF85000, v22;
	v35 =	vsel vm4, v33, v19;
	[tilespmem:$0xB30] =	vst v32  }
0xdb: {  	v40 =	vld [tilespmem:$0xBB0];
	v38 =	vsel vm5, v36, v22;
	vm6 =	vgt.s32 v25, $0x7AFFF;
	v39 =	vadd.s32 $0xFFF85000, v25;
	[tilespmem:$0xB40] =	vst v35  }
0xdc: {  	v43 =	vld [tilespmem:$0xBC0];
	vm7 =	vgt.s32 v28, $0x7AFFF;
	v42 =	vadd.s32 $0xFFF85000, v28;
	[tilespmem:$0xB50] =	vst v38;
	v41 =	vsel vm6, v39, v25  }
0xdd: {  	v46 =	vld [tilespmem:$0xBD0];
	v44 =	vsel vm7, v42, v28;
	vm8 =	vgt.s32 v31, $0x7AFFF;
	v45 =	vadd.s32 $0xFFF85000, v31;
	[tilespmem:$0xB60] =	vst v41  }
0xde: {  	v49 =	vld [tilespmem:$0xBE0];
	vm9 =	vgt.s32 v34, $0x7AFFF;
	v48 =	vadd.s32 $0xFFF85000, v34;
	[tilespmem:$0xB70] =	vst v44;
	v47 =	vsel vm8, v45, v31  }
0xdf: {  	v52 =	vld [tilespmem:$0xBF0];
	vm10 =	vgt.s32 v37, $0x7AFFF;
	v51 =	vadd.s32 $0xFFF85000, v37;
	v50 =	vsel vm9, v48, v34;
	[tilespmem:$0xB80] =	vst v47  }
0xe0: {  	vm11 =	vgt.s32 v40, $0x7AFFF;
	v54 =	vadd.s32 $0xFFF85000, v40;
	v53 =	vsel vm10, v51, v37;
	[tilespmem:$0xB90] =	vst v50  }
0xe1: {  	v55 =	vsel vm11, v54, v40;
	[tilespmem:$0xBA0] =	vst v53;
	vm12 =	vgt.s32 v43, $0x7AFFF;
	v56 =	vadd.s32 $0xFFF85000, v43  }
0xe2: {  	[tilespmem:$0xBB0] =	vst v55;
	vm13 =	vgt.s32 v46, $0x7AFFF;
	v58 =	vadd.s32 $0xFFF85000, v46;
	v57 =	vsel vm12, v56, v43  }
0xe3: {  	vm14 =	vgt.s32 v49, $0x7AFFF;
	v60 =	vadd.s32 $0xFFF85000, v49;
	v59 =	vsel vm13, v58, v46;
	[tilespmem:$0xBC0] =	vst v57  }
0xe4: {  	vm15 =	vgt.s32 v52, $0x7AFFF;
	v62 =	vadd.s32 $0xFFF85000, v52;
	v61 =	vsel vm14, v60, v49;
	[tilespmem:$0xBD0] =	vst v59  }
0xe5: {  	v63 =	vsel vm15, v62, v52;
	[tilespmem:$0xBE0] =	vst v61  }
0xe6: {  	[tilespmem:$0xBF0] =	vst v63  }
0xe7: {  	[tilespmem:s8], [sflag:$0x1] =	stream.indirect.gather [hbm4b:s4+s7], $0x80, s2, s7, $0xb8;
	[tilespmem:$0x18C00] =	vst v63  }
0xe8: {  	_ = 	snop  }
0xe9: {  	[tilespmem:s9], [sflag:$0x1] =	stream.indirect.gather [hbm4b:s4+s7], $0x80, s7, s7, $0xb8;
	[tilespmem:$0x18C00] =	vst v63  }
0xea: {  	s0 =	rddreg [dreg:$0xa]  }
0xeb: {  	[tilespmem:s10], [sflag:$0x1] =	stream.indirect.gather [hbm4b:s4+s7], $0x80, s0, s7, $0xb8;
	[tilespmem:$0x18C00] =	vst v63  }
0xec: {  	s15 =	rddreg [dreg:$0xb]  }
0xed: {  	[tilespmem:s11], [sflag:$0x2] =	stream.indirect.gather [hbm4b:s4+s7], $0x80, s15, s7, $0xb8;
	[tilespmem:$0x18C00] =	vst v63  }
0xee: {  	s0 =	rddreg [dreg:$0xc]  }
0xef: {  	[tilespmem:s12], [sflag:$0x2] =	stream.indirect.gather [hbm4b:s4+s7], $0x80, s0, s7, $0xb8;
	[tilespmem:$0x18C00] =	vst v63  }
0xf0: {  	s15 =	rddreg [dreg:$0xd]  }
0xf1: {  	[tilespmem:s13], [sflag:$0x2] =	stream.indirect.gather [hbm4b:s4+s7], $0x80, s15, s7, $0xb8;
	[tilespmem:$0x18C00] =	vst v63  }
0xf2: {  	_ =	swait.ge [sflag:s14], $0x4000  }
0xf3: {  	[sflag:s14] =	ssyncset.done $0x0  }
0xf4: {  	[sflag:s14] =	ssyncadd.s32 $0xFFFFC000  }
0xf5: {  	_ =	swait.ge [sflag:s14], $0x4000  }
0xf6: {  	[sflag:s14] =	ssyncset.done $0x0  }
0xf7: {  	[sflag:s14] =	ssyncadd.s32 $0xFFFFC000  }
0xf8: {  	_ =	swait.ge [sflag:s14], $0x4000  }
0xf9: {  	[sflag:s14] =	ssyncset.done $0x0  }
0xfa: {  	[sflag:s14] =	ssyncadd.s32 $0xFFFFC000  }
0xfb: {  	[hbm4b:s3+s2] =	stream.linear.scatter [tilespmem:s8], [sflag:$0x3], $0xC000, $0x38;
	[tilespmem:$0x18C00] =	vst v63  }
0xfc: {  	_ =	swait.ge [sflag:s6], $0xC000  }
0xfd: {  	[sflag:s6] =	ssyncset.done $0x0  }
0xfe: {  	s0 =	rddreg [dreg:$0xe];
	[sflag:s6] =	ssyncadd.s32 $0xFFFF4000  }
0xff: {  	[tilespmem:s8], [sflag:$0x1] =	stream.indirect.gather [hbm4b:s4+s7], $0x80, s0, s7, $0xb8;
	[tilespmem:$0x18C00] =	vst v63  }
0x100: {  	s15 =	rddreg [dreg:$0xf]  }
0x101: {  	[tilespmem:s9], [sflag:$0x1] =	stream.indirect.gather [hbm4b:s4+s7], $0x80, s15, s7, $0xb8;
	[tilespmem:$0x18C00] =	vst v63  }
0x102: {  	s15 =	simm.s32 $0x400  }
0x103: {  	[tilespmem:s10], [sflag:$0x1] =	stream.indirect.gather [hbm4b:s4+s7], $0x80, s15, s7, $0xb8;
	[tilespmem:$0x18C00] =	vst v63  }
0x104: {  	_ =	swait.ge [sflag:s16], $0x4000  }
0x105: {  	[sflag:s16] =	ssyncset.done $0x0  }
0x106: {  	[sflag:s16] =	ssyncadd.s32 $0xFFFFC000  }
0x107: {  	_ =	swait.ge [sflag:s16], $0x4000  }
0x108: {  	[sflag:s16] =	ssyncset.done $0x0  }
0x109: {  	[sflag:s16] =	ssyncadd.s32 $0xFFFFC000  }
0x10a: {  	_ =	swait.ge [sflag:s16], $0x4000  }
0x10b: {  	[sflag:s16] =	ssyncset.done $0x0  }
0x10c: {  	s15 =	rddreg [dreg:$0x3];
	[sflag:s16] =	ssyncadd.s32 $0xFFFFC000  }
0x10d: {  	[hbm4b:s15+s2] =	stream.linear.scatter [tilespmem:s11], [sflag:$0x3], $0xC000, $0x38;
	[tilespmem:$0x18C00] =	vst v63  }
0x10e: {  	_ =	swait.ge [sflag:s6], $0xC000  }
0x10f: {  	[sflag:s6] =	ssyncset.done $0x0  }
0x110: {  	[sflag:s6] =	ssyncadd.s32 $0xFFFF4000  }
0x111: {  	[tilespmem:s11], [sflag:$0x2] =	stream.indirect.gather [hbm4b:s4+s7], $0x80, s17, s7, $0xb8;
	[tilespmem:$0x18C00] =	vst v63  }
0x112: {  	_ = 	snop  }
0x113: {  	[tilespmem:s12], [sflag:$0x2] =	stream.indirect.gather [hbm4b:s4+s7], $0x80, s18, s7, $0xb8;
	[tilespmem:$0x18C00] =	vst v63  }
0x114: {  	_ = 	snop  }
0x115: {  	[tilespmem:s13], [sflag:$0x2] =	stream.indirect.gather [hbm4b:s4+s7], $0x80, s19, s7, $0xb8;
	[tilespmem:$0x18C00] =	vst v63  }
0x116: {  	_ =	swait.ge [sflag:s14], $0x4000  }
0x117: {  	[sflag:s14] =	ssyncset.done $0x0  }
0x118: {  	[sflag:s14] =	ssyncadd.s32 $0xFFFFC000  }
0x119: {  	_ =	swait.ge [sflag:s14], $0x4000  }
0x11a: {  	[sflag:s14] =	ssyncset.done $0x0  }
0x11b: {  	[sflag:s14] =	ssyncadd.s32 $0xFFFFC000  }
0x11c: {  	_ =	swait.ge [sflag:s14], $0x4000  }
0x11d: {  	[sflag:s14] =	ssyncset.done $0x0  }
0x11e: {  	s15 =	rddreg [dreg:$0x4];
	[sflag:s14] =	ssyncadd.s32 $0xFFFFC000  }
0x11f: {  	[hbm4b:s15+s2] =	stream.linear.scatter [tilespmem:s8], [sflag:$0x3], $0xC000, $0x38;
	[tilespmem:$0x18C00] =	vst v63  }
0x120: {  	_ =	swait.ge [sflag:s6], $0xC000  }
0x121: {  	[sflag:s6] =	ssyncset.done $0x0  }
0x122: {  	[sflag:s6] =	ssyncadd.s32 $0xFFFF4000  }
0x123: {  	[tilespmem:s8], [sflag:$0x1] =	stream.indirect.gather [hbm4b:s4+s7], $0x80, s20, s7, $0xb8;
	[tilespmem:$0x18C00] =	vst v63  }
0x124: {  	_ = 	snop  }
0x125: {  	[tilespmem:s9], [sflag:$0x1] =	stream.indirect.gather [hbm4b:s4+s7], $0x80, s21, s7, $0xb8;
	[tilespmem:$0x18C00] =	vst v63  }
0x126: {  	_ = 	snop  }
0x127: {  	[tilespmem:s10], [sflag:$0x1] =	stream.indirect.gather [hbm4b:s4+s7], $0x80, s22, s7, $0xb8;
	[tilespmem:$0x18C00] =	vst v63  }
0x128: {  	_ =	swait.ge [sflag:s16], $0x4000  }
0x129: {  	[sflag:s16] =	ssyncset.done $0x0  }
0x12a: {  	[sflag:s16] =	ssyncadd.s32 $0xFFFFC000  }
0x12b: {  	_ =	swait.ge [sflag:s16], $0x4000  }
0x12c: {  	[sflag:s16] =	ssyncset.done $0x0  }
0x12d: {  	[sflag:s16] =	ssyncadd.s32 $0xFFFFC000  }
0x12e: {  	_ =	swait.ge [sflag:s16], $0x4000  }
0x12f: {  	[sflag:s16] =	ssyncset.done $0x0  }
0x130: {  	s15 =	rddreg [dreg:$0x5];
	[sflag:s16] =	ssyncadd.s32 $0xFFFFC000  }
0x131: {  	[hbm4b:s15+s2] =	stream.linear.scatter [tilespmem:s11], [sflag:$0x3], $0xC000, $0x38;
	[tilespmem:$0x18C00] =	vst v63  }
0x132: {  	_ =	swait.ge [sflag:s6], $0xC000  }
0x133: {  	[sflag:s6] =	ssyncset.done $0x0  }
0x134: {  	[sflag:s6] =	ssyncadd.s32 $0xFFFF4000  }
0x135: {  	[tilespmem:s11], [sflag:$0x2] =	stream.indirect.gather [hbm4b:s4+s7], $0x80, s23, s7, $0xb8;
	[tilespmem:$0x18C00] =	vst v63  }
0x136: {  	_ = 	snop  }
0x137: {  	[tilespmem:s12], [sflag:$0x2] =	stream.indirect.gather [hbm4b:s4+s7], $0x80, s24, s7, $0xb8;
	[tilespmem:$0x18C00] =	vst v63  }
0x138: {  	_ = 	snop  }
0x139: {  	[tilespmem:s13], [sflag:$0x2] =	stream.indirect.gather [hbm4b:s4+s7], $0x80, s25, s7, $0xb8;
	[tilespmem:$0x18C00] =	vst v63  }
0x13a: {  	_ =	swait.ge [sflag:s14], $0x4000  }
0x13b: {  	[sflag:s14] =	ssyncset.done $0x0  }
0x13c: {  	[sflag:s14] =	ssyncadd.s32 $0xFFFFC000  }
0x13d: {  	_ =	swait.ge [sflag:s14], $0x4000  }
0x13e: {  	[sflag:s14] =	ssyncset.done $0x0  }
0x13f: {  	[sflag:s14] =	ssyncadd.s32 $0xFFFFC000  }
0x140: {  	_ =	swait.ge [sflag:s14], $0x4000  }
0x141: {  	[sflag:s14] =	ssyncset.done $0x0  }
0x142: {  	s15 =	rddreg [dreg:$0x6];
	[sflag:s14] =	ssyncadd.s32 $0xFFFFC000  }
0x143: {  	[hbm4b:s15+s2] =	stream.linear.scatter [tilespmem:s8], [sflag:$0x3], $0xC000, $0x38;
	[tilespmem:$0x18C00] =	vst v63  }
0x144: {  	_ =	swait.ge [sflag:s6], $0xC000  }
0x145: {  	[sflag:s6] =	ssyncset.done $0x0  }
0x146: {  	[sflag:s6] =	ssyncadd.s32 $0xFFFF4000  }
0x147: {  	[tilespmem:s8], [sflag:$0x1] =	stream.indirect.gather [hbm4b:s4+s7], $0x80, s26, s7, $0xb8;
	[tilespmem:$0x18C00] =	vst v63  }
0x148: {  	_ = 	snop  }
0x149: {  	[tilespmem:s9], [sflag:$0x1] =	stream.indirect.gather [hbm4b:s4+s7], $0x80, s28, s7, $0xb8;
	[tilespmem:$0x18C00] =	vst v63  }
0x14a: {  	_ = 	snop  }
0x14b: {  	[tilespmem:s10], [sflag:$0x1] =	stream.indirect.gather [hbm4b:s4+s7], $0x80, s29, s7, $0xb8;
	[tilespmem:$0x18C00] =	vst v63  }
0x14c: {  	_ =	swait.ge [sflag:s16], $0x4000  }
0x14d: {  	[sflag:s16] =	ssyncset.done $0x0  }
0x14e: {  	[sflag:s16] =	ssyncadd.s32 $0xFFFFC000  }
0x14f: {  	_ =	swait.ge [sflag:s16], $0x4000  }
0x150: {  	[sflag:s16] =	ssyncset.done $0x0  }
0x151: {  	[sflag:s16] =	ssyncadd.s32 $0xFFFFC000  }
0x152: {  	_ =	swait.ge [sflag:s16], $0x4000  }
0x153: {  	[sflag:s16] =	ssyncset.done $0x0  }
0x154: {  	s15 =	rddreg [dreg:$0x7];
	[sflag:s16] =	ssyncadd.s32 $0xFFFFC000  }
0x155: {  	[hbm4b:s15+s2] =	stream.linear.scatter [tilespmem:s11], [sflag:$0x3], $0xC000, $0x38;
	[tilespmem:$0x18C00] =	vst v63  }
0x156: {  	_ =	swait.ge [sflag:s6], $0xC000  }
0x157: {  	[sflag:s6] =	ssyncset.done $0x0  }
0x158: {  	[sflag:s6] =	ssyncadd.s32 $0xFFFF4000  }
0x159: {  	[tilespmem:s11], [sflag:$0x2] =	stream.indirect.gather [hbm4b:s4+s7], $0x80, s30, s7, $0xb8;
	[tilespmem:$0x18C00] =	vst v63  }
0x15a: {  	_ = 	snop  }
0x15b: {  	[tilespmem:s12], [sflag:$0x2] =	stream.indirect.gather [hbm4b:s4+s7], $0x80, s31, s7, $0xb8;
	[tilespmem:$0x18C00] =	vst v63  }
0x15c: {  	_ = 	snop  }
0x15d: {  	[tilespmem:s13], [sflag:$0x2] =	stream.indirect.gather [hbm4b:s4+s7], $0x80, s1, s7, $0xb8;
	[tilespmem:$0x18C00] =	vst v63  }
0x15e: {  	_ =	swait.ge [sflag:s14], $0x4000  }
0x15f: {  	[sflag:s14] =	ssyncset.done $0x0  }
0x160: {  	[sflag:s14] =	ssyncadd.s32 $0xFFFFC000  }
0x161: {  	_ =	swait.ge [sflag:s14], $0x4000  }
0x162: {  	[sflag:s14] =	ssyncset.done $0x0  }
0x163: {  	[sflag:s14] =	ssyncadd.s32 $0xFFFFC000  }
0x164: {  	_ =	swait.ge [sflag:s14], $0x4000  }
0x165: {  	[sflag:s14] =	ssyncset.done $0x0  }
0x166: {  	s15 =	rddreg [dreg:$0x8];
	[sflag:s14] =	ssyncadd.s32 $0xFFFFC000  }
0x167: {  	[hbm4b:s15+s2] =	stream.linear.scatter [tilespmem:s8], [sflag:$0x3], $0xC000, $0x38;
	[tilespmem:$0x18C00] =	vst v63  }
0x168: {  	_ =	swait.ge [sflag:s6], $0xC000  }
0x169: {  	[sflag:s6] =	ssyncset.done $0x0  }
0x16a: {  	[sflag:s6] =	ssyncadd.s32 $0xFFFF4000  }
0x16b: {  	_ =	swait.ge [sflag:s16], $0x4000  }
0x16c: {  	[sflag:s16] =	ssyncset.done $0x0  }
0x16d: {  	[sflag:s16] =	ssyncadd.s32 $0xFFFFC000  }
0x16e: {  	_ =	swait.ge [sflag:s16], $0x4000  }
0x16f: {  	[sflag:s16] =	ssyncset.done $0x0  }
0x170: {  	[sflag:s16] =	ssyncadd.s32 $0xFFFFC000  }
0x171: {  	_ =	swait.ge [sflag:s16], $0x4000  }
0x172: {  	p0 =	sne.s32 s5, $0x1;
	[sflag:s16] =	ssyncset.done $0x0  }
.Ltmp0:
0x173: {  	s15 =	rddreg [dreg:$0x9];
	[sflag:s16] =	ssyncadd.s32 $0xFFFFC000;
	(pc) =	sbr.rel @p0 .LBB2_1-.Ltmp0, $4  }
0x174: {  	[hbm4b:s15+s2] =	stream.linear.scatter [tilespmem:s11], [sflag:$0x3], $0xC000, $0x38;
	[tilespmem:$0x18C00] =	vst v63  }
0x175: {  	_ =	swait.ge [sflag:s6], $0xC000  }
0x176: {  	[sflag:s6] =	ssyncset.done $0x0  }
0x177: {  	s5 =	sadd.s32 $0xFFFFFFFF, s5;
	[sflag:s6] =	ssyncadd.s32 $0xFFFF4000  }
0x178: {  	_ =	sfence.sel $0x180000  }
0x179: {  	[bflag:$0x0] =	sbarrier.arrive $0xFFFF  }
0x17a: {  	_ =	strace $0x90000047  }
0x17b: {  	s0 =	stileid.u32;
	[bflag:$0x2] =	sbarrier.arrive $0xFFFF  }
0x17c: {  	p0 =	sne.s32 s0, $0x0;
	s0 =	rddreg [dreg:$0x1]  }
0x17d: {  	s0 =	sadd.s32 @!p0 $0x100000, s0  }
0x17e: {  	[sflag:s0] =	ssyncadd.tile.s32 @!p0 $0x1;
	_ =	shalt  }
.Lfunc_end2:
_tile_overlayer_lowered:
.L_overlay_start_2:
0x17f: {  	(tag) =	ssettag $0x2  }
0x180: {  	s0 =	rddreg [dreg:$0x0];
	s2 =	stileid.u32  }
0x181: {  	s1 =	rddreg [dreg:$0x1];
	p0 =	sne.s32 s2, $0x0  }
0x182: {  	s3 =	rddreg [dreg:$0x2];
	[bflag:$0x3] =	sbarrier.arrive $0xFFFF;
	s2 =	simm.s32 @!p0 $0x1C03  }
0x183: {  	[timem:s3], [sflag:s2] =	dma.local @!p0 [hbm:s0], s1  }
0x184: {  	s0 =	simm.s32 @!p0 $0x3  }
0x185: {  	_ =	swait.ge @!p0 [sflag:s0], s1  }
0x186: {  	s1 =	ssub.s32 @!p0 $0x0, s1;
	[sflag:s0] =	ssyncset.done @!p0 $0x0  }
0x187: {  	[sflag:s0] =	ssyncadd.s32 @!p0 s1  }
0x188: {  	[bflag:$0x3] =	sbarrier.arrive $0xFFFF  }
0x189: {  	_ =	shalt  }

</sc_bundles>
